<compile_context>
chip_gen: v7x
topology: tpu7x:2x2x1
jax: 0.10.2.dev20260603
libtpu: 0.0.44.dev20260713+nightly
codegen_flags: <defaults>
</compile_context>

<pallas_src>
import functools

import jax
import jax.numpy as jnp
from jax import lax
from jax.experimental import pallas as pl
from jax.experimental.pallas import tpu as pltpu
from jax.experimental.pallas import tpu_sc as plsc

N_NODES = 100000
D = 64
PW = 2 * D
NT = D * D
NS = 16
CH = 128
N_FULL = N_NODES // CH
TAIL = N_NODES - N_FULL * CH
N_PAD = (N_FULL + 1) * CH
K_COMMON = N_FULL // NS
N_EXTRA = N_FULL - K_COMMON * NS
NBUF = 5

_mesh = plsc.VectorSubcoreMesh(core_axis_name="c", subcore_axis_name="s")


@functools.partial(
    pl.kernel,
    mesh=_mesh,
    out_type=jax.ShapeDtypeStruct((N_NODES, 2 * PW), jnp.float32),
    scratch_types=[
        pltpu.VMEM_SHARED((NT, PW), jnp.float32),
        pltpu.VMEM((2, CH), jnp.int32),
        pltpu.VMEM((2, CH), jnp.int32),
        pltpu.VMEM((CH, PW), jnp.float32),
        pltpu.VMEM((CH, PW), jnp.float32),
        pltpu.VMEM((CH, PW), jnp.float32),
        pltpu.VMEM((CH, PW), jnp.float32),
        pltpu.VMEM((CH, PW), jnp.float32),
        pltpu.SemaphoreType.DMA,
        pltpu.SemaphoreType.DMA,
        pltpu.SemaphoreType.DMA,
        pltpu.SemaphoreType.DMA,
        pltpu.SemaphoreType.DMA,
        pltpu.SemaphoreType.DMA,
        pltpu.SemaphoreType.DMA,
    ],
)
def _gather(table_hbm, idx_hbm, out_hbm,
            table_sp, ib0, ib1, b0, b1, b2, b3, b4,
            i0, i1, g0, g1, g2, g3, g4):
    c = lax.axis_index("c")
    s = lax.axis_index("s")

    @pl.when(s == 0)
    def _stage():
        tb = pl.multiple_of(NT * c, NT)
        pltpu.sync_copy(table_hbm.at[pl.ds(tb, NT)], table_sp)

    plsc.subcore_barrier()

    ibs = (ib0, ib1)
    isems = (i0, i1)
    dbs = (b0, b1, b2, b3, b4)
    gsems = (g0, g1, g2, g3, g4)
    colbase = pl.multiple_of(PW * c, PW)

    def off_of(k):
        return pl.multiple_of(CH * NS * k + CH * s, CH)

    def load_idx(k):
        b = k & 1
        return pltpu.async_copy(
            idx_hbm.at[:, pl.ds(off_of(k), CH)], ibs[b], isems[b])

    def gather(k):
        r = k % NBUF
        return pltpu.async_copy(
            table_sp.at[ibs[k & 1].at[c]], dbs[r], gsems[r])

    def store(k):
        r = k % NBUF
        return pltpu.async_copy(
            dbs[r],
            out_hbm.at[pl.ds(off_of(k), CH), pl.ds(colbase, PW)],
            gsems[r])

    n = K_COMMON
    icps = [None] * (n + 1)
    gcps = [None] * n
    scps = [None] * n

    icps[0] = load_idx(0)
    icps[0].wait()
    gcps[0] = gather(0)
    if n > 1:
        icps[1] = load_idx(1)
    for k in range(n):
        gcps[k].wait()
        scps[k] = store(k)
        if k + 1 < n:
            icps[k + 1].wait()
            if k >= NBUF - 1:
                scps[k - (NBUF - 1)].wait()
            gcps[k + 1] = gather(k + 1)
            if k + 2 < n:
                icps[k + 2] = load_idx(k + 2)
    for k in range(max(0, n - NBUF), n):
        scps[k].wait()

    @pl.when(s < N_EXTRA)
    def _extra():
        off = pl.multiple_of(CH * NS * K_COMMON + CH * s, CH)
        pltpu.sync_copy(idx_hbm.at[:, pl.ds(off, CH)], ib0)
        pltpu.async_copy(table_sp.at[ib0.at[c]], b0, g0).wait()
        pltpu.sync_copy(b0, out_hbm.at[pl.ds(off, CH), pl.ds(colbase, PW)])

    @pl.when(s == NS - 1)
    def _tail():
        off = N_FULL * CH
        pltpu.sync_copy(idx_hbm.at[:, pl.ds(off, CH)], ib0)
        pltpu.async_copy(table_sp.at[ib0.at[c]], b0, g0).wait()
        pltpu.sync_copy(
            b0.at[pl.ds(0, TAIL)],
            out_hbm.at[pl.ds(off, TAIL), pl.ds(colbase, PW)])


def kernel(x, W0, W1, W2, W3):
    t01 = jnp.concatenate(
        [jnp.repeat(W0, D, axis=0), jnp.tile(W1, (D, 1))], axis=1)
    t23 = jnp.concatenate(
        [jnp.repeat(W2, D, axis=0), jnp.tile(W3, (D, 1))], axis=1)
    table = jnp.concatenate([t01, t23], axis=0)
    x32 = x.astype(jnp.int32)
    i01 = x32[:, 0] * D + x32[:, 1]
    i23 = x32[:, 2] * D + x32[:, 3]
    idx = jnp.stack([i01, i23])
    idx = jnp.pad(idx, ((0, 0), (0, N_PAD - N_NODES)))
    return _gather(table, idx)

# --- scband reference (transcript-rebuilt; emitter-appended) ---
"""Pipeline reference for scband-node-encoder-62225486184588 (READ-ONLY COPY).

The authoritative reference and input builder live on the scoring server;
editing this copy changes nothing except your own understanding.
"""

import jax, jax.numpy as jnp
import numpy as np

FULL_NODE_FEATURE_DIMS = [64, 64, 64, 64]
EMB_DIM = 256
N_NODES = 100000


def _xavier_uniform(key, fan_in, fan_out):
    bound = float(np.sqrt(6.0 / (fan_in + fan_out)))
    return jax.random.uniform(key, (fan_in, fan_out), minval=-bound, maxval=bound, dtype=jnp.float32)


def setup_inputs(seed: int = 0) -> dict:
    key = jax.random.key(seed)
    per_dim = EMB_DIM // len(FULL_NODE_FEATURE_DIMS)
    keys = jax.random.split(key, 1 + len(FULL_NODE_FEATURE_DIMS))
    x = jax.random.randint(keys[0], (N_NODES, len(FULL_NODE_FEATURE_DIMS)), 0, FULL_NODE_FEATURE_DIMS[0], dtype=jnp.int32)
    inp = {"x": x}
    for i, d in enumerate(FULL_NODE_FEATURE_DIMS):
        inp[f"W{i}"] = _xavier_uniform(keys[1 + i], d, per_dim)
    return inp


def reference(x, W0, W1, W2, W3):
    # NodeEncoder.forward: per-column embedding lookup, then concat along feature dim.
    tables = [W0, W1, W2, W3]
    x_emb_list = []
    for i in range(x.shape[1]):
        x_emb_list.append(jnp.take(tables[i], x[:, i], axis=0))
    x_embedding = x_emb_list[0]
    for i in range(1, x.shape[1]):
        x_embedding = jnp.concatenate((x_embedding, x_emb_list[i]), axis=1)
    return x_embedding

if __name__ == "__main__":
    import jax
    _d = setup_inputs()
    print(jax.jit(kernel)(*tuple(_d.values())))

</pallas_src>

<mosaic_0001>
#map = affine_map<(d0, d1) -> (0, 0)>
module attributes {stable_mosaic.version = 14 : i64} {
  func.func @_gather(%arg0: i32, %arg1: i32, %arg2: memref<8192x128xf32, #tpu.memory_space<hbm>>, %arg3: memref<2x100096xi32, #tpu.memory_space<hbm>>, %arg4: memref<100000x256xf32, #tpu.memory_space<hbm>>, %arg5: memref<4096x128xf32, #tpu.memory_space<vmem_shared>>, %arg6: memref<2x128xi32, #tpu.memory_space<vmem>>, %arg7: memref<2x128xi32, #tpu.memory_space<vmem>>, %arg8: memref<128x128xf32, #tpu.memory_space<vmem>>, %arg9: memref<128x128xf32, #tpu.memory_space<vmem>>, %arg10: memref<128x128xf32, #tpu.memory_space<vmem>>, %arg11: memref<128x128xf32, #tpu.memory_space<vmem>>, %arg12: memref<128x128xf32, #tpu.memory_space<vmem>>, %arg13: memref<!tpu.dma_semaphore, #tpu.memory_space<semaphore_mem>>, %arg14: memref<!tpu.dma_semaphore, #tpu.memory_space<semaphore_mem>>, %arg15: memref<!tpu.dma_semaphore, #tpu.memory_space<semaphore_mem>>, %arg16: memref<!tpu.dma_semaphore, #tpu.memory_space<semaphore_mem>>, %arg17: memref<!tpu.dma_semaphore, #tpu.memory_space<semaphore_mem>>, %arg18: memref<!tpu.dma_semaphore, #tpu.memory_space<semaphore_mem>>, %arg19: memref<!tpu.dma_semaphore, #tpu.memory_space<semaphore_mem>>) attributes {dimension_semantics = [#tpu.dimension_semantics<core_parallel>, #tpu.dimension_semantics<subcore_parallel>], iteration_bounds = array<i64: 2, 16>, scalar_prefetch = 0 : i64, scratch_operands = 15 : i64, tpu.core_type = #tpu.core_type<sc_vector_subcore>, window_params = [{transform_indices = #map}, {transform_indices = #map}, {transform_indices = #map}]} {
    %eq3A = arith.constant 0 : i32
    %eq3A_0 = arith.cmpi eq, %arg1, %eq3A : i32
    %convert_element_type3A = arith.extui %eq3A_0 : i1 to i32
    %cond3A = arith.constant 0 : i32
    %cond3A_1 = arith.cmpi ne, %convert_element_type3A, %cond3A : i32
    scf.if %cond3A_1 {
      %mul3A_1641 = arith.constant 4096 : i32
      %mul3A_1642 = arith.muli %mul3A_1641, %arg0 : i32
      %multiple_of3A_1643 = tpu.assume_multiple %mul3A_1642, 4096 : i32
      "tpu.region"() ({
        %run_scoped3A = tpu.sem_alloc : memref<!tpu.dma_semaphore, #tpu.memory_space<semaphore_mem>>
        %dma_start3A_1644 = arith.constant 0 : i32
        %dma_start3A_1645 = tpu.memref_slice %arg2[%multiple_of3A_1643, %dma_start3A_1644] : memref<8192x128xf32, #tpu.memory_space<hbm>> -> memref<4096x128xf32, #tpu.memory_space<hbm>>
        tpu.enqueue_dma source(%dma_start3A_1645 : memref<4096x128xf32, #tpu.memory_space<hbm>>) target(%arg5 : memref<4096x128xf32, #tpu.memory_space<vmem_shared>>) target_semaphore(%run_scoped3A : memref<!tpu.dma_semaphore, #tpu.memory_space<semaphore_mem>>)
        %dma_wait3A_1646 = arith.constant 0 : i32
        %dma_wait3A_1647 = tpu.memref_slice %arg2[%multiple_of3A_1643, %dma_wait3A_1646] : memref<8192x128xf32, #tpu.memory_space<hbm>> -> memref<4096x128xf32, #tpu.memory_space<hbm>>
        tpu.wait_dma2 semaphore(%run_scoped3A : memref<!tpu.dma_semaphore, #tpu.memory_space<semaphore_mem>>) src(%dma_wait3A_1647 : memref<4096x128xf32, #tpu.memory_space<hbm>>) dst(%arg5 : memref<4096x128xf32, #tpu.memory_space<vmem_shared>>)
        tpu.yield
      }) : () -> ()
    } else {
    }
    %barrier3A = arith.constant 0 : index
    tpu.barrier barrier_id(%barrier3A)
    %mul3A = arith.constant 128 : i32
    %mul3A_2 = arith.muli %mul3A, %arg0 : i32
    %multiple_of3A = tpu.assume_multiple %mul3A_2, 128 : i32
    %mul3A_3 = arith.constant 128 : i32
    %mul3A_4 = arith.muli %mul3A_3, %arg1 : i32
    %add3A = arith.constant 0 : i32
    %add3A_5 = arith.addi %add3A, %mul3A_4 : i32
    %multiple_of3A_6 = tpu.assume_multiple %add3A_5, 128 : i32
    %dma_start3A = arith.constant 0 : i32
    %dma_start3A_7 = tpu.memref_slice %arg3[%dma_start3A, %multiple_of3A_6] : memref<2x100096xi32, #tpu.memory_space<hbm>> -> memref<2x128xi32, #tpu.memory_space<hbm>>
    %dma_start3A_8 = arith.constant 0 : i32
    %dma_start3A_9 = tpu.memref_slice %arg3[%dma_start3A_8, %multiple_of3A_6] : memref<2x100096xi32, #tpu.memory_space<hbm>> -> memref<2x128xi32, #tpu.memory_space<hbm>>
    tpu.enqueue_dma source(%dma_start3A_9 : memref<2x128xi32, #tpu.memory_space<hbm>>) target(%arg6 : memref<2x128xi32, #tpu.memory_space<vmem>>) target_semaphore(%arg13 : memref<!tpu.dma_semaphore, #tpu.memory_space<semaphore_mem>>)
    %dma_wait3A = arith.constant 0 : i32
    %dma_wait3A_10 = tpu.memref_slice %arg3[%dma_wait3A, %multiple_of3A_6] : memref<2x100096xi32, #tpu.memory_space<hbm>> -> memref<2x128xi32, #tpu.memory_space<hbm>>
    %dma_wait3A_11 = arith.constant 0 : i32
    %dma_wait3A_12 = tpu.memref_slice %arg3[%dma_wait3A_11, %multiple_of3A_6] : memref<2x100096xi32, #tpu.memory_space<hbm>> -> memref<2x128xi32, #tpu.memory_space<hbm>>
    tpu.wait_dma2 semaphore(%arg13 : memref<!tpu.dma_semaphore, #tpu.memory_space<semaphore_mem>>) src(%dma_wait3A_12 : memref<2x128xi32, #tpu.memory_space<hbm>>) dst(%arg6 : memref<2x128xi32, #tpu.memory_space<vmem>>)
    %dma_start3A_13 = arith.constant 0 : i32
    %dma_start3A_14 = tpu.memref_slice %arg6[%arg0, %dma_start3A_13] : memref<2x128xi32, #tpu.memory_space<vmem>> -> memref<1x128xi32, #tpu.memory_space<vmem>>
    %dma_start3A_15 = tpu.memref_squeeze %dma_start3A_14 : memref<1x128xi32, #tpu.memory_space<vmem>> -> memref<128xi32, #tpu.memory_space<vmem>>
    %dma_start3A_16 = arith.constant 0 : i32
    %dma_start3A_17 = arith.constant 0 : i32
    %dma_start3A_18 = tpu.memref_slice %arg5[%dma_start3A_16, %dma_start3A_17] : memref<4096x128xf32, #tpu.memory_space<vmem_shared>> -> memref<4096x128xf32, #tpu.memory_space<vmem_shared>>
    tpu.enqueue_indirect_dma source(%dma_start3A_18 : memref<4096x128xf32, #tpu.memory_space<vmem_shared>>) target(%arg8 : memref<128x128xf32, #tpu.memory_space<vmem>>) offsets(%dma_start3A_15 : memref<128xi32, #tpu.memory_space<vmem>>) semaphore(%arg15 : memref<!tpu.dma_semaphore, #tpu.memory_space<semaphore_mem>>)
    %mul3A_19 = arith.constant 128 : i32
    %mul3A_20 = arith.muli %mul3A_19, %arg1 : i32
    %add3A_21 = arith.constant 2048 : i32
    %add3A_22 = arith.addi %add3A_21, %mul3A_20 : i32
    %multiple_of3A_23 = tpu.assume_multiple %add3A_22, 128 : i32
    %dma_start3A_24 = arith.constant 0 : i32
    %dma_start3A_25 = tpu.memref_slice %arg3[%dma_start3A_24, %multiple_of3A_23] : memref<2x100096xi32, #tpu.memory_space<hbm>> -> memref<2x128xi32, #tpu.memory_space<hbm>>
    %dma_start3A_26 = arith.constant 0 : i32
    %dma_start3A_27 = tpu.memref_slice %arg3[%dma_start3A_26, %multiple_of3A_23] : memref<2x100096xi32, #tpu.memory_space<hbm>> -> memref<2x128xi32, #tpu.memory_space<hbm>>
    tpu.enqueue_dma source(%dma_start3A_27 : memref<2x128xi32, #tpu.memory_space<hbm>>) target(%arg7 : memref<2x128xi32, #tpu.memory_space<vmem>>) target_semaphore(%arg14 : memref<!tpu.dma_semaphore, #tpu.memory_space<semaphore_mem>>)
    %dma_wait3A_28 = arith.constant 0 : i32
    %dma_wait3A_29 = tpu.memref_slice %arg6[%arg0, %dma_wait3A_28] : memref<2x128xi32, #tpu.memory_space<vmem>> -> memref<1x128xi32, #tpu.memory_space<vmem>>
    %dma_wait3A_30 = tpu.memref_squeeze %dma_wait3A_29 : memref<1x128xi32, #tpu.memory_space<vmem>> -> memref<128xi32, #tpu.memory_space<vmem>>
    %dma_wait3A_31 = arith.constant 0 : i32
    %dma_wait3A_32 = arith.constant 0 : i32
    %dma_wait3A_33 = tpu.memref_slice %arg5[%dma_wait3A_31, %dma_wait3A_32] : memref<4096x128xf32, #tpu.memory_space<vmem_shared>> -> memref<4096x128xf32, #tpu.memory_space<vmem_shared>>
    tpu.wait_indirect_dma semaphore(%arg15 : memref<!tpu.dma_semaphore, #tpu.memory_space<semaphore_mem>>) src(%dma_wait3A_33 : memref<4096x128xf32, #tpu.memory_space<vmem_shared>>) dst(%arg8 : memref<128x128xf32, #tpu.memory_space<vmem>>)
    %mul3A_34 = arith.constant 128 : i32
    %mul3A_35 = arith.muli %mul3A_34, %arg1 : i32
    %add3A_36 = arith.constant 0 : i32
    %add3A_37 = arith.addi %add3A_36, %mul3A_35 : i32
    %multiple_of3A_38 = tpu.assume_multiple %add3A_37, 128 : i32
    %dma_start3A_39 = tpu.memref_slice %arg4[%multiple_of3A_38, %multiple_of3A] : memref<100000x256xf32, #tpu.memory_space<hbm>> -> memref<128x128xf32, #tpu.memory_space<hbm>>
    %dma_start3A_40 = tpu.memref_slice %arg4[%multiple_of3A_38, %multiple_of3A] : memref<100000x256xf32, #tpu.memory_space<hbm>> -> memref<128x128xf32, #tpu.memory_space<hbm>>
    tpu.enqueue_dma source(%arg8 : memref<128x128xf32, #tpu.memory_space<vmem>>) target(%dma_start3A_40 : memref<128x128xf32, #tpu.memory_space<hbm>>) target_semaphore(%arg15 : memref<!tpu.dma_semaphore, #tpu.memory_space<semaphore_mem>>)
    %dma_wait3A_41 = arith.constant 0 : i32
    %dma_wait3A_42 = tpu.memref_slice %arg3[%dma_wait3A_41, %multiple_of3A_23] : memref<2x100096xi32, #tpu.memory_space<hbm>> -> memref<2x128xi32, #tpu.memory_space<hbm>>
    %dma_wait3A_43 = arith.constant 0 : i32
    %dma_wait3A_44 = tpu.memref_slice %arg3[%dma_wait3A_43, %multiple_of3A_23] : memref<2x100096xi32, #tpu.memory_space<hbm>> -> memref<2x128xi32, #tpu.memory_space<hbm>>
    tpu.wait_dma2 semaphore(%arg14 : memref<!tpu.dma_semaphore, #tpu.memory_space<semaphore_mem>>) src(%dma_wait3A_44 : memref<2x128xi32, #tpu.memory_space<hbm>>) dst(%arg7 : memref<2x128xi32, #tpu.memory_space<vmem>>)
    %dma_start3A_45 = arith.constant 0 : i32
    %dma_start3A_46 = tpu.memref_slice %arg7[%arg0, %dma_start3A_45] : memref<2x128xi32, #tpu.memory_space<vmem>> -> memref<1x128xi32, #tpu.memory_space<vmem>>
    %dma_start3A_47 = tpu.memref_squeeze %dma_start3A_46 : memref<1x128xi32, #tpu.memory_space<vmem>> -> memref<128xi32, #tpu.memory_space<vmem>>
    %dma_start3A_48 = arith.constant 0 : i32
    %dma_start3A_49 = arith.constant 0 : i32
    %dma_start3A_50 = tpu.memref_slice %arg5[%dma_start3A_48, %dma_start3A_49] : memref<4096x128xf32, #tpu.memory_space<vmem_shared>> -> memref<4096x128xf32, #tpu.memory_space<vmem_shared>>
    tpu.enqueue_indirect_dma source(%dma_start3A_50 : memref<4096x128xf32, #tpu.memory_space<vmem_shared>>) target(%arg9 : memref<128x128xf32, #tpu.memory_space<vmem>>) offsets(%dma_start3A_47 : memref<128xi32, #tpu.memory_space<vmem>>) semaphore(%arg16 : memref<!tpu.dma_semaphore, #tpu.memory_space<semaphore_mem>>)
    %mul3A_51 = arith.constant 128 : i32
    %mul3A_52 = arith.muli %mul3A_51, %arg1 : i32
    %add3A_53 = arith.constant 4096 : i32
    %add3A_54 = arith.addi %add3A_53, %mul3A_52 : i32
    %multiple_of3A_55 = tpu.assume_multiple %add3A_54, 128 : i32
    %dma_start3A_56 = arith.constant 0 : i32
    %dma_start3A_57 = tpu.memref_slice %arg3[%dma_start3A_56, %multiple_of3A_55] : memref<2x100096xi32, #tpu.memory_space<hbm>> -> memref<2x128xi32, #tpu.memory_space<hbm>>
    %dma_start3A_58 = arith.constant 0 : i32
    %dma_start3A_59 = tpu.memref_slice %arg3[%dma_start3A_58, %multiple_of3A_55] : memref<2x100096xi32, #tpu.memory_space<hbm>> -> memref<2x128xi32, #tpu.memory_space<hbm>>
    tpu.enqueue_dma source(%dma_start3A_59 : memref<2x128xi32, #tpu.memory_space<hbm>>) target(%arg6 : memref<2x128xi32, #tpu.memory_space<vmem>>) target_semaphore(%arg13 : memref<!tpu.dma_semaphore, #tpu.memory_space<semaphore_mem>>)
    %dma_wait3A_60 = arith.constant 0 : i32
    %dma_wait3A_61 = tpu.memref_slice %arg7[%arg0, %dma_wait3A_60] : memref<2x128xi32, #tpu.memory_space<vmem>> -> memref<1x128xi32, #tpu.memory_space<vmem>>
    %dma_wait3A_62 = tpu.memref_squeeze %dma_wait3A_61 : memref<1x128xi32, #tpu.memory_space<vmem>> -> memref<128xi32, #tpu.memory_space<vmem>>
    %dma_wait3A_63 = arith.constant 0 : i32
    %dma_wait3A_64 = arith.constant 0 : i32
    %dma_wait3A_65 = tpu.memref_slice %arg5[%dma_wait3A_63, %dma_wait3A_64] : memref<4096x128xf32, #tpu.memory_space<vmem_shared>> -> memref<4096x128xf32, #tpu.memory_space<vmem_shared>>
    tpu.wait_indirect_dma semaphore(%arg16 : memref<!tpu.dma_semaphore, #tpu.memory_space<semaphore_mem>>) src(%dma_wait3A_65 : memref<4096x128xf32, #tpu.memory_space<vmem_shared>>) dst(%arg9 : memref<128x128xf32, #tpu.memory_space<vmem>>)
    %mul3A_66 = arith.constant 128 : i32
    %mul3A_67 = arith.muli %mul3A_66, %arg1 : i32
    %add3A_68 = arith.constant 2048 : i32
    %add3A_69 = arith.addi %add3A_68, %mul3A_67 : i32
    %multiple_of3A_70 = tpu.assume_multiple %add3A_69, 128 : i32
    %dma_start3A_71 = tpu.memref_slice %arg4[%multiple_of3A_70, %multiple_of3A] : memref<100000x256xf32, #tpu.memory_space<hbm>> -> memref<128x128xf32, #tpu.memory_space<hbm>>
    %dma_start3A_72 = tpu.memref_slice %arg4[%multiple_of3A_70, %multiple_of3A] : memref<100000x256xf32, #tpu.memory_space<hbm>> -> memref<128x128xf32, #tpu.memory_space<hbm>>
    tpu.enqueue_dma source(%arg9 : memref<128x128xf32, #tpu.memory_space<vmem>>) target(%dma_start3A_72 : memref<128x128xf32, #tpu.memory_space<hbm>>) target_semaphore(%arg16 : memref<!tpu.dma_semaphore, #tpu.memory_space<semaphore_mem>>)
    %dma_wait3A_73 = arith.constant 0 : i32
    %dma_wait3A_74 = tpu.memref_slice %arg3[%dma_wait3A_73, %multiple_of3A_55] : memref<2x100096xi32, #tpu.memory_space<hbm>> -> memref<2x128xi32, #tpu.memory_space<hbm>>
    %dma_wait3A_75 = arith.constant 0 : i32
    %dma_wait3A_76 = tpu.memref_slice %arg3[%dma_wait3A_75, %multiple_of3A_55] : memref<2x100096xi32, #tpu.memory_space<hbm>> -> memref<2x128xi32, #tpu.memory_space<hbm>>
    tpu.wait_dma2 semaphore(%arg13 : memref<!tpu.dma_semaphore, #tpu.memory_space<semaphore_mem>>) src(%dma_wait3A_76 : memref<2x128xi32, #tpu.memory_space<hbm>>) dst(%arg6 : memref<2x128xi32, #tpu.memory_space<vmem>>)
    %dma_start3A_77 = arith.constant 0 : i32
    %dma_start3A_78 = tpu.memref_slice %arg6[%arg0, %dma_start3A_77] : memref<2x128xi32, #tpu.memory_space<vmem>> -> memref<1x128xi32, #tpu.memory_space<vmem>>
    %dma_start3A_79 = tpu.memref_squeeze %dma_start3A_78 : memref<1x128xi32, #tpu.memory_space<vmem>> -> memref<128xi32, #tpu.memory_space<vmem>>
    %dma_start3A_80 = arith.constant 0 : i32
    %dma_start3A_81 = arith.constant 0 : i32
    %dma_start3A_82 = tpu.memref_slice %arg5[%dma_start3A_80, %dma_start3A_81] : memref<4096x128xf32, #tpu.memory_space<vmem_shared>> -> memref<4096x128xf32, #tpu.memory_space<vmem_shared>>
    tpu.enqueue_indirect_dma source(%dma_start3A_82 : memref<4096x128xf32, #tpu.memory_space<vmem_shared>>) target(%arg10 : memref<128x128xf32, #tpu.memory_space<vmem>>) offsets(%dma_start3A_79 : memref<128xi32, #tpu.memory_space<vmem>>) semaphore(%arg17 : memref<!tpu.dma_semaphore, #tpu.memory_space<semaphore_mem>>)
    %mul3A_83 = arith.constant 128 : i32
    %mul3A_84 = arith.muli %mul3A_83, %arg1 : i32
    %add3A_85 = arith.constant 6144 : i32
    %add3A_86 = arith.addi %add3A_85, %mul3A_84 : i32
    %multiple_of3A_87 = tpu.assume_multiple %add3A_86, 128 : i32
    %dma_start3A_88 = arith.constant 0 : i32
    %dma_start3A_89 = tpu.memref_slice %arg3[%dma_start3A_88, %multiple_of3A_87] : memref<2x100096xi32, #tpu.memory_space<hbm>> -> memref<2x128xi32, #tpu.memory_space<hbm>>
    %dma_start3A_90 = arith.constant 0 : i32
    %dma_start3A_91 = tpu.memref_slice %arg3[%dma_start3A_90, %multiple_of3A_87] : memref<2x100096xi32, #tpu.memory_space<hbm>> -> memref<2x128xi32, #tpu.memory_space<hbm>>
    tpu.enqueue_dma source(%dma_start3A_91 : memref<2x128xi32, #tpu.memory_space<hbm>>) target(%arg7 : memref<2x128xi32, #tpu.memory_space<vmem>>) target_semaphore(%arg14 : memref<!tpu.dma_semaphore, #tpu.memory_space<semaphore_mem>>)
    %dma_wait3A_92 = arith.constant 0 : i32
    %dma_wait3A_93 = tpu.memref_slice %arg6[%arg0, %dma_wait3A_92] : memref<2x128xi32, #tpu.memory_space<vmem>> -> memref<1x128xi32, #tpu.memory_space<vmem>>
    %dma_wait3A_94 = tpu.memref_squeeze %dma_wait3A_93 : memref<1x128xi32, #tpu.memory_space<vmem>> -> memref<128xi32, #tpu.memory_space<vmem>>
    %dma_wait3A_95 = arith.constant 0 : i32
    %dma_wait3A_96 = arith.constant 0 : i32
    %dma_wait3A_97 = tpu.memref_slice %arg5[%dma_wait3A_95, %dma_wait3A_96] : memref<4096x128xf32, #tpu.memory_space<vmem_shared>> -> memref<4096x128xf32, #tpu.memory_space<vmem_shared>>
    tpu.wait_indirect_dma semaphore(%arg17 : memref<!tpu.dma_semaphore, #tpu.memory_space<semaphore_mem>>) src(%dma_wait3A_97 : memref<4096x128xf32, #tpu.memory_space<vmem_shared>>) dst(%arg10 : memref<128x128xf32, #tpu.memory_space<vmem>>)
    %mul3A_98 = arith.constant 128 : i32
    %mul3A_99 = arith.muli %mul3A_98, %arg1 : i32
    %add3A_100 = arith.constant 4096 : i32
    %add3A_101 = arith.addi %add3A_100, %mul3A_99 : i32
    %multiple_of3A_102 = tpu.assume_multiple %add3A_101, 128 : i32
    %dma_start3A_103 = tpu.memref_slice %arg4[%multiple_of3A_102, %multiple_of3A] : memref<100000x256xf32, #tpu.memory_space<hbm>> -> memref<128x128xf32, #tpu.memory_space<hbm>>
    %dma_start3A_104 = tpu.memref_slice %arg4[%multiple_of3A_102, %multiple_of3A] : memref<100000x256xf32, #tpu.memory_space<hbm>> -> memref<128x128xf32, #tpu.memory_space<hbm>>
    tpu.enqueue_dma source(%arg10 : memref<128x128xf32, #tpu.memory_space<vmem>>) target(%dma_start3A_104 : memref<128x128xf32, #tpu.memory_space<hbm>>) target_semaphore(%arg17 : memref<!tpu.dma_semaphore, #tpu.memory_space<semaphore_mem>>)
    %dma_wait3A_105 = arith.constant 0 : i32
    %dma_wait3A_106 = tpu.memref_slice %arg3[%dma_wait3A_105, %multiple_of3A_87] : memref<2x100096xi32, #tpu.memory_space<hbm>> -> memref<2x128xi32, #tpu.memory_space<hbm>>
    %dma_wait3A_107 = arith.constant 0 : i32
    %dma_wait3A_108 = tpu.memref_slice %arg3[%dma_wait3A_107, %multiple_of3A_87] : memref<2x100096xi32, #tpu.memory_space<hbm>> -> memref<2x128xi32, #tpu.memory_space<hbm>>
    tpu.wait_dma2 semaphore(%arg14 : memref<!tpu.dma_semaphore, #tpu.memory_space<semaphore_mem>>) src(%dma_wait3A_108 : memref<2x128xi32, #tpu.memory_space<hbm>>) dst(%arg7 : memref<2x128xi32, #tpu.memory_space<vmem>>)
    %dma_start3A_109 = arith.constant 0 : i32
    %dma_start3A_110 = tpu.memref_slice %arg7[%arg0, %dma_start3A_109] : memref<2x128xi32, #tpu.memory_space<vmem>> -> memref<1x128xi32, #tpu.memory_space<vmem>>
    %dma_start3A_111 = tpu.memref_squeeze %dma_start3A_110 : memref<1x128xi32, #tpu.memory_space<vmem>> -> memref<128xi32, #tpu.memory_space<vmem>>
    %dma_start3A_112 = arith.constant 0 : i32
    %dma_start3A_113 = arith.constant 0 : i32
    %dma_start3A_114 = tpu.memref_slice %arg5[%dma_start3A_112, %dma_start3A_113] : memref<4096x128xf32, #tpu.memory_space<vmem_shared>> -> memref<4096x128xf32, #tpu.memory_space<vmem_shared>>
    tpu.enqueue_indirect_dma source(%dma_start3A_114 : memref<4096x128xf32, #tpu.memory_space<vmem_shared>>) target(%arg11 : memref<128x128xf32, #tpu.memory_space<vmem>>) offsets(%dma_start3A_111 : memref<128xi32, #tpu.memory_space<vmem>>) semaphore(%arg18 : memref<!tpu.dma_semaphore, #tpu.memory_space<semaphore_mem>>)
    %mul3A_115 = arith.constant 128 : i32
    %mul3A_116 = arith.muli %mul3A_115, %arg1 : i32
    %add3A_117 = arith.constant 8192 : i32
    %add3A_118 = arith.addi %add3A_117, %mul3A_116 : i32
    %multiple_of3A_119 = tpu.assume_multiple %add3A_118, 128 : i32
    %dma_start3A_120 = arith.constant 0 : i32
    %dma_start3A_121 = tpu.memref_slice %arg3[%dma_start3A_120, %multiple_of3A_119] : memref<2x100096xi32, #tpu.memory_space<hbm>> -> memref<2x128xi32, #tpu.memory_space<hbm>>
    %dma_start3A_122 = arith.constant 0 : i32
    %dma_start3A_123 = tpu.memref_slice %arg3[%dma_start3A_122, %multiple_of3A_119] : memref<2x100096xi32, #tpu.memory_space<hbm>> -> memref<2x128xi32, #tpu.memory_space<hbm>>
    tpu.enqueue_dma source(%dma_start3A_123 : memref<2x128xi32, #tpu.memory_space<hbm>>) target(%arg6 : memref<2x128xi32, #tpu.memory_space<vmem>>) target_semaphore(%arg13 : memref<!tpu.dma_semaphore, #tpu.memory_space<semaphore_mem>>)
    %dma_wait3A_124 = arith.constant 0 : i32
    %dma_wait3A_125 = tpu.memref_slice %arg7[%arg0, %dma_wait3A_124] : memref<2x128xi32, #tpu.memory_space<vmem>> -> memref<1x128xi32, #tpu.memory_space<vmem>>
    %dma_wait3A_126 = tpu.memref_squeeze %dma_wait3A_125 : memref<1x128xi32, #tpu.memory_space<vmem>> -> memref<128xi32, #tpu.memory_space<vmem>>
    %dma_wait3A_127 = arith.constant 0 : i32
    %dma_wait3A_128 = arith.constant 0 : i32
    %dma_wait3A_129 = tpu.memref_slice %arg5[%dma_wait3A_127, %dma_wait3A_128] : memref<4096x128xf32, #tpu.memory_space<vmem_shared>> -> memref<4096x128xf32, #tpu.memory_space<vmem_shared>>
    tpu.wait_indirect_dma semaphore(%arg18 : memref<!tpu.dma_semaphore, #tpu.memory_space<semaphore_mem>>) src(%dma_wait3A_129 : memref<4096x128xf32, #tpu.memory_space<vmem_shared>>) dst(%arg11 : memref<128x128xf32, #tpu.memory_space<vmem>>)
    %mul3A_130 = arith.constant 128 : i32
    %mul3A_131 = arith.muli %mul3A_130, %arg1 : i32
    %add3A_132 = arith.constant 6144 : i32
    %add3A_133 = arith.addi %add3A_132, %mul3A_131 : i32
    %multiple_of3A_134 = tpu.assume_multiple %add3A_133, 128 : i32
    %dma_start3A_135 = tpu.memref_slice %arg4[%multiple_of3A_134, %multiple_of3A] : memref<100000x256xf32, #tpu.memory_space<hbm>> -> memref<128x128xf32, #tpu.memory_space<hbm>>
    %dma_start3A_136 = tpu.memref_slice %arg4[%multiple_of3A_134, %multiple_of3A] : memref<100000x256xf32, #tpu.memory_space<hbm>> -> memref<128x128xf32, #tpu.memory_space<hbm>>
    tpu.enqueue_dma source(%arg11 : memref<128x128xf32, #tpu.memory_space<vmem>>) target(%dma_start3A_136 : memref<128x128xf32, #tpu.memory_space<hbm>>) target_semaphore(%arg18 : memref<!tpu.dma_semaphore, #tpu.memory_space<semaphore_mem>>)
    %dma_wait3A_137 = arith.constant 0 : i32
    %dma_wait3A_138 = tpu.memref_slice %arg3[%dma_wait3A_137, %multiple_of3A_119] : memref<2x100096xi32, #tpu.memory_space<hbm>> -> memref<2x128xi32, #tpu.memory_space<hbm>>
    %dma_wait3A_139 = arith.constant 0 : i32
    %dma_wait3A_140 = tpu.memref_slice %arg3[%dma_wait3A_139, %multiple_of3A_119] : memref<2x100096xi32, #tpu.memory_space<hbm>> -> memref<2x128xi32, #tpu.memory_space<hbm>>
    tpu.wait_dma2 semaphore(%arg13 : memref<!tpu.dma_semaphore, #tpu.memory_space<semaphore_mem>>) src(%dma_wait3A_140 : memref<2x128xi32, #tpu.memory_space<hbm>>) dst(%arg6 : memref<2x128xi32, #tpu.memory_space<vmem>>)
    %dma_start3A_141 = arith.constant 0 : i32
    %dma_start3A_142 = tpu.memref_slice %arg6[%arg0, %dma_start3A_141] : memref<2x128xi32, #tpu.memory_space<vmem>> -> memref<1x128xi32, #tpu.memory_space<vmem>>
    %dma_start3A_143 = tpu.memref_squeeze %dma_start3A_142 : memref<1x128xi32, #tpu.memory_space<vmem>> -> memref<128xi32, #tpu.memory_space<vmem>>
    %dma_start3A_144 = arith.constant 0 : i32
    %dma_start3A_145 = arith.constant 0 : i32
    %dma_start3A_146 = tpu.memref_slice %arg5[%dma_start3A_144, %dma_start3A_145] : memref<4096x128xf32, #tpu.memory_space<vmem_shared>> -> memref<4096x128xf32, #tpu.memory_space<vmem_shared>>
    tpu.enqueue_indirect_dma source(%dma_start3A_146 : memref<4096x128xf32, #tpu.memory_space<vmem_shared>>) target(%arg12 : memref<128x128xf32, #tpu.memory_space<vmem>>) offsets(%dma_start3A_143 : memref<128xi32, #tpu.memory_space<vmem>>) semaphore(%arg19 : memref<!tpu.dma_semaphore, #tpu.memory_space<semaphore_mem>>)
    %mul3A_147 = arith.constant 128 : i32
    %mul3A_148 = arith.muli %mul3A_147, %arg1 : i32
    %add3A_149 = arith.constant 10240 : i32
    %add3A_150 = arith.addi %add3A_149, %mul3A_148 : i32
    %multiple_of3A_151 = tpu.assume_multiple %add3A_150, 128 : i32
    %dma_start3A_152 = arith.constant 0 : i32
    %dma_start3A_153 = tpu.memref_slice %arg3[%dma_start3A_152, %multiple_of3A_151] : memref<2x100096xi32, #tpu.memory_space<hbm>> -> memref<2x128xi32, #tpu.memory_space<hbm>>
    %dma_start3A_154 = arith.constant 0 : i32
    %dma_start3A_155 = tpu.memref_slice %arg3[%dma_start3A_154, %multiple_of3A_151] : memref<2x100096xi32, #tpu.memory_space<hbm>> -> memref<2x128xi32, #tpu.memory_space<hbm>>
    tpu.enqueue_dma source(%dma_start3A_155 : memref<2x128xi32, #tpu.memory_space<hbm>>) target(%arg7 : memref<2x128xi32, #tpu.memory_space<vmem>>) target_semaphore(%arg14 : memref<!tpu.dma_semaphore, #tpu.memory_space<semaphore_mem>>)
    %dma_wait3A_156 = arith.constant 0 : i32
    %dma_wait3A_157 = tpu.memref_slice %arg6[%arg0, %dma_wait3A_156] : memref<2x128xi32, #tpu.memory_space<vmem>> -> memref<1x128xi32, #tpu.memory_space<vmem>>
    %dma_wait3A_158 = tpu.memref_squeeze %dma_wait3A_157 : memref<1x128xi32, #tpu.memory_space<vmem>> -> memref<128xi32, #tpu.memory_space<vmem>>
    %dma_wait3A_159 = arith.constant 0 : i32
    %dma_wait3A_160 = arith.constant 0 : i32
    %dma_wait3A_161 = tpu.memref_slice %arg5[%dma_wait3A_159, %dma_wait3A_160] : memref<4096x128xf32, #tpu.memory_space<vmem_shared>> -> memref<4096x128xf32, #tpu.memory_space<vmem_shared>>
    tpu.wait_indirect_dma semaphore(%arg19 : memref<!tpu.dma_semaphore, #tpu.memory_space<semaphore_mem>>) src(%dma_wait3A_161 : memref<4096x128xf32, #tpu.memory_space<vmem_shared>>) dst(%arg12 : memref<128x128xf32, #tpu.memory_space<vmem>>)
    %mul3A_162 = arith.constant 128 : i32
    %mul3A_163 = arith.muli %mul3A_162, %arg1 : i32
    %add3A_164 = arith.constant 8192 : i32
    %add3A_165 = arith.addi %add3A_164, %mul3A_163 : i32
    %multiple_of3A_166 = tpu.assume_multiple %add3A_165, 128 : i32
    %dma_start3A_167 = tpu.memref_slice %arg4[%multiple_of3A_166, %multiple_of3A] : memref<100000x256xf32, #tpu.memory_space<hbm>> -> memref<128x128xf32, #tpu.memory_space<hbm>>
    %dma_start3A_168 = tpu.memref_slice %arg4[%multiple_of3A_166, %multiple_of3A] : memref<100000x256xf32, #tpu.memory_space<hbm>> -> memref<128x128xf32, #tpu.memory_space<hbm>>
    tpu.enqueue_dma source(%arg12 : memref<128x128xf32, #tpu.memory_space<vmem>>) target(%dma_start3A_168 : memref<128x128xf32, #tpu.memory_space<hbm>>) target_semaphore(%arg19 : memref<!tpu.dma_semaphore, #tpu.memory_space<semaphore_mem>>)
    %dma_wait3A_169 = arith.constant 0 : i32
    %dma_wait3A_170 = tpu.memref_slice %arg3[%dma_wait3A_169, %multiple_of3A_151] : memref<2x100096xi32, #tpu.memory_space<hbm>> -> memref<2x128xi32, #tpu.memory_space<hbm>>
    %dma_wait3A_171 = arith.constant 0 : i32
    %dma_wait3A_172 = tpu.memref_slice %arg3[%dma_wait3A_171, %multiple_of3A_151] : memref<2x100096xi32, #tpu.memory_space<hbm>> -> memref<2x128xi32, #tpu.memory_space<hbm>>
    tpu.wait_dma2 semaphore(%arg14 : memref<!tpu.dma_semaphore, #tpu.memory_space<semaphore_mem>>) src(%dma_wait3A_172 : memref<2x128xi32, #tpu.memory_space<hbm>>) dst(%arg7 : memref<2x128xi32, #tpu.memory_space<vmem>>)
    %dma_wait3A_173 = tpu.memref_slice %arg4[%multiple_of3A_38, %multiple_of3A] : memref<100000x256xf32, #tpu.memory_space<hbm>> -> memref<128x128xf32, #tpu.memory_space<hbm>>
    %dma_wait3A_174 = tpu.memref_slice %arg4[%multiple_of3A_38, %multiple_of3A] : memref<100000x256xf32, #tpu.memory_space<hbm>> -> memref<128x128xf32, #tpu.memory_space<hbm>>
    tpu.wait_dma2 semaphore(%arg15 : memref<!tpu.dma_semaphore, #tpu.memory_space<semaphore_mem>>) src(%arg8 : memref<128x128xf32, #tpu.memory_space<vmem>>) dst(%dma_wait3A_174 : memref<128x128xf32, #tpu.memory_space<hbm>>)
    %dma_start3A_175 = arith.constant 0 : i32
    %dma_start3A_176 = tpu.memref_slice %arg7[%arg0, %dma_start3A_175] : memref<2x128xi32, #tpu.memory_space<vmem>> -> memref<1x128xi32, #tpu.memory_space<vmem>>
    %dma_start3A_177 = tpu.memref_squeeze %dma_start3A_176 : memref<1x128xi32, #tpu.memory_space<vmem>> -> memref<128xi32, #tpu.memory_space<vmem>>
    %dma_start3A_178 = arith.constant 0 : i32
    %dma_start3A_179 = arith.constant 0 : i32
    %dma_start3A_180 = tpu.memref_slice %arg5[%dma_start3A_178, %dma_start3A_179] : memref<4096x128xf32, #tpu.memory_space<vmem_shared>> -> memref<4096x128xf32, #tpu.memory_space<vmem_shared>>
    tpu.enqueue_indirect_dma source(%dma_start3A_180 : memref<4096x128xf32, #tpu.memory_space<vmem_shared>>) target(%arg8 : memref<128x128xf32, #tpu.memory_space<vmem>>) offsets(%dma_start3A_177 : memref<128xi32, #tpu.memory_space<vmem>>) semaphore(%arg15 : memref<!tpu.dma_semaphore, #tpu.memory_space<semaphore_mem>>)
    %mul3A_181 = arith.constant 128 : i32
    %mul3A_182 = arith.muli %mul3A_181, %arg1 : i32
    %add3A_183 = arith.constant 12288 : i32
    %add3A_184 = arith.addi %add3A_183, %mul3A_182 : i32
    %multiple_of3A_185 = tpu.assume_multiple %add3A_184, 128 : i32
    %dma_start3A_186 = arith.constant 0 : i32
    %dma_start3A_187 = tpu.memref_slice %arg3[%dma_start3A_186, %multiple_of3A_185] : memref<2x100096xi32, #tpu.memory_space<hbm>> -> memref<2x128xi32, #tpu.memory_space<hbm>>
    %dma_start3A_188 = arith.constant 0 : i32
    %dma_start3A_189 = tpu.memref_slice %arg3[%dma_start3A_188, %multiple_of3A_185] : memref<2x100096xi32, #tpu.memory_space<hbm>> -> memref<2x128xi32, #tpu.memory_space<hbm>>
    tpu.enqueue_dma source(%dma_start3A_189 : memref<2x128xi32, #tpu.memory_space<hbm>>) target(%arg6 : memref<2x128xi32, #tpu.memory_space<vmem>>) target_semaphore(%arg13 : memref<!tpu.dma_semaphore, #tpu.memory_space<semaphore_mem>>)
    %dma_wait3A_190 = arith.constant 0 : i32
    %dma_wait3A_191 = tpu.memref_slice %arg7[%arg0, %dma_wait3A_190] : memref<2x128xi32, #tpu.memory_space<vmem>> -> memref<1x128xi32, #tpu.memory_space<vmem>>
    %dma_wait3A_192 = tpu.memref_squeeze %dma_wait3A_191 : memref<1x128xi32, #tpu.memory_space<vmem>> -> memref<128xi32, #tpu.memory_space<vmem>>
    %dma_wait3A_193 = arith.constant 0 : i32
    %dma_wait3A_194 = arith.constant 0 : i32
    %dma_wait3A_195 = tpu.memref_slice %arg5[%dma_wait3A_193, %dma_wait3A_194] : memref<4096x128xf32, #tpu.memory_space<vmem_shared>> -> memref<4096x128xf32, #tpu.memory_space<vmem_shared>>
    tpu.wait_indirect_dma semaphore(%arg15 : memref<!tpu.dma_semaphore, #tpu.memory_space<semaphore_mem>>) src(%dma_wait3A_195 : memref<4096x128xf32, #tpu.memory_space<vmem_shared>>) dst(%arg8 : memref<128x128xf32, #tpu.memory_space<vmem>>)
    %mul3A_196 = arith.constant 128 : i32
    %mul3A_197 = arith.muli %mul3A_196, %arg1 : i32
    %add3A_198 = arith.constant 10240 : i32
    %add3A_199 = arith.addi %add3A_198, %mul3A_197 : i32
    %multiple_of3A_200 = tpu.assume_multiple %add3A_199, 128 : i32
    %dma_start3A_201 = tpu.memref_slice %arg4[%multiple_of3A_200, %multiple_of3A] : memref<100000x256xf32, #tpu.memory_space<hbm>> -> memref<128x128xf32, #tpu.memory_space<hbm>>
    %dma_start3A_202 = tpu.memref_slice %arg4[%multiple_of3A_200, %multiple_of3A] : memref<100000x256xf32, #tpu.memory_space<hbm>> -> memref<128x128xf32, #tpu.memory_space<hbm>>
    tpu.enqueue_dma source(%arg8 : memref<128x128xf32, #tpu.memory_space<vmem>>) target(%dma_start3A_202 : memref<128x128xf32, #tpu.memory_space<hbm>>) target_semaphore(%arg15 : memref<!tpu.dma_semaphore, #tpu.memory_space<semaphore_mem>>)
    %dma_wait3A_203 = arith.constant 0 : i32
    %dma_wait3A_204 = tpu.memref_slice %arg3[%dma_wait3A_203, %multiple_of3A_185] : memref<2x100096xi32, #tpu.memory_space<hbm>> -> memref<2x128xi32, #tpu.memory_space<hbm>>
    %dma_wait3A_205 = arith.constant 0 : i32
    %dma_wait3A_206 = tpu.memref_slice %arg3[%dma_wait3A_205, %multiple_of3A_185] : memref<2x100096xi32, #tpu.memory_space<hbm>> -> memref<2x128xi32, #tpu.memory_space<hbm>>
    tpu.wait_dma2 semaphore(%arg13 : memref<!tpu.dma_semaphore, #tpu.memory_space<semaphore_mem>>) src(%dma_wait3A_206 : memref<2x128xi32, #tpu.memory_space<hbm>>) dst(%arg6 : memref<2x128xi32, #tpu.memory_space<vmem>>)
    %dma_wait3A_207 = tpu.memref_slice %arg4[%multiple_of3A_70, %multiple_of3A] : memref<100000x256xf32, #tpu.memory_space<hbm>> -> memref<128x128xf32, #tpu.memory_space<hbm>>
    %dma_wait3A_208 = tpu.memref_slice %arg4[%multiple_of3A_70, %multiple_of3A] : memref<100000x256xf32, #tpu.memory_space<hbm>> -> memref<128x128xf32, #tpu.memory_space<hbm>>
    tpu.wait_dma2 semaphore(%arg16 : memref<!tpu.dma_semaphore, #tpu.memory_space<semaphore_mem>>) src(%arg9 : memref<128x128xf32, #tpu.memory_space<vmem>>) dst(%dma_wait3A_208 : memref<128x128xf32, #tpu.memory_space<hbm>>)
    %dma_start3A_209 = arith.constant 0 : i32
    %dma_start3A_210 = tpu.memref_slice %arg6[%arg0, %dma_start3A_209] : memref<2x128xi32, #tpu.memory_space<vmem>> -> memref<1x128xi32, #tpu.memory_space<vmem>>
    %dma_start3A_211 = tpu.memref_squeeze %dma_start3A_210 : memref<1x128xi32, #tpu.memory_space<vmem>> -> memref<128xi32, #tpu.memory_space<vmem>>
    %dma_start3A_212 = arith.constant 0 : i32
    %dma_start3A_213 = arith.constant 0 : i32
    %dma_start3A_214 = tpu.memref_slice %arg5[%dma_start3A_212, %dma_start3A_213] : memref<4096x128xf32, #tpu.memory_space<vmem_shared>> -> memref<4096x128xf32, #tpu.memory_space<vmem_shared>>
    tpu.enqueue_indirect_dma source(%dma_start3A_214 : memref<4096x128xf32, #tpu.memory_space<vmem_shared>>) target(%arg9 : memref<128x128xf32, #tpu.memory_space<vmem>>) offsets(%dma_start3A_211 : memref<128xi32, #tpu.memory_space<vmem>>) semaphore(%arg16 : memref<!tpu.dma_semaphore, #tpu.memory_space<semaphore_mem>>)
    %mul3A_215 = arith.constant 128 : i32
    %mul3A_216 = arith.muli %mul3A_215, %arg1 : i32
    %add3A_217 = arith.constant 14336 : i32
    %add3A_218 = arith.addi %add3A_217, %mul3A_216 : i32
    %multiple_of3A_219 = tpu.assume_multiple %add3A_218, 128 : i32
    %dma_start3A_220 = arith.constant 0 : i32
    %dma_start3A_221 = tpu.memref_slice %arg3[%dma_start3A_220, %multiple_of3A_219] : memref<2x100096xi32, #tpu.memory_space<hbm>> -> memref<2x128xi32, #tpu.memory_space<hbm>>
    %dma_start3A_222 = arith.constant 0 : i32
    %dma_start3A_223 = tpu.memref_slice %arg3[%dma_start3A_222, %multiple_of3A_219] : memref<2x100096xi32, #tpu.memory_space<hbm>> -> memref<2x128xi32, #tpu.memory_space<hbm>>
    tpu.enqueue_dma source(%dma_start3A_223 : memref<2x128xi32, #tpu.memory_space<hbm>>) target(%arg7 : memref<2x128xi32, #tpu.memory_space<vmem>>) target_semaphore(%arg14 : memref<!tpu.dma_semaphore, #tpu.memory_space<semaphore_mem>>)
    %dma_wait3A_224 = arith.constant 0 : i32
    %dma_wait3A_225 = tpu.memref_slice %arg6[%arg0, %dma_wait3A_224] : memref<2x128xi32, #tpu.memory_space<vmem>> -> memref<1x128xi32, #tpu.memory_space<vmem>>
    %dma_wait3A_226 = tpu.memref_squeeze %dma_wait3A_225 : memref<1x128xi32, #tpu.memory_space<vmem>> -> memref<128xi32, #tpu.memory_space<vmem>>
    %dma_wait3A_227 = arith.constant 0 : i32
    %dma_wait3A_228 = arith.constant 0 : i32
    %dma_wait3A_229 = tpu.memref_slice %arg5[%dma_wait3A_227, %dma_wait3A_228] : memref<4096x128xf32, #tpu.memory_space<vmem_shared>> -> memref<4096x128xf32, #tpu.memory_space<vmem_shared>>
    tpu.wait_indirect_dma semaphore(%arg16 : memref<!tpu.dma_semaphore, #tpu.memory_space<semaphore_mem>>) src(%dma_wait3A_229 : memref<4096x128xf32, #tpu.memory_space<vmem_shared>>) dst(%arg9 : memref<128x128xf32, #tpu.memory_space<vmem>>)
    %mul3A_230 = arith.constant 128 : i32
    %mul3A_231 = arith.muli %mul3A_230, %arg1 : i32
    %add3A_232 = arith.constant 12288 : i32
    %add3A_233 = arith.addi %add3A_232, %mul3A_231 : i32
    %multiple_of3A_234 = tpu.assume_multiple %add3A_233, 128 : i32
    %dma_start3A_235 = tpu.memref_slice %arg4[%multiple_of3A_234, %multiple_of3A] : memref<100000x256xf32, #tpu.memory_space<hbm>> -> memref<128x128xf32, #tpu.memory_space<hbm>>
    %dma_start3A_236 = tpu.memref_slice %arg4[%multiple_of3A_234, %multiple_of3A] : memref<100000x256xf32, #tpu.memory_space<hbm>> -> memref<128x128xf32, #tpu.memory_space<hbm>>
    tpu.enqueue_dma source(%arg9 : memref<128x128xf32, #tpu.memory_space<vmem>>) target(%dma_start3A_236 : memref<128x128xf32, #tpu.memory_space<hbm>>) target_semaphore(%arg16 : memref<!tpu.dma_semaphore, #tpu.memory_space<semaphore_mem>>)
    %dma_wait3A_237 = arith.constant 0 : i32
    %dma_wait3A_238 = tpu.memref_slice %arg3[%dma_wait3A_237, %multiple_of3A_219] : memref<2x100096xi32, #tpu.memory_space<hbm>> -> memref<2x128xi32, #tpu.memory_space<hbm>>
    %dma_wait3A_239 = arith.constant 0 : i32
    %dma_wait3A_240 = tpu.memref_slice %arg3[%dma_wait3A_239, %multiple_of3A_219] : memref<2x100096xi32, #tpu.memory_space<hbm>> -> memref<2x128xi32, #tpu.memory_space<hbm>>
    tpu.wait_dma2 semaphore(%arg14 : memref<!tpu.dma_semaphore, #tpu.memory_space<semaphore_mem>>) src(%dma_wait3A_240 : memref<2x128xi32, #tpu.memory_space<hbm>>) dst(%arg7 : memref<2x128xi32, #tpu.memory_space<vmem>>)
    %dma_wait3A_241 = tpu.memref_slice %arg4[%multiple_of3A_102, %multiple_of3A] : memref<100000x256xf32, #tpu.memory_space<hbm>> -> memref<128x128xf32, #tpu.memory_space<hbm>>
    %dma_wait3A_242 = tpu.memref_slice %arg4[%multiple_of3A_102, %multiple_of3A] : memref<100000x256xf32, #tpu.memory_space<hbm>> -> memref<128x128xf32, #tpu.memory_space<hbm>>
    tpu.wait_dma2 semaphore(%arg17 : memref<!tpu.dma_semaphore, #tpu.memory_space<semaphore_mem>>) src(%arg10 : memref<128x128xf32, #tpu.memory_space<vmem>>) dst(%dma_wait3A_242 : memref<128x128xf32, #tpu.memory_space<hbm>>)
    %dma_start3A_243 = arith.constant 0 : i32
    %dma_start3A_244 = tpu.memref_slice %arg7[%arg0, %dma_start3A_243] : memref<2x128xi32, #tpu.memory_space<vmem>> -> memref<1x128xi32, #tpu.memory_space<vmem>>
    %dma_start3A_245 = tpu.memref_squeeze %dma_start3A_244 : memref<1x128xi32, #tpu.memory_space<vmem>> -> memref<128xi32, #tpu.memory_space<vmem>>
    %dma_start3A_246 = arith.constant 0 : i32
    %dma_start3A_247 = arith.constant 0 : i32
    %dma_start3A_248 = tpu.memref_slice %arg5[%dma_start3A_246, %dma_start3A_247] : memref<4096x128xf32, #tpu.memory_space<vmem_shared>> -> memref<4096x128xf32, #tpu.memory_space<vmem_shared>>
    tpu.enqueue_indirect_dma source(%dma_start3A_248 : memref<4096x128xf32, #tpu.memory_space<vmem_shared>>) target(%arg10 : memref<128x128xf32, #tpu.memory_space<vmem>>) offsets(%dma_start3A_245 : memref<128xi32, #tpu.memory_space<vmem>>) semaphore(%arg17 : memref<!tpu.dma_semaphore, #tpu.memory_space<semaphore_mem>>)
    %mul3A_249 = arith.constant 128 : i32
    %mul3A_250 = arith.muli %mul3A_249, %arg1 : i32
    %add3A_251 = arith.constant 16384 : i32
    %add3A_252 = arith.addi %add3A_251, %mul3A_250 : i32
    %multiple_of3A_253 = tpu.assume_multiple %add3A_252, 128 : i32
    %dma_start3A_254 = arith.constant 0 : i32
    %dma_start3A_255 = tpu.memref_slice %arg3[%dma_start3A_254, %multiple_of3A_253] : memref<2x100096xi32, #tpu.memory_space<hbm>> -> memref<2x128xi32, #tpu.memory_space<hbm>>
    %dma_start3A_256 = arith.constant 0 : i32
    %dma_start3A_257 = tpu.memref_slice %arg3[%dma_start3A_256, %multiple_of3A_253] : memref<2x100096xi32, #tpu.memory_space<hbm>> -> memref<2x128xi32, #tpu.memory_space<hbm>>
    tpu.enqueue_dma source(%dma_start3A_257 : memref<2x128xi32, #tpu.memory_space<hbm>>) target(%arg6 : memref<2x128xi32, #tpu.memory_space<vmem>>) target_semaphore(%arg13 : memref<!tpu.dma_semaphore, #tpu.memory_space<semaphore_mem>>)
    %dma_wait3A_258 = arith.constant 0 : i32
    %dma_wait3A_259 = tpu.memref_slice %arg7[%arg0, %dma_wait3A_258] : memref<2x128xi32, #tpu.memory_space<vmem>> -> memref<1x128xi32, #tpu.memory_space<vmem>>
    %dma_wait3A_260 = tpu.memref_squeeze %dma_wait3A_259 : memref<1x128xi32, #tpu.memory_space<vmem>> -> memref<128xi32, #tpu.memory_space<vmem>>
    %dma_wait3A_261 = arith.constant 0 : i32
    %dma_wait3A_262 = arith.constant 0 : i32
    %dma_wait3A_263 = tpu.memref_slice %arg5[%dma_wait3A_261, %dma_wait3A_262] : memref<4096x128xf32, #tpu.memory_space<vmem_shared>> -> memref<4096x128xf32, #tpu.memory_space<vmem_shared>>
    tpu.wait_indirect_dma semaphore(%arg17 : memref<!tpu.dma_semaphore, #tpu.memory_space<semaphore_mem>>) src(%dma_wait3A_263 : memref<4096x128xf32, #tpu.memory_space<vmem_shared>>) dst(%arg10 : memref<128x128xf32, #tpu.memory_space<vmem>>)
    %mul3A_264 = arith.constant 128 : i32
    %mul3A_265 = arith.muli %mul3A_264, %arg1 : i32
    %add3A_266 = arith.constant 14336 : i32
    %add3A_267 = arith.addi %add3A_266, %mul3A_265 : i32
    %multiple_of3A_268 = tpu.assume_multiple %add3A_267, 128 : i32
    %dma_start3A_269 = tpu.memref_slice %arg4[%multiple_of3A_268, %multiple_of3A] : memref<100000x256xf32, #tpu.memory_space<hbm>> -> memref<128x128xf32, #tpu.memory_space<hbm>>
    %dma_start3A_270 = tpu.memref_slice %arg4[%multiple_of3A_268, %multiple_of3A] : memref<100000x256xf32, #tpu.memory_space<hbm>> -> memref<128x128xf32, #tpu.memory_space<hbm>>
    tpu.enqueue_dma source(%arg10 : memref<128x128xf32, #tpu.memory_space<vmem>>) target(%dma_start3A_270 : memref<128x128xf32, #tpu.memory_space<hbm>>) target_semaphore(%arg17 : memref<!tpu.dma_semaphore, #tpu.memory_space<semaphore_mem>>)
    %dma_wait3A_271 = arith.constant 0 : i32
    %dma_wait3A_272 = tpu.memref_slice %arg3[%dma_wait3A_271, %multiple_of3A_253] : memref<2x100096xi32, #tpu.memory_space<hbm>> -> memref<2x128xi32, #tpu.memory_space<hbm>>
    %dma_wait3A_273 = arith.constant 0 : i32
    %dma_wait3A_274 = tpu.memref_slice %arg3[%dma_wait3A_273, %multiple_of3A_253] : memref<2x100096xi32, #tpu.memory_space<hbm>> -> memref<2x128xi32, #tpu.memory_space<hbm>>
    tpu.wait_dma2 semaphore(%arg13 : memref<!tpu.dma_semaphore, #tpu.memory_space<semaphore_mem>>) src(%dma_wait3A_274 : memref<2x128xi32, #tpu.memory_space<hbm>>) dst(%arg6 : memref<2x128xi32, #tpu.memory_space<vmem>>)
    %dma_wait3A_275 = tpu.memref_slice %arg4[%multiple_of3A_134, %multiple_of3A] : memref<100000x256xf32, #tpu.memory_space<hbm>> -> memref<128x128xf32, #tpu.memory_space<hbm>>
    %dma_wait3A_276 = tpu.memref_slice %arg4[%multiple_of3A_134, %multiple_of3A] : memref<100000x256xf32, #tpu.memory_space<hbm>> -> memref<128x128xf32, #tpu.memory_space<hbm>>
    tpu.wait_dma2 semaphore(%arg18 : memref<!tpu.dma_semaphore, #tpu.memory_space<semaphore_mem>>) src(%arg11 : memref<128x128xf32, #tpu.memory_space<vmem>>) dst(%dma_wait3A_276 : memref<128x128xf32, #tpu.memory_space<hbm>>)
    %dma_start3A_277 = arith.constant 0 : i32
    %dma_start3A_278 = tpu.memref_slice %arg6[%arg0, %dma_start3A_277] : memref<2x128xi32, #tpu.memory_space<vmem>> -> memref<1x128xi32, #tpu.memory_space<vmem>>
    %dma_start3A_279 = tpu.memref_squeeze %dma_start3A_278 : memref<1x128xi32, #tpu.memory_space<vmem>> -> memref<128xi32, #tpu.memory_space<vmem>>
    %dma_start3A_280 = arith.constant 0 : i32
    %dma_start3A_281 = arith.constant 0 : i32
    %dma_start3A_282 = tpu.memref_slice %arg5[%dma_start3A_280, %dma_start3A_281] : memref<4096x128xf32, #tpu.memory_space<vmem_shared>> -> memref<4096x128xf32, #tpu.memory_space<vmem_shared>>
    tpu.enqueue_indirect_dma source(%dma_start3A_282 : memref<4096x128xf32, #tpu.memory_space<vmem_shared>>) target(%arg11 : memref<128x128xf32, #tpu.memory_space<vmem>>) offsets(%dma_start3A_279 : memref<128xi32, #tpu.memory_space<vmem>>) semaphore(%arg18 : memref<!tpu.dma_semaphore, #tpu.memory_space<semaphore_mem>>)
    %mul3A_283 = arith.constant 128 : i32
    %mul3A_284 = arith.muli %mul3A_283, %arg1 : i32
    %add3A_285 = arith.constant 18432 : i32
    %add3A_286 = arith.addi %add3A_285, %mul3A_284 : i32
    %multiple_of3A_287 = tpu.assume_multiple %add3A_286, 128 : i32
    %dma_start3A_288 = arith.constant 0 : i32
    %dma_start3A_289 = tpu.memref_slice %arg3[%dma_start3A_288, %multiple_of3A_287] : memref<2x100096xi32, #tpu.memory_space<hbm>> -> memref<2x128xi32, #tpu.memory_space<hbm>>
    %dma_start3A_290 = arith.constant 0 : i32
    %dma_start3A_291 = tpu.memref_slice %arg3[%dma_start3A_290, %multiple_of3A_287] : memref<2x100096xi32, #tpu.memory_space<hbm>> -> memref<2x128xi32, #tpu.memory_space<hbm>>
    tpu.enqueue_dma source(%dma_start3A_291 : memref<2x128xi32, #tpu.memory_space<hbm>>) target(%arg7 : memref<2x128xi32, #tpu.memory_space<vmem>>) target_semaphore(%arg14 : memref<!tpu.dma_semaphore, #tpu.memory_space<semaphore_mem>>)
    %dma_wait3A_292 = arith.constant 0 : i32
    %dma_wait3A_293 = tpu.memref_slice %arg6[%arg0, %dma_wait3A_292] : memref<2x128xi32, #tpu.memory_space<vmem>> -> memref<1x128xi32, #tpu.memory_space<vmem>>
    %dma_wait3A_294 = tpu.memref_squeeze %dma_wait3A_293 : memref<1x128xi32, #tpu.memory_space<vmem>> -> memref<128xi32, #tpu.memory_space<vmem>>
    %dma_wait3A_295 = arith.constant 0 : i32
    %dma_wait3A_296 = arith.constant 0 : i32
    %dma_wait3A_297 = tpu.memref_slice %arg5[%dma_wait3A_295, %dma_wait3A_296] : memref<4096x128xf32, #tpu.memory_space<vmem_shared>> -> memref<4096x128xf32, #tpu.memory_space<vmem_shared>>
    tpu.wait_indirect_dma semaphore(%arg18 : memref<!tpu.dma_semaphore, #tpu.memory_space<semaphore_mem>>) src(%dma_wait3A_297 : memref<4096x128xf32, #tpu.memory_space<vmem_shared>>) dst(%arg11 : memref<128x128xf32, #tpu.memory_space<vmem>>)
    %mul3A_298 = arith.constant 128 : i32
    %mul3A_299 = arith.muli %mul3A_298, %arg1 : i32
    %add3A_300 = arith.constant 16384 : i32
    %add3A_301 = arith.addi %add3A_300, %mul3A_299 : i32
    %multiple_of3A_302 = tpu.assume_multiple %add3A_301, 128 : i32
    %dma_start3A_303 = tpu.memref_slice %arg4[%multiple_of3A_302, %multiple_of3A] : memref<100000x256xf32, #tpu.memory_space<hbm>> -> memref<128x128xf32, #tpu.memory_space<hbm>>
    %dma_start3A_304 = tpu.memref_slice %arg4[%multiple_of3A_302, %multiple_of3A] : memref<100000x256xf32, #tpu.memory_space<hbm>> -> memref<128x128xf32, #tpu.memory_space<hbm>>
    tpu.enqueue_dma source(%arg11 : memref<128x128xf32, #tpu.memory_space<vmem>>) target(%dma_start3A_304 : memref<128x128xf32, #tpu.memory_space<hbm>>) target_semaphore(%arg18 : memref<!tpu.dma_semaphore, #tpu.memory_space<semaphore_mem>>)
    %dma_wait3A_305 = arith.constant 0 : i32
    %dma_wait3A_306 = tpu.memref_slice %arg3[%dma_wait3A_305, %multiple_of3A_287] : memref<2x100096xi32, #tpu.memory_space<hbm>> -> memref<2x128xi32, #tpu.memory_space<hbm>>
    %dma_wait3A_307 = arith.constant 0 : i32
    %dma_wait3A_308 = tpu.memref_slice %arg3[%dma_wait3A_307, %multiple_of3A_287] : memref<2x100096xi32, #tpu.memory_space<hbm>> -> memref<2x128xi32, #tpu.memory_space<hbm>>
    tpu.wait_dma2 semaphore(%arg14 : memref<!tpu.dma_semaphore, #tpu.memory_space<semaphore_mem>>) src(%dma_wait3A_308 : memref<2x128xi32, #tpu.memory_space<hbm>>) dst(%arg7 : memref<2x128xi32, #tpu.memory_space<vmem>>)
    %dma_wait3A_309 = tpu.memref_slice %arg4[%multiple_of3A_166, %multiple_of3A] : memref<100000x256xf32, #tpu.memory_space<hbm>> -> memref<128x128xf32, #tpu.memory_space<hbm>>
    %dma_wait3A_310 = tpu.memref_slice %arg4[%multiple_of3A_166, %multiple_of3A] : memref<100000x256xf32, #tpu.memory_space<hbm>> -> memref<128x128xf32, #tpu.memory_space<hbm>>
    tpu.wait_dma2 semaphore(%arg19 : memref<!tpu.dma_semaphore, #tpu.memory_space<semaphore_mem>>) src(%arg12 : memref<128x128xf32, #tpu.memory_space<vmem>>) dst(%dma_wait3A_310 : memref<128x128xf32, #tpu.memory_space<hbm>>)
    %dma_start3A_311 = arith.constant 0 : i32
    %dma_start3A_312 = tpu.memref_slice %arg7[%arg0, %dma_start3A_311] : memref<2x128xi32, #tpu.memory_space<vmem>> -> memref<1x128xi32, #tpu.memory_space<vmem>>
    %dma_start3A_313 = tpu.memref_squeeze %dma_start3A_312 : memref<1x128xi32, #tpu.memory_space<vmem>> -> memref<128xi32, #tpu.memory_space<vmem>>
    %dma_start3A_314 = arith.constant 0 : i32
    %dma_start3A_315 = arith.constant 0 : i32
    %dma_start3A_316 = tpu.memref_slice %arg5[%dma_start3A_314, %dma_start3A_315] : memref<4096x128xf32, #tpu.memory_space<vmem_shared>> -> memref<4096x128xf32, #tpu.memory_space<vmem_shared>>
    tpu.enqueue_indirect_dma source(%dma_start3A_316 : memref<4096x128xf32, #tpu.memory_space<vmem_shared>>) target(%arg12 : memref<128x128xf32, #tpu.memory_space<vmem>>) offsets(%dma_start3A_313 : memref<128xi32, #tpu.memory_space<vmem>>) semaphore(%arg19 : memref<!tpu.dma_semaphore, #tpu.memory_space<semaphore_mem>>)
    %mul3A_317 = arith.constant 128 : i32
    %mul3A_318 = arith.muli %mul3A_317, %arg1 : i32
    %add3A_319 = arith.constant 20480 : i32
    %add3A_320 = arith.addi %add3A_319, %mul3A_318 : i32
    %multiple_of3A_321 = tpu.assume_multiple %add3A_320, 128 : i32
    %dma_start3A_322 = arith.constant 0 : i32
    %dma_start3A_323 = tpu.memref_slice %arg3[%dma_start3A_322, %multiple_of3A_321] : memref<2x100096xi32, #tpu.memory_space<hbm>> -> memref<2x128xi32, #tpu.memory_space<hbm>>
    %dma_start3A_324 = arith.constant 0 : i32
    %dma_start3A_325 = tpu.memref_slice %arg3[%dma_start3A_324, %multiple_of3A_321] : memref<2x100096xi32, #tpu.memory_space<hbm>> -> memref<2x128xi32, #tpu.memory_space<hbm>>
    tpu.enqueue_dma source(%dma_start3A_325 : memref<2x128xi32, #tpu.memory_space<hbm>>) target(%arg6 : memref<2x128xi32, #tpu.memory_space<vmem>>) target_semaphore(%arg13 : memref<!tpu.dma_semaphore, #tpu.memory_space<semaphore_mem>>)
    %dma_wait3A_326 = arith.constant 0 : i32
    %dma_wait3A_327 = tpu.memref_slice %arg7[%arg0, %dma_wait3A_326] : memref<2x128xi32, #tpu.memory_space<vmem>> -> memref<1x128xi32, #tpu.memory_space<vmem>>
    %dma_wait3A_328 = tpu.memref_squeeze %dma_wait3A_327 : memref<1x128xi32, #tpu.memory_space<vmem>> -> memref<128xi32, #tpu.memory_space<vmem>>
    %dma_wait3A_329 = arith.constant 0 : i32
    %dma_wait3A_330 = arith.constant 0 : i32
    %dma_wait3A_331 = tpu.memref_slice %arg5[%dma_wait3A_329, %dma_wait3A_330] : memref<4096x128xf32, #tpu.memory_space<vmem_shared>> -> memref<4096x128xf32, #tpu.memory_space<vmem_shared>>
    tpu.wait_indirect_dma semaphore(%arg19 : memref<!tpu.dma_semaphore, #tpu.memory_space<semaphore_mem>>) src(%dma_wait3A_331 : memref<4096x128xf32, #tpu.memory_space<vmem_shared>>) dst(%arg12 : memref<128x128xf32, #tpu.memory_space<vmem>>)
    %mul3A_332 = arith.constant 128 : i32
    %mul3A_333 = arith.muli %mul3A_332, %arg1 : i32
    %add3A_334 = arith.constant 18432 : i32
    %add3A_335 = arith.addi %add3A_334, %mul3A_333 : i32
    %multiple_of3A_336 = tpu.assume_multiple %add3A_335, 128 : i32
    %dma_start3A_337 = tpu.memref_slice %arg4[%multiple_of3A_336, %multiple_of3A] : memref<100000x256xf32, #tpu.memory_space<hbm>> -> memref<128x128xf32, #tpu.memory_space<hbm>>
    %dma_start3A_338 = tpu.memref_slice %arg4[%multiple_of3A_336, %multiple_of3A] : memref<100000x256xf32, #tpu.memory_space<hbm>> -> memref<128x128xf32, #tpu.memory_space<hbm>>
    tpu.enqueue_dma source(%arg12 : memref<128x128xf32, #tpu.memory_space<vmem>>) target(%dma_start3A_338 : memref<128x128xf32, #tpu.memory_space<hbm>>) target_semaphore(%arg19 : memref<!tpu.dma_semaphore, #tpu.memory_space<semaphore_mem>>)
    %dma_wait3A_339 = arith.constant 0 : i32
    %dma_wait3A_340 = tpu.memref_slice %arg3[%dma_wait3A_339, %multiple_of3A_321] : memref<2x100096xi32, #tpu.memory_space<hbm>> -> memref<2x128xi32, #tpu.memory_space<hbm>>
    %dma_wait3A_341 = arith.constant 0 : i32
    %dma_wait3A_342 = tpu.memref_slice %arg3[%dma_wait3A_341, %multiple_of3A_321] : memref<2x100096xi32, #tpu.memory_space<hbm>> -> memref<2x128xi32, #tpu.memory_space<hbm>>
    tpu.wait_dma2 semaphore(%arg13 : memref<!tpu.dma_semaphore, #tpu.memory_space<semaphore_mem>>) src(%dma_wait3A_342 : memref<2x128xi32, #tpu.memory_space<hbm>>) dst(%arg6 : memref<2x128xi32, #tpu.memory_space<vmem>>)
    %dma_wait3A_343 = tpu.memref_slice %arg4[%multiple_of3A_200, %multiple_of3A] : memref<100000x256xf32, #tpu.memory_space<hbm>> -> memref<128x128xf32, #tpu.memory_space<hbm>>
    %dma_wait3A_344 = tpu.memref_slice %arg4[%multiple_of3A_200, %multiple_of3A] : memref<100000x256xf32, #tpu.memory_space<hbm>> -> memref<128x128xf32, #tpu.memory_space<hbm>>
    tpu.wait_dma2 semaphore(%arg15 : memref<!tpu.dma_semaphore, #tpu.memory_space<semaphore_mem>>) src(%arg8 : memref<128x128xf32, #tpu.memory_space<vmem>>) dst(%dma_wait3A_344 : memref<128x128xf32, #tpu.memory_space<hbm>>)
    %dma_start3A_345 = arith.constant 0 : i32
    %dma_start3A_346 = tpu.memref_slice %arg6[%arg0, %dma_start3A_345] : memref<2x128xi32, #tpu.memory_space<vmem>> -> memref<1x128xi32, #tpu.memory_space<vmem>>
    %dma_start3A_347 = tpu.memref_squeeze %dma_start3A_346 : memref<1x128xi32, #tpu.memory_space<vmem>> -> memref<128xi32, #tpu.memory_space<vmem>>
    %dma_start3A_348 = arith.constant 0 : i32
    %dma_start3A_349 = arith.constant 0 : i32
    %dma_start3A_350 = tpu.memref_slice %arg5[%dma_start3A_348, %dma_start3A_349] : memref<4096x128xf32, #tpu.memory_space<vmem_shared>> -> memref<4096x128xf32, #tpu.memory_space<vmem_shared>>
    tpu.enqueue_indirect_dma source(%dma_start3A_350 : memref<4096x128xf32, #tpu.memory_space<vmem_shared>>) target(%arg8 : memref<128x128xf32, #tpu.memory_space<vmem>>) offsets(%dma_start3A_347 : memref<128xi32, #tpu.memory_space<vmem>>) semaphore(%arg15 : memref<!tpu.dma_semaphore, #tpu.memory_space<semaphore_mem>>)
    %mul3A_351 = arith.constant 128 : i32
    %mul3A_352 = arith.muli %mul3A_351, %arg1 : i32
    %add3A_353 = arith.constant 22528 : i32
    %add3A_354 = arith.addi %add3A_353, %mul3A_352 : i32
    %multiple_of3A_355 = tpu.assume_multiple %add3A_354, 128 : i32
    %dma_start3A_356 = arith.constant 0 : i32
    %dma_start3A_357 = tpu.memref_slice %arg3[%dma_start3A_356, %multiple_of3A_355] : memref<2x100096xi32, #tpu.memory_space<hbm>> -> memref<2x128xi32, #tpu.memory_space<hbm>>
    %dma_start3A_358 = arith.constant 0 : i32
    %dma_start3A_359 = tpu.memref_slice %arg3[%dma_start3A_358, %multiple_of3A_355] : memref<2x100096xi32, #tpu.memory_space<hbm>> -> memref<2x128xi32, #tpu.memory_space<hbm>>
    tpu.enqueue_dma source(%dma_start3A_359 : memref<2x128xi32, #tpu.memory_space<hbm>>) target(%arg7 : memref<2x128xi32, #tpu.memory_space<vmem>>) target_semaphore(%arg14 : memref<!tpu.dma_semaphore, #tpu.memory_space<semaphore_mem>>)
    %dma_wait3A_360 = arith.constant 0 : i32
    %dma_wait3A_361 = tpu.memref_slice %arg6[%arg0, %dma_wait3A_360] : memref<2x128xi32, #tpu.memory_space<vmem>> -> memref<1x128xi32, #tpu.memory_space<vmem>>
    %dma_wait3A_362 = tpu.memref_squeeze %dma_wait3A_361 : memref<1x128xi32, #tpu.memory_space<vmem>> -> memref<128xi32, #tpu.memory_space<vmem>>
    %dma_wait3A_363 = arith.constant 0 : i32
    %dma_wait3A_364 = arith.constant 0 : i32
    %dma_wait3A_365 = tpu.memref_slice %arg5[%dma_wait3A_363, %dma_wait3A_364] : memref<4096x128xf32, #tpu.memory_space<vmem_shared>> -> memref<4096x128xf32, #tpu.memory_space<vmem_shared>>
    tpu.wait_indirect_dma semaphore(%arg15 : memref<!tpu.dma_semaphore, #tpu.memory_space<semaphore_mem>>) src(%dma_wait3A_365 : memref<4096x128xf32, #tpu.memory_space<vmem_shared>>) dst(%arg8 : memref<128x128xf32, #tpu.memory_space<vmem>>)
    %mul3A_366 = arith.constant 128 : i32
    %mul3A_367 = arith.muli %mul3A_366, %arg1 : i32
    %add3A_368 = arith.constant 20480 : i32
    %add3A_369 = arith.addi %add3A_368, %mul3A_367 : i32
    %multiple_of3A_370 = tpu.assume_multiple %add3A_369, 128 : i32
    %dma_start3A_371 = tpu.memref_slice %arg4[%multiple_of3A_370, %multiple_of3A] : memref<100000x256xf32, #tpu.memory_space<hbm>> -> memref<128x128xf32, #tpu.memory_space<hbm>>
    %dma_start3A_372 = tpu.memref_slice %arg4[%multiple_of3A_370, %multiple_of3A] : memref<100000x256xf32, #tpu.memory_space<hbm>> -> memref<128x128xf32, #tpu.memory_space<hbm>>
    tpu.enqueue_dma source(%arg8 : memref<128x128xf32, #tpu.memory_space<vmem>>) target(%dma_start3A_372 : memref<128x128xf32, #tpu.memory_space<hbm>>) target_semaphore(%arg15 : memref<!tpu.dma_semaphore, #tpu.memory_space<semaphore_mem>>)
    %dma_wait3A_373 = arith.constant 0 : i32
    %dma_wait3A_374 = tpu.memref_slice %arg3[%dma_wait3A_373, %multiple_of3A_355] : memref<2x100096xi32, #tpu.memory_space<hbm>> -> memref<2x128xi32, #tpu.memory_space<hbm>>
    %dma_wait3A_375 = arith.constant 0 : i32
    %dma_wait3A_376 = tpu.memref_slice %arg3[%dma_wait3A_375, %multiple_of3A_355] : memref<2x100096xi32, #tpu.memory_space<hbm>> -> memref<2x128xi32, #tpu.memory_space<hbm>>
    tpu.wait_dma2 semaphore(%arg14 : memref<!tpu.dma_semaphore, #tpu.memory_space<semaphore_mem>>) src(%dma_wait3A_376 : memref<2x128xi32, #tpu.memory_space<hbm>>) dst(%arg7 : memref<2x128xi32, #tpu.memory_space<vmem>>)
    %dma_wait3A_377 = tpu.memref_slice %arg4[%multiple_of3A_234, %multiple_of3A] : memref<100000x256xf32, #tpu.memory_space<hbm>> -> memref<128x128xf32, #tpu.memory_space<hbm>>
    %dma_wait3A_378 = tpu.memref_slice %arg4[%multiple_of3A_234, %multiple_of3A] : memref<100000x256xf32, #tpu.memory_space<hbm>> -> memref<128x128xf32, #tpu.memory_space<hbm>>
    tpu.wait_dma2 semaphore(%arg16 : memref<!tpu.dma_semaphore, #tpu.memory_space<semaphore_mem>>) src(%arg9 : memref<128x128xf32, #tpu.memory_space<vmem>>) dst(%dma_wait3A_378 : memref<128x128xf32, #tpu.memory_space<hbm>>)
    %dma_start3A_379 = arith.constant 0 : i32
    %dma_start3A_380 = tpu.memref_slice %arg7[%arg0, %dma_start3A_379] : memref<2x128xi32, #tpu.memory_space<vmem>> -> memref<1x128xi32, #tpu.memory_space<vmem>>
    %dma_start3A_381 = tpu.memref_squeeze %dma_start3A_380 : memref<1x128xi32, #tpu.memory_space<vmem>> -> memref<128xi32, #tpu.memory_space<vmem>>
    %dma_start3A_382 = arith.constant 0 : i32
    %dma_start3A_383 = arith.constant 0 : i32
    %dma_start3A_384 = tpu.memref_slice %arg5[%dma_start3A_382, %dma_start3A_383] : memref<4096x128xf32, #tpu.memory_space<vmem_shared>> -> memref<4096x128xf32, #tpu.memory_space<vmem_shared>>
    tpu.enqueue_indirect_dma source(%dma_start3A_384 : memref<4096x128xf32, #tpu.memory_space<vmem_shared>>) target(%arg9 : memref<128x128xf32, #tpu.memory_space<vmem>>) offsets(%dma_start3A_381 : memref<128xi32, #tpu.memory_space<vmem>>) semaphore(%arg16 : memref<!tpu.dma_semaphore, #tpu.memory_space<semaphore_mem>>)
    %mul3A_385 = arith.constant 128 : i32
    %mul3A_386 = arith.muli %mul3A_385, %arg1 : i32
    %add3A_387 = arith.constant 24576 : i32
    %add3A_388 = arith.addi %add3A_387, %mul3A_386 : i32
    %multiple_of3A_389 = tpu.assume_multiple %add3A_388, 128 : i32
    %dma_start3A_390 = arith.constant 0 : i32
    %dma_start3A_391 = tpu.memref_slice %arg3[%dma_start3A_390, %multiple_of3A_389] : memref<2x100096xi32, #tpu.memory_space<hbm>> -> memref<2x128xi32, #tpu.memory_space<hbm>>
    %dma_start3A_392 = arith.constant 0 : i32
    %dma_start3A_393 = tpu.memref_slice %arg3[%dma_start3A_392, %multiple_of3A_389] : memref<2x100096xi32, #tpu.memory_space<hbm>> -> memref<2x128xi32, #tpu.memory_space<hbm>>
    tpu.enqueue_dma source(%dma_start3A_393 : memref<2x128xi32, #tpu.memory_space<hbm>>) target(%arg6 : memref<2x128xi32, #tpu.memory_space<vmem>>) target_semaphore(%arg13 : memref<!tpu.dma_semaphore, #tpu.memory_space<semaphore_mem>>)
    %dma_wait3A_394 = arith.constant 0 : i32
    %dma_wait3A_395 = tpu.memref_slice %arg7[%arg0, %dma_wait3A_394] : memref<2x128xi32, #tpu.memory_space<vmem>> -> memref<1x128xi32, #tpu.memory_space<vmem>>
    %dma_wait3A_396 = tpu.memref_squeeze %dma_wait3A_395 : memref<1x128xi32, #tpu.memory_space<vmem>> -> memref<128xi32, #tpu.memory_space<vmem>>
    %dma_wait3A_397 = arith.constant 0 : i32
    %dma_wait3A_398 = arith.constant 0 : i32
    %dma_wait3A_399 = tpu.memref_slice %arg5[%dma_wait3A_397, %dma_wait3A_398] : memref<4096x128xf32, #tpu.memory_space<vmem_shared>> -> memref<4096x128xf32, #tpu.memory_space<vmem_shared>>
    tpu.wait_indirect_dma semaphore(%arg16 : memref<!tpu.dma_semaphore, #tpu.memory_space<semaphore_mem>>) src(%dma_wait3A_399 : memref<4096x128xf32, #tpu.memory_space<vmem_shared>>) dst(%arg9 : memref<128x128xf32, #tpu.memory_space<vmem>>)
    %mul3A_400 = arith.constant 128 : i32
    %mul3A_401 = arith.muli %mul3A_400, %arg1 : i32
    %add3A_402 = arith.constant 22528 : i32
    %add3A_403 = arith.addi %add3A_402, %mul3A_401 : i32
    %multiple_of3A_404 = tpu.assume_multiple %add3A_403, 128 : i32
    %dma_start3A_405 = tpu.memref_slice %arg4[%multiple_of3A_404, %multiple_of3A] : memref<100000x256xf32, #tpu.memory_space<hbm>> -> memref<128x128xf32, #tpu.memory_space<hbm>>
    %dma_start3A_406 = tpu.memref_slice %arg4[%multiple_of3A_404, %multiple_of3A] : memref<100000x256xf32, #tpu.memory_space<hbm>> -> memref<128x128xf32, #tpu.memory_space<hbm>>
    tpu.enqueue_dma source(%arg9 : memref<128x128xf32, #tpu.memory_space<vmem>>) target(%dma_start3A_406 : memref<128x128xf32, #tpu.memory_space<hbm>>) target_semaphore(%arg16 : memref<!tpu.dma_semaphore, #tpu.memory_space<semaphore_mem>>)
    %dma_wait3A_407 = arith.constant 0 : i32
    %dma_wait3A_408 = tpu.memref_slice %arg3[%dma_wait3A_407, %multiple_of3A_389] : memref<2x100096xi32, #tpu.memory_space<hbm>> -> memref<2x128xi32, #tpu.memory_space<hbm>>
    %dma_wait3A_409 = arith.constant 0 : i32
    %dma_wait3A_410 = tpu.memref_slice %arg3[%dma_wait3A_409, %multiple_of3A_389] : memref<2x100096xi32, #tpu.memory_space<hbm>> -> memref<2x128xi32, #tpu.memory_space<hbm>>
    tpu.wait_dma2 semaphore(%arg13 : memref<!tpu.dma_semaphore, #tpu.memory_space<semaphore_mem>>) src(%dma_wait3A_410 : memref<2x128xi32, #tpu.memory_space<hbm>>) dst(%arg6 : memref<2x128xi32, #tpu.memory_space<vmem>>)
    %dma_wait3A_411 = tpu.memref_slice %arg4[%multiple_of3A_268, %multiple_of3A] : memref<100000x256xf32, #tpu.memory_space<hbm>> -> memref<128x128xf32, #tpu.memory_space<hbm>>
    %dma_wait3A_412 = tpu.memref_slice %arg4[%multiple_of3A_268, %multiple_of3A] : memref<100000x256xf32, #tpu.memory_space<hbm>> -> memref<128x128xf32, #tpu.memory_space<hbm>>
    tpu.wait_dma2 semaphore(%arg17 : memref<!tpu.dma_semaphore, #tpu.memory_space<semaphore_mem>>) src(%arg10 : memref<128x128xf32, #tpu.memory_space<vmem>>) dst(%dma_wait3A_412 : memref<128x128xf32, #tpu.memory_space<hbm>>)
    %dma_start3A_413 = arith.constant 0 : i32
    %dma_start3A_414 = tpu.memref_slice %arg6[%arg0, %dma_start3A_413] : memref<2x128xi32, #tpu.memory_space<vmem>> -> memref<1x128xi32, #tpu.memory_space<vmem>>
    %dma_start3A_415 = tpu.memref_squeeze %dma_start3A_414 : memref<1x128xi32, #tpu.memory_space<vmem>> -> memref<128xi32, #tpu.memory_space<vmem>>
    %dma_start3A_416 = arith.constant 0 : i32
    %dma_start3A_417 = arith.constant 0 : i32
    %dma_start3A_418 = tpu.memref_slice %arg5[%dma_start3A_416, %dma_start3A_417] : memref<4096x128xf32, #tpu.memory_space<vmem_shared>> -> memref<4096x128xf32, #tpu.memory_space<vmem_shared>>
    tpu.enqueue_indirect_dma source(%dma_start3A_418 : memref<4096x128xf32, #tpu.memory_space<vmem_shared>>) target(%arg10 : memref<128x128xf32, #tpu.memory_space<vmem>>) offsets(%dma_start3A_415 : memref<128xi32, #tpu.memory_space<vmem>>) semaphore(%arg17 : memref<!tpu.dma_semaphore, #tpu.memory_space<semaphore_mem>>)
    %mul3A_419 = arith.constant 128 : i32
    %mul3A_420 = arith.muli %mul3A_419, %arg1 : i32
    %add3A_421 = arith.constant 26624 : i32
    %add3A_422 = arith.addi %add3A_421, %mul3A_420 : i32
    %multiple_of3A_423 = tpu.assume_multiple %add3A_422, 128 : i32
    %dma_start3A_424 = arith.constant 0 : i32
    %dma_start3A_425 = tpu.memref_slice %arg3[%dma_start3A_424, %multiple_of3A_423] : memref<2x100096xi32, #tpu.memory_space<hbm>> -> memref<2x128xi32, #tpu.memory_space<hbm>>
    %dma_start3A_426 = arith.constant 0 : i32
    %dma_start3A_427 = tpu.memref_slice %arg3[%dma_start3A_426, %multiple_of3A_423] : memref<2x100096xi32, #tpu.memory_space<hbm>> -> memref<2x128xi32, #tpu.memory_space<hbm>>
    tpu.enqueue_dma source(%dma_start3A_427 : memref<2x128xi32, #tpu.memory_space<hbm>>) target(%arg7 : memref<2x128xi32, #tpu.memory_space<vmem>>) target_semaphore(%arg14 : memref<!tpu.dma_semaphore, #tpu.memory_space<semaphore_mem>>)
    %dma_wait3A_428 = arith.constant 0 : i32
    %dma_wait3A_429 = tpu.memref_slice %arg6[%arg0, %dma_wait3A_428] : memref<2x128xi32, #tpu.memory_space<vmem>> -> memref<1x128xi32, #tpu.memory_space<vmem>>
    %dma_wait3A_430 = tpu.memref_squeeze %dma_wait3A_429 : memref<1x128xi32, #tpu.memory_space<vmem>> -> memref<128xi32, #tpu.memory_space<vmem>>
    %dma_wait3A_431 = arith.constant 0 : i32
    %dma_wait3A_432 = arith.constant 0 : i32
    %dma_wait3A_433 = tpu.memref_slice %arg5[%dma_wait3A_431, %dma_wait3A_432] : memref<4096x128xf32, #tpu.memory_space<vmem_shared>> -> memref<4096x128xf32, #tpu.memory_space<vmem_shared>>
    tpu.wait_indirect_dma semaphore(%arg17 : memref<!tpu.dma_semaphore, #tpu.memory_space<semaphore_mem>>) src(%dma_wait3A_433 : memref<4096x128xf32, #tpu.memory_space<vmem_shared>>) dst(%arg10 : memref<128x128xf32, #tpu.memory_space<vmem>>)
    %mul3A_434 = arith.constant 128 : i32
    %mul3A_435 = arith.muli %mul3A_434, %arg1 : i32
    %add3A_436 = arith.constant 24576 : i32
    %add3A_437 = arith.addi %add3A_436, %mul3A_435 : i32
    %multiple_of3A_438 = tpu.assume_multiple %add3A_437, 128 : i32
    %dma_start3A_439 = tpu.memref_slice %arg4[%multiple_of3A_438, %multiple_of3A] : memref<100000x256xf32, #tpu.memory_space<hbm>> -> memref<128x128xf32, #tpu.memory_space<hbm>>
    %dma_start3A_440 = tpu.memref_slice %arg4[%multiple_of3A_438, %multiple_of3A] : memref<100000x256xf32, #tpu.memory_space<hbm>> -> memref<128x128xf32, #tpu.memory_space<hbm>>
    tpu.enqueue_dma source(%arg10 : memref<128x128xf32, #tpu.memory_space<vmem>>) target(%dma_start3A_440 : memref<128x128xf32, #tpu.memory_space<hbm>>) target_semaphore(%arg17 : memref<!tpu.dma_semaphore, #tpu.memory_space<semaphore_mem>>)
    %dma_wait3A_441 = arith.constant 0 : i32
    %dma_wait3A_442 = tpu.memref_slice %arg3[%dma_wait3A_441, %multiple_of3A_423] : memref<2x100096xi32, #tpu.memory_space<hbm>> -> memref<2x128xi32, #tpu.memory_space<hbm>>
    %dma_wait3A_443 = arith.constant 0 : i32
    %dma_wait3A_444 = tpu.memref_slice %arg3[%dma_wait3A_443, %multiple_of3A_423] : memref<2x100096xi32, #tpu.memory_space<hbm>> -> memref<2x128xi32, #tpu.memory_space<hbm>>
    tpu.wait_dma2 semaphore(%arg14 : memref<!tpu.dma_semaphore, #tpu.memory_space<semaphore_mem>>) src(%dma_wait3A_444 : memref<2x128xi32, #tpu.memory_space<hbm>>) dst(%arg7 : memref<2x128xi32, #tpu.memory_space<vmem>>)
    %dma_wait3A_445 = tpu.memref_slice %arg4[%multiple_of3A_302, %multiple_of3A] : memref<100000x256xf32, #tpu.memory_space<hbm>> -> memref<128x128xf32, #tpu.memory_space<hbm>>
    %dma_wait3A_446 = tpu.memref_slice %arg4[%multiple_of3A_302, %multiple_of3A] : memref<100000x256xf32, #tpu.memory_space<hbm>> -> memref<128x128xf32, #tpu.memory_space<hbm>>
    tpu.wait_dma2 semaphore(%arg18 : memref<!tpu.dma_semaphore, #tpu.memory_space<semaphore_mem>>) src(%arg11 : memref<128x128xf32, #tpu.memory_space<vmem>>) dst(%dma_wait3A_446 : memref<128x128xf32, #tpu.memory_space<hbm>>)
    %dma_start3A_447 = arith.constant 0 : i32
    %dma_start3A_448 = tpu.memref_slice %arg7[%arg0, %dma_start3A_447] : memref<2x128xi32, #tpu.memory_space<vmem>> -> memref<1x128xi32, #tpu.memory_space<vmem>>
    %dma_start3A_449 = tpu.memref_squeeze %dma_start3A_448 : memref<1x128xi32, #tpu.memory_space<vmem>> -> memref<128xi32, #tpu.memory_space<vmem>>
    %dma_start3A_450 = arith.constant 0 : i32
    %dma_start3A_451 = arith.constant 0 : i32
    %dma_start3A_452 = tpu.memref_slice %arg5[%dma_start3A_450, %dma_start3A_451] : memref<4096x128xf32, #tpu.memory_space<vmem_shared>> -> memref<4096x128xf32, #tpu.memory_space<vmem_shared>>
    tpu.enqueue_indirect_dma source(%dma_start3A_452 : memref<4096x128xf32, #tpu.memory_space<vmem_shared>>) target(%arg11 : memref<128x128xf32, #tpu.memory_space<vmem>>) offsets(%dma_start3A_449 : memref<128xi32, #tpu.memory_space<vmem>>) semaphore(%arg18 : memref<!tpu.dma_semaphore, #tpu.memory_space<semaphore_mem>>)
    %mul3A_453 = arith.constant 128 : i32
    %mul3A_454 = arith.muli %mul3A_453, %arg1 : i32
    %add3A_455 = arith.constant 28672 : i32
    %add3A_456 = arith.addi %add3A_455, %mul3A_454 : i32
    %multiple_of3A_457 = tpu.assume_multiple %add3A_456, 128 : i32
    %dma_start3A_458 = arith.constant 0 : i32
    %dma_start3A_459 = tpu.memref_slice %arg3[%dma_start3A_458, %multiple_of3A_457] : memref<2x100096xi32, #tpu.memory_space<hbm>> -> memref<2x128xi32, #tpu.memory_space<hbm>>
    %dma_start3A_460 = arith.constant 0 : i32
    %dma_start3A_461 = tpu.memref_slice %arg3[%dma_start3A_460, %multiple_of3A_457] : memref<2x100096xi32, #tpu.memory_space<hbm>> -> memref<2x128xi32, #tpu.memory_space<hbm>>
    tpu.enqueue_dma source(%dma_start3A_461 : memref<2x128xi32, #tpu.memory_space<hbm>>) target(%arg6 : memref<2x128xi32, #tpu.memory_space<vmem>>) target_semaphore(%arg13 : memref<!tpu.dma_semaphore, #tpu.memory_space<semaphore_mem>>)
    %dma_wait3A_462 = arith.constant 0 : i32
    %dma_wait3A_463 = tpu.memref_slice %arg7[%arg0, %dma_wait3A_462] : memref<2x128xi32, #tpu.memory_space<vmem>> -> memref<1x128xi32, #tpu.memory_space<vmem>>
    %dma_wait3A_464 = tpu.memref_squeeze %dma_wait3A_463 : memref<1x128xi32, #tpu.memory_space<vmem>> -> memref<128xi32, #tpu.memory_space<vmem>>
    %dma_wait3A_465 = arith.constant 0 : i32
    %dma_wait3A_466 = arith.constant 0 : i32
    %dma_wait3A_467 = tpu.memref_slice %arg5[%dma_wait3A_465, %dma_wait3A_466] : memref<4096x128xf32, #tpu.memory_space<vmem_shared>> -> memref<4096x128xf32, #tpu.memory_space<vmem_shared>>
    tpu.wait_indirect_dma semaphore(%arg18 : memref<!tpu.dma_semaphore, #tpu.memory_space<semaphore_mem>>) src(%dma_wait3A_467 : memref<4096x128xf32, #tpu.memory_space<vmem_shared>>) dst(%arg11 : memref<128x128xf32, #tpu.memory_space<vmem>>)
    %mul3A_468 = arith.constant 128 : i32
    %mul3A_469 = arith.muli %mul3A_468, %arg1 : i32
    %add3A_470 = arith.constant 26624 : i32
    %add3A_471 = arith.addi %add3A_470, %mul3A_469 : i32
    %multiple_of3A_472 = tpu.assume_multiple %add3A_471, 128 : i32
    %dma_start3A_473 = tpu.memref_slice %arg4[%multiple_of3A_472, %multiple_of3A] : memref<100000x256xf32, #tpu.memory_space<hbm>> -> memref<128x128xf32, #tpu.memory_space<hbm>>
    %dma_start3A_474 = tpu.memref_slice %arg4[%multiple_of3A_472, %multiple_of3A] : memref<100000x256xf32, #tpu.memory_space<hbm>> -> memref<128x128xf32, #tpu.memory_space<hbm>>
    tpu.enqueue_dma source(%arg11 : memref<128x128xf32, #tpu.memory_space<vmem>>) target(%dma_start3A_474 : memref<128x128xf32, #tpu.memory_space<hbm>>) target_semaphore(%arg18 : memref<!tpu.dma_semaphore, #tpu.memory_space<semaphore_mem>>)
    %dma_wait3A_475 = arith.constant 0 : i32
    %dma_wait3A_476 = tpu.memref_slice %arg3[%dma_wait3A_475, %multiple_of3A_457] : memref<2x100096xi32, #tpu.memory_space<hbm>> -> memref<2x128xi32, #tpu.memory_space<hbm>>
    %dma_wait3A_477 = arith.constant 0 : i32
    %dma_wait3A_478 = tpu.memref_slice %arg3[%dma_wait3A_477, %multiple_of3A_457] : memref<2x100096xi32, #tpu.memory_space<hbm>> -> memref<2x128xi32, #tpu.memory_space<hbm>>
    tpu.wait_dma2 semaphore(%arg13 : memref<!tpu.dma_semaphore, #tpu.memory_space<semaphore_mem>>) src(%dma_wait3A_478 : memref<2x128xi32, #tpu.memory_space<hbm>>) dst(%arg6 : memref<2x128xi32, #tpu.memory_space<vmem>>)
    %dma_wait3A_479 = tpu.memref_slice %arg4[%multiple_of3A_336, %multiple_of3A] : memref<100000x256xf32, #tpu.memory_space<hbm>> -> memref<128x128xf32, #tpu.memory_space<hbm>>
    %dma_wait3A_480 = tpu.memref_slice %arg4[%multiple_of3A_336, %multiple_of3A] : memref<100000x256xf32, #tpu.memory_space<hbm>> -> memref<128x128xf32, #tpu.memory_space<hbm>>
    tpu.wait_dma2 semaphore(%arg19 : memref<!tpu.dma_semaphore, #tpu.memory_space<semaphore_mem>>) src(%arg12 : memref<128x128xf32, #tpu.memory_space<vmem>>) dst(%dma_wait3A_480 : memref<128x128xf32, #tpu.memory_space<hbm>>)
    %dma_start3A_481 = arith.constant 0 : i32
    %dma_start3A_482 = tpu.memref_slice %arg6[%arg0, %dma_start3A_481] : memref<2x128xi32, #tpu.memory_space<vmem>> -> memref<1x128xi32, #tpu.memory_space<vmem>>
    %dma_start3A_483 = tpu.memref_squeeze %dma_start3A_482 : memref<1x128xi32, #tpu.memory_space<vmem>> -> memref<128xi32, #tpu.memory_space<vmem>>
    %dma_start3A_484 = arith.constant 0 : i32
    %dma_start3A_485 = arith.constant 0 : i32
    %dma_start3A_486 = tpu.memref_slice %arg5[%dma_start3A_484, %dma_start3A_485] : memref<4096x128xf32, #tpu.memory_space<vmem_shared>> -> memref<4096x128xf32, #tpu.memory_space<vmem_shared>>
    tpu.enqueue_indirect_dma source(%dma_start3A_486 : memref<4096x128xf32, #tpu.memory_space<vmem_shared>>) target(%arg12 : memref<128x128xf32, #tpu.memory_space<vmem>>) offsets(%dma_start3A_483 : memref<128xi32, #tpu.memory_space<vmem>>) semaphore(%arg19 : memref<!tpu.dma_semaphore, #tpu.memory_space<semaphore_mem>>)
    %mul3A_487 = arith.constant 128 : i32
    %mul3A_488 = arith.muli %mul3A_487, %arg1 : i32
    %add3A_489 = arith.constant 30720 : i32
    %add3A_490 = arith.addi %add3A_489, %mul3A_488 : i32
    %multiple_of3A_491 = tpu.assume_multiple %add3A_490, 128 : i32
    %dma_start3A_492 = arith.constant 0 : i32
    %dma_start3A_493 = tpu.memref_slice %arg3[%dma_start3A_492, %multiple_of3A_491] : memref<2x100096xi32, #tpu.memory_space<hbm>> -> memref<2x128xi32, #tpu.memory_space<hbm>>
    %dma_start3A_494 = arith.constant 0 : i32
    %dma_start3A_495 = tpu.memref_slice %arg3[%dma_start3A_494, %multiple_of3A_491] : memref<2x100096xi32, #tpu.memory_space<hbm>> -> memref<2x128xi32, #tpu.memory_space<hbm>>
    tpu.enqueue_dma source(%dma_start3A_495 : memref<2x128xi32, #tpu.memory_space<hbm>>) target(%arg7 : memref<2x128xi32, #tpu.memory_space<vmem>>) target_semaphore(%arg14 : memref<!tpu.dma_semaphore, #tpu.memory_space<semaphore_mem>>)
    %dma_wait3A_496 = arith.constant 0 : i32
    %dma_wait3A_497 = tpu.memref_slice %arg6[%arg0, %dma_wait3A_496] : memref<2x128xi32, #tpu.memory_space<vmem>> -> memref<1x128xi32, #tpu.memory_space<vmem>>
    %dma_wait3A_498 = tpu.memref_squeeze %dma_wait3A_497 : memref<1x128xi32, #tpu.memory_space<vmem>> -> memref<128xi32, #tpu.memory_space<vmem>>
    %dma_wait3A_499 = arith.constant 0 : i32
    %dma_wait3A_500 = arith.constant 0 : i32
    %dma_wait3A_501 = tpu.memref_slice %arg5[%dma_wait3A_499, %dma_wait3A_500] : memref<4096x128xf32, #tpu.memory_space<vmem_shared>> -> memref<4096x128xf32, #tpu.memory_space<vmem_shared>>
    tpu.wait_indirect_dma semaphore(%arg19 : memref<!tpu.dma_semaphore, #tpu.memory_space<semaphore_mem>>) src(%dma_wait3A_501 : memref<4096x128xf32, #tpu.memory_space<vmem_shared>>) dst(%arg12 : memref<128x128xf32, #tpu.memory_space<vmem>>)
    %mul3A_502 = arith.constant 128 : i32
    %mul3A_503 = arith.muli %mul3A_502, %arg1 : i32
    %add3A_504 = arith.constant 28672 : i32
    %add3A_505 = arith.addi %add3A_504, %mul3A_503 : i32
    %multiple_of3A_506 = tpu.assume_multiple %add3A_505, 128 : i32
    %dma_start3A_507 = tpu.memref_slice %arg4[%multiple_of3A_506, %multiple_of3A] : memref<100000x256xf32, #tpu.memory_space<hbm>> -> memref<128x128xf32, #tpu.memory_space<hbm>>
    %dma_start3A_508 = tpu.memref_slice %arg4[%multiple_of3A_506, %multiple_of3A] : memref<100000x256xf32, #tpu.memory_space<hbm>> -> memref<128x128xf32, #tpu.memory_space<hbm>>
    tpu.enqueue_dma source(%arg12 : memref<128x128xf32, #tpu.memory_space<vmem>>) target(%dma_start3A_508 : memref<128x128xf32, #tpu.memory_space<hbm>>) target_semaphore(%arg19 : memref<!tpu.dma_semaphore, #tpu.memory_space<semaphore_mem>>)
    %dma_wait3A_509 = arith.constant 0 : i32
    %dma_wait3A_510 = tpu.memref_slice %arg3[%dma_wait3A_509, %multiple_of3A_491] : memref<2x100096xi32, #tpu.memory_space<hbm>> -> memref<2x128xi32, #tpu.memory_space<hbm>>
    %dma_wait3A_511 = arith.constant 0 : i32
    %dma_wait3A_512 = tpu.memref_slice %arg3[%dma_wait3A_511, %multiple_of3A_491] : memref<2x100096xi32, #tpu.memory_space<hbm>> -> memref<2x128xi32, #tpu.memory_space<hbm>>
    tpu.wait_dma2 semaphore(%arg14 : memref<!tpu.dma_semaphore, #tpu.memory_space<semaphore_mem>>) src(%dma_wait3A_512 : memref<2x128xi32, #tpu.memory_space<hbm>>) dst(%arg7 : memref<2x128xi32, #tpu.memory_space<vmem>>)
    %dma_wait3A_513 = tpu.memref_slice %arg4[%multiple_of3A_370, %multiple_of3A] : memref<100000x256xf32, #tpu.memory_space<hbm>> -> memref<128x128xf32, #tpu.memory_space<hbm>>
    %dma_wait3A_514 = tpu.memref_slice %arg4[%multiple_of3A_370, %multiple_of3A] : memref<100000x256xf32, #tpu.memory_space<hbm>> -> memref<128x128xf32, #tpu.memory_space<hbm>>
    tpu.wait_dma2 semaphore(%arg15 : memref<!tpu.dma_semaphore, #tpu.memory_space<semaphore_mem>>) src(%arg8 : memref<128x128xf32, #tpu.memory_space<vmem>>) dst(%dma_wait3A_514 : memref<128x128xf32, #tpu.memory_space<hbm>>)
    %dma_start3A_515 = arith.constant 0 : i32
    %dma_start3A_516 = tpu.memref_slice %arg7[%arg0, %dma_start3A_515] : memref<2x128xi32, #tpu.memory_space<vmem>> -> memref<1x128xi32, #tpu.memory_space<vmem>>
    %dma_start3A_517 = tpu.memref_squeeze %dma_start3A_516 : memref<1x128xi32, #tpu.memory_space<vmem>> -> memref<128xi32, #tpu.memory_space<vmem>>
    %dma_start3A_518 = arith.constant 0 : i32
    %dma_start3A_519 = arith.constant 0 : i32
    %dma_start3A_520 = tpu.memref_slice %arg5[%dma_start3A_518, %dma_start3A_519] : memref<4096x128xf32, #tpu.memory_space<vmem_shared>> -> memref<4096x128xf32, #tpu.memory_space<vmem_shared>>
    tpu.enqueue_indirect_dma source(%dma_start3A_520 : memref<4096x128xf32, #tpu.memory_space<vmem_shared>>) target(%arg8 : memref<128x128xf32, #tpu.memory_space<vmem>>) offsets(%dma_start3A_517 : memref<128xi32, #tpu.memory_space<vmem>>) semaphore(%arg15 : memref<!tpu.dma_semaphore, #tpu.memory_space<semaphore_mem>>)
    %mul3A_521 = arith.constant 128 : i32
    %mul3A_522 = arith.muli %mul3A_521, %arg1 : i32
    %add3A_523 = arith.constant 32768 : i32
    %add3A_524 = arith.addi %add3A_523, %mul3A_522 : i32
    %multiple_of3A_525 = tpu.assume_multiple %add3A_524, 128 : i32
    %dma_start3A_526 = arith.constant 0 : i32
    %dma_start3A_527 = tpu.memref_slice %arg3[%dma_start3A_526, %multiple_of3A_525] : memref<2x100096xi32, #tpu.memory_space<hbm>> -> memref<2x128xi32, #tpu.memory_space<hbm>>
    %dma_start3A_528 = arith.constant 0 : i32
    %dma_start3A_529 = tpu.memref_slice %arg3[%dma_start3A_528, %multiple_of3A_525] : memref<2x100096xi32, #tpu.memory_space<hbm>> -> memref<2x128xi32, #tpu.memory_space<hbm>>
    tpu.enqueue_dma source(%dma_start3A_529 : memref<2x128xi32, #tpu.memory_space<hbm>>) target(%arg6 : memref<2x128xi32, #tpu.memory_space<vmem>>) target_semaphore(%arg13 : memref<!tpu.dma_semaphore, #tpu.memory_space<semaphore_mem>>)
    %dma_wait3A_530 = arith.constant 0 : i32
    %dma_wait3A_531 = tpu.memref_slice %arg7[%arg0, %dma_wait3A_530] : memref<2x128xi32, #tpu.memory_space<vmem>> -> memref<1x128xi32, #tpu.memory_space<vmem>>
    %dma_wait3A_532 = tpu.memref_squeeze %dma_wait3A_531 : memref<1x128xi32, #tpu.memory_space<vmem>> -> memref<128xi32, #tpu.memory_space<vmem>>
    %dma_wait3A_533 = arith.constant 0 : i32
    %dma_wait3A_534 = arith.constant 0 : i32
    %dma_wait3A_535 = tpu.memref_slice %arg5[%dma_wait3A_533, %dma_wait3A_534] : memref<4096x128xf32, #tpu.memory_space<vmem_shared>> -> memref<4096x128xf32, #tpu.memory_space<vmem_shared>>
    tpu.wait_indirect_dma semaphore(%arg15 : memref<!tpu.dma_semaphore, #tpu.memory_space<semaphore_mem>>) src(%dma_wait3A_535 : memref<4096x128xf32, #tpu.memory_space<vmem_shared>>) dst(%arg8 : memref<128x128xf32, #tpu.memory_space<vmem>>)
    %mul3A_536 = arith.constant 128 : i32
    %mul3A_537 = arith.muli %mul3A_536, %arg1 : i32
    %add3A_538 = arith.constant 30720 : i32
    %add3A_539 = arith.addi %add3A_538, %mul3A_537 : i32
    %multiple_of3A_540 = tpu.assume_multiple %add3A_539, 128 : i32
    %dma_start3A_541 = tpu.memref_slice %arg4[%multiple_of3A_540, %multiple_of3A] : memref<100000x256xf32, #tpu.memory_space<hbm>> -> memref<128x128xf32, #tpu.memory_space<hbm>>
    %dma_start3A_542 = tpu.memref_slice %arg4[%multiple_of3A_540, %multiple_of3A] : memref<100000x256xf32, #tpu.memory_space<hbm>> -> memref<128x128xf32, #tpu.memory_space<hbm>>
    tpu.enqueue_dma source(%arg8 : memref<128x128xf32, #tpu.memory_space<vmem>>) target(%dma_start3A_542 : memref<128x128xf32, #tpu.memory_space<hbm>>) target_semaphore(%arg15 : memref<!tpu.dma_semaphore, #tpu.memory_space<semaphore_mem>>)
    %dma_wait3A_543 = arith.constant 0 : i32
    %dma_wait3A_544 = tpu.memref_slice %arg3[%dma_wait3A_543, %multiple_of3A_525] : memref<2x100096xi32, #tpu.memory_space<hbm>> -> memref<2x128xi32, #tpu.memory_space<hbm>>
    %dma_wait3A_545 = arith.constant 0 : i32
    %dma_wait3A_546 = tpu.memref_slice %arg3[%dma_wait3A_545, %multiple_of3A_525] : memref<2x100096xi32, #tpu.memory_space<hbm>> -> memref<2x128xi32, #tpu.memory_space<hbm>>
    tpu.wait_dma2 semaphore(%arg13 : memref<!tpu.dma_semaphore, #tpu.memory_space<semaphore_mem>>) src(%dma_wait3A_546 : memref<2x128xi32, #tpu.memory_space<hbm>>) dst(%arg6 : memref<2x128xi32, #tpu.memory_space<vmem>>)
    %dma_wait3A_547 = tpu.memref_slice %arg4[%multiple_of3A_404, %multiple_of3A] : memref<100000x256xf32, #tpu.memory_space<hbm>> -> memref<128x128xf32, #tpu.memory_space<hbm>>
    %dma_wait3A_548 = tpu.memref_slice %arg4[%multiple_of3A_404, %multiple_of3A] : memref<100000x256xf32, #tpu.memory_space<hbm>> -> memref<128x128xf32, #tpu.memory_space<hbm>>
    tpu.wait_dma2 semaphore(%arg16 : memref<!tpu.dma_semaphore, #tpu.memory_space<semaphore_mem>>) src(%arg9 : memref<128x128xf32, #tpu.memory_space<vmem>>) dst(%dma_wait3A_548 : memref<128x128xf32, #tpu.memory_space<hbm>>)
    %dma_start3A_549 = arith.constant 0 : i32
    %dma_start3A_550 = tpu.memref_slice %arg6[%arg0, %dma_start3A_549] : memref<2x128xi32, #tpu.memory_space<vmem>> -> memref<1x128xi32, #tpu.memory_space<vmem>>
    %dma_start3A_551 = tpu.memref_squeeze %dma_start3A_550 : memref<1x128xi32, #tpu.memory_space<vmem>> -> memref<128xi32, #tpu.memory_space<vmem>>
    %dma_start3A_552 = arith.constant 0 : i32
    %dma_start3A_553 = arith.constant 0 : i32
    %dma_start3A_554 = tpu.memref_slice %arg5[%dma_start3A_552, %dma_start3A_553] : memref<4096x128xf32, #tpu.memory_space<vmem_shared>> -> memref<4096x128xf32, #tpu.memory_space<vmem_shared>>
    tpu.enqueue_indirect_dma source(%dma_start3A_554 : memref<4096x128xf32, #tpu.memory_space<vmem_shared>>) target(%arg9 : memref<128x128xf32, #tpu.memory_space<vmem>>) offsets(%dma_start3A_551 : memref<128xi32, #tpu.memory_space<vmem>>) semaphore(%arg16 : memref<!tpu.dma_semaphore, #tpu.memory_space<semaphore_mem>>)
    %mul3A_555 = arith.constant 128 : i32
    %mul3A_556 = arith.muli %mul3A_555, %arg1 : i32
    %add3A_557 = arith.constant 34816 : i32
    %add3A_558 = arith.addi %add3A_557, %mul3A_556 : i32
    %multiple_of3A_559 = tpu.assume_multiple %add3A_558, 128 : i32
    %dma_start3A_560 = arith.constant 0 : i32
    %dma_start3A_561 = tpu.memref_slice %arg3[%dma_start3A_560, %multiple_of3A_559] : memref<2x100096xi32, #tpu.memory_space<hbm>> -> memref<2x128xi32, #tpu.memory_space<hbm>>
    %dma_start3A_562 = arith.constant 0 : i32
    %dma_start3A_563 = tpu.memref_slice %arg3[%dma_start3A_562, %multiple_of3A_559] : memref<2x100096xi32, #tpu.memory_space<hbm>> -> memref<2x128xi32, #tpu.memory_space<hbm>>
    tpu.enqueue_dma source(%dma_start3A_563 : memref<2x128xi32, #tpu.memory_space<hbm>>) target(%arg7 : memref<2x128xi32, #tpu.memory_space<vmem>>) target_semaphore(%arg14 : memref<!tpu.dma_semaphore, #tpu.memory_space<semaphore_mem>>)
    %dma_wait3A_564 = arith.constant 0 : i32
    %dma_wait3A_565 = tpu.memref_slice %arg6[%arg0, %dma_wait3A_564] : memref<2x128xi32, #tpu.memory_space<vmem>> -> memref<1x128xi32, #tpu.memory_space<vmem>>
    %dma_wait3A_566 = tpu.memref_squeeze %dma_wait3A_565 : memref<1x128xi32, #tpu.memory_space<vmem>> -> memref<128xi32, #tpu.memory_space<vmem>>
    %dma_wait3A_567 = arith.constant 0 : i32
    %dma_wait3A_568 = arith.constant 0 : i32
    %dma_wait3A_569 = tpu.memref_slice %arg5[%dma_wait3A_567, %dma_wait3A_568] : memref<4096x128xf32, #tpu.memory_space<vmem_shared>> -> memref<4096x128xf32, #tpu.memory_space<vmem_shared>>
    tpu.wait_indirect_dma semaphore(%arg16 : memref<!tpu.dma_semaphore, #tpu.memory_space<semaphore_mem>>) src(%dma_wait3A_569 : memref<4096x128xf32, #tpu.memory_space<vmem_shared>>) dst(%arg9 : memref<128x128xf32, #tpu.memory_space<vmem>>)
    %mul3A_570 = arith.constant 128 : i32
    %mul3A_571 = arith.muli %mul3A_570, %arg1 : i32
    %add3A_572 = arith.constant 32768 : i32
    %add3A_573 = arith.addi %add3A_572, %mul3A_571 : i32
    %multiple_of3A_574 = tpu.assume_multiple %add3A_573, 128 : i32
    %dma_start3A_575 = tpu.memref_slice %arg4[%multiple_of3A_574, %multiple_of3A] : memref<100000x256xf32, #tpu.memory_space<hbm>> -> memref<128x128xf32, #tpu.memory_space<hbm>>
    %dma_start3A_576 = tpu.memref_slice %arg4[%multiple_of3A_574, %multiple_of3A] : memref<100000x256xf32, #tpu.memory_space<hbm>> -> memref<128x128xf32, #tpu.memory_space<hbm>>
    tpu.enqueue_dma source(%arg9 : memref<128x128xf32, #tpu.memory_space<vmem>>) target(%dma_start3A_576 : memref<128x128xf32, #tpu.memory_space<hbm>>) target_semaphore(%arg16 : memref<!tpu.dma_semaphore, #tpu.memory_space<semaphore_mem>>)
    %dma_wait3A_577 = arith.constant 0 : i32
    %dma_wait3A_578 = tpu.memref_slice %arg3[%dma_wait3A_577, %multiple_of3A_559] : memref<2x100096xi32, #tpu.memory_space<hbm>> -> memref<2x128xi32, #tpu.memory_space<hbm>>
    %dma_wait3A_579 = arith.constant 0 : i32
    %dma_wait3A_580 = tpu.memref_slice %arg3[%dma_wait3A_579, %multiple_of3A_559] : memref<2x100096xi32, #tpu.memory_space<hbm>> -> memref<2x128xi32, #tpu.memory_space<hbm>>
    tpu.wait_dma2 semaphore(%arg14 : memref<!tpu.dma_semaphore, #tpu.memory_space<semaphore_mem>>) src(%dma_wait3A_580 : memref<2x128xi32, #tpu.memory_space<hbm>>) dst(%arg7 : memref<2x128xi32, #tpu.memory_space<vmem>>)
    %dma_wait3A_581 = tpu.memref_slice %arg4[%multiple_of3A_438, %multiple_of3A] : memref<100000x256xf32, #tpu.memory_space<hbm>> -> memref<128x128xf32, #tpu.memory_space<hbm>>
    %dma_wait3A_582 = tpu.memref_slice %arg4[%multiple_of3A_438, %multiple_of3A] : memref<100000x256xf32, #tpu.memory_space<hbm>> -> memref<128x128xf32, #tpu.memory_space<hbm>>
    tpu.wait_dma2 semaphore(%arg17 : memref<!tpu.dma_semaphore, #tpu.memory_space<semaphore_mem>>) src(%arg10 : memref<128x128xf32, #tpu.memory_space<vmem>>) dst(%dma_wait3A_582 : memref<128x128xf32, #tpu.memory_space<hbm>>)
    %dma_start3A_583 = arith.constant 0 : i32
    %dma_start3A_584 = tpu.memref_slice %arg7[%arg0, %dma_start3A_583] : memref<2x128xi32, #tpu.memory_space<vmem>> -> memref<1x128xi32, #tpu.memory_space<vmem>>
    %dma_start3A_585 = tpu.memref_squeeze %dma_start3A_584 : memref<1x128xi32, #tpu.memory_space<vmem>> -> memref<128xi32, #tpu.memory_space<vmem>>
    %dma_start3A_586 = arith.constant 0 : i32
    %dma_start3A_587 = arith.constant 0 : i32
    %dma_start3A_588 = tpu.memref_slice %arg5[%dma_start3A_586, %dma_start3A_587] : memref<4096x128xf32, #tpu.memory_space<vmem_shared>> -> memref<4096x128xf32, #tpu.memory_space<vmem_shared>>
    tpu.enqueue_indirect_dma source(%dma_start3A_588 : memref<4096x128xf32, #tpu.memory_space<vmem_shared>>) target(%arg10 : memref<128x128xf32, #tpu.memory_space<vmem>>) offsets(%dma_start3A_585 : memref<128xi32, #tpu.memory_space<vmem>>) semaphore(%arg17 : memref<!tpu.dma_semaphore, #tpu.memory_space<semaphore_mem>>)
    %mul3A_589 = arith.constant 128 : i32
    %mul3A_590 = arith.muli %mul3A_589, %arg1 : i32
    %add3A_591 = arith.constant 36864 : i32
    %add3A_592 = arith.addi %add3A_591, %mul3A_590 : i32
    %multiple_of3A_593 = tpu.assume_multiple %add3A_592, 128 : i32
    %dma_start3A_594 = arith.constant 0 : i32
    %dma_start3A_595 = tpu.memref_slice %arg3[%dma_start3A_594, %multiple_of3A_593] : memref<2x100096xi32, #tpu.memory_space<hbm>> -> memref<2x128xi32, #tpu.memory_space<hbm>>
    %dma_start3A_596 = arith.constant 0 : i32
    %dma_start3A_597 = tpu.memref_slice %arg3[%dma_start3A_596, %multiple_of3A_593] : memref<2x100096xi32, #tpu.memory_space<hbm>> -> memref<2x128xi32, #tpu.memory_space<hbm>>
    tpu.enqueue_dma source(%dma_start3A_597 : memref<2x128xi32, #tpu.memory_space<hbm>>) target(%arg6 : memref<2x128xi32, #tpu.memory_space<vmem>>) target_semaphore(%arg13 : memref<!tpu.dma_semaphore, #tpu.memory_space<semaphore_mem>>)
    %dma_wait3A_598 = arith.constant 0 : i32
    %dma_wait3A_599 = tpu.memref_slice %arg7[%arg0, %dma_wait3A_598] : memref<2x128xi32, #tpu.memory_space<vmem>> -> memref<1x128xi32, #tpu.memory_space<vmem>>
    %dma_wait3A_600 = tpu.memref_squeeze %dma_wait3A_599 : memref<1x128xi32, #tpu.memory_space<vmem>> -> memref<128xi32, #tpu.memory_space<vmem>>
    %dma_wait3A_601 = arith.constant 0 : i32
    %dma_wait3A_602 = arith.constant 0 : i32
    %dma_wait3A_603 = tpu.memref_slice %arg5[%dma_wait3A_601, %dma_wait3A_602] : memref<4096x128xf32, #tpu.memory_space<vmem_shared>> -> memref<4096x128xf32, #tpu.memory_space<vmem_shared>>
    tpu.wait_indirect_dma semaphore(%arg17 : memref<!tpu.dma_semaphore, #tpu.memory_space<semaphore_mem>>) src(%dma_wait3A_603 : memref<4096x128xf32, #tpu.memory_space<vmem_shared>>) dst(%arg10 : memref<128x128xf32, #tpu.memory_space<vmem>>)
    %mul3A_604 = arith.constant 128 : i32
    %mul3A_605 = arith.muli %mul3A_604, %arg1 : i32
    %add3A_606 = arith.constant 34816 : i32
    %add3A_607 = arith.addi %add3A_606, %mul3A_605 : i32
    %multiple_of3A_608 = tpu.assume_multiple %add3A_607, 128 : i32
    %dma_start3A_609 = tpu.memref_slice %arg4[%multiple_of3A_608, %multiple_of3A] : memref<100000x256xf32, #tpu.memory_space<hbm>> -> memref<128x128xf32, #tpu.memory_space<hbm>>
    %dma_start3A_610 = tpu.memref_slice %arg4[%multiple_of3A_608, %multiple_of3A] : memref<100000x256xf32, #tpu.memory_space<hbm>> -> memref<128x128xf32, #tpu.memory_space<hbm>>
    tpu.enqueue_dma source(%arg10 : memref<128x128xf32, #tpu.memory_space<vmem>>) target(%dma_start3A_610 : memref<128x128xf32, #tpu.memory_space<hbm>>) target_semaphore(%arg17 : memref<!tpu.dma_semaphore, #tpu.memory_space<semaphore_mem>>)
    %dma_wait3A_611 = arith.constant 0 : i32
    %dma_wait3A_612 = tpu.memref_slice %arg3[%dma_wait3A_611, %multiple_of3A_593] : memref<2x100096xi32, #tpu.memory_space<hbm>> -> memref<2x128xi32, #tpu.memory_space<hbm>>
    %dma_wait3A_613 = arith.constant 0 : i32
    %dma_wait3A_614 = tpu.memref_slice %arg3[%dma_wait3A_613, %multiple_of3A_593] : memref<2x100096xi32, #tpu.memory_space<hbm>> -> memref<2x128xi32, #tpu.memory_space<hbm>>
    tpu.wait_dma2 semaphore(%arg13 : memref<!tpu.dma_semaphore, #tpu.memory_space<semaphore_mem>>) src(%dma_wait3A_614 : memref<2x128xi32, #tpu.memory_space<hbm>>) dst(%arg6 : memref<2x128xi32, #tpu.memory_space<vmem>>)
    %dma_wait3A_615 = tpu.memref_slice %arg4[%multiple_of3A_472, %multiple_of3A] : memref<100000x256xf32, #tpu.memory_space<hbm>> -> memref<128x128xf32, #tpu.memory_space<hbm>>
    %dma_wait3A_616 = tpu.memref_slice %arg4[%multiple_of3A_472, %multiple_of3A] : memref<100000x256xf32, #tpu.memory_space<hbm>> -> memref<128x128xf32, #tpu.memory_space<hbm>>
    tpu.wait_dma2 semaphore(%arg18 : memref<!tpu.dma_semaphore, #tpu.memory_space<semaphore_mem>>) src(%arg11 : memref<128x128xf32, #tpu.memory_space<vmem>>) dst(%dma_wait3A_616 : memref<128x128xf32, #tpu.memory_space<hbm>>)
    %dma_start3A_617 = arith.constant 0 : i32
    %dma_start3A_618 = tpu.memref_slice %arg6[%arg0, %dma_start3A_617] : memref<2x128xi32, #tpu.memory_space<vmem>> -> memref<1x128xi32, #tpu.memory_space<vmem>>
    %dma_start3A_619 = tpu.memref_squeeze %dma_start3A_618 : memref<1x128xi32, #tpu.memory_space<vmem>> -> memref<128xi32, #tpu.memory_space<vmem>>
    %dma_start3A_620 = arith.constant 0 : i32
    %dma_start3A_621 = arith.constant 0 : i32
    %dma_start3A_622 = tpu.memref_slice %arg5[%dma_start3A_620, %dma_start3A_621] : memref<4096x128xf32, #tpu.memory_space<vmem_shared>> -> memref<4096x128xf32, #tpu.memory_space<vmem_shared>>
    tpu.enqueue_indirect_dma source(%dma_start3A_622 : memref<4096x128xf32, #tpu.memory_space<vmem_shared>>) target(%arg11 : memref<128x128xf32, #tpu.memory_space<vmem>>) offsets(%dma_start3A_619 : memref<128xi32, #tpu.memory_space<vmem>>) semaphore(%arg18 : memref<!tpu.dma_semaphore, #tpu.memory_space<semaphore_mem>>)
    %mul3A_623 = arith.constant 128 : i32
    %mul3A_624 = arith.muli %mul3A_623, %arg1 : i32
    %add3A_625 = arith.constant 38912 : i32
    %add3A_626 = arith.addi %add3A_625, %mul3A_624 : i32
    %multiple_of3A_627 = tpu.assume_multiple %add3A_626, 128 : i32
    %dma_start3A_628 = arith.constant 0 : i32
    %dma_start3A_629 = tpu.memref_slice %arg3[%dma_start3A_628, %multiple_of3A_627] : memref<2x100096xi32, #tpu.memory_space<hbm>> -> memref<2x128xi32, #tpu.memory_space<hbm>>
    %dma_start3A_630 = arith.constant 0 : i32
    %dma_start3A_631 = tpu.memref_slice %arg3[%dma_start3A_630, %multiple_of3A_627] : memref<2x100096xi32, #tpu.memory_space<hbm>> -> memref<2x128xi32, #tpu.memory_space<hbm>>
    tpu.enqueue_dma source(%dma_start3A_631 : memref<2x128xi32, #tpu.memory_space<hbm>>) target(%arg7 : memref<2x128xi32, #tpu.memory_space<vmem>>) target_semaphore(%arg14 : memref<!tpu.dma_semaphore, #tpu.memory_space<semaphore_mem>>)
    %dma_wait3A_632 = arith.constant 0 : i32
    %dma_wait3A_633 = tpu.memref_slice %arg6[%arg0, %dma_wait3A_632] : memref<2x128xi32, #tpu.memory_space<vmem>> -> memref<1x128xi32, #tpu.memory_space<vmem>>
    %dma_wait3A_634 = tpu.memref_squeeze %dma_wait3A_633 : memref<1x128xi32, #tpu.memory_space<vmem>> -> memref<128xi32, #tpu.memory_space<vmem>>
    %dma_wait3A_635 = arith.constant 0 : i32
    %dma_wait3A_636 = arith.constant 0 : i32
    %dma_wait3A_637 = tpu.memref_slice %arg5[%dma_wait3A_635, %dma_wait3A_636] : memref<4096x128xf32, #tpu.memory_space<vmem_shared>> -> memref<4096x128xf32, #tpu.memory_space<vmem_shared>>
    tpu.wait_indirect_dma semaphore(%arg18 : memref<!tpu.dma_semaphore, #tpu.memory_space<semaphore_mem>>) src(%dma_wait3A_637 : memref<4096x128xf32, #tpu.memory_space<vmem_shared>>) dst(%arg11 : memref<128x128xf32, #tpu.memory_space<vmem>>)
    %mul3A_638 = arith.constant 128 : i32
    %mul3A_639 = arith.muli %mul3A_638, %arg1 : i32
    %add3A_640 = arith.constant 36864 : i32
    %add3A_641 = arith.addi %add3A_640, %mul3A_639 : i32
    %multiple_of3A_642 = tpu.assume_multiple %add3A_641, 128 : i32
    %dma_start3A_643 = tpu.memref_slice %arg4[%multiple_of3A_642, %multiple_of3A] : memref<100000x256xf32, #tpu.memory_space<hbm>> -> memref<128x128xf32, #tpu.memory_space<hbm>>
    %dma_start3A_644 = tpu.memref_slice %arg4[%multiple_of3A_642, %multiple_of3A] : memref<100000x256xf32, #tpu.memory_space<hbm>> -> memref<128x128xf32, #tpu.memory_space<hbm>>
    tpu.enqueue_dma source(%arg11 : memref<128x128xf32, #tpu.memory_space<vmem>>) target(%dma_start3A_644 : memref<128x128xf32, #tpu.memory_space<hbm>>) target_semaphore(%arg18 : memref<!tpu.dma_semaphore, #tpu.memory_space<semaphore_mem>>)
    %dma_wait3A_645 = arith.constant 0 : i32
    %dma_wait3A_646 = tpu.memref_slice %arg3[%dma_wait3A_645, %multiple_of3A_627] : memref<2x100096xi32, #tpu.memory_space<hbm>> -> memref<2x128xi32, #tpu.memory_space<hbm>>
    %dma_wait3A_647 = arith.constant 0 : i32
    %dma_wait3A_648 = tpu.memref_slice %arg3[%dma_wait3A_647, %multiple_of3A_627] : memref<2x100096xi32, #tpu.memory_space<hbm>> -> memref<2x128xi32, #tpu.memory_space<hbm>>
    tpu.wait_dma2 semaphore(%arg14 : memref<!tpu.dma_semaphore, #tpu.memory_space<semaphore_mem>>) src(%dma_wait3A_648 : memref<2x128xi32, #tpu.memory_space<hbm>>) dst(%arg7 : memref<2x128xi32, #tpu.memory_space<vmem>>)
    %dma_wait3A_649 = tpu.memref_slice %arg4[%multiple_of3A_506, %multiple_of3A] : memref<100000x256xf32, #tpu.memory_space<hbm>> -> memref<128x128xf32, #tpu.memory_space<hbm>>
    %dma_wait3A_650 = tpu.memref_slice %arg4[%multiple_of3A_506, %multiple_of3A] : memref<100000x256xf32, #tpu.memory_space<hbm>> -> memref<128x128xf32, #tpu.memory_space<hbm>>
    tpu.wait_dma2 semaphore(%arg19 : memref<!tpu.dma_semaphore, #tpu.memory_space<semaphore_mem>>) src(%arg12 : memref<128x128xf32, #tpu.memory_space<vmem>>) dst(%dma_wait3A_650 : memref<128x128xf32, #tpu.memory_space<hbm>>)
    %dma_start3A_651 = arith.constant 0 : i32
    %dma_start3A_652 = tpu.memref_slice %arg7[%arg0, %dma_start3A_651] : memref<2x128xi32, #tpu.memory_space<vmem>> -> memref<1x128xi32, #tpu.memory_space<vmem>>
    %dma_start3A_653 = tpu.memref_squeeze %dma_start3A_652 : memref<1x128xi32, #tpu.memory_space<vmem>> -> memref<128xi32, #tpu.memory_space<vmem>>
    %dma_start3A_654 = arith.constant 0 : i32
    %dma_start3A_655 = arith.constant 0 : i32
    %dma_start3A_656 = tpu.memref_slice %arg5[%dma_start3A_654, %dma_start3A_655] : memref<4096x128xf32, #tpu.memory_space<vmem_shared>> -> memref<4096x128xf32, #tpu.memory_space<vmem_shared>>
    tpu.enqueue_indirect_dma source(%dma_start3A_656 : memref<4096x128xf32, #tpu.memory_space<vmem_shared>>) target(%arg12 : memref<128x128xf32, #tpu.memory_space<vmem>>) offsets(%dma_start3A_653 : memref<128xi32, #tpu.memory_space<vmem>>) semaphore(%arg19 : memref<!tpu.dma_semaphore, #tpu.memory_space<semaphore_mem>>)
    %mul3A_657 = arith.constant 128 : i32
    %mul3A_658 = arith.muli %mul3A_657, %arg1 : i32
    %add3A_659 = arith.constant 40960 : i32
    %add3A_660 = arith.addi %add3A_659, %mul3A_658 : i32
    %multiple_of3A_661 = tpu.assume_multiple %add3A_660, 128 : i32
    %dma_start3A_662 = arith.constant 0 : i32
    %dma_start3A_663 = tpu.memref_slice %arg3[%dma_start3A_662, %multiple_of3A_661] : memref<2x100096xi32, #tpu.memory_space<hbm>> -> memref<2x128xi32, #tpu.memory_space<hbm>>
    %dma_start3A_664 = arith.constant 0 : i32
    %dma_start3A_665 = tpu.memref_slice %arg3[%dma_start3A_664, %multiple_of3A_661] : memref<2x100096xi32, #tpu.memory_space<hbm>> -> memref<2x128xi32, #tpu.memory_space<hbm>>
    tpu.enqueue_dma source(%dma_start3A_665 : memref<2x128xi32, #tpu.memory_space<hbm>>) target(%arg6 : memref<2x128xi32, #tpu.memory_space<vmem>>) target_semaphore(%arg13 : memref<!tpu.dma_semaphore, #tpu.memory_space<semaphore_mem>>)
    %dma_wait3A_666 = arith.constant 0 : i32
    %dma_wait3A_667 = tpu.memref_slice %arg7[%arg0, %dma_wait3A_666] : memref<2x128xi32, #tpu.memory_space<vmem>> -> memref<1x128xi32, #tpu.memory_space<vmem>>
    %dma_wait3A_668 = tpu.memref_squeeze %dma_wait3A_667 : memref<1x128xi32, #tpu.memory_space<vmem>> -> memref<128xi32, #tpu.memory_space<vmem>>
    %dma_wait3A_669 = arith.constant 0 : i32
    %dma_wait3A_670 = arith.constant 0 : i32
    %dma_wait3A_671 = tpu.memref_slice %arg5[%dma_wait3A_669, %dma_wait3A_670] : memref<4096x128xf32, #tpu.memory_space<vmem_shared>> -> memref<4096x128xf32, #tpu.memory_space<vmem_shared>>
    tpu.wait_indirect_dma semaphore(%arg19 : memref<!tpu.dma_semaphore, #tpu.memory_space<semaphore_mem>>) src(%dma_wait3A_671 : memref<4096x128xf32, #tpu.memory_space<vmem_shared>>) dst(%arg12 : memref<128x128xf32, #tpu.memory_space<vmem>>)
    %mul3A_672 = arith.constant 128 : i32
    %mul3A_673 = arith.muli %mul3A_672, %arg1 : i32
    %add3A_674 = arith.constant 38912 : i32
    %add3A_675 = arith.addi %add3A_674, %mul3A_673 : i32
    %multiple_of3A_676 = tpu.assume_multiple %add3A_675, 128 : i32
    %dma_start3A_677 = tpu.memref_slice %arg4[%multiple_of3A_676, %multiple_of3A] : memref<100000x256xf32, #tpu.memory_space<hbm>> -> memref<128x128xf32, #tpu.memory_space<hbm>>
    %dma_start3A_678 = tpu.memref_slice %arg4[%multiple_of3A_676, %multiple_of3A] : memref<100000x256xf32, #tpu.memory_space<hbm>> -> memref<128x128xf32, #tpu.memory_space<hbm>>
    tpu.enqueue_dma source(%arg12 : memref<128x128xf32, #tpu.memory_space<vmem>>) target(%dma_start3A_678 : memref<128x128xf32, #tpu.memory_space<hbm>>) target_semaphore(%arg19 : memref<!tpu.dma_semaphore, #tpu.memory_space<semaphore_mem>>)
    %dma_wait3A_679 = arith.constant 0 : i32
    %dma_wait3A_680 = tpu.memref_slice %arg3[%dma_wait3A_679, %multiple_of3A_661] : memref<2x100096xi32, #tpu.memory_space<hbm>> -> memref<2x128xi32, #tpu.memory_space<hbm>>
    %dma_wait3A_681 = arith.constant 0 : i32
    %dma_wait3A_682 = tpu.memref_slice %arg3[%dma_wait3A_681, %multiple_of3A_661] : memref<2x100096xi32, #tpu.memory_space<hbm>> -> memref<2x128xi32, #tpu.memory_space<hbm>>
    tpu.wait_dma2 semaphore(%arg13 : memref<!tpu.dma_semaphore, #tpu.memory_space<semaphore_mem>>) src(%dma_wait3A_682 : memref<2x128xi32, #tpu.memory_space<hbm>>) dst(%arg6 : memref<2x128xi32, #tpu.memory_space<vmem>>)
    %dma_wait3A_683 = tpu.memref_slice %arg4[%multiple_of3A_540, %multiple_of3A] : memref<100000x256xf32, #tpu.memory_space<hbm>> -> memref<128x128xf32, #tpu.memory_space<hbm>>
    %dma_wait3A_684 = tpu.memref_slice %arg4[%multiple_of3A_540, %multiple_of3A] : memref<100000x256xf32, #tpu.memory_space<hbm>> -> memref<128x128xf32, #tpu.memory_space<hbm>>
    tpu.wait_dma2 semaphore(%arg15 : memref<!tpu.dma_semaphore, #tpu.memory_space<semaphore_mem>>) src(%arg8 : memref<128x128xf32, #tpu.memory_space<vmem>>) dst(%dma_wait3A_684 : memref<128x128xf32, #tpu.memory_space<hbm>>)
    %dma_start3A_685 = arith.constant 0 : i32
    %dma_start3A_686 = tpu.memref_slice %arg6[%arg0, %dma_start3A_685] : memref<2x128xi32, #tpu.memory_space<vmem>> -> memref<1x128xi32, #tpu.memory_space<vmem>>
    %dma_start3A_687 = tpu.memref_squeeze %dma_start3A_686 : memref<1x128xi32, #tpu.memory_space<vmem>> -> memref<128xi32, #tpu.memory_space<vmem>>
    %dma_start3A_688 = arith.constant 0 : i32
    %dma_start3A_689 = arith.constant 0 : i32
    %dma_start3A_690 = tpu.memref_slice %arg5[%dma_start3A_688, %dma_start3A_689] : memref<4096x128xf32, #tpu.memory_space<vmem_shared>> -> memref<4096x128xf32, #tpu.memory_space<vmem_shared>>
    tpu.enqueue_indirect_dma source(%dma_start3A_690 : memref<4096x128xf32, #tpu.memory_space<vmem_shared>>) target(%arg8 : memref<128x128xf32, #tpu.memory_space<vmem>>) offsets(%dma_start3A_687 : memref<128xi32, #tpu.memory_space<vmem>>) semaphore(%arg15 : memref<!tpu.dma_semaphore, #tpu.memory_space<semaphore_mem>>)
    %mul3A_691 = arith.constant 128 : i32
    %mul3A_692 = arith.muli %mul3A_691, %arg1 : i32
    %add3A_693 = arith.constant 43008 : i32
    %add3A_694 = arith.addi %add3A_693, %mul3A_692 : i32
    %multiple_of3A_695 = tpu.assume_multiple %add3A_694, 128 : i32
    %dma_start3A_696 = arith.constant 0 : i32
    %dma_start3A_697 = tpu.memref_slice %arg3[%dma_start3A_696, %multiple_of3A_695] : memref<2x100096xi32, #tpu.memory_space<hbm>> -> memref<2x128xi32, #tpu.memory_space<hbm>>
    %dma_start3A_698 = arith.constant 0 : i32
    %dma_start3A_699 = tpu.memref_slice %arg3[%dma_start3A_698, %multiple_of3A_695] : memref<2x100096xi32, #tpu.memory_space<hbm>> -> memref<2x128xi32, #tpu.memory_space<hbm>>
    tpu.enqueue_dma source(%dma_start3A_699 : memref<2x128xi32, #tpu.memory_space<hbm>>) target(%arg7 : memref<2x128xi32, #tpu.memory_space<vmem>>) target_semaphore(%arg14 : memref<!tpu.dma_semaphore, #tpu.memory_space<semaphore_mem>>)
    %dma_wait3A_700 = arith.constant 0 : i32
    %dma_wait3A_701 = tpu.memref_slice %arg6[%arg0, %dma_wait3A_700] : memref<2x128xi32, #tpu.memory_space<vmem>> -> memref<1x128xi32, #tpu.memory_space<vmem>>
    %dma_wait3A_702 = tpu.memref_squeeze %dma_wait3A_701 : memref<1x128xi32, #tpu.memory_space<vmem>> -> memref<128xi32, #tpu.memory_space<vmem>>
    %dma_wait3A_703 = arith.constant 0 : i32
    %dma_wait3A_704 = arith.constant 0 : i32
    %dma_wait3A_705 = tpu.memref_slice %arg5[%dma_wait3A_703, %dma_wait3A_704] : memref<4096x128xf32, #tpu.memory_space<vmem_shared>> -> memref<4096x128xf32, #tpu.memory_space<vmem_shared>>
    tpu.wait_indirect_dma semaphore(%arg15 : memref<!tpu.dma_semaphore, #tpu.memory_space<semaphore_mem>>) src(%dma_wait3A_705 : memref<4096x128xf32, #tpu.memory_space<vmem_shared>>) dst(%arg8 : memref<128x128xf32, #tpu.memory_space<vmem>>)
    %mul3A_706 = arith.constant 128 : i32
    %mul3A_707 = arith.muli %mul3A_706, %arg1 : i32
    %add3A_708 = arith.constant 40960 : i32
    %add3A_709 = arith.addi %add3A_708, %mul3A_707 : i32
    %multiple_of3A_710 = tpu.assume_multiple %add3A_709, 128 : i32
    %dma_start3A_711 = tpu.memref_slice %arg4[%multiple_of3A_710, %multiple_of3A] : memref<100000x256xf32, #tpu.memory_space<hbm>> -> memref<128x128xf32, #tpu.memory_space<hbm>>
    %dma_start3A_712 = tpu.memref_slice %arg4[%multiple_of3A_710, %multiple_of3A] : memref<100000x256xf32, #tpu.memory_space<hbm>> -> memref<128x128xf32, #tpu.memory_space<hbm>>
    tpu.enqueue_dma source(%arg8 : memref<128x128xf32, #tpu.memory_space<vmem>>) target(%dma_start3A_712 : memref<128x128xf32, #tpu.memory_space<hbm>>) target_semaphore(%arg15 : memref<!tpu.dma_semaphore, #tpu.memory_space<semaphore_mem>>)
    %dma_wait3A_713 = arith.constant 0 : i32
    %dma_wait3A_714 = tpu.memref_slice %arg3[%dma_wait3A_713, %multiple_of3A_695] : memref<2x100096xi32, #tpu.memory_space<hbm>> -> memref<2x128xi32, #tpu.memory_space<hbm>>
    %dma_wait3A_715 = arith.constant 0 : i32
    %dma_wait3A_716 = tpu.memref_slice %arg3[%dma_wait3A_715, %multiple_of3A_695] : memref<2x100096xi32, #tpu.memory_space<hbm>> -> memref<2x128xi32, #tpu.memory_space<hbm>>
    tpu.wait_dma2 semaphore(%arg14 : memref<!tpu.dma_semaphore, #tpu.memory_space<semaphore_mem>>) src(%dma_wait3A_716 : memref<2x128xi32, #tpu.memory_space<hbm>>) dst(%arg7 : memref<2x128xi32, #tpu.memory_space<vmem>>)
    %dma_wait3A_717 = tpu.memref_slice %arg4[%multiple_of3A_574, %multiple_of3A] : memref<100000x256xf32, #tpu.memory_space<hbm>> -> memref<128x128xf32, #tpu.memory_space<hbm>>
    %dma_wait3A_718 = tpu.memref_slice %arg4[%multiple_of3A_574, %multiple_of3A] : memref<100000x256xf32, #tpu.memory_space<hbm>> -> memref<128x128xf32, #tpu.memory_space<hbm>>
    tpu.wait_dma2 semaphore(%arg16 : memref<!tpu.dma_semaphore, #tpu.memory_space<semaphore_mem>>) src(%arg9 : memref<128x128xf32, #tpu.memory_space<vmem>>) dst(%dma_wait3A_718 : memref<128x128xf32, #tpu.memory_space<hbm>>)
    %dma_start3A_719 = arith.constant 0 : i32
    %dma_start3A_720 = tpu.memref_slice %arg7[%arg0, %dma_start3A_719] : memref<2x128xi32, #tpu.memory_space<vmem>> -> memref<1x128xi32, #tpu.memory_space<vmem>>
    %dma_start3A_721 = tpu.memref_squeeze %dma_start3A_720 : memref<1x128xi32, #tpu.memory_space<vmem>> -> memref<128xi32, #tpu.memory_space<vmem>>
    %dma_start3A_722 = arith.constant 0 : i32
    %dma_start3A_723 = arith.constant 0 : i32
    %dma_start3A_724 = tpu.memref_slice %arg5[%dma_start3A_722, %dma_start3A_723] : memref<4096x128xf32, #tpu.memory_space<vmem_shared>> -> memref<4096x128xf32, #tpu.memory_space<vmem_shared>>
    tpu.enqueue_indirect_dma source(%dma_start3A_724 : memref<4096x128xf32, #tpu.memory_space<vmem_shared>>) target(%arg9 : memref<128x128xf32, #tpu.memory_space<vmem>>) offsets(%dma_start3A_721 : memref<128xi32, #tpu.memory_space<vmem>>) semaphore(%arg16 : memref<!tpu.dma_semaphore, #tpu.memory_space<semaphore_mem>>)
    %mul3A_725 = arith.constant 128 : i32
    %mul3A_726 = arith.muli %mul3A_725, %arg1 : i32
    %add3A_727 = arith.constant 45056 : i32
    %add3A_728 = arith.addi %add3A_727, %mul3A_726 : i32
    %multiple_of3A_729 = tpu.assume_multiple %add3A_728, 128 : i32
    %dma_start3A_730 = arith.constant 0 : i32
    %dma_start3A_731 = tpu.memref_slice %arg3[%dma_start3A_730, %multiple_of3A_729] : memref<2x100096xi32, #tpu.memory_space<hbm>> -> memref<2x128xi32, #tpu.memory_space<hbm>>
    %dma_start3A_732 = arith.constant 0 : i32
    %dma_start3A_733 = tpu.memref_slice %arg3[%dma_start3A_732, %multiple_of3A_729] : memref<2x100096xi32, #tpu.memory_space<hbm>> -> memref<2x128xi32, #tpu.memory_space<hbm>>
    tpu.enqueue_dma source(%dma_start3A_733 : memref<2x128xi32, #tpu.memory_space<hbm>>) target(%arg6 : memref<2x128xi32, #tpu.memory_space<vmem>>) target_semaphore(%arg13 : memref<!tpu.dma_semaphore, #tpu.memory_space<semaphore_mem>>)
    %dma_wait3A_734 = arith.constant 0 : i32
    %dma_wait3A_735 = tpu.memref_slice %arg7[%arg0, %dma_wait3A_734] : memref<2x128xi32, #tpu.memory_space<vmem>> -> memref<1x128xi32, #tpu.memory_space<vmem>>
    %dma_wait3A_736 = tpu.memref_squeeze %dma_wait3A_735 : memref<1x128xi32, #tpu.memory_space<vmem>> -> memref<128xi32, #tpu.memory_space<vmem>>
    %dma_wait3A_737 = arith.constant 0 : i32
    %dma_wait3A_738 = arith.constant 0 : i32
    %dma_wait3A_739 = tpu.memref_slice %arg5[%dma_wait3A_737, %dma_wait3A_738] : memref<4096x128xf32, #tpu.memory_space<vmem_shared>> -> memref<4096x128xf32, #tpu.memory_space<vmem_shared>>
    tpu.wait_indirect_dma semaphore(%arg16 : memref<!tpu.dma_semaphore, #tpu.memory_space<semaphore_mem>>) src(%dma_wait3A_739 : memref<4096x128xf32, #tpu.memory_space<vmem_shared>>) dst(%arg9 : memref<128x128xf32, #tpu.memory_space<vmem>>)
    %mul3A_740 = arith.constant 128 : i32
    %mul3A_741 = arith.muli %mul3A_740, %arg1 : i32
    %add3A_742 = arith.constant 43008 : i32
    %add3A_743 = arith.addi %add3A_742, %mul3A_741 : i32
    %multiple_of3A_744 = tpu.assume_multiple %add3A_743, 128 : i32
    %dma_start3A_745 = tpu.memref_slice %arg4[%multiple_of3A_744, %multiple_of3A] : memref<100000x256xf32, #tpu.memory_space<hbm>> -> memref<128x128xf32, #tpu.memory_space<hbm>>
    %dma_start3A_746 = tpu.memref_slice %arg4[%multiple_of3A_744, %multiple_of3A] : memref<100000x256xf32, #tpu.memory_space<hbm>> -> memref<128x128xf32, #tpu.memory_space<hbm>>
    tpu.enqueue_dma source(%arg9 : memref<128x128xf32, #tpu.memory_space<vmem>>) target(%dma_start3A_746 : memref<128x128xf32, #tpu.memory_space<hbm>>) target_semaphore(%arg16 : memref<!tpu.dma_semaphore, #tpu.memory_space<semaphore_mem>>)
    %dma_wait3A_747 = arith.constant 0 : i32
    %dma_wait3A_748 = tpu.memref_slice %arg3[%dma_wait3A_747, %multiple_of3A_729] : memref<2x100096xi32, #tpu.memory_space<hbm>> -> memref<2x128xi32, #tpu.memory_space<hbm>>
    %dma_wait3A_749 = arith.constant 0 : i32
    %dma_wait3A_750 = tpu.memref_slice %arg3[%dma_wait3A_749, %multiple_of3A_729] : memref<2x100096xi32, #tpu.memory_space<hbm>> -> memref<2x128xi32, #tpu.memory_space<hbm>>
    tpu.wait_dma2 semaphore(%arg13 : memref<!tpu.dma_semaphore, #tpu.memory_space<semaphore_mem>>) src(%dma_wait3A_750 : memref<2x128xi32, #tpu.memory_space<hbm>>) dst(%arg6 : memref<2x128xi32, #tpu.memory_space<vmem>>)
    %dma_wait3A_751 = tpu.memref_slice %arg4[%multiple_of3A_608, %multiple_of3A] : memref<100000x256xf32, #tpu.memory_space<hbm>> -> memref<128x128xf32, #tpu.memory_space<hbm>>
    %dma_wait3A_752 = tpu.memref_slice %arg4[%multiple_of3A_608, %multiple_of3A] : memref<100000x256xf32, #tpu.memory_space<hbm>> -> memref<128x128xf32, #tpu.memory_space<hbm>>
    tpu.wait_dma2 semaphore(%arg17 : memref<!tpu.dma_semaphore, #tpu.memory_space<semaphore_mem>>) src(%arg10 : memref<128x128xf32, #tpu.memory_space<vmem>>) dst(%dma_wait3A_752 : memref<128x128xf32, #tpu.memory_space<hbm>>)
    %dma_start3A_753 = arith.constant 0 : i32
    %dma_start3A_754 = tpu.memref_slice %arg6[%arg0, %dma_start3A_753] : memref<2x128xi32, #tpu.memory_space<vmem>> -> memref<1x128xi32, #tpu.memory_space<vmem>>
    %dma_start3A_755 = tpu.memref_squeeze %dma_start3A_754 : memref<1x128xi32, #tpu.memory_space<vmem>> -> memref<128xi32, #tpu.memory_space<vmem>>
    %dma_start3A_756 = arith.constant 0 : i32
    %dma_start3A_757 = arith.constant 0 : i32
    %dma_start3A_758 = tpu.memref_slice %arg5[%dma_start3A_756, %dma_start3A_757] : memref<4096x128xf32, #tpu.memory_space<vmem_shared>> -> memref<4096x128xf32, #tpu.memory_space<vmem_shared>>
    tpu.enqueue_indirect_dma source(%dma_start3A_758 : memref<4096x128xf32, #tpu.memory_space<vmem_shared>>) target(%arg10 : memref<128x128xf32, #tpu.memory_space<vmem>>) offsets(%dma_start3A_755 : memref<128xi32, #tpu.memory_space<vmem>>) semaphore(%arg17 : memref<!tpu.dma_semaphore, #tpu.memory_space<semaphore_mem>>)
    %mul3A_759 = arith.constant 128 : i32
    %mul3A_760 = arith.muli %mul3A_759, %arg1 : i32
    %add3A_761 = arith.constant 47104 : i32
    %add3A_762 = arith.addi %add3A_761, %mul3A_760 : i32
    %multiple_of3A_763 = tpu.assume_multiple %add3A_762, 128 : i32
    %dma_start3A_764 = arith.constant 0 : i32
    %dma_start3A_765 = tpu.memref_slice %arg3[%dma_start3A_764, %multiple_of3A_763] : memref<2x100096xi32, #tpu.memory_space<hbm>> -> memref<2x128xi32, #tpu.memory_space<hbm>>
    %dma_start3A_766 = arith.constant 0 : i32
    %dma_start3A_767 = tpu.memref_slice %arg3[%dma_start3A_766, %multiple_of3A_763] : memref<2x100096xi32, #tpu.memory_space<hbm>> -> memref<2x128xi32, #tpu.memory_space<hbm>>
    tpu.enqueue_dma source(%dma_start3A_767 : memref<2x128xi32, #tpu.memory_space<hbm>>) target(%arg7 : memref<2x128xi32, #tpu.memory_space<vmem>>) target_semaphore(%arg14 : memref<!tpu.dma_semaphore, #tpu.memory_space<semaphore_mem>>)
    %dma_wait3A_768 = arith.constant 0 : i32
    %dma_wait3A_769 = tpu.memref_slice %arg6[%arg0, %dma_wait3A_768] : memref<2x128xi32, #tpu.memory_space<vmem>> -> memref<1x128xi32, #tpu.memory_space<vmem>>
    %dma_wait3A_770 = tpu.memref_squeeze %dma_wait3A_769 : memref<1x128xi32, #tpu.memory_space<vmem>> -> memref<128xi32, #tpu.memory_space<vmem>>
    %dma_wait3A_771 = arith.constant 0 : i32
    %dma_wait3A_772 = arith.constant 0 : i32
    %dma_wait3A_773 = tpu.memref_slice %arg5[%dma_wait3A_771, %dma_wait3A_772] : memref<4096x128xf32, #tpu.memory_space<vmem_shared>> -> memref<4096x128xf32, #tpu.memory_space<vmem_shared>>
    tpu.wait_indirect_dma semaphore(%arg17 : memref<!tpu.dma_semaphore, #tpu.memory_space<semaphore_mem>>) src(%dma_wait3A_773 : memref<4096x128xf32, #tpu.memory_space<vmem_shared>>) dst(%arg10 : memref<128x128xf32, #tpu.memory_space<vmem>>)
    %mul3A_774 = arith.constant 128 : i32
    %mul3A_775 = arith.muli %mul3A_774, %arg1 : i32
    %add3A_776 = arith.constant 45056 : i32
    %add3A_777 = arith.addi %add3A_776, %mul3A_775 : i32
    %multiple_of3A_778 = tpu.assume_multiple %add3A_777, 128 : i32
    %dma_start3A_779 = tpu.memref_slice %arg4[%multiple_of3A_778, %multiple_of3A] : memref<100000x256xf32, #tpu.memory_space<hbm>> -> memref<128x128xf32, #tpu.memory_space<hbm>>
    %dma_start3A_780 = tpu.memref_slice %arg4[%multiple_of3A_778, %multiple_of3A] : memref<100000x256xf32, #tpu.memory_space<hbm>> -> memref<128x128xf32, #tpu.memory_space<hbm>>
    tpu.enqueue_dma source(%arg10 : memref<128x128xf32, #tpu.memory_space<vmem>>) target(%dma_start3A_780 : memref<128x128xf32, #tpu.memory_space<hbm>>) target_semaphore(%arg17 : memref<!tpu.dma_semaphore, #tpu.memory_space<semaphore_mem>>)
    %dma_wait3A_781 = arith.constant 0 : i32
    %dma_wait3A_782 = tpu.memref_slice %arg3[%dma_wait3A_781, %multiple_of3A_763] : memref<2x100096xi32, #tpu.memory_space<hbm>> -> memref<2x128xi32, #tpu.memory_space<hbm>>
    %dma_wait3A_783 = arith.constant 0 : i32
    %dma_wait3A_784 = tpu.memref_slice %arg3[%dma_wait3A_783, %multiple_of3A_763] : memref<2x100096xi32, #tpu.memory_space<hbm>> -> memref<2x128xi32, #tpu.memory_space<hbm>>
    tpu.wait_dma2 semaphore(%arg14 : memref<!tpu.dma_semaphore, #tpu.memory_space<semaphore_mem>>) src(%dma_wait3A_784 : memref<2x128xi32, #tpu.memory_space<hbm>>) dst(%arg7 : memref<2x128xi32, #tpu.memory_space<vmem>>)
    %dma_wait3A_785 = tpu.memref_slice %arg4[%multiple_of3A_642, %multiple_of3A] : memref<100000x256xf32, #tpu.memory_space<hbm>> -> memref<128x128xf32, #tpu.memory_space<hbm>>
    %dma_wait3A_786 = tpu.memref_slice %arg4[%multiple_of3A_642, %multiple_of3A] : memref<100000x256xf32, #tpu.memory_space<hbm>> -> memref<128x128xf32, #tpu.memory_space<hbm>>
    tpu.wait_dma2 semaphore(%arg18 : memref<!tpu.dma_semaphore, #tpu.memory_space<semaphore_mem>>) src(%arg11 : memref<128x128xf32, #tpu.memory_space<vmem>>) dst(%dma_wait3A_786 : memref<128x128xf32, #tpu.memory_space<hbm>>)
    %dma_start3A_787 = arith.constant 0 : i32
    %dma_start3A_788 = tpu.memref_slice %arg7[%arg0, %dma_start3A_787] : memref<2x128xi32, #tpu.memory_space<vmem>> -> memref<1x128xi32, #tpu.memory_space<vmem>>
    %dma_start3A_789 = tpu.memref_squeeze %dma_start3A_788 : memref<1x128xi32, #tpu.memory_space<vmem>> -> memref<128xi32, #tpu.memory_space<vmem>>
    %dma_start3A_790 = arith.constant 0 : i32
    %dma_start3A_791 = arith.constant 0 : i32
    %dma_start3A_792 = tpu.memref_slice %arg5[%dma_start3A_790, %dma_start3A_791] : memref<4096x128xf32, #tpu.memory_space<vmem_shared>> -> memref<4096x128xf32, #tpu.memory_space<vmem_shared>>
    tpu.enqueue_indirect_dma source(%dma_start3A_792 : memref<4096x128xf32, #tpu.memory_space<vmem_shared>>) target(%arg11 : memref<128x128xf32, #tpu.memory_space<vmem>>) offsets(%dma_start3A_789 : memref<128xi32, #tpu.memory_space<vmem>>) semaphore(%arg18 : memref<!tpu.dma_semaphore, #tpu.memory_space<semaphore_mem>>)
    %mul3A_793 = arith.constant 128 : i32
    %mul3A_794 = arith.muli %mul3A_793, %arg1 : i32
    %add3A_795 = arith.constant 49152 : i32
    %add3A_796 = arith.addi %add3A_795, %mul3A_794 : i32
    %multiple_of3A_797 = tpu.assume_multiple %add3A_796, 128 : i32
    %dma_start3A_798 = arith.constant 0 : i32
    %dma_start3A_799 = tpu.memref_slice %arg3[%dma_start3A_798, %multiple_of3A_797] : memref<2x100096xi32, #tpu.memory_space<hbm>> -> memref<2x128xi32, #tpu.memory_space<hbm>>
    %dma_start3A_800 = arith.constant 0 : i32
    %dma_start3A_801 = tpu.memref_slice %arg3[%dma_start3A_800, %multiple_of3A_797] : memref<2x100096xi32, #tpu.memory_space<hbm>> -> memref<2x128xi32, #tpu.memory_space<hbm>>
    tpu.enqueue_dma source(%dma_start3A_801 : memref<2x128xi32, #tpu.memory_space<hbm>>) target(%arg6 : memref<2x128xi32, #tpu.memory_space<vmem>>) target_semaphore(%arg13 : memref<!tpu.dma_semaphore, #tpu.memory_space<semaphore_mem>>)
    %dma_wait3A_802 = arith.constant 0 : i32
    %dma_wait3A_803 = tpu.memref_slice %arg7[%arg0, %dma_wait3A_802] : memref<2x128xi32, #tpu.memory_space<vmem>> -> memref<1x128xi32, #tpu.memory_space<vmem>>
    %dma_wait3A_804 = tpu.memref_squeeze %dma_wait3A_803 : memref<1x128xi32, #tpu.memory_space<vmem>> -> memref<128xi32, #tpu.memory_space<vmem>>
    %dma_wait3A_805 = arith.constant 0 : i32
    %dma_wait3A_806 = arith.constant 0 : i32
    %dma_wait3A_807 = tpu.memref_slice %arg5[%dma_wait3A_805, %dma_wait3A_806] : memref<4096x128xf32, #tpu.memory_space<vmem_shared>> -> memref<4096x128xf32, #tpu.memory_space<vmem_shared>>
    tpu.wait_indirect_dma semaphore(%arg18 : memref<!tpu.dma_semaphore, #tpu.memory_space<semaphore_mem>>) src(%dma_wait3A_807 : memref<4096x128xf32, #tpu.memory_space<vmem_shared>>) dst(%arg11 : memref<128x128xf32, #tpu.memory_space<vmem>>)
    %mul3A_808 = arith.constant 128 : i32
    %mul3A_809 = arith.muli %mul3A_808, %arg1 : i32
    %add3A_810 = arith.constant 47104 : i32
    %add3A_811 = arith.addi %add3A_810, %mul3A_809 : i32
    %multiple_of3A_812 = tpu.assume_multiple %add3A_811, 128 : i32
    %dma_start3A_813 = tpu.memref_slice %arg4[%multiple_of3A_812, %multiple_of3A] : memref<100000x256xf32, #tpu.memory_space<hbm>> -> memref<128x128xf32, #tpu.memory_space<hbm>>
    %dma_start3A_814 = tpu.memref_slice %arg4[%multiple_of3A_812, %multiple_of3A] : memref<100000x256xf32, #tpu.memory_space<hbm>> -> memref<128x128xf32, #tpu.memory_space<hbm>>
    tpu.enqueue_dma source(%arg11 : memref<128x128xf32, #tpu.memory_space<vmem>>) target(%dma_start3A_814 : memref<128x128xf32, #tpu.memory_space<hbm>>) target_semaphore(%arg18 : memref<!tpu.dma_semaphore, #tpu.memory_space<semaphore_mem>>)
    %dma_wait3A_815 = arith.constant 0 : i32
    %dma_wait3A_816 = tpu.memref_slice %arg3[%dma_wait3A_815, %multiple_of3A_797] : memref<2x100096xi32, #tpu.memory_space<hbm>> -> memref<2x128xi32, #tpu.memory_space<hbm>>
    %dma_wait3A_817 = arith.constant 0 : i32
    %dma_wait3A_818 = tpu.memref_slice %arg3[%dma_wait3A_817, %multiple_of3A_797] : memref<2x100096xi32, #tpu.memory_space<hbm>> -> memref<2x128xi32, #tpu.memory_space<hbm>>
    tpu.wait_dma2 semaphore(%arg13 : memref<!tpu.dma_semaphore, #tpu.memory_space<semaphore_mem>>) src(%dma_wait3A_818 : memref<2x128xi32, #tpu.memory_space<hbm>>) dst(%arg6 : memref<2x128xi32, #tpu.memory_space<vmem>>)
    %dma_wait3A_819 = tpu.memref_slice %arg4[%multiple_of3A_676, %multiple_of3A] : memref<100000x256xf32, #tpu.memory_space<hbm>> -> memref<128x128xf32, #tpu.memory_space<hbm>>
    %dma_wait3A_820 = tpu.memref_slice %arg4[%multiple_of3A_676, %multiple_of3A] : memref<100000x256xf32, #tpu.memory_space<hbm>> -> memref<128x128xf32, #tpu.memory_space<hbm>>
    tpu.wait_dma2 semaphore(%arg19 : memref<!tpu.dma_semaphore, #tpu.memory_space<semaphore_mem>>) src(%arg12 : memref<128x128xf32, #tpu.memory_space<vmem>>) dst(%dma_wait3A_820 : memref<128x128xf32, #tpu.memory_space<hbm>>)
    %dma_start3A_821 = arith.constant 0 : i32
    %dma_start3A_822 = tpu.memref_slice %arg6[%arg0, %dma_start3A_821] : memref<2x128xi32, #tpu.memory_space<vmem>> -> memref<1x128xi32, #tpu.memory_space<vmem>>
    %dma_start3A_823 = tpu.memref_squeeze %dma_start3A_822 : memref<1x128xi32, #tpu.memory_space<vmem>> -> memref<128xi32, #tpu.memory_space<vmem>>
    %dma_start3A_824 = arith.constant 0 : i32
    %dma_start3A_825 = arith.constant 0 : i32
    %dma_start3A_826 = tpu.memref_slice %arg5[%dma_start3A_824, %dma_start3A_825] : memref<4096x128xf32, #tpu.memory_space<vmem_shared>> -> memref<4096x128xf32, #tpu.memory_space<vmem_shared>>
    tpu.enqueue_indirect_dma source(%dma_start3A_826 : memref<4096x128xf32, #tpu.memory_space<vmem_shared>>) target(%arg12 : memref<128x128xf32, #tpu.memory_space<vmem>>) offsets(%dma_start3A_823 : memref<128xi32, #tpu.memory_space<vmem>>) semaphore(%arg19 : memref<!tpu.dma_semaphore, #tpu.memory_space<semaphore_mem>>)
    %mul3A_827 = arith.constant 128 : i32
    %mul3A_828 = arith.muli %mul3A_827, %arg1 : i32
    %add3A_829 = arith.constant 51200 : i32
    %add3A_830 = arith.addi %add3A_829, %mul3A_828 : i32
    %multiple_of3A_831 = tpu.assume_multiple %add3A_830, 128 : i32
    %dma_start3A_832 = arith.constant 0 : i32
    %dma_start3A_833 = tpu.memref_slice %arg3[%dma_start3A_832, %multiple_of3A_831] : memref<2x100096xi32, #tpu.memory_space<hbm>> -> memref<2x128xi32, #tpu.memory_space<hbm>>
    %dma_start3A_834 = arith.constant 0 : i32
    %dma_start3A_835 = tpu.memref_slice %arg3[%dma_start3A_834, %multiple_of3A_831] : memref<2x100096xi32, #tpu.memory_space<hbm>> -> memref<2x128xi32, #tpu.memory_space<hbm>>
    tpu.enqueue_dma source(%dma_start3A_835 : memref<2x128xi32, #tpu.memory_space<hbm>>) target(%arg7 : memref<2x128xi32, #tpu.memory_space<vmem>>) target_semaphore(%arg14 : memref<!tpu.dma_semaphore, #tpu.memory_space<semaphore_mem>>)
    %dma_wait3A_836 = arith.constant 0 : i32
    %dma_wait3A_837 = tpu.memref_slice %arg6[%arg0, %dma_wait3A_836] : memref<2x128xi32, #tpu.memory_space<vmem>> -> memref<1x128xi32, #tpu.memory_space<vmem>>
    %dma_wait3A_838 = tpu.memref_squeeze %dma_wait3A_837 : memref<1x128xi32, #tpu.memory_space<vmem>> -> memref<128xi32, #tpu.memory_space<vmem>>
    %dma_wait3A_839 = arith.constant 0 : i32
    %dma_wait3A_840 = arith.constant 0 : i32
    %dma_wait3A_841 = tpu.memref_slice %arg5[%dma_wait3A_839, %dma_wait3A_840] : memref<4096x128xf32, #tpu.memory_space<vmem_shared>> -> memref<4096x128xf32, #tpu.memory_space<vmem_shared>>
    tpu.wait_indirect_dma semaphore(%arg19 : memref<!tpu.dma_semaphore, #tpu.memory_space<semaphore_mem>>) src(%dma_wait3A_841 : memref<4096x128xf32, #tpu.memory_space<vmem_shared>>) dst(%arg12 : memref<128x128xf32, #tpu.memory_space<vmem>>)
    %mul3A_842 = arith.constant 128 : i32
    %mul3A_843 = arith.muli %mul3A_842, %arg1 : i32
    %add3A_844 = arith.constant 49152 : i32
    %add3A_845 = arith.addi %add3A_844, %mul3A_843 : i32
    %multiple_of3A_846 = tpu.assume_multiple %add3A_845, 128 : i32
    %dma_start3A_847 = tpu.memref_slice %arg4[%multiple_of3A_846, %multiple_of3A] : memref<100000x256xf32, #tpu.memory_space<hbm>> -> memref<128x128xf32, #tpu.memory_space<hbm>>
    %dma_start3A_848 = tpu.memref_slice %arg4[%multiple_of3A_846, %multiple_of3A] : memref<100000x256xf32, #tpu.memory_space<hbm>> -> memref<128x128xf32, #tpu.memory_space<hbm>>
    tpu.enqueue_dma source(%arg12 : memref<128x128xf32, #tpu.memory_space<vmem>>) target(%dma_start3A_848 : memref<128x128xf32, #tpu.memory_space<hbm>>) target_semaphore(%arg19 : memref<!tpu.dma_semaphore, #tpu.memory_space<semaphore_mem>>)
    %dma_wait3A_849 = arith.constant 0 : i32
    %dma_wait3A_850 = tpu.memref_slice %arg3[%dma_wait3A_849, %multiple_of3A_831] : memref<2x100096xi32, #tpu.memory_space<hbm>> -> memref<2x128xi32, #tpu.memory_space<hbm>>
    %dma_wait3A_851 = arith.constant 0 : i32
    %dma_wait3A_852 = tpu.memref_slice %arg3[%dma_wait3A_851, %multiple_of3A_831] : memref<2x100096xi32, #tpu.memory_space<hbm>> -> memref<2x128xi32, #tpu.memory_space<hbm>>
    tpu.wait_dma2 semaphore(%arg14 : memref<!tpu.dma_semaphore, #tpu.memory_space<semaphore_mem>>) src(%dma_wait3A_852 : memref<2x128xi32, #tpu.memory_space<hbm>>) dst(%arg7 : memref<2x128xi32, #tpu.memory_space<vmem>>)
    %dma_wait3A_853 = tpu.memref_slice %arg4[%multiple_of3A_710, %multiple_of3A] : memref<100000x256xf32, #tpu.memory_space<hbm>> -> memref<128x128xf32, #tpu.memory_space<hbm>>
    %dma_wait3A_854 = tpu.memref_slice %arg4[%multiple_of3A_710, %multiple_of3A] : memref<100000x256xf32, #tpu.memory_space<hbm>> -> memref<128x128xf32, #tpu.memory_space<hbm>>
    tpu.wait_dma2 semaphore(%arg15 : memref<!tpu.dma_semaphore, #tpu.memory_space<semaphore_mem>>) src(%arg8 : memref<128x128xf32, #tpu.memory_space<vmem>>) dst(%dma_wait3A_854 : memref<128x128xf32, #tpu.memory_space<hbm>>)
    %dma_start3A_855 = arith.constant 0 : i32
    %dma_start3A_856 = tpu.memref_slice %arg7[%arg0, %dma_start3A_855] : memref<2x128xi32, #tpu.memory_space<vmem>> -> memref<1x128xi32, #tpu.memory_space<vmem>>
    %dma_start3A_857 = tpu.memref_squeeze %dma_start3A_856 : memref<1x128xi32, #tpu.memory_space<vmem>> -> memref<128xi32, #tpu.memory_space<vmem>>
    %dma_start3A_858 = arith.constant 0 : i32
    %dma_start3A_859 = arith.constant 0 : i32
    %dma_start3A_860 = tpu.memref_slice %arg5[%dma_start3A_858, %dma_start3A_859] : memref<4096x128xf32, #tpu.memory_space<vmem_shared>> -> memref<4096x128xf32, #tpu.memory_space<vmem_shared>>
    tpu.enqueue_indirect_dma source(%dma_start3A_860 : memref<4096x128xf32, #tpu.memory_space<vmem_shared>>) target(%arg8 : memref<128x128xf32, #tpu.memory_space<vmem>>) offsets(%dma_start3A_857 : memref<128xi32, #tpu.memory_space<vmem>>) semaphore(%arg15 : memref<!tpu.dma_semaphore, #tpu.memory_space<semaphore_mem>>)
    %mul3A_861 = arith.constant 128 : i32
    %mul3A_862 = arith.muli %mul3A_861, %arg1 : i32
    %add3A_863 = arith.constant 53248 : i32
    %add3A_864 = arith.addi %add3A_863, %mul3A_862 : i32
    %multiple_of3A_865 = tpu.assume_multiple %add3A_864, 128 : i32
    %dma_start3A_866 = arith.constant 0 : i32
    %dma_start3A_867 = tpu.memref_slice %arg3[%dma_start3A_866, %multiple_of3A_865] : memref<2x100096xi32, #tpu.memory_space<hbm>> -> memref<2x128xi32, #tpu.memory_space<hbm>>
    %dma_start3A_868 = arith.constant 0 : i32
    %dma_start3A_869 = tpu.memref_slice %arg3[%dma_start3A_868, %multiple_of3A_865] : memref<2x100096xi32, #tpu.memory_space<hbm>> -> memref<2x128xi32, #tpu.memory_space<hbm>>
    tpu.enqueue_dma source(%dma_start3A_869 : memref<2x128xi32, #tpu.memory_space<hbm>>) target(%arg6 : memref<2x128xi32, #tpu.memory_space<vmem>>) target_semaphore(%arg13 : memref<!tpu.dma_semaphore, #tpu.memory_space<semaphore_mem>>)
    %dma_wait3A_870 = arith.constant 0 : i32
    %dma_wait3A_871 = tpu.memref_slice %arg7[%arg0, %dma_wait3A_870] : memref<2x128xi32, #tpu.memory_space<vmem>> -> memref<1x128xi32, #tpu.memory_space<vmem>>
    %dma_wait3A_872 = tpu.memref_squeeze %dma_wait3A_871 : memref<1x128xi32, #tpu.memory_space<vmem>> -> memref<128xi32, #tpu.memory_space<vmem>>
    %dma_wait3A_873 = arith.constant 0 : i32
    %dma_wait3A_874 = arith.constant 0 : i32
    %dma_wait3A_875 = tpu.memref_slice %arg5[%dma_wait3A_873, %dma_wait3A_874] : memref<4096x128xf32, #tpu.memory_space<vmem_shared>> -> memref<4096x128xf32, #tpu.memory_space<vmem_shared>>
    tpu.wait_indirect_dma semaphore(%arg15 : memref<!tpu.dma_semaphore, #tpu.memory_space<semaphore_mem>>) src(%dma_wait3A_875 : memref<4096x128xf32, #tpu.memory_space<vmem_shared>>) dst(%arg8 : memref<128x128xf32, #tpu.memory_space<vmem>>)
    %mul3A_876 = arith.constant 128 : i32
    %mul3A_877 = arith.muli %mul3A_876, %arg1 : i32
    %add3A_878 = arith.constant 51200 : i32
    %add3A_879 = arith.addi %add3A_878, %mul3A_877 : i32
    %multiple_of3A_880 = tpu.assume_multiple %add3A_879, 128 : i32
    %dma_start3A_881 = tpu.memref_slice %arg4[%multiple_of3A_880, %multiple_of3A] : memref<100000x256xf32, #tpu.memory_space<hbm>> -> memref<128x128xf32, #tpu.memory_space<hbm>>
    %dma_start3A_882 = tpu.memref_slice %arg4[%multiple_of3A_880, %multiple_of3A] : memref<100000x256xf32, #tpu.memory_space<hbm>> -> memref<128x128xf32, #tpu.memory_space<hbm>>
    tpu.enqueue_dma source(%arg8 : memref<128x128xf32, #tpu.memory_space<vmem>>) target(%dma_start3A_882 : memref<128x128xf32, #tpu.memory_space<hbm>>) target_semaphore(%arg15 : memref<!tpu.dma_semaphore, #tpu.memory_space<semaphore_mem>>)
    %dma_wait3A_883 = arith.constant 0 : i32
    %dma_wait3A_884 = tpu.memref_slice %arg3[%dma_wait3A_883, %multiple_of3A_865] : memref<2x100096xi32, #tpu.memory_space<hbm>> -> memref<2x128xi32, #tpu.memory_space<hbm>>
    %dma_wait3A_885 = arith.constant 0 : i32
    %dma_wait3A_886 = tpu.memref_slice %arg3[%dma_wait3A_885, %multiple_of3A_865] : memref<2x100096xi32, #tpu.memory_space<hbm>> -> memref<2x128xi32, #tpu.memory_space<hbm>>
    tpu.wait_dma2 semaphore(%arg13 : memref<!tpu.dma_semaphore, #tpu.memory_space<semaphore_mem>>) src(%dma_wait3A_886 : memref<2x128xi32, #tpu.memory_space<hbm>>) dst(%arg6 : memref<2x128xi32, #tpu.memory_space<vmem>>)
    %dma_wait3A_887 = tpu.memref_slice %arg4[%multiple_of3A_744, %multiple_of3A] : memref<100000x256xf32, #tpu.memory_space<hbm>> -> memref<128x128xf32, #tpu.memory_space<hbm>>
    %dma_wait3A_888 = tpu.memref_slice %arg4[%multiple_of3A_744, %multiple_of3A] : memref<100000x256xf32, #tpu.memory_space<hbm>> -> memref<128x128xf32, #tpu.memory_space<hbm>>
    tpu.wait_dma2 semaphore(%arg16 : memref<!tpu.dma_semaphore, #tpu.memory_space<semaphore_mem>>) src(%arg9 : memref<128x128xf32, #tpu.memory_space<vmem>>) dst(%dma_wait3A_888 : memref<128x128xf32, #tpu.memory_space<hbm>>)
    %dma_start3A_889 = arith.constant 0 : i32
    %dma_start3A_890 = tpu.memref_slice %arg6[%arg0, %dma_start3A_889] : memref<2x128xi32, #tpu.memory_space<vmem>> -> memref<1x128xi32, #tpu.memory_space<vmem>>
    %dma_start3A_891 = tpu.memref_squeeze %dma_start3A_890 : memref<1x128xi32, #tpu.memory_space<vmem>> -> memref<128xi32, #tpu.memory_space<vmem>>
    %dma_start3A_892 = arith.constant 0 : i32
    %dma_start3A_893 = arith.constant 0 : i32
    %dma_start3A_894 = tpu.memref_slice %arg5[%dma_start3A_892, %dma_start3A_893] : memref<4096x128xf32, #tpu.memory_space<vmem_shared>> -> memref<4096x128xf32, #tpu.memory_space<vmem_shared>>
    tpu.enqueue_indirect_dma source(%dma_start3A_894 : memref<4096x128xf32, #tpu.memory_space<vmem_shared>>) target(%arg9 : memref<128x128xf32, #tpu.memory_space<vmem>>) offsets(%dma_start3A_891 : memref<128xi32, #tpu.memory_space<vmem>>) semaphore(%arg16 : memref<!tpu.dma_semaphore, #tpu.memory_space<semaphore_mem>>)
    %mul3A_895 = arith.constant 128 : i32
    %mul3A_896 = arith.muli %mul3A_895, %arg1 : i32
    %add3A_897 = arith.constant 55296 : i32
    %add3A_898 = arith.addi %add3A_897, %mul3A_896 : i32
    %multiple_of3A_899 = tpu.assume_multiple %add3A_898, 128 : i32
    %dma_start3A_900 = arith.constant 0 : i32
    %dma_start3A_901 = tpu.memref_slice %arg3[%dma_start3A_900, %multiple_of3A_899] : memref<2x100096xi32, #tpu.memory_space<hbm>> -> memref<2x128xi32, #tpu.memory_space<hbm>>
    %dma_start3A_902 = arith.constant 0 : i32
    %dma_start3A_903 = tpu.memref_slice %arg3[%dma_start3A_902, %multiple_of3A_899] : memref<2x100096xi32, #tpu.memory_space<hbm>> -> memref<2x128xi32, #tpu.memory_space<hbm>>
    tpu.enqueue_dma source(%dma_start3A_903 : memref<2x128xi32, #tpu.memory_space<hbm>>) target(%arg7 : memref<2x128xi32, #tpu.memory_space<vmem>>) target_semaphore(%arg14 : memref<!tpu.dma_semaphore, #tpu.memory_space<semaphore_mem>>)
    %dma_wait3A_904 = arith.constant 0 : i32
    %dma_wait3A_905 = tpu.memref_slice %arg6[%arg0, %dma_wait3A_904] : memref<2x128xi32, #tpu.memory_space<vmem>> -> memref<1x128xi32, #tpu.memory_space<vmem>>
    %dma_wait3A_906 = tpu.memref_squeeze %dma_wait3A_905 : memref<1x128xi32, #tpu.memory_space<vmem>> -> memref<128xi32, #tpu.memory_space<vmem>>
    %dma_wait3A_907 = arith.constant 0 : i32
    %dma_wait3A_908 = arith.constant 0 : i32
    %dma_wait3A_909 = tpu.memref_slice %arg5[%dma_wait3A_907, %dma_wait3A_908] : memref<4096x128xf32, #tpu.memory_space<vmem_shared>> -> memref<4096x128xf32, #tpu.memory_space<vmem_shared>>
    tpu.wait_indirect_dma semaphore(%arg16 : memref<!tpu.dma_semaphore, #tpu.memory_space<semaphore_mem>>) src(%dma_wait3A_909 : memref<4096x128xf32, #tpu.memory_space<vmem_shared>>) dst(%arg9 : memref<128x128xf32, #tpu.memory_space<vmem>>)
    %mul3A_910 = arith.constant 128 : i32
    %mul3A_911 = arith.muli %mul3A_910, %arg1 : i32
    %add3A_912 = arith.constant 53248 : i32
    %add3A_913 = arith.addi %add3A_912, %mul3A_911 : i32
    %multiple_of3A_914 = tpu.assume_multiple %add3A_913, 128 : i32
    %dma_start3A_915 = tpu.memref_slice %arg4[%multiple_of3A_914, %multiple_of3A] : memref<100000x256xf32, #tpu.memory_space<hbm>> -> memref<128x128xf32, #tpu.memory_space<hbm>>
    %dma_start3A_916 = tpu.memref_slice %arg4[%multiple_of3A_914, %multiple_of3A] : memref<100000x256xf32, #tpu.memory_space<hbm>> -> memref<128x128xf32, #tpu.memory_space<hbm>>
    tpu.enqueue_dma source(%arg9 : memref<128x128xf32, #tpu.memory_space<vmem>>) target(%dma_start3A_916 : memref<128x128xf32, #tpu.memory_space<hbm>>) target_semaphore(%arg16 : memref<!tpu.dma_semaphore, #tpu.memory_space<semaphore_mem>>)
    %dma_wait3A_917 = arith.constant 0 : i32
    %dma_wait3A_918 = tpu.memref_slice %arg3[%dma_wait3A_917, %multiple_of3A_899] : memref<2x100096xi32, #tpu.memory_space<hbm>> -> memref<2x128xi32, #tpu.memory_space<hbm>>
    %dma_wait3A_919 = arith.constant 0 : i32
    %dma_wait3A_920 = tpu.memref_slice %arg3[%dma_wait3A_919, %multiple_of3A_899] : memref<2x100096xi32, #tpu.memory_space<hbm>> -> memref<2x128xi32, #tpu.memory_space<hbm>>
    tpu.wait_dma2 semaphore(%arg14 : memref<!tpu.dma_semaphore, #tpu.memory_space<semaphore_mem>>) src(%dma_wait3A_920 : memref<2x128xi32, #tpu.memory_space<hbm>>) dst(%arg7 : memref<2x128xi32, #tpu.memory_space<vmem>>)
    %dma_wait3A_921 = tpu.memref_slice %arg4[%multiple_of3A_778, %multiple_of3A] : memref<100000x256xf32, #tpu.memory_space<hbm>> -> memref<128x128xf32, #tpu.memory_space<hbm>>
    %dma_wait3A_922 = tpu.memref_slice %arg4[%multiple_of3A_778, %multiple_of3A] : memref<100000x256xf32, #tpu.memory_space<hbm>> -> memref<128x128xf32, #tpu.memory_space<hbm>>
    tpu.wait_dma2 semaphore(%arg17 : memref<!tpu.dma_semaphore, #tpu.memory_space<semaphore_mem>>) src(%arg10 : memref<128x128xf32, #tpu.memory_space<vmem>>) dst(%dma_wait3A_922 : memref<128x128xf32, #tpu.memory_space<hbm>>)
    %dma_start3A_923 = arith.constant 0 : i32
    %dma_start3A_924 = tpu.memref_slice %arg7[%arg0, %dma_start3A_923] : memref<2x128xi32, #tpu.memory_space<vmem>> -> memref<1x128xi32, #tpu.memory_space<vmem>>
    %dma_start3A_925 = tpu.memref_squeeze %dma_start3A_924 : memref<1x128xi32, #tpu.memory_space<vmem>> -> memref<128xi32, #tpu.memory_space<vmem>>
    %dma_start3A_926 = arith.constant 0 : i32
    %dma_start3A_927 = arith.constant 0 : i32
    %dma_start3A_928 = tpu.memref_slice %arg5[%dma_start3A_926, %dma_start3A_927] : memref<4096x128xf32, #tpu.memory_space<vmem_shared>> -> memref<4096x128xf32, #tpu.memory_space<vmem_shared>>
    tpu.enqueue_indirect_dma source(%dma_start3A_928 : memref<4096x128xf32, #tpu.memory_space<vmem_shared>>) target(%arg10 : memref<128x128xf32, #tpu.memory_space<vmem>>) offsets(%dma_start3A_925 : memref<128xi32, #tpu.memory_space<vmem>>) semaphore(%arg17 : memref<!tpu.dma_semaphore, #tpu.memory_space<semaphore_mem>>)
    %mul3A_929 = arith.constant 128 : i32
    %mul3A_930 = arith.muli %mul3A_929, %arg1 : i32
    %add3A_931 = arith.constant 57344 : i32
    %add3A_932 = arith.addi %add3A_931, %mul3A_930 : i32
    %multiple_of3A_933 = tpu.assume_multiple %add3A_932, 128 : i32
    %dma_start3A_934 = arith.constant 0 : i32
    %dma_start3A_935 = tpu.memref_slice %arg3[%dma_start3A_934, %multiple_of3A_933] : memref<2x100096xi32, #tpu.memory_space<hbm>> -> memref<2x128xi32, #tpu.memory_space<hbm>>
    %dma_start3A_936 = arith.constant 0 : i32
    %dma_start3A_937 = tpu.memref_slice %arg3[%dma_start3A_936, %multiple_of3A_933] : memref<2x100096xi32, #tpu.memory_space<hbm>> -> memref<2x128xi32, #tpu.memory_space<hbm>>
    tpu.enqueue_dma source(%dma_start3A_937 : memref<2x128xi32, #tpu.memory_space<hbm>>) target(%arg6 : memref<2x128xi32, #tpu.memory_space<vmem>>) target_semaphore(%arg13 : memref<!tpu.dma_semaphore, #tpu.memory_space<semaphore_mem>>)
    %dma_wait3A_938 = arith.constant 0 : i32
    %dma_wait3A_939 = tpu.memref_slice %arg7[%arg0, %dma_wait3A_938] : memref<2x128xi32, #tpu.memory_space<vmem>> -> memref<1x128xi32, #tpu.memory_space<vmem>>
    %dma_wait3A_940 = tpu.memref_squeeze %dma_wait3A_939 : memref<1x128xi32, #tpu.memory_space<vmem>> -> memref<128xi32, #tpu.memory_space<vmem>>
    %dma_wait3A_941 = arith.constant 0 : i32
    %dma_wait3A_942 = arith.constant 0 : i32
    %dma_wait3A_943 = tpu.memref_slice %arg5[%dma_wait3A_941, %dma_wait3A_942] : memref<4096x128xf32, #tpu.memory_space<vmem_shared>> -> memref<4096x128xf32, #tpu.memory_space<vmem_shared>>
    tpu.wait_indirect_dma semaphore(%arg17 : memref<!tpu.dma_semaphore, #tpu.memory_space<semaphore_mem>>) src(%dma_wait3A_943 : memref<4096x128xf32, #tpu.memory_space<vmem_shared>>) dst(%arg10 : memref<128x128xf32, #tpu.memory_space<vmem>>)
    %mul3A_944 = arith.constant 128 : i32
    %mul3A_945 = arith.muli %mul3A_944, %arg1 : i32
    %add3A_946 = arith.constant 55296 : i32
    %add3A_947 = arith.addi %add3A_946, %mul3A_945 : i32
    %multiple_of3A_948 = tpu.assume_multiple %add3A_947, 128 : i32
    %dma_start3A_949 = tpu.memref_slice %arg4[%multiple_of3A_948, %multiple_of3A] : memref<100000x256xf32, #tpu.memory_space<hbm>> -> memref<128x128xf32, #tpu.memory_space<hbm>>
    %dma_start3A_950 = tpu.memref_slice %arg4[%multiple_of3A_948, %multiple_of3A] : memref<100000x256xf32, #tpu.memory_space<hbm>> -> memref<128x128xf32, #tpu.memory_space<hbm>>
    tpu.enqueue_dma source(%arg10 : memref<128x128xf32, #tpu.memory_space<vmem>>) target(%dma_start3A_950 : memref<128x128xf32, #tpu.memory_space<hbm>>) target_semaphore(%arg17 : memref<!tpu.dma_semaphore, #tpu.memory_space<semaphore_mem>>)
    %dma_wait3A_951 = arith.constant 0 : i32
    %dma_wait3A_952 = tpu.memref_slice %arg3[%dma_wait3A_951, %multiple_of3A_933] : memref<2x100096xi32, #tpu.memory_space<hbm>> -> memref<2x128xi32, #tpu.memory_space<hbm>>
    %dma_wait3A_953 = arith.constant 0 : i32
    %dma_wait3A_954 = tpu.memref_slice %arg3[%dma_wait3A_953, %multiple_of3A_933] : memref<2x100096xi32, #tpu.memory_space<hbm>> -> memref<2x128xi32, #tpu.memory_space<hbm>>
    tpu.wait_dma2 semaphore(%arg13 : memref<!tpu.dma_semaphore, #tpu.memory_space<semaphore_mem>>) src(%dma_wait3A_954 : memref<2x128xi32, #tpu.memory_space<hbm>>) dst(%arg6 : memref<2x128xi32, #tpu.memory_space<vmem>>)
    %dma_wait3A_955 = tpu.memref_slice %arg4[%multiple_of3A_812, %multiple_of3A] : memref<100000x256xf32, #tpu.memory_space<hbm>> -> memref<128x128xf32, #tpu.memory_space<hbm>>
    %dma_wait3A_956 = tpu.memref_slice %arg4[%multiple_of3A_812, %multiple_of3A] : memref<100000x256xf32, #tpu.memory_space<hbm>> -> memref<128x128xf32, #tpu.memory_space<hbm>>
    tpu.wait_dma2 semaphore(%arg18 : memref<!tpu.dma_semaphore, #tpu.memory_space<semaphore_mem>>) src(%arg11 : memref<128x128xf32, #tpu.memory_space<vmem>>) dst(%dma_wait3A_956 : memref<128x128xf32, #tpu.memory_space<hbm>>)
    %dma_start3A_957 = arith.constant 0 : i32
    %dma_start3A_958 = tpu.memref_slice %arg6[%arg0, %dma_start3A_957] : memref<2x128xi32, #tpu.memory_space<vmem>> -> memref<1x128xi32, #tpu.memory_space<vmem>>
    %dma_start3A_959 = tpu.memref_squeeze %dma_start3A_958 : memref<1x128xi32, #tpu.memory_space<vmem>> -> memref<128xi32, #tpu.memory_space<vmem>>
    %dma_start3A_960 = arith.constant 0 : i32
    %dma_start3A_961 = arith.constant 0 : i32
    %dma_start3A_962 = tpu.memref_slice %arg5[%dma_start3A_960, %dma_start3A_961] : memref<4096x128xf32, #tpu.memory_space<vmem_shared>> -> memref<4096x128xf32, #tpu.memory_space<vmem_shared>>
    tpu.enqueue_indirect_dma source(%dma_start3A_962 : memref<4096x128xf32, #tpu.memory_space<vmem_shared>>) target(%arg11 : memref<128x128xf32, #tpu.memory_space<vmem>>) offsets(%dma_start3A_959 : memref<128xi32, #tpu.memory_space<vmem>>) semaphore(%arg18 : memref<!tpu.dma_semaphore, #tpu.memory_space<semaphore_mem>>)
    %mul3A_963 = arith.constant 128 : i32
    %mul3A_964 = arith.muli %mul3A_963, %arg1 : i32
    %add3A_965 = arith.constant 59392 : i32
    %add3A_966 = arith.addi %add3A_965, %mul3A_964 : i32
    %multiple_of3A_967 = tpu.assume_multiple %add3A_966, 128 : i32
    %dma_start3A_968 = arith.constant 0 : i32
    %dma_start3A_969 = tpu.memref_slice %arg3[%dma_start3A_968, %multiple_of3A_967] : memref<2x100096xi32, #tpu.memory_space<hbm>> -> memref<2x128xi32, #tpu.memory_space<hbm>>
    %dma_start3A_970 = arith.constant 0 : i32
    %dma_start3A_971 = tpu.memref_slice %arg3[%dma_start3A_970, %multiple_of3A_967] : memref<2x100096xi32, #tpu.memory_space<hbm>> -> memref<2x128xi32, #tpu.memory_space<hbm>>
    tpu.enqueue_dma source(%dma_start3A_971 : memref<2x128xi32, #tpu.memory_space<hbm>>) target(%arg7 : memref<2x128xi32, #tpu.memory_space<vmem>>) target_semaphore(%arg14 : memref<!tpu.dma_semaphore, #tpu.memory_space<semaphore_mem>>)
    %dma_wait3A_972 = arith.constant 0 : i32
    %dma_wait3A_973 = tpu.memref_slice %arg6[%arg0, %dma_wait3A_972] : memref<2x128xi32, #tpu.memory_space<vmem>> -> memref<1x128xi32, #tpu.memory_space<vmem>>
    %dma_wait3A_974 = tpu.memref_squeeze %dma_wait3A_973 : memref<1x128xi32, #tpu.memory_space<vmem>> -> memref<128xi32, #tpu.memory_space<vmem>>
    %dma_wait3A_975 = arith.constant 0 : i32
    %dma_wait3A_976 = arith.constant 0 : i32
    %dma_wait3A_977 = tpu.memref_slice %arg5[%dma_wait3A_975, %dma_wait3A_976] : memref<4096x128xf32, #tpu.memory_space<vmem_shared>> -> memref<4096x128xf32, #tpu.memory_space<vmem_shared>>
    tpu.wait_indirect_dma semaphore(%arg18 : memref<!tpu.dma_semaphore, #tpu.memory_space<semaphore_mem>>) src(%dma_wait3A_977 : memref<4096x128xf32, #tpu.memory_space<vmem_shared>>) dst(%arg11 : memref<128x128xf32, #tpu.memory_space<vmem>>)
    %mul3A_978 = arith.constant 128 : i32
    %mul3A_979 = arith.muli %mul3A_978, %arg1 : i32
    %add3A_980 = arith.constant 57344 : i32
    %add3A_981 = arith.addi %add3A_980, %mul3A_979 : i32
    %multiple_of3A_982 = tpu.assume_multiple %add3A_981, 128 : i32
    %dma_start3A_983 = tpu.memref_slice %arg4[%multiple_of3A_982, %multiple_of3A] : memref<100000x256xf32, #tpu.memory_space<hbm>> -> memref<128x128xf32, #tpu.memory_space<hbm>>
    %dma_start3A_984 = tpu.memref_slice %arg4[%multiple_of3A_982, %multiple_of3A] : memref<100000x256xf32, #tpu.memory_space<hbm>> -> memref<128x128xf32, #tpu.memory_space<hbm>>
    tpu.enqueue_dma source(%arg11 : memref<128x128xf32, #tpu.memory_space<vmem>>) target(%dma_start3A_984 : memref<128x128xf32, #tpu.memory_space<hbm>>) target_semaphore(%arg18 : memref<!tpu.dma_semaphore, #tpu.memory_space<semaphore_mem>>)
    %dma_wait3A_985 = arith.constant 0 : i32
    %dma_wait3A_986 = tpu.memref_slice %arg3[%dma_wait3A_985, %multiple_of3A_967] : memref<2x100096xi32, #tpu.memory_space<hbm>> -> memref<2x128xi32, #tpu.memory_space<hbm>>
    %dma_wait3A_987 = arith.constant 0 : i32
    %dma_wait3A_988 = tpu.memref_slice %arg3[%dma_wait3A_987, %multiple_of3A_967] : memref<2x100096xi32, #tpu.memory_space<hbm>> -> memref<2x128xi32, #tpu.memory_space<hbm>>
    tpu.wait_dma2 semaphore(%arg14 : memref<!tpu.dma_semaphore, #tpu.memory_space<semaphore_mem>>) src(%dma_wait3A_988 : memref<2x128xi32, #tpu.memory_space<hbm>>) dst(%arg7 : memref<2x128xi32, #tpu.memory_space<vmem>>)
    %dma_wait3A_989 = tpu.memref_slice %arg4[%multiple_of3A_846, %multiple_of3A] : memref<100000x256xf32, #tpu.memory_space<hbm>> -> memref<128x128xf32, #tpu.memory_space<hbm>>
    %dma_wait3A_990 = tpu.memref_slice %arg4[%multiple_of3A_846, %multiple_of3A] : memref<100000x256xf32, #tpu.memory_space<hbm>> -> memref<128x128xf32, #tpu.memory_space<hbm>>
    tpu.wait_dma2 semaphore(%arg19 : memref<!tpu.dma_semaphore, #tpu.memory_space<semaphore_mem>>) src(%arg12 : memref<128x128xf32, #tpu.memory_space<vmem>>) dst(%dma_wait3A_990 : memref<128x128xf32, #tpu.memory_space<hbm>>)
    %dma_start3A_991 = arith.constant 0 : i32
    %dma_start3A_992 = tpu.memref_slice %arg7[%arg0, %dma_start3A_991] : memref<2x128xi32, #tpu.memory_space<vmem>> -> memref<1x128xi32, #tpu.memory_space<vmem>>
    %dma_start3A_993 = tpu.memref_squeeze %dma_start3A_992 : memref<1x128xi32, #tpu.memory_space<vmem>> -> memref<128xi32, #tpu.memory_space<vmem>>
    %dma_start3A_994 = arith.constant 0 : i32
    %dma_start3A_995 = arith.constant 0 : i32
    %dma_start3A_996 = tpu.memref_slice %arg5[%dma_start3A_994, %dma_start3A_995] : memref<4096x128xf32, #tpu.memory_space<vmem_shared>> -> memref<4096x128xf32, #tpu.memory_space<vmem_shared>>
    tpu.enqueue_indirect_dma source(%dma_start3A_996 : memref<4096x128xf32, #tpu.memory_space<vmem_shared>>) target(%arg12 : memref<128x128xf32, #tpu.memory_space<vmem>>) offsets(%dma_start3A_993 : memref<128xi32, #tpu.memory_space<vmem>>) semaphore(%arg19 : memref<!tpu.dma_semaphore, #tpu.memory_space<semaphore_mem>>)
    %mul3A_997 = arith.constant 128 : i32
    %mul3A_998 = arith.muli %mul3A_997, %arg1 : i32
    %add3A_999 = arith.constant 61440 : i32
    %add3A_1000 = arith.addi %add3A_999, %mul3A_998 : i32
    %multiple_of3A_1001 = tpu.assume_multiple %add3A_1000, 128 : i32
    %dma_start3A_1002 = arith.constant 0 : i32
    %dma_start3A_1003 = tpu.memref_slice %arg3[%dma_start3A_1002, %multiple_of3A_1001] : memref<2x100096xi32, #tpu.memory_space<hbm>> -> memref<2x128xi32, #tpu.memory_space<hbm>>
    %dma_start3A_1004 = arith.constant 0 : i32
    %dma_start3A_1005 = tpu.memref_slice %arg3[%dma_start3A_1004, %multiple_of3A_1001] : memref<2x100096xi32, #tpu.memory_space<hbm>> -> memref<2x128xi32, #tpu.memory_space<hbm>>
    tpu.enqueue_dma source(%dma_start3A_1005 : memref<2x128xi32, #tpu.memory_space<hbm>>) target(%arg6 : memref<2x128xi32, #tpu.memory_space<vmem>>) target_semaphore(%arg13 : memref<!tpu.dma_semaphore, #tpu.memory_space<semaphore_mem>>)
    %dma_wait3A_1006 = arith.constant 0 : i32
    %dma_wait3A_1007 = tpu.memref_slice %arg7[%arg0, %dma_wait3A_1006] : memref<2x128xi32, #tpu.memory_space<vmem>> -> memref<1x128xi32, #tpu.memory_space<vmem>>
    %dma_wait3A_1008 = tpu.memref_squeeze %dma_wait3A_1007 : memref<1x128xi32, #tpu.memory_space<vmem>> -> memref<128xi32, #tpu.memory_space<vmem>>
    %dma_wait3A_1009 = arith.constant 0 : i32
    %dma_wait3A_1010 = arith.constant 0 : i32
    %dma_wait3A_1011 = tpu.memref_slice %arg5[%dma_wait3A_1009, %dma_wait3A_1010] : memref<4096x128xf32, #tpu.memory_space<vmem_shared>> -> memref<4096x128xf32, #tpu.memory_space<vmem_shared>>
    tpu.wait_indirect_dma semaphore(%arg19 : memref<!tpu.dma_semaphore, #tpu.memory_space<semaphore_mem>>) src(%dma_wait3A_1011 : memref<4096x128xf32, #tpu.memory_space<vmem_shared>>) dst(%arg12 : memref<128x128xf32, #tpu.memory_space<vmem>>)
    %mul3A_1012 = arith.constant 128 : i32
    %mul3A_1013 = arith.muli %mul3A_1012, %arg1 : i32
    %add3A_1014 = arith.constant 59392 : i32
    %add3A_1015 = arith.addi %add3A_1014, %mul3A_1013 : i32
    %multiple_of3A_1016 = tpu.assume_multiple %add3A_1015, 128 : i32
    %dma_start3A_1017 = tpu.memref_slice %arg4[%multiple_of3A_1016, %multiple_of3A] : memref<100000x256xf32, #tpu.memory_space<hbm>> -> memref<128x128xf32, #tpu.memory_space<hbm>>
    %dma_start3A_1018 = tpu.memref_slice %arg4[%multiple_of3A_1016, %multiple_of3A] : memref<100000x256xf32, #tpu.memory_space<hbm>> -> memref<128x128xf32, #tpu.memory_space<hbm>>
    tpu.enqueue_dma source(%arg12 : memref<128x128xf32, #tpu.memory_space<vmem>>) target(%dma_start3A_1018 : memref<128x128xf32, #tpu.memory_space<hbm>>) target_semaphore(%arg19 : memref<!tpu.dma_semaphore, #tpu.memory_space<semaphore_mem>>)
    %dma_wait3A_1019 = arith.constant 0 : i32
    %dma_wait3A_1020 = tpu.memref_slice %arg3[%dma_wait3A_1019, %multiple_of3A_1001] : memref<2x100096xi32, #tpu.memory_space<hbm>> -> memref<2x128xi32, #tpu.memory_space<hbm>>
    %dma_wait3A_1021 = arith.constant 0 : i32
    %dma_wait3A_1022 = tpu.memref_slice %arg3[%dma_wait3A_1021, %multiple_of3A_1001] : memref<2x100096xi32, #tpu.memory_space<hbm>> -> memref<2x128xi32, #tpu.memory_space<hbm>>
    tpu.wait_dma2 semaphore(%arg13 : memref<!tpu.dma_semaphore, #tpu.memory_space<semaphore_mem>>) src(%dma_wait3A_1022 : memref<2x128xi32, #tpu.memory_space<hbm>>) dst(%arg6 : memref<2x128xi32, #tpu.memory_space<vmem>>)
    %dma_wait3A_1023 = tpu.memref_slice %arg4[%multiple_of3A_880, %multiple_of3A] : memref<100000x256xf32, #tpu.memory_space<hbm>> -> memref<128x128xf32, #tpu.memory_space<hbm>>
    %dma_wait3A_1024 = tpu.memref_slice %arg4[%multiple_of3A_880, %multiple_of3A] : memref<100000x256xf32, #tpu.memory_space<hbm>> -> memref<128x128xf32, #tpu.memory_space<hbm>>
    tpu.wait_dma2 semaphore(%arg15 : memref<!tpu.dma_semaphore, #tpu.memory_space<semaphore_mem>>) src(%arg8 : memref<128x128xf32, #tpu.memory_space<vmem>>) dst(%dma_wait3A_1024 : memref<128x128xf32, #tpu.memory_space<hbm>>)
    %dma_start3A_1025 = arith.constant 0 : i32
    %dma_start3A_1026 = tpu.memref_slice %arg6[%arg0, %dma_start3A_1025] : memref<2x128xi32, #tpu.memory_space<vmem>> -> memref<1x128xi32, #tpu.memory_space<vmem>>
    %dma_start3A_1027 = tpu.memref_squeeze %dma_start3A_1026 : memref<1x128xi32, #tpu.memory_space<vmem>> -> memref<128xi32, #tpu.memory_space<vmem>>
    %dma_start3A_1028 = arith.constant 0 : i32
    %dma_start3A_1029 = arith.constant 0 : i32
    %dma_start3A_1030 = tpu.memref_slice %arg5[%dma_start3A_1028, %dma_start3A_1029] : memref<4096x128xf32, #tpu.memory_space<vmem_shared>> -> memref<4096x128xf32, #tpu.memory_space<vmem_shared>>
    tpu.enqueue_indirect_dma source(%dma_start3A_1030 : memref<4096x128xf32, #tpu.memory_space<vmem_shared>>) target(%arg8 : memref<128x128xf32, #tpu.memory_space<vmem>>) offsets(%dma_start3A_1027 : memref<128xi32, #tpu.memory_space<vmem>>) semaphore(%arg15 : memref<!tpu.dma_semaphore, #tpu.memory_space<semaphore_mem>>)
    %mul3A_1031 = arith.constant 128 : i32
    %mul3A_1032 = arith.muli %mul3A_1031, %arg1 : i32
    %add3A_1033 = arith.constant 63488 : i32
    %add3A_1034 = arith.addi %add3A_1033, %mul3A_1032 : i32
    %multiple_of3A_1035 = tpu.assume_multiple %add3A_1034, 128 : i32
    %dma_start3A_1036 = arith.constant 0 : i32
    %dma_start3A_1037 = tpu.memref_slice %arg3[%dma_start3A_1036, %multiple_of3A_1035] : memref<2x100096xi32, #tpu.memory_space<hbm>> -> memref<2x128xi32, #tpu.memory_space<hbm>>
    %dma_start3A_1038 = arith.constant 0 : i32
    %dma_start3A_1039 = tpu.memref_slice %arg3[%dma_start3A_1038, %multiple_of3A_1035] : memref<2x100096xi32, #tpu.memory_space<hbm>> -> memref<2x128xi32, #tpu.memory_space<hbm>>
    tpu.enqueue_dma source(%dma_start3A_1039 : memref<2x128xi32, #tpu.memory_space<hbm>>) target(%arg7 : memref<2x128xi32, #tpu.memory_space<vmem>>) target_semaphore(%arg14 : memref<!tpu.dma_semaphore, #tpu.memory_space<semaphore_mem>>)
    %dma_wait3A_1040 = arith.constant 0 : i32
    %dma_wait3A_1041 = tpu.memref_slice %arg6[%arg0, %dma_wait3A_1040] : memref<2x128xi32, #tpu.memory_space<vmem>> -> memref<1x128xi32, #tpu.memory_space<vmem>>
    %dma_wait3A_1042 = tpu.memref_squeeze %dma_wait3A_1041 : memref<1x128xi32, #tpu.memory_space<vmem>> -> memref<128xi32, #tpu.memory_space<vmem>>
    %dma_wait3A_1043 = arith.constant 0 : i32
    %dma_wait3A_1044 = arith.constant 0 : i32
    %dma_wait3A_1045 = tpu.memref_slice %arg5[%dma_wait3A_1043, %dma_wait3A_1044] : memref<4096x128xf32, #tpu.memory_space<vmem_shared>> -> memref<4096x128xf32, #tpu.memory_space<vmem_shared>>
    tpu.wait_indirect_dma semaphore(%arg15 : memref<!tpu.dma_semaphore, #tpu.memory_space<semaphore_mem>>) src(%dma_wait3A_1045 : memref<4096x128xf32, #tpu.memory_space<vmem_shared>>) dst(%arg8 : memref<128x128xf32, #tpu.memory_space<vmem>>)
    %mul3A_1046 = arith.constant 128 : i32
    %mul3A_1047 = arith.muli %mul3A_1046, %arg1 : i32
    %add3A_1048 = arith.constant 61440 : i32
    %add3A_1049 = arith.addi %add3A_1048, %mul3A_1047 : i32
    %multiple_of3A_1050 = tpu.assume_multiple %add3A_1049, 128 : i32
    %dma_start3A_1051 = tpu.memref_slice %arg4[%multiple_of3A_1050, %multiple_of3A] : memref<100000x256xf32, #tpu.memory_space<hbm>> -> memref<128x128xf32, #tpu.memory_space<hbm>>
    %dma_start3A_1052 = tpu.memref_slice %arg4[%multiple_of3A_1050, %multiple_of3A] : memref<100000x256xf32, #tpu.memory_space<hbm>> -> memref<128x128xf32, #tpu.memory_space<hbm>>
    tpu.enqueue_dma source(%arg8 : memref<128x128xf32, #tpu.memory_space<vmem>>) target(%dma_start3A_1052 : memref<128x128xf32, #tpu.memory_space<hbm>>) target_semaphore(%arg15 : memref<!tpu.dma_semaphore, #tpu.memory_space<semaphore_mem>>)
    %dma_wait3A_1053 = arith.constant 0 : i32
    %dma_wait3A_1054 = tpu.memref_slice %arg3[%dma_wait3A_1053, %multiple_of3A_1035] : memref<2x100096xi32, #tpu.memory_space<hbm>> -> memref<2x128xi32, #tpu.memory_space<hbm>>
    %dma_wait3A_1055 = arith.constant 0 : i32
    %dma_wait3A_1056 = tpu.memref_slice %arg3[%dma_wait3A_1055, %multiple_of3A_1035] : memref<2x100096xi32, #tpu.memory_space<hbm>> -> memref<2x128xi32, #tpu.memory_space<hbm>>
    tpu.wait_dma2 semaphore(%arg14 : memref<!tpu.dma_semaphore, #tpu.memory_space<semaphore_mem>>) src(%dma_wait3A_1056 : memref<2x128xi32, #tpu.memory_space<hbm>>) dst(%arg7 : memref<2x128xi32, #tpu.memory_space<vmem>>)
    %dma_wait3A_1057 = tpu.memref_slice %arg4[%multiple_of3A_914, %multiple_of3A] : memref<100000x256xf32, #tpu.memory_space<hbm>> -> memref<128x128xf32, #tpu.memory_space<hbm>>
    %dma_wait3A_1058 = tpu.memref_slice %arg4[%multiple_of3A_914, %multiple_of3A] : memref<100000x256xf32, #tpu.memory_space<hbm>> -> memref<128x128xf32, #tpu.memory_space<hbm>>
    tpu.wait_dma2 semaphore(%arg16 : memref<!tpu.dma_semaphore, #tpu.memory_space<semaphore_mem>>) src(%arg9 : memref<128x128xf32, #tpu.memory_space<vmem>>) dst(%dma_wait3A_1058 : memref<128x128xf32, #tpu.memory_space<hbm>>)
    %dma_start3A_1059 = arith.constant 0 : i32
    %dma_start3A_1060 = tpu.memref_slice %arg7[%arg0, %dma_start3A_1059] : memref<2x128xi32, #tpu.memory_space<vmem>> -> memref<1x128xi32, #tpu.memory_space<vmem>>
    %dma_start3A_1061 = tpu.memref_squeeze %dma_start3A_1060 : memref<1x128xi32, #tpu.memory_space<vmem>> -> memref<128xi32, #tpu.memory_space<vmem>>
    %dma_start3A_1062 = arith.constant 0 : i32
    %dma_start3A_1063 = arith.constant 0 : i32
    %dma_start3A_1064 = tpu.memref_slice %arg5[%dma_start3A_1062, %dma_start3A_1063] : memref<4096x128xf32, #tpu.memory_space<vmem_shared>> -> memref<4096x128xf32, #tpu.memory_space<vmem_shared>>
    tpu.enqueue_indirect_dma source(%dma_start3A_1064 : memref<4096x128xf32, #tpu.memory_space<vmem_shared>>) target(%arg9 : memref<128x128xf32, #tpu.memory_space<vmem>>) offsets(%dma_start3A_1061 : memref<128xi32, #tpu.memory_space<vmem>>) semaphore(%arg16 : memref<!tpu.dma_semaphore, #tpu.memory_space<semaphore_mem>>)
    %mul3A_1065 = arith.constant 128 : i32
    %mul3A_1066 = arith.muli %mul3A_1065, %arg1 : i32
    %add3A_1067 = arith.constant 65536 : i32
    %add3A_1068 = arith.addi %add3A_1067, %mul3A_1066 : i32
    %multiple_of3A_1069 = tpu.assume_multiple %add3A_1068, 128 : i32
    %dma_start3A_1070 = arith.constant 0 : i32
    %dma_start3A_1071 = tpu.memref_slice %arg3[%dma_start3A_1070, %multiple_of3A_1069] : memref<2x100096xi32, #tpu.memory_space<hbm>> -> memref<2x128xi32, #tpu.memory_space<hbm>>
    %dma_start3A_1072 = arith.constant 0 : i32
    %dma_start3A_1073 = tpu.memref_slice %arg3[%dma_start3A_1072, %multiple_of3A_1069] : memref<2x100096xi32, #tpu.memory_space<hbm>> -> memref<2x128xi32, #tpu.memory_space<hbm>>
    tpu.enqueue_dma source(%dma_start3A_1073 : memref<2x128xi32, #tpu.memory_space<hbm>>) target(%arg6 : memref<2x128xi32, #tpu.memory_space<vmem>>) target_semaphore(%arg13 : memref<!tpu.dma_semaphore, #tpu.memory_space<semaphore_mem>>)
    %dma_wait3A_1074 = arith.constant 0 : i32
    %dma_wait3A_1075 = tpu.memref_slice %arg7[%arg0, %dma_wait3A_1074] : memref<2x128xi32, #tpu.memory_space<vmem>> -> memref<1x128xi32, #tpu.memory_space<vmem>>
    %dma_wait3A_1076 = tpu.memref_squeeze %dma_wait3A_1075 : memref<1x128xi32, #tpu.memory_space<vmem>> -> memref<128xi32, #tpu.memory_space<vmem>>
    %dma_wait3A_1077 = arith.constant 0 : i32
    %dma_wait3A_1078 = arith.constant 0 : i32
    %dma_wait3A_1079 = tpu.memref_slice %arg5[%dma_wait3A_1077, %dma_wait3A_1078] : memref<4096x128xf32, #tpu.memory_space<vmem_shared>> -> memref<4096x128xf32, #tpu.memory_space<vmem_shared>>
    tpu.wait_indirect_dma semaphore(%arg16 : memref<!tpu.dma_semaphore, #tpu.memory_space<semaphore_mem>>) src(%dma_wait3A_1079 : memref<4096x128xf32, #tpu.memory_space<vmem_shared>>) dst(%arg9 : memref<128x128xf32, #tpu.memory_space<vmem>>)
    %mul3A_1080 = arith.constant 128 : i32
    %mul3A_1081 = arith.muli %mul3A_1080, %arg1 : i32
    %add3A_1082 = arith.constant 63488 : i32
    %add3A_1083 = arith.addi %add3A_1082, %mul3A_1081 : i32
    %multiple_of3A_1084 = tpu.assume_multiple %add3A_1083, 128 : i32
    %dma_start3A_1085 = tpu.memref_slice %arg4[%multiple_of3A_1084, %multiple_of3A] : memref<100000x256xf32, #tpu.memory_space<hbm>> -> memref<128x128xf32, #tpu.memory_space<hbm>>
    %dma_start3A_1086 = tpu.memref_slice %arg4[%multiple_of3A_1084, %multiple_of3A] : memref<100000x256xf32, #tpu.memory_space<hbm>> -> memref<128x128xf32, #tpu.memory_space<hbm>>
    tpu.enqueue_dma source(%arg9 : memref<128x128xf32, #tpu.memory_space<vmem>>) target(%dma_start3A_1086 : memref<128x128xf32, #tpu.memory_space<hbm>>) target_semaphore(%arg16 : memref<!tpu.dma_semaphore, #tpu.memory_space<semaphore_mem>>)
    %dma_wait3A_1087 = arith.constant 0 : i32
    %dma_wait3A_1088 = tpu.memref_slice %arg3[%dma_wait3A_1087, %multiple_of3A_1069] : memref<2x100096xi32, #tpu.memory_space<hbm>> -> memref<2x128xi32, #tpu.memory_space<hbm>>
    %dma_wait3A_1089 = arith.constant 0 : i32
    %dma_wait3A_1090 = tpu.memref_slice %arg3[%dma_wait3A_1089, %multiple_of3A_1069] : memref<2x100096xi32, #tpu.memory_space<hbm>> -> memref<2x128xi32, #tpu.memory_space<hbm>>
    tpu.wait_dma2 semaphore(%arg13 : memref<!tpu.dma_semaphore, #tpu.memory_space<semaphore_mem>>) src(%dma_wait3A_1090 : memref<2x128xi32, #tpu.memory_space<hbm>>) dst(%arg6 : memref<2x128xi32, #tpu.memory_space<vmem>>)
    %dma_wait3A_1091 = tpu.memref_slice %arg4[%multiple_of3A_948, %multiple_of3A] : memref<100000x256xf32, #tpu.memory_space<hbm>> -> memref<128x128xf32, #tpu.memory_space<hbm>>
    %dma_wait3A_1092 = tpu.memref_slice %arg4[%multiple_of3A_948, %multiple_of3A] : memref<100000x256xf32, #tpu.memory_space<hbm>> -> memref<128x128xf32, #tpu.memory_space<hbm>>
    tpu.wait_dma2 semaphore(%arg17 : memref<!tpu.dma_semaphore, #tpu.memory_space<semaphore_mem>>) src(%arg10 : memref<128x128xf32, #tpu.memory_space<vmem>>) dst(%dma_wait3A_1092 : memref<128x128xf32, #tpu.memory_space<hbm>>)
    %dma_start3A_1093 = arith.constant 0 : i32
    %dma_start3A_1094 = tpu.memref_slice %arg6[%arg0, %dma_start3A_1093] : memref<2x128xi32, #tpu.memory_space<vmem>> -> memref<1x128xi32, #tpu.memory_space<vmem>>
    %dma_start3A_1095 = tpu.memref_squeeze %dma_start3A_1094 : memref<1x128xi32, #tpu.memory_space<vmem>> -> memref<128xi32, #tpu.memory_space<vmem>>
    %dma_start3A_1096 = arith.constant 0 : i32
    %dma_start3A_1097 = arith.constant 0 : i32
    %dma_start3A_1098 = tpu.memref_slice %arg5[%dma_start3A_1096, %dma_start3A_1097] : memref<4096x128xf32, #tpu.memory_space<vmem_shared>> -> memref<4096x128xf32, #tpu.memory_space<vmem_shared>>
    tpu.enqueue_indirect_dma source(%dma_start3A_1098 : memref<4096x128xf32, #tpu.memory_space<vmem_shared>>) target(%arg10 : memref<128x128xf32, #tpu.memory_space<vmem>>) offsets(%dma_start3A_1095 : memref<128xi32, #tpu.memory_space<vmem>>) semaphore(%arg17 : memref<!tpu.dma_semaphore, #tpu.memory_space<semaphore_mem>>)
    %mul3A_1099 = arith.constant 128 : i32
    %mul3A_1100 = arith.muli %mul3A_1099, %arg1 : i32
    %add3A_1101 = arith.constant 67584 : i32
    %add3A_1102 = arith.addi %add3A_1101, %mul3A_1100 : i32
    %multiple_of3A_1103 = tpu.assume_multiple %add3A_1102, 128 : i32
    %dma_start3A_1104 = arith.constant 0 : i32
    %dma_start3A_1105 = tpu.memref_slice %arg3[%dma_start3A_1104, %multiple_of3A_1103] : memref<2x100096xi32, #tpu.memory_space<hbm>> -> memref<2x128xi32, #tpu.memory_space<hbm>>
    %dma_start3A_1106 = arith.constant 0 : i32
    %dma_start3A_1107 = tpu.memref_slice %arg3[%dma_start3A_1106, %multiple_of3A_1103] : memref<2x100096xi32, #tpu.memory_space<hbm>> -> memref<2x128xi32, #tpu.memory_space<hbm>>
    tpu.enqueue_dma source(%dma_start3A_1107 : memref<2x128xi32, #tpu.memory_space<hbm>>) target(%arg7 : memref<2x128xi32, #tpu.memory_space<vmem>>) target_semaphore(%arg14 : memref<!tpu.dma_semaphore, #tpu.memory_space<semaphore_mem>>)
    %dma_wait3A_1108 = arith.constant 0 : i32
    %dma_wait3A_1109 = tpu.memref_slice %arg6[%arg0, %dma_wait3A_1108] : memref<2x128xi32, #tpu.memory_space<vmem>> -> memref<1x128xi32, #tpu.memory_space<vmem>>
    %dma_wait3A_1110 = tpu.memref_squeeze %dma_wait3A_1109 : memref<1x128xi32, #tpu.memory_space<vmem>> -> memref<128xi32, #tpu.memory_space<vmem>>
    %dma_wait3A_1111 = arith.constant 0 : i32
    %dma_wait3A_1112 = arith.constant 0 : i32
    %dma_wait3A_1113 = tpu.memref_slice %arg5[%dma_wait3A_1111, %dma_wait3A_1112] : memref<4096x128xf32, #tpu.memory_space<vmem_shared>> -> memref<4096x128xf32, #tpu.memory_space<vmem_shared>>
    tpu.wait_indirect_dma semaphore(%arg17 : memref<!tpu.dma_semaphore, #tpu.memory_space<semaphore_mem>>) src(%dma_wait3A_1113 : memref<4096x128xf32, #tpu.memory_space<vmem_shared>>) dst(%arg10 : memref<128x128xf32, #tpu.memory_space<vmem>>)
    %mul3A_1114 = arith.constant 128 : i32
    %mul3A_1115 = arith.muli %mul3A_1114, %arg1 : i32
    %add3A_1116 = arith.constant 65536 : i32
    %add3A_1117 = arith.addi %add3A_1116, %mul3A_1115 : i32
    %multiple_of3A_1118 = tpu.assume_multiple %add3A_1117, 128 : i32
    %dma_start3A_1119 = tpu.memref_slice %arg4[%multiple_of3A_1118, %multiple_of3A] : memref<100000x256xf32, #tpu.memory_space<hbm>> -> memref<128x128xf32, #tpu.memory_space<hbm>>
    %dma_start3A_1120 = tpu.memref_slice %arg4[%multiple_of3A_1118, %multiple_of3A] : memref<100000x256xf32, #tpu.memory_space<hbm>> -> memref<128x128xf32, #tpu.memory_space<hbm>>
    tpu.enqueue_dma source(%arg10 : memref<128x128xf32, #tpu.memory_space<vmem>>) target(%dma_start3A_1120 : memref<128x128xf32, #tpu.memory_space<hbm>>) target_semaphore(%arg17 : memref<!tpu.dma_semaphore, #tpu.memory_space<semaphore_mem>>)
    %dma_wait3A_1121 = arith.constant 0 : i32
    %dma_wait3A_1122 = tpu.memref_slice %arg3[%dma_wait3A_1121, %multiple_of3A_1103] : memref<2x100096xi32, #tpu.memory_space<hbm>> -> memref<2x128xi32, #tpu.memory_space<hbm>>
    %dma_wait3A_1123 = arith.constant 0 : i32
    %dma_wait3A_1124 = tpu.memref_slice %arg3[%dma_wait3A_1123, %multiple_of3A_1103] : memref<2x100096xi32, #tpu.memory_space<hbm>> -> memref<2x128xi32, #tpu.memory_space<hbm>>
    tpu.wait_dma2 semaphore(%arg14 : memref<!tpu.dma_semaphore, #tpu.memory_space<semaphore_mem>>) src(%dma_wait3A_1124 : memref<2x128xi32, #tpu.memory_space<hbm>>) dst(%arg7 : memref<2x128xi32, #tpu.memory_space<vmem>>)
    %dma_wait3A_1125 = tpu.memref_slice %arg4[%multiple_of3A_982, %multiple_of3A] : memref<100000x256xf32, #tpu.memory_space<hbm>> -> memref<128x128xf32, #tpu.memory_space<hbm>>
    %dma_wait3A_1126 = tpu.memref_slice %arg4[%multiple_of3A_982, %multiple_of3A] : memref<100000x256xf32, #tpu.memory_space<hbm>> -> memref<128x128xf32, #tpu.memory_space<hbm>>
    tpu.wait_dma2 semaphore(%arg18 : memref<!tpu.dma_semaphore, #tpu.memory_space<semaphore_mem>>) src(%arg11 : memref<128x128xf32, #tpu.memory_space<vmem>>) dst(%dma_wait3A_1126 : memref<128x128xf32, #tpu.memory_space<hbm>>)
    %dma_start3A_1127 = arith.constant 0 : i32
    %dma_start3A_1128 = tpu.memref_slice %arg7[%arg0, %dma_start3A_1127] : memref<2x128xi32, #tpu.memory_space<vmem>> -> memref<1x128xi32, #tpu.memory_space<vmem>>
    %dma_start3A_1129 = tpu.memref_squeeze %dma_start3A_1128 : memref<1x128xi32, #tpu.memory_space<vmem>> -> memref<128xi32, #tpu.memory_space<vmem>>
    %dma_start3A_1130 = arith.constant 0 : i32
    %dma_start3A_1131 = arith.constant 0 : i32
    %dma_start3A_1132 = tpu.memref_slice %arg5[%dma_start3A_1130, %dma_start3A_1131] : memref<4096x128xf32, #tpu.memory_space<vmem_shared>> -> memref<4096x128xf32, #tpu.memory_space<vmem_shared>>
    tpu.enqueue_indirect_dma source(%dma_start3A_1132 : memref<4096x128xf32, #tpu.memory_space<vmem_shared>>) target(%arg11 : memref<128x128xf32, #tpu.memory_space<vmem>>) offsets(%dma_start3A_1129 : memref<128xi32, #tpu.memory_space<vmem>>) semaphore(%arg18 : memref<!tpu.dma_semaphore, #tpu.memory_space<semaphore_mem>>)
    %mul3A_1133 = arith.constant 128 : i32
    %mul3A_1134 = arith.muli %mul3A_1133, %arg1 : i32
    %add3A_1135 = arith.constant 69632 : i32
    %add3A_1136 = arith.addi %add3A_1135, %mul3A_1134 : i32
    %multiple_of3A_1137 = tpu.assume_multiple %add3A_1136, 128 : i32
    %dma_start3A_1138 = arith.constant 0 : i32
    %dma_start3A_1139 = tpu.memref_slice %arg3[%dma_start3A_1138, %multiple_of3A_1137] : memref<2x100096xi32, #tpu.memory_space<hbm>> -> memref<2x128xi32, #tpu.memory_space<hbm>>
    %dma_start3A_1140 = arith.constant 0 : i32
    %dma_start3A_1141 = tpu.memref_slice %arg3[%dma_start3A_1140, %multiple_of3A_1137] : memref<2x100096xi32, #tpu.memory_space<hbm>> -> memref<2x128xi32, #tpu.memory_space<hbm>>
    tpu.enqueue_dma source(%dma_start3A_1141 : memref<2x128xi32, #tpu.memory_space<hbm>>) target(%arg6 : memref<2x128xi32, #tpu.memory_space<vmem>>) target_semaphore(%arg13 : memref<!tpu.dma_semaphore, #tpu.memory_space<semaphore_mem>>)
    %dma_wait3A_1142 = arith.constant 0 : i32
    %dma_wait3A_1143 = tpu.memref_slice %arg7[%arg0, %dma_wait3A_1142] : memref<2x128xi32, #tpu.memory_space<vmem>> -> memref<1x128xi32, #tpu.memory_space<vmem>>
    %dma_wait3A_1144 = tpu.memref_squeeze %dma_wait3A_1143 : memref<1x128xi32, #tpu.memory_space<vmem>> -> memref<128xi32, #tpu.memory_space<vmem>>
    %dma_wait3A_1145 = arith.constant 0 : i32
    %dma_wait3A_1146 = arith.constant 0 : i32
    %dma_wait3A_1147 = tpu.memref_slice %arg5[%dma_wait3A_1145, %dma_wait3A_1146] : memref<4096x128xf32, #tpu.memory_space<vmem_shared>> -> memref<4096x128xf32, #tpu.memory_space<vmem_shared>>
    tpu.wait_indirect_dma semaphore(%arg18 : memref<!tpu.dma_semaphore, #tpu.memory_space<semaphore_mem>>) src(%dma_wait3A_1147 : memref<4096x128xf32, #tpu.memory_space<vmem_shared>>) dst(%arg11 : memref<128x128xf32, #tpu.memory_space<vmem>>)
    %mul3A_1148 = arith.constant 128 : i32
    %mul3A_1149 = arith.muli %mul3A_1148, %arg1 : i32
    %add3A_1150 = arith.constant 67584 : i32
    %add3A_1151 = arith.addi %add3A_1150, %mul3A_1149 : i32
    %multiple_of3A_1152 = tpu.assume_multiple %add3A_1151, 128 : i32
    %dma_start3A_1153 = tpu.memref_slice %arg4[%multiple_of3A_1152, %multiple_of3A] : memref<100000x256xf32, #tpu.memory_space<hbm>> -> memref<128x128xf32, #tpu.memory_space<hbm>>
    %dma_start3A_1154 = tpu.memref_slice %arg4[%multiple_of3A_1152, %multiple_of3A] : memref<100000x256xf32, #tpu.memory_space<hbm>> -> memref<128x128xf32, #tpu.memory_space<hbm>>
    tpu.enqueue_dma source(%arg11 : memref<128x128xf32, #tpu.memory_space<vmem>>) target(%dma_start3A_1154 : memref<128x128xf32, #tpu.memory_space<hbm>>) target_semaphore(%arg18 : memref<!tpu.dma_semaphore, #tpu.memory_space<semaphore_mem>>)
    %dma_wait3A_1155 = arith.constant 0 : i32
    %dma_wait3A_1156 = tpu.memref_slice %arg3[%dma_wait3A_1155, %multiple_of3A_1137] : memref<2x100096xi32, #tpu.memory_space<hbm>> -> memref<2x128xi32, #tpu.memory_space<hbm>>
    %dma_wait3A_1157 = arith.constant 0 : i32
    %dma_wait3A_1158 = tpu.memref_slice %arg3[%dma_wait3A_1157, %multiple_of3A_1137] : memref<2x100096xi32, #tpu.memory_space<hbm>> -> memref<2x128xi32, #tpu.memory_space<hbm>>
    tpu.wait_dma2 semaphore(%arg13 : memref<!tpu.dma_semaphore, #tpu.memory_space<semaphore_mem>>) src(%dma_wait3A_1158 : memref<2x128xi32, #tpu.memory_space<hbm>>) dst(%arg6 : memref<2x128xi32, #tpu.memory_space<vmem>>)
    %dma_wait3A_1159 = tpu.memref_slice %arg4[%multiple_of3A_1016, %multiple_of3A] : memref<100000x256xf32, #tpu.memory_space<hbm>> -> memref<128x128xf32, #tpu.memory_space<hbm>>
    %dma_wait3A_1160 = tpu.memref_slice %arg4[%multiple_of3A_1016, %multiple_of3A] : memref<100000x256xf32, #tpu.memory_space<hbm>> -> memref<128x128xf32, #tpu.memory_space<hbm>>
    tpu.wait_dma2 semaphore(%arg19 : memref<!tpu.dma_semaphore, #tpu.memory_space<semaphore_mem>>) src(%arg12 : memref<128x128xf32, #tpu.memory_space<vmem>>) dst(%dma_wait3A_1160 : memref<128x128xf32, #tpu.memory_space<hbm>>)
    %dma_start3A_1161 = arith.constant 0 : i32
    %dma_start3A_1162 = tpu.memref_slice %arg6[%arg0, %dma_start3A_1161] : memref<2x128xi32, #tpu.memory_space<vmem>> -> memref<1x128xi32, #tpu.memory_space<vmem>>
    %dma_start3A_1163 = tpu.memref_squeeze %dma_start3A_1162 : memref<1x128xi32, #tpu.memory_space<vmem>> -> memref<128xi32, #tpu.memory_space<vmem>>
    %dma_start3A_1164 = arith.constant 0 : i32
    %dma_start3A_1165 = arith.constant 0 : i32
    %dma_start3A_1166 = tpu.memref_slice %arg5[%dma_start3A_1164, %dma_start3A_1165] : memref<4096x128xf32, #tpu.memory_space<vmem_shared>> -> memref<4096x128xf32, #tpu.memory_space<vmem_shared>>
    tpu.enqueue_indirect_dma source(%dma_start3A_1166 : memref<4096x128xf32, #tpu.memory_space<vmem_shared>>) target(%arg12 : memref<128x128xf32, #tpu.memory_space<vmem>>) offsets(%dma_start3A_1163 : memref<128xi32, #tpu.memory_space<vmem>>) semaphore(%arg19 : memref<!tpu.dma_semaphore, #tpu.memory_space<semaphore_mem>>)
    %mul3A_1167 = arith.constant 128 : i32
    %mul3A_1168 = arith.muli %mul3A_1167, %arg1 : i32
    %add3A_1169 = arith.constant 71680 : i32
    %add3A_1170 = arith.addi %add3A_1169, %mul3A_1168 : i32
    %multiple_of3A_1171 = tpu.assume_multiple %add3A_1170, 128 : i32
    %dma_start3A_1172 = arith.constant 0 : i32
    %dma_start3A_1173 = tpu.memref_slice %arg3[%dma_start3A_1172, %multiple_of3A_1171] : memref<2x100096xi32, #tpu.memory_space<hbm>> -> memref<2x128xi32, #tpu.memory_space<hbm>>
    %dma_start3A_1174 = arith.constant 0 : i32
    %dma_start3A_1175 = tpu.memref_slice %arg3[%dma_start3A_1174, %multiple_of3A_1171] : memref<2x100096xi32, #tpu.memory_space<hbm>> -> memref<2x128xi32, #tpu.memory_space<hbm>>
    tpu.enqueue_dma source(%dma_start3A_1175 : memref<2x128xi32, #tpu.memory_space<hbm>>) target(%arg7 : memref<2x128xi32, #tpu.memory_space<vmem>>) target_semaphore(%arg14 : memref<!tpu.dma_semaphore, #tpu.memory_space<semaphore_mem>>)
    %dma_wait3A_1176 = arith.constant 0 : i32
    %dma_wait3A_1177 = tpu.memref_slice %arg6[%arg0, %dma_wait3A_1176] : memref<2x128xi32, #tpu.memory_space<vmem>> -> memref<1x128xi32, #tpu.memory_space<vmem>>
    %dma_wait3A_1178 = tpu.memref_squeeze %dma_wait3A_1177 : memref<1x128xi32, #tpu.memory_space<vmem>> -> memref<128xi32, #tpu.memory_space<vmem>>
    %dma_wait3A_1179 = arith.constant 0 : i32
    %dma_wait3A_1180 = arith.constant 0 : i32
    %dma_wait3A_1181 = tpu.memref_slice %arg5[%dma_wait3A_1179, %dma_wait3A_1180] : memref<4096x128xf32, #tpu.memory_space<vmem_shared>> -> memref<4096x128xf32, #tpu.memory_space<vmem_shared>>
    tpu.wait_indirect_dma semaphore(%arg19 : memref<!tpu.dma_semaphore, #tpu.memory_space<semaphore_mem>>) src(%dma_wait3A_1181 : memref<4096x128xf32, #tpu.memory_space<vmem_shared>>) dst(%arg12 : memref<128x128xf32, #tpu.memory_space<vmem>>)
    %mul3A_1182 = arith.constant 128 : i32
    %mul3A_1183 = arith.muli %mul3A_1182, %arg1 : i32
    %add3A_1184 = arith.constant 69632 : i32
    %add3A_1185 = arith.addi %add3A_1184, %mul3A_1183 : i32
    %multiple_of3A_1186 = tpu.assume_multiple %add3A_1185, 128 : i32
    %dma_start3A_1187 = tpu.memref_slice %arg4[%multiple_of3A_1186, %multiple_of3A] : memref<100000x256xf32, #tpu.memory_space<hbm>> -> memref<128x128xf32, #tpu.memory_space<hbm>>
    %dma_start3A_1188 = tpu.memref_slice %arg4[%multiple_of3A_1186, %multiple_of3A] : memref<100000x256xf32, #tpu.memory_space<hbm>> -> memref<128x128xf32, #tpu.memory_space<hbm>>
    tpu.enqueue_dma source(%arg12 : memref<128x128xf32, #tpu.memory_space<vmem>>) target(%dma_start3A_1188 : memref<128x128xf32, #tpu.memory_space<hbm>>) target_semaphore(%arg19 : memref<!tpu.dma_semaphore, #tpu.memory_space<semaphore_mem>>)
    %dma_wait3A_1189 = arith.constant 0 : i32
    %dma_wait3A_1190 = tpu.memref_slice %arg3[%dma_wait3A_1189, %multiple_of3A_1171] : memref<2x100096xi32, #tpu.memory_space<hbm>> -> memref<2x128xi32, #tpu.memory_space<hbm>>
    %dma_wait3A_1191 = arith.constant 0 : i32
    %dma_wait3A_1192 = tpu.memref_slice %arg3[%dma_wait3A_1191, %multiple_of3A_1171] : memref<2x100096xi32, #tpu.memory_space<hbm>> -> memref<2x128xi32, #tpu.memory_space<hbm>>
    tpu.wait_dma2 semaphore(%arg14 : memref<!tpu.dma_semaphore, #tpu.memory_space<semaphore_mem>>) src(%dma_wait3A_1192 : memref<2x128xi32, #tpu.memory_space<hbm>>) dst(%arg7 : memref<2x128xi32, #tpu.memory_space<vmem>>)
    %dma_wait3A_1193 = tpu.memref_slice %arg4[%multiple_of3A_1050, %multiple_of3A] : memref<100000x256xf32, #tpu.memory_space<hbm>> -> memref<128x128xf32, #tpu.memory_space<hbm>>
    %dma_wait3A_1194 = tpu.memref_slice %arg4[%multiple_of3A_1050, %multiple_of3A] : memref<100000x256xf32, #tpu.memory_space<hbm>> -> memref<128x128xf32, #tpu.memory_space<hbm>>
    tpu.wait_dma2 semaphore(%arg15 : memref<!tpu.dma_semaphore, #tpu.memory_space<semaphore_mem>>) src(%arg8 : memref<128x128xf32, #tpu.memory_space<vmem>>) dst(%dma_wait3A_1194 : memref<128x128xf32, #tpu.memory_space<hbm>>)
    %dma_start3A_1195 = arith.constant 0 : i32
    %dma_start3A_1196 = tpu.memref_slice %arg7[%arg0, %dma_start3A_1195] : memref<2x128xi32, #tpu.memory_space<vmem>> -> memref<1x128xi32, #tpu.memory_space<vmem>>
    %dma_start3A_1197 = tpu.memref_squeeze %dma_start3A_1196 : memref<1x128xi32, #tpu.memory_space<vmem>> -> memref<128xi32, #tpu.memory_space<vmem>>
    %dma_start3A_1198 = arith.constant 0 : i32
    %dma_start3A_1199 = arith.constant 0 : i32
    %dma_start3A_1200 = tpu.memref_slice %arg5[%dma_start3A_1198, %dma_start3A_1199] : memref<4096x128xf32, #tpu.memory_space<vmem_shared>> -> memref<4096x128xf32, #tpu.memory_space<vmem_shared>>
    tpu.enqueue_indirect_dma source(%dma_start3A_1200 : memref<4096x128xf32, #tpu.memory_space<vmem_shared>>) target(%arg8 : memref<128x128xf32, #tpu.memory_space<vmem>>) offsets(%dma_start3A_1197 : memref<128xi32, #tpu.memory_space<vmem>>) semaphore(%arg15 : memref<!tpu.dma_semaphore, #tpu.memory_space<semaphore_mem>>)
    %mul3A_1201 = arith.constant 128 : i32
    %mul3A_1202 = arith.muli %mul3A_1201, %arg1 : i32
    %add3A_1203 = arith.constant 73728 : i32
    %add3A_1204 = arith.addi %add3A_1203, %mul3A_1202 : i32
    %multiple_of3A_1205 = tpu.assume_multiple %add3A_1204, 128 : i32
    %dma_start3A_1206 = arith.constant 0 : i32
    %dma_start3A_1207 = tpu.memref_slice %arg3[%dma_start3A_1206, %multiple_of3A_1205] : memref<2x100096xi32, #tpu.memory_space<hbm>> -> memref<2x128xi32, #tpu.memory_space<hbm>>
    %dma_start3A_1208 = arith.constant 0 : i32
    %dma_start3A_1209 = tpu.memref_slice %arg3[%dma_start3A_1208, %multiple_of3A_1205] : memref<2x100096xi32, #tpu.memory_space<hbm>> -> memref<2x128xi32, #tpu.memory_space<hbm>>
    tpu.enqueue_dma source(%dma_start3A_1209 : memref<2x128xi32, #tpu.memory_space<hbm>>) target(%arg6 : memref<2x128xi32, #tpu.memory_space<vmem>>) target_semaphore(%arg13 : memref<!tpu.dma_semaphore, #tpu.memory_space<semaphore_mem>>)
    %dma_wait3A_1210 = arith.constant 0 : i32
    %dma_wait3A_1211 = tpu.memref_slice %arg7[%arg0, %dma_wait3A_1210] : memref<2x128xi32, #tpu.memory_space<vmem>> -> memref<1x128xi32, #tpu.memory_space<vmem>>
    %dma_wait3A_1212 = tpu.memref_squeeze %dma_wait3A_1211 : memref<1x128xi32, #tpu.memory_space<vmem>> -> memref<128xi32, #tpu.memory_space<vmem>>
    %dma_wait3A_1213 = arith.constant 0 : i32
    %dma_wait3A_1214 = arith.constant 0 : i32
    %dma_wait3A_1215 = tpu.memref_slice %arg5[%dma_wait3A_1213, %dma_wait3A_1214] : memref<4096x128xf32, #tpu.memory_space<vmem_shared>> -> memref<4096x128xf32, #tpu.memory_space<vmem_shared>>
    tpu.wait_indirect_dma semaphore(%arg15 : memref<!tpu.dma_semaphore, #tpu.memory_space<semaphore_mem>>) src(%dma_wait3A_1215 : memref<4096x128xf32, #tpu.memory_space<vmem_shared>>) dst(%arg8 : memref<128x128xf32, #tpu.memory_space<vmem>>)
    %mul3A_1216 = arith.constant 128 : i32
    %mul3A_1217 = arith.muli %mul3A_1216, %arg1 : i32
    %add3A_1218 = arith.constant 71680 : i32
    %add3A_1219 = arith.addi %add3A_1218, %mul3A_1217 : i32
    %multiple_of3A_1220 = tpu.assume_multiple %add3A_1219, 128 : i32
    %dma_start3A_1221 = tpu.memref_slice %arg4[%multiple_of3A_1220, %multiple_of3A] : memref<100000x256xf32, #tpu.memory_space<hbm>> -> memref<128x128xf32, #tpu.memory_space<hbm>>
    %dma_start3A_1222 = tpu.memref_slice %arg4[%multiple_of3A_1220, %multiple_of3A] : memref<100000x256xf32, #tpu.memory_space<hbm>> -> memref<128x128xf32, #tpu.memory_space<hbm>>
    tpu.enqueue_dma source(%arg8 : memref<128x128xf32, #tpu.memory_space<vmem>>) target(%dma_start3A_1222 : memref<128x128xf32, #tpu.memory_space<hbm>>) target_semaphore(%arg15 : memref<!tpu.dma_semaphore, #tpu.memory_space<semaphore_mem>>)
    %dma_wait3A_1223 = arith.constant 0 : i32
    %dma_wait3A_1224 = tpu.memref_slice %arg3[%dma_wait3A_1223, %multiple_of3A_1205] : memref<2x100096xi32, #tpu.memory_space<hbm>> -> memref<2x128xi32, #tpu.memory_space<hbm>>
    %dma_wait3A_1225 = arith.constant 0 : i32
    %dma_wait3A_1226 = tpu.memref_slice %arg3[%dma_wait3A_1225, %multiple_of3A_1205] : memref<2x100096xi32, #tpu.memory_space<hbm>> -> memref<2x128xi32, #tpu.memory_space<hbm>>
    tpu.wait_dma2 semaphore(%arg13 : memref<!tpu.dma_semaphore, #tpu.memory_space<semaphore_mem>>) src(%dma_wait3A_1226 : memref<2x128xi32, #tpu.memory_space<hbm>>) dst(%arg6 : memref<2x128xi32, #tpu.memory_space<vmem>>)
    %dma_wait3A_1227 = tpu.memref_slice %arg4[%multiple_of3A_1084, %multiple_of3A] : memref<100000x256xf32, #tpu.memory_space<hbm>> -> memref<128x128xf32, #tpu.memory_space<hbm>>
    %dma_wait3A_1228 = tpu.memref_slice %arg4[%multiple_of3A_1084, %multiple_of3A] : memref<100000x256xf32, #tpu.memory_space<hbm>> -> memref<128x128xf32, #tpu.memory_space<hbm>>
    tpu.wait_dma2 semaphore(%arg16 : memref<!tpu.dma_semaphore, #tpu.memory_space<semaphore_mem>>) src(%arg9 : memref<128x128xf32, #tpu.memory_space<vmem>>) dst(%dma_wait3A_1228 : memref<128x128xf32, #tpu.memory_space<hbm>>)
    %dma_start3A_1229 = arith.constant 0 : i32
    %dma_start3A_1230 = tpu.memref_slice %arg6[%arg0, %dma_start3A_1229] : memref<2x128xi32, #tpu.memory_space<vmem>> -> memref<1x128xi32, #tpu.memory_space<vmem>>
    %dma_start3A_1231 = tpu.memref_squeeze %dma_start3A_1230 : memref<1x128xi32, #tpu.memory_space<vmem>> -> memref<128xi32, #tpu.memory_space<vmem>>
    %dma_start3A_1232 = arith.constant 0 : i32
    %dma_start3A_1233 = arith.constant 0 : i32
    %dma_start3A_1234 = tpu.memref_slice %arg5[%dma_start3A_1232, %dma_start3A_1233] : memref<4096x128xf32, #tpu.memory_space<vmem_shared>> -> memref<4096x128xf32, #tpu.memory_space<vmem_shared>>
    tpu.enqueue_indirect_dma source(%dma_start3A_1234 : memref<4096x128xf32, #tpu.memory_space<vmem_shared>>) target(%arg9 : memref<128x128xf32, #tpu.memory_space<vmem>>) offsets(%dma_start3A_1231 : memref<128xi32, #tpu.memory_space<vmem>>) semaphore(%arg16 : memref<!tpu.dma_semaphore, #tpu.memory_space<semaphore_mem>>)
    %mul3A_1235 = arith.constant 128 : i32
    %mul3A_1236 = arith.muli %mul3A_1235, %arg1 : i32
    %add3A_1237 = arith.constant 75776 : i32
    %add3A_1238 = arith.addi %add3A_1237, %mul3A_1236 : i32
    %multiple_of3A_1239 = tpu.assume_multiple %add3A_1238, 128 : i32
    %dma_start3A_1240 = arith.constant 0 : i32
    %dma_start3A_1241 = tpu.memref_slice %arg3[%dma_start3A_1240, %multiple_of3A_1239] : memref<2x100096xi32, #tpu.memory_space<hbm>> -> memref<2x128xi32, #tpu.memory_space<hbm>>
    %dma_start3A_1242 = arith.constant 0 : i32
    %dma_start3A_1243 = tpu.memref_slice %arg3[%dma_start3A_1242, %multiple_of3A_1239] : memref<2x100096xi32, #tpu.memory_space<hbm>> -> memref<2x128xi32, #tpu.memory_space<hbm>>
    tpu.enqueue_dma source(%dma_start3A_1243 : memref<2x128xi32, #tpu.memory_space<hbm>>) target(%arg7 : memref<2x128xi32, #tpu.memory_space<vmem>>) target_semaphore(%arg14 : memref<!tpu.dma_semaphore, #tpu.memory_space<semaphore_mem>>)
    %dma_wait3A_1244 = arith.constant 0 : i32
    %dma_wait3A_1245 = tpu.memref_slice %arg6[%arg0, %dma_wait3A_1244] : memref<2x128xi32, #tpu.memory_space<vmem>> -> memref<1x128xi32, #tpu.memory_space<vmem>>
    %dma_wait3A_1246 = tpu.memref_squeeze %dma_wait3A_1245 : memref<1x128xi32, #tpu.memory_space<vmem>> -> memref<128xi32, #tpu.memory_space<vmem>>
    %dma_wait3A_1247 = arith.constant 0 : i32
    %dma_wait3A_1248 = arith.constant 0 : i32
    %dma_wait3A_1249 = tpu.memref_slice %arg5[%dma_wait3A_1247, %dma_wait3A_1248] : memref<4096x128xf32, #tpu.memory_space<vmem_shared>> -> memref<4096x128xf32, #tpu.memory_space<vmem_shared>>
    tpu.wait_indirect_dma semaphore(%arg16 : memref<!tpu.dma_semaphore, #tpu.memory_space<semaphore_mem>>) src(%dma_wait3A_1249 : memref<4096x128xf32, #tpu.memory_space<vmem_shared>>) dst(%arg9 : memref<128x128xf32, #tpu.memory_space<vmem>>)
    %mul3A_1250 = arith.constant 128 : i32
    %mul3A_1251 = arith.muli %mul3A_1250, %arg1 : i32
    %add3A_1252 = arith.constant 73728 : i32
    %add3A_1253 = arith.addi %add3A_1252, %mul3A_1251 : i32
    %multiple_of3A_1254 = tpu.assume_multiple %add3A_1253, 128 : i32
    %dma_start3A_1255 = tpu.memref_slice %arg4[%multiple_of3A_1254, %multiple_of3A] : memref<100000x256xf32, #tpu.memory_space<hbm>> -> memref<128x128xf32, #tpu.memory_space<hbm>>
    %dma_start3A_1256 = tpu.memref_slice %arg4[%multiple_of3A_1254, %multiple_of3A] : memref<100000x256xf32, #tpu.memory_space<hbm>> -> memref<128x128xf32, #tpu.memory_space<hbm>>
    tpu.enqueue_dma source(%arg9 : memref<128x128xf32, #tpu.memory_space<vmem>>) target(%dma_start3A_1256 : memref<128x128xf32, #tpu.memory_space<hbm>>) target_semaphore(%arg16 : memref<!tpu.dma_semaphore, #tpu.memory_space<semaphore_mem>>)
    %dma_wait3A_1257 = arith.constant 0 : i32
    %dma_wait3A_1258 = tpu.memref_slice %arg3[%dma_wait3A_1257, %multiple_of3A_1239] : memref<2x100096xi32, #tpu.memory_space<hbm>> -> memref<2x128xi32, #tpu.memory_space<hbm>>
    %dma_wait3A_1259 = arith.constant 0 : i32
    %dma_wait3A_1260 = tpu.memref_slice %arg3[%dma_wait3A_1259, %multiple_of3A_1239] : memref<2x100096xi32, #tpu.memory_space<hbm>> -> memref<2x128xi32, #tpu.memory_space<hbm>>
    tpu.wait_dma2 semaphore(%arg14 : memref<!tpu.dma_semaphore, #tpu.memory_space<semaphore_mem>>) src(%dma_wait3A_1260 : memref<2x128xi32, #tpu.memory_space<hbm>>) dst(%arg7 : memref<2x128xi32, #tpu.memory_space<vmem>>)
    %dma_wait3A_1261 = tpu.memref_slice %arg4[%multiple_of3A_1118, %multiple_of3A] : memref<100000x256xf32, #tpu.memory_space<hbm>> -> memref<128x128xf32, #tpu.memory_space<hbm>>
    %dma_wait3A_1262 = tpu.memref_slice %arg4[%multiple_of3A_1118, %multiple_of3A] : memref<100000x256xf32, #tpu.memory_space<hbm>> -> memref<128x128xf32, #tpu.memory_space<hbm>>
    tpu.wait_dma2 semaphore(%arg17 : memref<!tpu.dma_semaphore, #tpu.memory_space<semaphore_mem>>) src(%arg10 : memref<128x128xf32, #tpu.memory_space<vmem>>) dst(%dma_wait3A_1262 : memref<128x128xf32, #tpu.memory_space<hbm>>)
    %dma_start3A_1263 = arith.constant 0 : i32
    %dma_start3A_1264 = tpu.memref_slice %arg7[%arg0, %dma_start3A_1263] : memref<2x128xi32, #tpu.memory_space<vmem>> -> memref<1x128xi32, #tpu.memory_space<vmem>>
    %dma_start3A_1265 = tpu.memref_squeeze %dma_start3A_1264 : memref<1x128xi32, #tpu.memory_space<vmem>> -> memref<128xi32, #tpu.memory_space<vmem>>
    %dma_start3A_1266 = arith.constant 0 : i32
    %dma_start3A_1267 = arith.constant 0 : i32
    %dma_start3A_1268 = tpu.memref_slice %arg5[%dma_start3A_1266, %dma_start3A_1267] : memref<4096x128xf32, #tpu.memory_space<vmem_shared>> -> memref<4096x128xf32, #tpu.memory_space<vmem_shared>>
    tpu.enqueue_indirect_dma source(%dma_start3A_1268 : memref<4096x128xf32, #tpu.memory_space<vmem_shared>>) target(%arg10 : memref<128x128xf32, #tpu.memory_space<vmem>>) offsets(%dma_start3A_1265 : memref<128xi32, #tpu.memory_space<vmem>>) semaphore(%arg17 : memref<!tpu.dma_semaphore, #tpu.memory_space<semaphore_mem>>)
    %mul3A_1269 = arith.constant 128 : i32
    %mul3A_1270 = arith.muli %mul3A_1269, %arg1 : i32
    %add3A_1271 = arith.constant 77824 : i32
    %add3A_1272 = arith.addi %add3A_1271, %mul3A_1270 : i32
    %multiple_of3A_1273 = tpu.assume_multiple %add3A_1272, 128 : i32
    %dma_start3A_1274 = arith.constant 0 : i32
    %dma_start3A_1275 = tpu.memref_slice %arg3[%dma_start3A_1274, %multiple_of3A_1273] : memref<2x100096xi32, #tpu.memory_space<hbm>> -> memref<2x128xi32, #tpu.memory_space<hbm>>
    %dma_start3A_1276 = arith.constant 0 : i32
    %dma_start3A_1277 = tpu.memref_slice %arg3[%dma_start3A_1276, %multiple_of3A_1273] : memref<2x100096xi32, #tpu.memory_space<hbm>> -> memref<2x128xi32, #tpu.memory_space<hbm>>
    tpu.enqueue_dma source(%dma_start3A_1277 : memref<2x128xi32, #tpu.memory_space<hbm>>) target(%arg6 : memref<2x128xi32, #tpu.memory_space<vmem>>) target_semaphore(%arg13 : memref<!tpu.dma_semaphore, #tpu.memory_space<semaphore_mem>>)
    %dma_wait3A_1278 = arith.constant 0 : i32
    %dma_wait3A_1279 = tpu.memref_slice %arg7[%arg0, %dma_wait3A_1278] : memref<2x128xi32, #tpu.memory_space<vmem>> -> memref<1x128xi32, #tpu.memory_space<vmem>>
    %dma_wait3A_1280 = tpu.memref_squeeze %dma_wait3A_1279 : memref<1x128xi32, #tpu.memory_space<vmem>> -> memref<128xi32, #tpu.memory_space<vmem>>
    %dma_wait3A_1281 = arith.constant 0 : i32
    %dma_wait3A_1282 = arith.constant 0 : i32
    %dma_wait3A_1283 = tpu.memref_slice %arg5[%dma_wait3A_1281, %dma_wait3A_1282] : memref<4096x128xf32, #tpu.memory_space<vmem_shared>> -> memref<4096x128xf32, #tpu.memory_space<vmem_shared>>
    tpu.wait_indirect_dma semaphore(%arg17 : memref<!tpu.dma_semaphore, #tpu.memory_space<semaphore_mem>>) src(%dma_wait3A_1283 : memref<4096x128xf32, #tpu.memory_space<vmem_shared>>) dst(%arg10 : memref<128x128xf32, #tpu.memory_space<vmem>>)
    %mul3A_1284 = arith.constant 128 : i32
    %mul3A_1285 = arith.muli %mul3A_1284, %arg1 : i32
    %add3A_1286 = arith.constant 75776 : i32
    %add3A_1287 = arith.addi %add3A_1286, %mul3A_1285 : i32
    %multiple_of3A_1288 = tpu.assume_multiple %add3A_1287, 128 : i32
    %dma_start3A_1289 = tpu.memref_slice %arg4[%multiple_of3A_1288, %multiple_of3A] : memref<100000x256xf32, #tpu.memory_space<hbm>> -> memref<128x128xf32, #tpu.memory_space<hbm>>
    %dma_start3A_1290 = tpu.memref_slice %arg4[%multiple_of3A_1288, %multiple_of3A] : memref<100000x256xf32, #tpu.memory_space<hbm>> -> memref<128x128xf32, #tpu.memory_space<hbm>>
    tpu.enqueue_dma source(%arg10 : memref<128x128xf32, #tpu.memory_space<vmem>>) target(%dma_start3A_1290 : memref<128x128xf32, #tpu.memory_space<hbm>>) target_semaphore(%arg17 : memref<!tpu.dma_semaphore, #tpu.memory_space<semaphore_mem>>)
    %dma_wait3A_1291 = arith.constant 0 : i32
    %dma_wait3A_1292 = tpu.memref_slice %arg3[%dma_wait3A_1291, %multiple_of3A_1273] : memref<2x100096xi32, #tpu.memory_space<hbm>> -> memref<2x128xi32, #tpu.memory_space<hbm>>
    %dma_wait3A_1293 = arith.constant 0 : i32
    %dma_wait3A_1294 = tpu.memref_slice %arg3[%dma_wait3A_1293, %multiple_of3A_1273] : memref<2x100096xi32, #tpu.memory_space<hbm>> -> memref<2x128xi32, #tpu.memory_space<hbm>>
    tpu.wait_dma2 semaphore(%arg13 : memref<!tpu.dma_semaphore, #tpu.memory_space<semaphore_mem>>) src(%dma_wait3A_1294 : memref<2x128xi32, #tpu.memory_space<hbm>>) dst(%arg6 : memref<2x128xi32, #tpu.memory_space<vmem>>)
    %dma_wait3A_1295 = tpu.memref_slice %arg4[%multiple_of3A_1152, %multiple_of3A] : memref<100000x256xf32, #tpu.memory_space<hbm>> -> memref<128x128xf32, #tpu.memory_space<hbm>>
    %dma_wait3A_1296 = tpu.memref_slice %arg4[%multiple_of3A_1152, %multiple_of3A] : memref<100000x256xf32, #tpu.memory_space<hbm>> -> memref<128x128xf32, #tpu.memory_space<hbm>>
    tpu.wait_dma2 semaphore(%arg18 : memref<!tpu.dma_semaphore, #tpu.memory_space<semaphore_mem>>) src(%arg11 : memref<128x128xf32, #tpu.memory_space<vmem>>) dst(%dma_wait3A_1296 : memref<128x128xf32, #tpu.memory_space<hbm>>)
    %dma_start3A_1297 = arith.constant 0 : i32
    %dma_start3A_1298 = tpu.memref_slice %arg6[%arg0, %dma_start3A_1297] : memref<2x128xi32, #tpu.memory_space<vmem>> -> memref<1x128xi32, #tpu.memory_space<vmem>>
    %dma_start3A_1299 = tpu.memref_squeeze %dma_start3A_1298 : memref<1x128xi32, #tpu.memory_space<vmem>> -> memref<128xi32, #tpu.memory_space<vmem>>
    %dma_start3A_1300 = arith.constant 0 : i32
    %dma_start3A_1301 = arith.constant 0 : i32
    %dma_start3A_1302 = tpu.memref_slice %arg5[%dma_start3A_1300, %dma_start3A_1301] : memref<4096x128xf32, #tpu.memory_space<vmem_shared>> -> memref<4096x128xf32, #tpu.memory_space<vmem_shared>>
    tpu.enqueue_indirect_dma source(%dma_start3A_1302 : memref<4096x128xf32, #tpu.memory_space<vmem_shared>>) target(%arg11 : memref<128x128xf32, #tpu.memory_space<vmem>>) offsets(%dma_start3A_1299 : memref<128xi32, #tpu.memory_space<vmem>>) semaphore(%arg18 : memref<!tpu.dma_semaphore, #tpu.memory_space<semaphore_mem>>)
    %mul3A_1303 = arith.constant 128 : i32
    %mul3A_1304 = arith.muli %mul3A_1303, %arg1 : i32
    %add3A_1305 = arith.constant 79872 : i32
    %add3A_1306 = arith.addi %add3A_1305, %mul3A_1304 : i32
    %multiple_of3A_1307 = tpu.assume_multiple %add3A_1306, 128 : i32
    %dma_start3A_1308 = arith.constant 0 : i32
    %dma_start3A_1309 = tpu.memref_slice %arg3[%dma_start3A_1308, %multiple_of3A_1307] : memref<2x100096xi32, #tpu.memory_space<hbm>> -> memref<2x128xi32, #tpu.memory_space<hbm>>
    %dma_start3A_1310 = arith.constant 0 : i32
    %dma_start3A_1311 = tpu.memref_slice %arg3[%dma_start3A_1310, %multiple_of3A_1307] : memref<2x100096xi32, #tpu.memory_space<hbm>> -> memref<2x128xi32, #tpu.memory_space<hbm>>
    tpu.enqueue_dma source(%dma_start3A_1311 : memref<2x128xi32, #tpu.memory_space<hbm>>) target(%arg7 : memref<2x128xi32, #tpu.memory_space<vmem>>) target_semaphore(%arg14 : memref<!tpu.dma_semaphore, #tpu.memory_space<semaphore_mem>>)
    %dma_wait3A_1312 = arith.constant 0 : i32
    %dma_wait3A_1313 = tpu.memref_slice %arg6[%arg0, %dma_wait3A_1312] : memref<2x128xi32, #tpu.memory_space<vmem>> -> memref<1x128xi32, #tpu.memory_space<vmem>>
    %dma_wait3A_1314 = tpu.memref_squeeze %dma_wait3A_1313 : memref<1x128xi32, #tpu.memory_space<vmem>> -> memref<128xi32, #tpu.memory_space<vmem>>
    %dma_wait3A_1315 = arith.constant 0 : i32
    %dma_wait3A_1316 = arith.constant 0 : i32
    %dma_wait3A_1317 = tpu.memref_slice %arg5[%dma_wait3A_1315, %dma_wait3A_1316] : memref<4096x128xf32, #tpu.memory_space<vmem_shared>> -> memref<4096x128xf32, #tpu.memory_space<vmem_shared>>
    tpu.wait_indirect_dma semaphore(%arg18 : memref<!tpu.dma_semaphore, #tpu.memory_space<semaphore_mem>>) src(%dma_wait3A_1317 : memref<4096x128xf32, #tpu.memory_space<vmem_shared>>) dst(%arg11 : memref<128x128xf32, #tpu.memory_space<vmem>>)
    %mul3A_1318 = arith.constant 128 : i32
    %mul3A_1319 = arith.muli %mul3A_1318, %arg1 : i32
    %add3A_1320 = arith.constant 77824 : i32
    %add3A_1321 = arith.addi %add3A_1320, %mul3A_1319 : i32
    %multiple_of3A_1322 = tpu.assume_multiple %add3A_1321, 128 : i32
    %dma_start3A_1323 = tpu.memref_slice %arg4[%multiple_of3A_1322, %multiple_of3A] : memref<100000x256xf32, #tpu.memory_space<hbm>> -> memref<128x128xf32, #tpu.memory_space<hbm>>
    %dma_start3A_1324 = tpu.memref_slice %arg4[%multiple_of3A_1322, %multiple_of3A] : memref<100000x256xf32, #tpu.memory_space<hbm>> -> memref<128x128xf32, #tpu.memory_space<hbm>>
    tpu.enqueue_dma source(%arg11 : memref<128x128xf32, #tpu.memory_space<vmem>>) target(%dma_start3A_1324 : memref<128x128xf32, #tpu.memory_space<hbm>>) target_semaphore(%arg18 : memref<!tpu.dma_semaphore, #tpu.memory_space<semaphore_mem>>)
    %dma_wait3A_1325 = arith.constant 0 : i32
    %dma_wait3A_1326 = tpu.memref_slice %arg3[%dma_wait3A_1325, %multiple_of3A_1307] : memref<2x100096xi32, #tpu.memory_space<hbm>> -> memref<2x128xi32, #tpu.memory_space<hbm>>
    %dma_wait3A_1327 = arith.constant 0 : i32
    %dma_wait3A_1328 = tpu.memref_slice %arg3[%dma_wait3A_1327, %multiple_of3A_1307] : memref<2x100096xi32, #tpu.memory_space<hbm>> -> memref<2x128xi32, #tpu.memory_space<hbm>>
    tpu.wait_dma2 semaphore(%arg14 : memref<!tpu.dma_semaphore, #tpu.memory_space<semaphore_mem>>) src(%dma_wait3A_1328 : memref<2x128xi32, #tpu.memory_space<hbm>>) dst(%arg7 : memref<2x128xi32, #tpu.memory_space<vmem>>)
    %dma_wait3A_1329 = tpu.memref_slice %arg4[%multiple_of3A_1186, %multiple_of3A] : memref<100000x256xf32, #tpu.memory_space<hbm>> -> memref<128x128xf32, #tpu.memory_space<hbm>>
    %dma_wait3A_1330 = tpu.memref_slice %arg4[%multiple_of3A_1186, %multiple_of3A] : memref<100000x256xf32, #tpu.memory_space<hbm>> -> memref<128x128xf32, #tpu.memory_space<hbm>>
    tpu.wait_dma2 semaphore(%arg19 : memref<!tpu.dma_semaphore, #tpu.memory_space<semaphore_mem>>) src(%arg12 : memref<128x128xf32, #tpu.memory_space<vmem>>) dst(%dma_wait3A_1330 : memref<128x128xf32, #tpu.memory_space<hbm>>)
    %dma_start3A_1331 = arith.constant 0 : i32
    %dma_start3A_1332 = tpu.memref_slice %arg7[%arg0, %dma_start3A_1331] : memref<2x128xi32, #tpu.memory_space<vmem>> -> memref<1x128xi32, #tpu.memory_space<vmem>>
    %dma_start3A_1333 = tpu.memref_squeeze %dma_start3A_1332 : memref<1x128xi32, #tpu.memory_space<vmem>> -> memref<128xi32, #tpu.memory_space<vmem>>
    %dma_start3A_1334 = arith.constant 0 : i32
    %dma_start3A_1335 = arith.constant 0 : i32
    %dma_start3A_1336 = tpu.memref_slice %arg5[%dma_start3A_1334, %dma_start3A_1335] : memref<4096x128xf32, #tpu.memory_space<vmem_shared>> -> memref<4096x128xf32, #tpu.memory_space<vmem_shared>>
    tpu.enqueue_indirect_dma source(%dma_start3A_1336 : memref<4096x128xf32, #tpu.memory_space<vmem_shared>>) target(%arg12 : memref<128x128xf32, #tpu.memory_space<vmem>>) offsets(%dma_start3A_1333 : memref<128xi32, #tpu.memory_space<vmem>>) semaphore(%arg19 : memref<!tpu.dma_semaphore, #tpu.memory_space<semaphore_mem>>)
    %mul3A_1337 = arith.constant 128 : i32
    %mul3A_1338 = arith.muli %mul3A_1337, %arg1 : i32
    %add3A_1339 = arith.constant 81920 : i32
    %add3A_1340 = arith.addi %add3A_1339, %mul3A_1338 : i32
    %multiple_of3A_1341 = tpu.assume_multiple %add3A_1340, 128 : i32
    %dma_start3A_1342 = arith.constant 0 : i32
    %dma_start3A_1343 = tpu.memref_slice %arg3[%dma_start3A_1342, %multiple_of3A_1341] : memref<2x100096xi32, #tpu.memory_space<hbm>> -> memref<2x128xi32, #tpu.memory_space<hbm>>
    %dma_start3A_1344 = arith.constant 0 : i32
    %dma_start3A_1345 = tpu.memref_slice %arg3[%dma_start3A_1344, %multiple_of3A_1341] : memref<2x100096xi32, #tpu.memory_space<hbm>> -> memref<2x128xi32, #tpu.memory_space<hbm>>
    tpu.enqueue_dma source(%dma_start3A_1345 : memref<2x128xi32, #tpu.memory_space<hbm>>) target(%arg6 : memref<2x128xi32, #tpu.memory_space<vmem>>) target_semaphore(%arg13 : memref<!tpu.dma_semaphore, #tpu.memory_space<semaphore_mem>>)
    %dma_wait3A_1346 = arith.constant 0 : i32
    %dma_wait3A_1347 = tpu.memref_slice %arg7[%arg0, %dma_wait3A_1346] : memref<2x128xi32, #tpu.memory_space<vmem>> -> memref<1x128xi32, #tpu.memory_space<vmem>>
    %dma_wait3A_1348 = tpu.memref_squeeze %dma_wait3A_1347 : memref<1x128xi32, #tpu.memory_space<vmem>> -> memref<128xi32, #tpu.memory_space<vmem>>
    %dma_wait3A_1349 = arith.constant 0 : i32
    %dma_wait3A_1350 = arith.constant 0 : i32
    %dma_wait3A_1351 = tpu.memref_slice %arg5[%dma_wait3A_1349, %dma_wait3A_1350] : memref<4096x128xf32, #tpu.memory_space<vmem_shared>> -> memref<4096x128xf32, #tpu.memory_space<vmem_shared>>
    tpu.wait_indirect_dma semaphore(%arg19 : memref<!tpu.dma_semaphore, #tpu.memory_space<semaphore_mem>>) src(%dma_wait3A_1351 : memref<4096x128xf32, #tpu.memory_space<vmem_shared>>) dst(%arg12 : memref<128x128xf32, #tpu.memory_space<vmem>>)
    %mul3A_1352 = arith.constant 128 : i32
    %mul3A_1353 = arith.muli %mul3A_1352, %arg1 : i32
    %add3A_1354 = arith.constant 79872 : i32
    %add3A_1355 = arith.addi %add3A_1354, %mul3A_1353 : i32
    %multiple_of3A_1356 = tpu.assume_multiple %add3A_1355, 128 : i32
    %dma_start3A_1357 = tpu.memref_slice %arg4[%multiple_of3A_1356, %multiple_of3A] : memref<100000x256xf32, #tpu.memory_space<hbm>> -> memref<128x128xf32, #tpu.memory_space<hbm>>
    %dma_start3A_1358 = tpu.memref_slice %arg4[%multiple_of3A_1356, %multiple_of3A] : memref<100000x256xf32, #tpu.memory_space<hbm>> -> memref<128x128xf32, #tpu.memory_space<hbm>>
    tpu.enqueue_dma source(%arg12 : memref<128x128xf32, #tpu.memory_space<vmem>>) target(%dma_start3A_1358 : memref<128x128xf32, #tpu.memory_space<hbm>>) target_semaphore(%arg19 : memref<!tpu.dma_semaphore, #tpu.memory_space<semaphore_mem>>)
    %dma_wait3A_1359 = arith.constant 0 : i32
    %dma_wait3A_1360 = tpu.memref_slice %arg3[%dma_wait3A_1359, %multiple_of3A_1341] : memref<2x100096xi32, #tpu.memory_space<hbm>> -> memref<2x128xi32, #tpu.memory_space<hbm>>
    %dma_wait3A_1361 = arith.constant 0 : i32
    %dma_wait3A_1362 = tpu.memref_slice %arg3[%dma_wait3A_1361, %multiple_of3A_1341] : memref<2x100096xi32, #tpu.memory_space<hbm>> -> memref<2x128xi32, #tpu.memory_space<hbm>>
    tpu.wait_dma2 semaphore(%arg13 : memref<!tpu.dma_semaphore, #tpu.memory_space<semaphore_mem>>) src(%dma_wait3A_1362 : memref<2x128xi32, #tpu.memory_space<hbm>>) dst(%arg6 : memref<2x128xi32, #tpu.memory_space<vmem>>)
    %dma_wait3A_1363 = tpu.memref_slice %arg4[%multiple_of3A_1220, %multiple_of3A] : memref<100000x256xf32, #tpu.memory_space<hbm>> -> memref<128x128xf32, #tpu.memory_space<hbm>>
    %dma_wait3A_1364 = tpu.memref_slice %arg4[%multiple_of3A_1220, %multiple_of3A] : memref<100000x256xf32, #tpu.memory_space<hbm>> -> memref<128x128xf32, #tpu.memory_space<hbm>>
    tpu.wait_dma2 semaphore(%arg15 : memref<!tpu.dma_semaphore, #tpu.memory_space<semaphore_mem>>) src(%arg8 : memref<128x128xf32, #tpu.memory_space<vmem>>) dst(%dma_wait3A_1364 : memref<128x128xf32, #tpu.memory_space<hbm>>)
    %dma_start3A_1365 = arith.constant 0 : i32
    %dma_start3A_1366 = tpu.memref_slice %arg6[%arg0, %dma_start3A_1365] : memref<2x128xi32, #tpu.memory_space<vmem>> -> memref<1x128xi32, #tpu.memory_space<vmem>>
    %dma_start3A_1367 = tpu.memref_squeeze %dma_start3A_1366 : memref<1x128xi32, #tpu.memory_space<vmem>> -> memref<128xi32, #tpu.memory_space<vmem>>
    %dma_start3A_1368 = arith.constant 0 : i32
    %dma_start3A_1369 = arith.constant 0 : i32
    %dma_start3A_1370 = tpu.memref_slice %arg5[%dma_start3A_1368, %dma_start3A_1369] : memref<4096x128xf32, #tpu.memory_space<vmem_shared>> -> memref<4096x128xf32, #tpu.memory_space<vmem_shared>>
    tpu.enqueue_indirect_dma source(%dma_start3A_1370 : memref<4096x128xf32, #tpu.memory_space<vmem_shared>>) target(%arg8 : memref<128x128xf32, #tpu.memory_space<vmem>>) offsets(%dma_start3A_1367 : memref<128xi32, #tpu.memory_space<vmem>>) semaphore(%arg15 : memref<!tpu.dma_semaphore, #tpu.memory_space<semaphore_mem>>)
    %mul3A_1371 = arith.constant 128 : i32
    %mul3A_1372 = arith.muli %mul3A_1371, %arg1 : i32
    %add3A_1373 = arith.constant 83968 : i32
    %add3A_1374 = arith.addi %add3A_1373, %mul3A_1372 : i32
    %multiple_of3A_1375 = tpu.assume_multiple %add3A_1374, 128 : i32
    %dma_start3A_1376 = arith.constant 0 : i32
    %dma_start3A_1377 = tpu.memref_slice %arg3[%dma_start3A_1376, %multiple_of3A_1375] : memref<2x100096xi32, #tpu.memory_space<hbm>> -> memref<2x128xi32, #tpu.memory_space<hbm>>
    %dma_start3A_1378 = arith.constant 0 : i32
    %dma_start3A_1379 = tpu.memref_slice %arg3[%dma_start3A_1378, %multiple_of3A_1375] : memref<2x100096xi32, #tpu.memory_space<hbm>> -> memref<2x128xi32, #tpu.memory_space<hbm>>
    tpu.enqueue_dma source(%dma_start3A_1379 : memref<2x128xi32, #tpu.memory_space<hbm>>) target(%arg7 : memref<2x128xi32, #tpu.memory_space<vmem>>) target_semaphore(%arg14 : memref<!tpu.dma_semaphore, #tpu.memory_space<semaphore_mem>>)
    %dma_wait3A_1380 = arith.constant 0 : i32
    %dma_wait3A_1381 = tpu.memref_slice %arg6[%arg0, %dma_wait3A_1380] : memref<2x128xi32, #tpu.memory_space<vmem>> -> memref<1x128xi32, #tpu.memory_space<vmem>>
    %dma_wait3A_1382 = tpu.memref_squeeze %dma_wait3A_1381 : memref<1x128xi32, #tpu.memory_space<vmem>> -> memref<128xi32, #tpu.memory_space<vmem>>
    %dma_wait3A_1383 = arith.constant 0 : i32
    %dma_wait3A_1384 = arith.constant 0 : i32
    %dma_wait3A_1385 = tpu.memref_slice %arg5[%dma_wait3A_1383, %dma_wait3A_1384] : memref<4096x128xf32, #tpu.memory_space<vmem_shared>> -> memref<4096x128xf32, #tpu.memory_space<vmem_shared>>
    tpu.wait_indirect_dma semaphore(%arg15 : memref<!tpu.dma_semaphore, #tpu.memory_space<semaphore_mem>>) src(%dma_wait3A_1385 : memref<4096x128xf32, #tpu.memory_space<vmem_shared>>) dst(%arg8 : memref<128x128xf32, #tpu.memory_space<vmem>>)
    %mul3A_1386 = arith.constant 128 : i32
    %mul3A_1387 = arith.muli %mul3A_1386, %arg1 : i32
    %add3A_1388 = arith.constant 81920 : i32
    %add3A_1389 = arith.addi %add3A_1388, %mul3A_1387 : i32
    %multiple_of3A_1390 = tpu.assume_multiple %add3A_1389, 128 : i32
    %dma_start3A_1391 = tpu.memref_slice %arg4[%multiple_of3A_1390, %multiple_of3A] : memref<100000x256xf32, #tpu.memory_space<hbm>> -> memref<128x128xf32, #tpu.memory_space<hbm>>
    %dma_start3A_1392 = tpu.memref_slice %arg4[%multiple_of3A_1390, %multiple_of3A] : memref<100000x256xf32, #tpu.memory_space<hbm>> -> memref<128x128xf32, #tpu.memory_space<hbm>>
    tpu.enqueue_dma source(%arg8 : memref<128x128xf32, #tpu.memory_space<vmem>>) target(%dma_start3A_1392 : memref<128x128xf32, #tpu.memory_space<hbm>>) target_semaphore(%arg15 : memref<!tpu.dma_semaphore, #tpu.memory_space<semaphore_mem>>)
    %dma_wait3A_1393 = arith.constant 0 : i32
    %dma_wait3A_1394 = tpu.memref_slice %arg3[%dma_wait3A_1393, %multiple_of3A_1375] : memref<2x100096xi32, #tpu.memory_space<hbm>> -> memref<2x128xi32, #tpu.memory_space<hbm>>
    %dma_wait3A_1395 = arith.constant 0 : i32
    %dma_wait3A_1396 = tpu.memref_slice %arg3[%dma_wait3A_1395, %multiple_of3A_1375] : memref<2x100096xi32, #tpu.memory_space<hbm>> -> memref<2x128xi32, #tpu.memory_space<hbm>>
    tpu.wait_dma2 semaphore(%arg14 : memref<!tpu.dma_semaphore, #tpu.memory_space<semaphore_mem>>) src(%dma_wait3A_1396 : memref<2x128xi32, #tpu.memory_space<hbm>>) dst(%arg7 : memref<2x128xi32, #tpu.memory_space<vmem>>)
    %dma_wait3A_1397 = tpu.memref_slice %arg4[%multiple_of3A_1254, %multiple_of3A] : memref<100000x256xf32, #tpu.memory_space<hbm>> -> memref<128x128xf32, #tpu.memory_space<hbm>>
    %dma_wait3A_1398 = tpu.memref_slice %arg4[%multiple_of3A_1254, %multiple_of3A] : memref<100000x256xf32, #tpu.memory_space<hbm>> -> memref<128x128xf32, #tpu.memory_space<hbm>>
    tpu.wait_dma2 semaphore(%arg16 : memref<!tpu.dma_semaphore, #tpu.memory_space<semaphore_mem>>) src(%arg9 : memref<128x128xf32, #tpu.memory_space<vmem>>) dst(%dma_wait3A_1398 : memref<128x128xf32, #tpu.memory_space<hbm>>)
    %dma_start3A_1399 = arith.constant 0 : i32
    %dma_start3A_1400 = tpu.memref_slice %arg7[%arg0, %dma_start3A_1399] : memref<2x128xi32, #tpu.memory_space<vmem>> -> memref<1x128xi32, #tpu.memory_space<vmem>>
    %dma_start3A_1401 = tpu.memref_squeeze %dma_start3A_1400 : memref<1x128xi32, #tpu.memory_space<vmem>> -> memref<128xi32, #tpu.memory_space<vmem>>
    %dma_start3A_1402 = arith.constant 0 : i32
    %dma_start3A_1403 = arith.constant 0 : i32
    %dma_start3A_1404 = tpu.memref_slice %arg5[%dma_start3A_1402, %dma_start3A_1403] : memref<4096x128xf32, #tpu.memory_space<vmem_shared>> -> memref<4096x128xf32, #tpu.memory_space<vmem_shared>>
    tpu.enqueue_indirect_dma source(%dma_start3A_1404 : memref<4096x128xf32, #tpu.memory_space<vmem_shared>>) target(%arg9 : memref<128x128xf32, #tpu.memory_space<vmem>>) offsets(%dma_start3A_1401 : memref<128xi32, #tpu.memory_space<vmem>>) semaphore(%arg16 : memref<!tpu.dma_semaphore, #tpu.memory_space<semaphore_mem>>)
    %mul3A_1405 = arith.constant 128 : i32
    %mul3A_1406 = arith.muli %mul3A_1405, %arg1 : i32
    %add3A_1407 = arith.constant 86016 : i32
    %add3A_1408 = arith.addi %add3A_1407, %mul3A_1406 : i32
    %multiple_of3A_1409 = tpu.assume_multiple %add3A_1408, 128 : i32
    %dma_start3A_1410 = arith.constant 0 : i32
    %dma_start3A_1411 = tpu.memref_slice %arg3[%dma_start3A_1410, %multiple_of3A_1409] : memref<2x100096xi32, #tpu.memory_space<hbm>> -> memref<2x128xi32, #tpu.memory_space<hbm>>
    %dma_start3A_1412 = arith.constant 0 : i32
    %dma_start3A_1413 = tpu.memref_slice %arg3[%dma_start3A_1412, %multiple_of3A_1409] : memref<2x100096xi32, #tpu.memory_space<hbm>> -> memref<2x128xi32, #tpu.memory_space<hbm>>
    tpu.enqueue_dma source(%dma_start3A_1413 : memref<2x128xi32, #tpu.memory_space<hbm>>) target(%arg6 : memref<2x128xi32, #tpu.memory_space<vmem>>) target_semaphore(%arg13 : memref<!tpu.dma_semaphore, #tpu.memory_space<semaphore_mem>>)
    %dma_wait3A_1414 = arith.constant 0 : i32
    %dma_wait3A_1415 = tpu.memref_slice %arg7[%arg0, %dma_wait3A_1414] : memref<2x128xi32, #tpu.memory_space<vmem>> -> memref<1x128xi32, #tpu.memory_space<vmem>>
    %dma_wait3A_1416 = tpu.memref_squeeze %dma_wait3A_1415 : memref<1x128xi32, #tpu.memory_space<vmem>> -> memref<128xi32, #tpu.memory_space<vmem>>
    %dma_wait3A_1417 = arith.constant 0 : i32
    %dma_wait3A_1418 = arith.constant 0 : i32
    %dma_wait3A_1419 = tpu.memref_slice %arg5[%dma_wait3A_1417, %dma_wait3A_1418] : memref<4096x128xf32, #tpu.memory_space<vmem_shared>> -> memref<4096x128xf32, #tpu.memory_space<vmem_shared>>
    tpu.wait_indirect_dma semaphore(%arg16 : memref<!tpu.dma_semaphore, #tpu.memory_space<semaphore_mem>>) src(%dma_wait3A_1419 : memref<4096x128xf32, #tpu.memory_space<vmem_shared>>) dst(%arg9 : memref<128x128xf32, #tpu.memory_space<vmem>>)
    %mul3A_1420 = arith.constant 128 : i32
    %mul3A_1421 = arith.muli %mul3A_1420, %arg1 : i32
    %add3A_1422 = arith.constant 83968 : i32
    %add3A_1423 = arith.addi %add3A_1422, %mul3A_1421 : i32
    %multiple_of3A_1424 = tpu.assume_multiple %add3A_1423, 128 : i32
    %dma_start3A_1425 = tpu.memref_slice %arg4[%multiple_of3A_1424, %multiple_of3A] : memref<100000x256xf32, #tpu.memory_space<hbm>> -> memref<128x128xf32, #tpu.memory_space<hbm>>
    %dma_start3A_1426 = tpu.memref_slice %arg4[%multiple_of3A_1424, %multiple_of3A] : memref<100000x256xf32, #tpu.memory_space<hbm>> -> memref<128x128xf32, #tpu.memory_space<hbm>>
    tpu.enqueue_dma source(%arg9 : memref<128x128xf32, #tpu.memory_space<vmem>>) target(%dma_start3A_1426 : memref<128x128xf32, #tpu.memory_space<hbm>>) target_semaphore(%arg16 : memref<!tpu.dma_semaphore, #tpu.memory_space<semaphore_mem>>)
    %dma_wait3A_1427 = arith.constant 0 : i32
    %dma_wait3A_1428 = tpu.memref_slice %arg3[%dma_wait3A_1427, %multiple_of3A_1409] : memref<2x100096xi32, #tpu.memory_space<hbm>> -> memref<2x128xi32, #tpu.memory_space<hbm>>
    %dma_wait3A_1429 = arith.constant 0 : i32
    %dma_wait3A_1430 = tpu.memref_slice %arg3[%dma_wait3A_1429, %multiple_of3A_1409] : memref<2x100096xi32, #tpu.memory_space<hbm>> -> memref<2x128xi32, #tpu.memory_space<hbm>>
    tpu.wait_dma2 semaphore(%arg13 : memref<!tpu.dma_semaphore, #tpu.memory_space<semaphore_mem>>) src(%dma_wait3A_1430 : memref<2x128xi32, #tpu.memory_space<hbm>>) dst(%arg6 : memref<2x128xi32, #tpu.memory_space<vmem>>)
    %dma_wait3A_1431 = tpu.memref_slice %arg4[%multiple_of3A_1288, %multiple_of3A] : memref<100000x256xf32, #tpu.memory_space<hbm>> -> memref<128x128xf32, #tpu.memory_space<hbm>>
    %dma_wait3A_1432 = tpu.memref_slice %arg4[%multiple_of3A_1288, %multiple_of3A] : memref<100000x256xf32, #tpu.memory_space<hbm>> -> memref<128x128xf32, #tpu.memory_space<hbm>>
    tpu.wait_dma2 semaphore(%arg17 : memref<!tpu.dma_semaphore, #tpu.memory_space<semaphore_mem>>) src(%arg10 : memref<128x128xf32, #tpu.memory_space<vmem>>) dst(%dma_wait3A_1432 : memref<128x128xf32, #tpu.memory_space<hbm>>)
    %dma_start3A_1433 = arith.constant 0 : i32
    %dma_start3A_1434 = tpu.memref_slice %arg6[%arg0, %dma_start3A_1433] : memref<2x128xi32, #tpu.memory_space<vmem>> -> memref<1x128xi32, #tpu.memory_space<vmem>>
    %dma_start3A_1435 = tpu.memref_squeeze %dma_start3A_1434 : memref<1x128xi32, #tpu.memory_space<vmem>> -> memref<128xi32, #tpu.memory_space<vmem>>
    %dma_start3A_1436 = arith.constant 0 : i32
    %dma_start3A_1437 = arith.constant 0 : i32
    %dma_start3A_1438 = tpu.memref_slice %arg5[%dma_start3A_1436, %dma_start3A_1437] : memref<4096x128xf32, #tpu.memory_space<vmem_shared>> -> memref<4096x128xf32, #tpu.memory_space<vmem_shared>>
    tpu.enqueue_indirect_dma source(%dma_start3A_1438 : memref<4096x128xf32, #tpu.memory_space<vmem_shared>>) target(%arg10 : memref<128x128xf32, #tpu.memory_space<vmem>>) offsets(%dma_start3A_1435 : memref<128xi32, #tpu.memory_space<vmem>>) semaphore(%arg17 : memref<!tpu.dma_semaphore, #tpu.memory_space<semaphore_mem>>)
    %mul3A_1439 = arith.constant 128 : i32
    %mul3A_1440 = arith.muli %mul3A_1439, %arg1 : i32
    %add3A_1441 = arith.constant 88064 : i32
    %add3A_1442 = arith.addi %add3A_1441, %mul3A_1440 : i32
    %multiple_of3A_1443 = tpu.assume_multiple %add3A_1442, 128 : i32
    %dma_start3A_1444 = arith.constant 0 : i32
    %dma_start3A_1445 = tpu.memref_slice %arg3[%dma_start3A_1444, %multiple_of3A_1443] : memref<2x100096xi32, #tpu.memory_space<hbm>> -> memref<2x128xi32, #tpu.memory_space<hbm>>
    %dma_start3A_1446 = arith.constant 0 : i32
    %dma_start3A_1447 = tpu.memref_slice %arg3[%dma_start3A_1446, %multiple_of3A_1443] : memref<2x100096xi32, #tpu.memory_space<hbm>> -> memref<2x128xi32, #tpu.memory_space<hbm>>
    tpu.enqueue_dma source(%dma_start3A_1447 : memref<2x128xi32, #tpu.memory_space<hbm>>) target(%arg7 : memref<2x128xi32, #tpu.memory_space<vmem>>) target_semaphore(%arg14 : memref<!tpu.dma_semaphore, #tpu.memory_space<semaphore_mem>>)
    %dma_wait3A_1448 = arith.constant 0 : i32
    %dma_wait3A_1449 = tpu.memref_slice %arg6[%arg0, %dma_wait3A_1448] : memref<2x128xi32, #tpu.memory_space<vmem>> -> memref<1x128xi32, #tpu.memory_space<vmem>>
    %dma_wait3A_1450 = tpu.memref_squeeze %dma_wait3A_1449 : memref<1x128xi32, #tpu.memory_space<vmem>> -> memref<128xi32, #tpu.memory_space<vmem>>
    %dma_wait3A_1451 = arith.constant 0 : i32
    %dma_wait3A_1452 = arith.constant 0 : i32
    %dma_wait3A_1453 = tpu.memref_slice %arg5[%dma_wait3A_1451, %dma_wait3A_1452] : memref<4096x128xf32, #tpu.memory_space<vmem_shared>> -> memref<4096x128xf32, #tpu.memory_space<vmem_shared>>
    tpu.wait_indirect_dma semaphore(%arg17 : memref<!tpu.dma_semaphore, #tpu.memory_space<semaphore_mem>>) src(%dma_wait3A_1453 : memref<4096x128xf32, #tpu.memory_space<vmem_shared>>) dst(%arg10 : memref<128x128xf32, #tpu.memory_space<vmem>>)
    %mul3A_1454 = arith.constant 128 : i32
    %mul3A_1455 = arith.muli %mul3A_1454, %arg1 : i32
    %add3A_1456 = arith.constant 86016 : i32
    %add3A_1457 = arith.addi %add3A_1456, %mul3A_1455 : i32
    %multiple_of3A_1458 = tpu.assume_multiple %add3A_1457, 128 : i32
    %dma_start3A_1459 = tpu.memref_slice %arg4[%multiple_of3A_1458, %multiple_of3A] : memref<100000x256xf32, #tpu.memory_space<hbm>> -> memref<128x128xf32, #tpu.memory_space<hbm>>
    %dma_start3A_1460 = tpu.memref_slice %arg4[%multiple_of3A_1458, %multiple_of3A] : memref<100000x256xf32, #tpu.memory_space<hbm>> -> memref<128x128xf32, #tpu.memory_space<hbm>>
    tpu.enqueue_dma source(%arg10 : memref<128x128xf32, #tpu.memory_space<vmem>>) target(%dma_start3A_1460 : memref<128x128xf32, #tpu.memory_space<hbm>>) target_semaphore(%arg17 : memref<!tpu.dma_semaphore, #tpu.memory_space<semaphore_mem>>)
    %dma_wait3A_1461 = arith.constant 0 : i32
    %dma_wait3A_1462 = tpu.memref_slice %arg3[%dma_wait3A_1461, %multiple_of3A_1443] : memref<2x100096xi32, #tpu.memory_space<hbm>> -> memref<2x128xi32, #tpu.memory_space<hbm>>
    %dma_wait3A_1463 = arith.constant 0 : i32
    %dma_wait3A_1464 = tpu.memref_slice %arg3[%dma_wait3A_1463, %multiple_of3A_1443] : memref<2x100096xi32, #tpu.memory_space<hbm>> -> memref<2x128xi32, #tpu.memory_space<hbm>>
    tpu.wait_dma2 semaphore(%arg14 : memref<!tpu.dma_semaphore, #tpu.memory_space<semaphore_mem>>) src(%dma_wait3A_1464 : memref<2x128xi32, #tpu.memory_space<hbm>>) dst(%arg7 : memref<2x128xi32, #tpu.memory_space<vmem>>)
    %dma_wait3A_1465 = tpu.memref_slice %arg4[%multiple_of3A_1322, %multiple_of3A] : memref<100000x256xf32, #tpu.memory_space<hbm>> -> memref<128x128xf32, #tpu.memory_space<hbm>>
    %dma_wait3A_1466 = tpu.memref_slice %arg4[%multiple_of3A_1322, %multiple_of3A] : memref<100000x256xf32, #tpu.memory_space<hbm>> -> memref<128x128xf32, #tpu.memory_space<hbm>>
    tpu.wait_dma2 semaphore(%arg18 : memref<!tpu.dma_semaphore, #tpu.memory_space<semaphore_mem>>) src(%arg11 : memref<128x128xf32, #tpu.memory_space<vmem>>) dst(%dma_wait3A_1466 : memref<128x128xf32, #tpu.memory_space<hbm>>)
    %dma_start3A_1467 = arith.constant 0 : i32
    %dma_start3A_1468 = tpu.memref_slice %arg7[%arg0, %dma_start3A_1467] : memref<2x128xi32, #tpu.memory_space<vmem>> -> memref<1x128xi32, #tpu.memory_space<vmem>>
    %dma_start3A_1469 = tpu.memref_squeeze %dma_start3A_1468 : memref<1x128xi32, #tpu.memory_space<vmem>> -> memref<128xi32, #tpu.memory_space<vmem>>
    %dma_start3A_1470 = arith.constant 0 : i32
    %dma_start3A_1471 = arith.constant 0 : i32
    %dma_start3A_1472 = tpu.memref_slice %arg5[%dma_start3A_1470, %dma_start3A_1471] : memref<4096x128xf32, #tpu.memory_space<vmem_shared>> -> memref<4096x128xf32, #tpu.memory_space<vmem_shared>>
    tpu.enqueue_indirect_dma source(%dma_start3A_1472 : memref<4096x128xf32, #tpu.memory_space<vmem_shared>>) target(%arg11 : memref<128x128xf32, #tpu.memory_space<vmem>>) offsets(%dma_start3A_1469 : memref<128xi32, #tpu.memory_space<vmem>>) semaphore(%arg18 : memref<!tpu.dma_semaphore, #tpu.memory_space<semaphore_mem>>)
    %mul3A_1473 = arith.constant 128 : i32
    %mul3A_1474 = arith.muli %mul3A_1473, %arg1 : i32
    %add3A_1475 = arith.constant 90112 : i32
    %add3A_1476 = arith.addi %add3A_1475, %mul3A_1474 : i32
    %multiple_of3A_1477 = tpu.assume_multiple %add3A_1476, 128 : i32
    %dma_start3A_1478 = arith.constant 0 : i32
    %dma_start3A_1479 = tpu.memref_slice %arg3[%dma_start3A_1478, %multiple_of3A_1477] : memref<2x100096xi32, #tpu.memory_space<hbm>> -> memref<2x128xi32, #tpu.memory_space<hbm>>
    %dma_start3A_1480 = arith.constant 0 : i32
    %dma_start3A_1481 = tpu.memref_slice %arg3[%dma_start3A_1480, %multiple_of3A_1477] : memref<2x100096xi32, #tpu.memory_space<hbm>> -> memref<2x128xi32, #tpu.memory_space<hbm>>
    tpu.enqueue_dma source(%dma_start3A_1481 : memref<2x128xi32, #tpu.memory_space<hbm>>) target(%arg6 : memref<2x128xi32, #tpu.memory_space<vmem>>) target_semaphore(%arg13 : memref<!tpu.dma_semaphore, #tpu.memory_space<semaphore_mem>>)
    %dma_wait3A_1482 = arith.constant 0 : i32
    %dma_wait3A_1483 = tpu.memref_slice %arg7[%arg0, %dma_wait3A_1482] : memref<2x128xi32, #tpu.memory_space<vmem>> -> memref<1x128xi32, #tpu.memory_space<vmem>>
    %dma_wait3A_1484 = tpu.memref_squeeze %dma_wait3A_1483 : memref<1x128xi32, #tpu.memory_space<vmem>> -> memref<128xi32, #tpu.memory_space<vmem>>
    %dma_wait3A_1485 = arith.constant 0 : i32
    %dma_wait3A_1486 = arith.constant 0 : i32
    %dma_wait3A_1487 = tpu.memref_slice %arg5[%dma_wait3A_1485, %dma_wait3A_1486] : memref<4096x128xf32, #tpu.memory_space<vmem_shared>> -> memref<4096x128xf32, #tpu.memory_space<vmem_shared>>
    tpu.wait_indirect_dma semaphore(%arg18 : memref<!tpu.dma_semaphore, #tpu.memory_space<semaphore_mem>>) src(%dma_wait3A_1487 : memref<4096x128xf32, #tpu.memory_space<vmem_shared>>) dst(%arg11 : memref<128x128xf32, #tpu.memory_space<vmem>>)
    %mul3A_1488 = arith.constant 128 : i32
    %mul3A_1489 = arith.muli %mul3A_1488, %arg1 : i32
    %add3A_1490 = arith.constant 88064 : i32
    %add3A_1491 = arith.addi %add3A_1490, %mul3A_1489 : i32
    %multiple_of3A_1492 = tpu.assume_multiple %add3A_1491, 128 : i32
    %dma_start3A_1493 = tpu.memref_slice %arg4[%multiple_of3A_1492, %multiple_of3A] : memref<100000x256xf32, #tpu.memory_space<hbm>> -> memref<128x128xf32, #tpu.memory_space<hbm>>
    %dma_start3A_1494 = tpu.memref_slice %arg4[%multiple_of3A_1492, %multiple_of3A] : memref<100000x256xf32, #tpu.memory_space<hbm>> -> memref<128x128xf32, #tpu.memory_space<hbm>>
    tpu.enqueue_dma source(%arg11 : memref<128x128xf32, #tpu.memory_space<vmem>>) target(%dma_start3A_1494 : memref<128x128xf32, #tpu.memory_space<hbm>>) target_semaphore(%arg18 : memref<!tpu.dma_semaphore, #tpu.memory_space<semaphore_mem>>)
    %dma_wait3A_1495 = arith.constant 0 : i32
    %dma_wait3A_1496 = tpu.memref_slice %arg3[%dma_wait3A_1495, %multiple_of3A_1477] : memref<2x100096xi32, #tpu.memory_space<hbm>> -> memref<2x128xi32, #tpu.memory_space<hbm>>
    %dma_wait3A_1497 = arith.constant 0 : i32
    %dma_wait3A_1498 = tpu.memref_slice %arg3[%dma_wait3A_1497, %multiple_of3A_1477] : memref<2x100096xi32, #tpu.memory_space<hbm>> -> memref<2x128xi32, #tpu.memory_space<hbm>>
    tpu.wait_dma2 semaphore(%arg13 : memref<!tpu.dma_semaphore, #tpu.memory_space<semaphore_mem>>) src(%dma_wait3A_1498 : memref<2x128xi32, #tpu.memory_space<hbm>>) dst(%arg6 : memref<2x128xi32, #tpu.memory_space<vmem>>)
    %dma_wait3A_1499 = tpu.memref_slice %arg4[%multiple_of3A_1356, %multiple_of3A] : memref<100000x256xf32, #tpu.memory_space<hbm>> -> memref<128x128xf32, #tpu.memory_space<hbm>>
    %dma_wait3A_1500 = tpu.memref_slice %arg4[%multiple_of3A_1356, %multiple_of3A] : memref<100000x256xf32, #tpu.memory_space<hbm>> -> memref<128x128xf32, #tpu.memory_space<hbm>>
    tpu.wait_dma2 semaphore(%arg19 : memref<!tpu.dma_semaphore, #tpu.memory_space<semaphore_mem>>) src(%arg12 : memref<128x128xf32, #tpu.memory_space<vmem>>) dst(%dma_wait3A_1500 : memref<128x128xf32, #tpu.memory_space<hbm>>)
    %dma_start3A_1501 = arith.constant 0 : i32
    %dma_start3A_1502 = tpu.memref_slice %arg6[%arg0, %dma_start3A_1501] : memref<2x128xi32, #tpu.memory_space<vmem>> -> memref<1x128xi32, #tpu.memory_space<vmem>>
    %dma_start3A_1503 = tpu.memref_squeeze %dma_start3A_1502 : memref<1x128xi32, #tpu.memory_space<vmem>> -> memref<128xi32, #tpu.memory_space<vmem>>
    %dma_start3A_1504 = arith.constant 0 : i32
    %dma_start3A_1505 = arith.constant 0 : i32
    %dma_start3A_1506 = tpu.memref_slice %arg5[%dma_start3A_1504, %dma_start3A_1505] : memref<4096x128xf32, #tpu.memory_space<vmem_shared>> -> memref<4096x128xf32, #tpu.memory_space<vmem_shared>>
    tpu.enqueue_indirect_dma source(%dma_start3A_1506 : memref<4096x128xf32, #tpu.memory_space<vmem_shared>>) target(%arg12 : memref<128x128xf32, #tpu.memory_space<vmem>>) offsets(%dma_start3A_1503 : memref<128xi32, #tpu.memory_space<vmem>>) semaphore(%arg19 : memref<!tpu.dma_semaphore, #tpu.memory_space<semaphore_mem>>)
    %mul3A_1507 = arith.constant 128 : i32
    %mul3A_1508 = arith.muli %mul3A_1507, %arg1 : i32
    %add3A_1509 = arith.constant 92160 : i32
    %add3A_1510 = arith.addi %add3A_1509, %mul3A_1508 : i32
    %multiple_of3A_1511 = tpu.assume_multiple %add3A_1510, 128 : i32
    %dma_start3A_1512 = arith.constant 0 : i32
    %dma_start3A_1513 = tpu.memref_slice %arg3[%dma_start3A_1512, %multiple_of3A_1511] : memref<2x100096xi32, #tpu.memory_space<hbm>> -> memref<2x128xi32, #tpu.memory_space<hbm>>
    %dma_start3A_1514 = arith.constant 0 : i32
    %dma_start3A_1515 = tpu.memref_slice %arg3[%dma_start3A_1514, %multiple_of3A_1511] : memref<2x100096xi32, #tpu.memory_space<hbm>> -> memref<2x128xi32, #tpu.memory_space<hbm>>
    tpu.enqueue_dma source(%dma_start3A_1515 : memref<2x128xi32, #tpu.memory_space<hbm>>) target(%arg7 : memref<2x128xi32, #tpu.memory_space<vmem>>) target_semaphore(%arg14 : memref<!tpu.dma_semaphore, #tpu.memory_space<semaphore_mem>>)
    %dma_wait3A_1516 = arith.constant 0 : i32
    %dma_wait3A_1517 = tpu.memref_slice %arg6[%arg0, %dma_wait3A_1516] : memref<2x128xi32, #tpu.memory_space<vmem>> -> memref<1x128xi32, #tpu.memory_space<vmem>>
    %dma_wait3A_1518 = tpu.memref_squeeze %dma_wait3A_1517 : memref<1x128xi32, #tpu.memory_space<vmem>> -> memref<128xi32, #tpu.memory_space<vmem>>
    %dma_wait3A_1519 = arith.constant 0 : i32
    %dma_wait3A_1520 = arith.constant 0 : i32
    %dma_wait3A_1521 = tpu.memref_slice %arg5[%dma_wait3A_1519, %dma_wait3A_1520] : memref<4096x128xf32, #tpu.memory_space<vmem_shared>> -> memref<4096x128xf32, #tpu.memory_space<vmem_shared>>
    tpu.wait_indirect_dma semaphore(%arg19 : memref<!tpu.dma_semaphore, #tpu.memory_space<semaphore_mem>>) src(%dma_wait3A_1521 : memref<4096x128xf32, #tpu.memory_space<vmem_shared>>) dst(%arg12 : memref<128x128xf32, #tpu.memory_space<vmem>>)
    %mul3A_1522 = arith.constant 128 : i32
    %mul3A_1523 = arith.muli %mul3A_1522, %arg1 : i32
    %add3A_1524 = arith.constant 90112 : i32
    %add3A_1525 = arith.addi %add3A_1524, %mul3A_1523 : i32
    %multiple_of3A_1526 = tpu.assume_multiple %add3A_1525, 128 : i32
    %dma_start3A_1527 = tpu.memref_slice %arg4[%multiple_of3A_1526, %multiple_of3A] : memref<100000x256xf32, #tpu.memory_space<hbm>> -> memref<128x128xf32, #tpu.memory_space<hbm>>
    %dma_start3A_1528 = tpu.memref_slice %arg4[%multiple_of3A_1526, %multiple_of3A] : memref<100000x256xf32, #tpu.memory_space<hbm>> -> memref<128x128xf32, #tpu.memory_space<hbm>>
    tpu.enqueue_dma source(%arg12 : memref<128x128xf32, #tpu.memory_space<vmem>>) target(%dma_start3A_1528 : memref<128x128xf32, #tpu.memory_space<hbm>>) target_semaphore(%arg19 : memref<!tpu.dma_semaphore, #tpu.memory_space<semaphore_mem>>)
    %dma_wait3A_1529 = arith.constant 0 : i32
    %dma_wait3A_1530 = tpu.memref_slice %arg3[%dma_wait3A_1529, %multiple_of3A_1511] : memref<2x100096xi32, #tpu.memory_space<hbm>> -> memref<2x128xi32, #tpu.memory_space<hbm>>
    %dma_wait3A_1531 = arith.constant 0 : i32
    %dma_wait3A_1532 = tpu.memref_slice %arg3[%dma_wait3A_1531, %multiple_of3A_1511] : memref<2x100096xi32, #tpu.memory_space<hbm>> -> memref<2x128xi32, #tpu.memory_space<hbm>>
    tpu.wait_dma2 semaphore(%arg14 : memref<!tpu.dma_semaphore, #tpu.memory_space<semaphore_mem>>) src(%dma_wait3A_1532 : memref<2x128xi32, #tpu.memory_space<hbm>>) dst(%arg7 : memref<2x128xi32, #tpu.memory_space<vmem>>)
    %dma_wait3A_1533 = tpu.memref_slice %arg4[%multiple_of3A_1390, %multiple_of3A] : memref<100000x256xf32, #tpu.memory_space<hbm>> -> memref<128x128xf32, #tpu.memory_space<hbm>>
    %dma_wait3A_1534 = tpu.memref_slice %arg4[%multiple_of3A_1390, %multiple_of3A] : memref<100000x256xf32, #tpu.memory_space<hbm>> -> memref<128x128xf32, #tpu.memory_space<hbm>>
    tpu.wait_dma2 semaphore(%arg15 : memref<!tpu.dma_semaphore, #tpu.memory_space<semaphore_mem>>) src(%arg8 : memref<128x128xf32, #tpu.memory_space<vmem>>) dst(%dma_wait3A_1534 : memref<128x128xf32, #tpu.memory_space<hbm>>)
    %dma_start3A_1535 = arith.constant 0 : i32
    %dma_start3A_1536 = tpu.memref_slice %arg7[%arg0, %dma_start3A_1535] : memref<2x128xi32, #tpu.memory_space<vmem>> -> memref<1x128xi32, #tpu.memory_space<vmem>>
    %dma_start3A_1537 = tpu.memref_squeeze %dma_start3A_1536 : memref<1x128xi32, #tpu.memory_space<vmem>> -> memref<128xi32, #tpu.memory_space<vmem>>
    %dma_start3A_1538 = arith.constant 0 : i32
    %dma_start3A_1539 = arith.constant 0 : i32
    %dma_start3A_1540 = tpu.memref_slice %arg5[%dma_start3A_1538, %dma_start3A_1539] : memref<4096x128xf32, #tpu.memory_space<vmem_shared>> -> memref<4096x128xf32, #tpu.memory_space<vmem_shared>>
    tpu.enqueue_indirect_dma source(%dma_start3A_1540 : memref<4096x128xf32, #tpu.memory_space<vmem_shared>>) target(%arg8 : memref<128x128xf32, #tpu.memory_space<vmem>>) offsets(%dma_start3A_1537 : memref<128xi32, #tpu.memory_space<vmem>>) semaphore(%arg15 : memref<!tpu.dma_semaphore, #tpu.memory_space<semaphore_mem>>)
    %mul3A_1541 = arith.constant 128 : i32
    %mul3A_1542 = arith.muli %mul3A_1541, %arg1 : i32
    %add3A_1543 = arith.constant 94208 : i32
    %add3A_1544 = arith.addi %add3A_1543, %mul3A_1542 : i32
    %multiple_of3A_1545 = tpu.assume_multiple %add3A_1544, 128 : i32
    %dma_start3A_1546 = arith.constant 0 : i32
    %dma_start3A_1547 = tpu.memref_slice %arg3[%dma_start3A_1546, %multiple_of3A_1545] : memref<2x100096xi32, #tpu.memory_space<hbm>> -> memref<2x128xi32, #tpu.memory_space<hbm>>
    %dma_start3A_1548 = arith.constant 0 : i32
    %dma_start3A_1549 = tpu.memref_slice %arg3[%dma_start3A_1548, %multiple_of3A_1545] : memref<2x100096xi32, #tpu.memory_space<hbm>> -> memref<2x128xi32, #tpu.memory_space<hbm>>
    tpu.enqueue_dma source(%dma_start3A_1549 : memref<2x128xi32, #tpu.memory_space<hbm>>) target(%arg6 : memref<2x128xi32, #tpu.memory_space<vmem>>) target_semaphore(%arg13 : memref<!tpu.dma_semaphore, #tpu.memory_space<semaphore_mem>>)
    %dma_wait3A_1550 = arith.constant 0 : i32
    %dma_wait3A_1551 = tpu.memref_slice %arg7[%arg0, %dma_wait3A_1550] : memref<2x128xi32, #tpu.memory_space<vmem>> -> memref<1x128xi32, #tpu.memory_space<vmem>>
    %dma_wait3A_1552 = tpu.memref_squeeze %dma_wait3A_1551 : memref<1x128xi32, #tpu.memory_space<vmem>> -> memref<128xi32, #tpu.memory_space<vmem>>
    %dma_wait3A_1553 = arith.constant 0 : i32
    %dma_wait3A_1554 = arith.constant 0 : i32
    %dma_wait3A_1555 = tpu.memref_slice %arg5[%dma_wait3A_1553, %dma_wait3A_1554] : memref<4096x128xf32, #tpu.memory_space<vmem_shared>> -> memref<4096x128xf32, #tpu.memory_space<vmem_shared>>
    tpu.wait_indirect_dma semaphore(%arg15 : memref<!tpu.dma_semaphore, #tpu.memory_space<semaphore_mem>>) src(%dma_wait3A_1555 : memref<4096x128xf32, #tpu.memory_space<vmem_shared>>) dst(%arg8 : memref<128x128xf32, #tpu.memory_space<vmem>>)
    %mul3A_1556 = arith.constant 128 : i32
    %mul3A_1557 = arith.muli %mul3A_1556, %arg1 : i32
    %add3A_1558 = arith.constant 92160 : i32
    %add3A_1559 = arith.addi %add3A_1558, %mul3A_1557 : i32
    %multiple_of3A_1560 = tpu.assume_multiple %add3A_1559, 128 : i32
    %dma_start3A_1561 = tpu.memref_slice %arg4[%multiple_of3A_1560, %multiple_of3A] : memref<100000x256xf32, #tpu.memory_space<hbm>> -> memref<128x128xf32, #tpu.memory_space<hbm>>
    %dma_start3A_1562 = tpu.memref_slice %arg4[%multiple_of3A_1560, %multiple_of3A] : memref<100000x256xf32, #tpu.memory_space<hbm>> -> memref<128x128xf32, #tpu.memory_space<hbm>>
    tpu.enqueue_dma source(%arg8 : memref<128x128xf32, #tpu.memory_space<vmem>>) target(%dma_start3A_1562 : memref<128x128xf32, #tpu.memory_space<hbm>>) target_semaphore(%arg15 : memref<!tpu.dma_semaphore, #tpu.memory_space<semaphore_mem>>)
    %dma_wait3A_1563 = arith.constant 0 : i32
    %dma_wait3A_1564 = tpu.memref_slice %arg3[%dma_wait3A_1563, %multiple_of3A_1545] : memref<2x100096xi32, #tpu.memory_space<hbm>> -> memref<2x128xi32, #tpu.memory_space<hbm>>
    %dma_wait3A_1565 = arith.constant 0 : i32
    %dma_wait3A_1566 = tpu.memref_slice %arg3[%dma_wait3A_1565, %multiple_of3A_1545] : memref<2x100096xi32, #tpu.memory_space<hbm>> -> memref<2x128xi32, #tpu.memory_space<hbm>>
    tpu.wait_dma2 semaphore(%arg13 : memref<!tpu.dma_semaphore, #tpu.memory_space<semaphore_mem>>) src(%dma_wait3A_1566 : memref<2x128xi32, #tpu.memory_space<hbm>>) dst(%arg6 : memref<2x128xi32, #tpu.memory_space<vmem>>)
    %dma_wait3A_1567 = tpu.memref_slice %arg4[%multiple_of3A_1424, %multiple_of3A] : memref<100000x256xf32, #tpu.memory_space<hbm>> -> memref<128x128xf32, #tpu.memory_space<hbm>>
    %dma_wait3A_1568 = tpu.memref_slice %arg4[%multiple_of3A_1424, %multiple_of3A] : memref<100000x256xf32, #tpu.memory_space<hbm>> -> memref<128x128xf32, #tpu.memory_space<hbm>>
    tpu.wait_dma2 semaphore(%arg16 : memref<!tpu.dma_semaphore, #tpu.memory_space<semaphore_mem>>) src(%arg9 : memref<128x128xf32, #tpu.memory_space<vmem>>) dst(%dma_wait3A_1568 : memref<128x128xf32, #tpu.memory_space<hbm>>)
    %dma_start3A_1569 = arith.constant 0 : i32
    %dma_start3A_1570 = tpu.memref_slice %arg6[%arg0, %dma_start3A_1569] : memref<2x128xi32, #tpu.memory_space<vmem>> -> memref<1x128xi32, #tpu.memory_space<vmem>>
    %dma_start3A_1571 = tpu.memref_squeeze %dma_start3A_1570 : memref<1x128xi32, #tpu.memory_space<vmem>> -> memref<128xi32, #tpu.memory_space<vmem>>
    %dma_start3A_1572 = arith.constant 0 : i32
    %dma_start3A_1573 = arith.constant 0 : i32
    %dma_start3A_1574 = tpu.memref_slice %arg5[%dma_start3A_1572, %dma_start3A_1573] : memref<4096x128xf32, #tpu.memory_space<vmem_shared>> -> memref<4096x128xf32, #tpu.memory_space<vmem_shared>>
    tpu.enqueue_indirect_dma source(%dma_start3A_1574 : memref<4096x128xf32, #tpu.memory_space<vmem_shared>>) target(%arg9 : memref<128x128xf32, #tpu.memory_space<vmem>>) offsets(%dma_start3A_1571 : memref<128xi32, #tpu.memory_space<vmem>>) semaphore(%arg16 : memref<!tpu.dma_semaphore, #tpu.memory_space<semaphore_mem>>)
    %mul3A_1575 = arith.constant 128 : i32
    %mul3A_1576 = arith.muli %mul3A_1575, %arg1 : i32
    %add3A_1577 = arith.constant 96256 : i32
    %add3A_1578 = arith.addi %add3A_1577, %mul3A_1576 : i32
    %multiple_of3A_1579 = tpu.assume_multiple %add3A_1578, 128 : i32
    %dma_start3A_1580 = arith.constant 0 : i32
    %dma_start3A_1581 = tpu.memref_slice %arg3[%dma_start3A_1580, %multiple_of3A_1579] : memref<2x100096xi32, #tpu.memory_space<hbm>> -> memref<2x128xi32, #tpu.memory_space<hbm>>
    %dma_start3A_1582 = arith.constant 0 : i32
    %dma_start3A_1583 = tpu.memref_slice %arg3[%dma_start3A_1582, %multiple_of3A_1579] : memref<2x100096xi32, #tpu.memory_space<hbm>> -> memref<2x128xi32, #tpu.memory_space<hbm>>
    tpu.enqueue_dma source(%dma_start3A_1583 : memref<2x128xi32, #tpu.memory_space<hbm>>) target(%arg7 : memref<2x128xi32, #tpu.memory_space<vmem>>) target_semaphore(%arg14 : memref<!tpu.dma_semaphore, #tpu.memory_space<semaphore_mem>>)
    %dma_wait3A_1584 = arith.constant 0 : i32
    %dma_wait3A_1585 = tpu.memref_slice %arg6[%arg0, %dma_wait3A_1584] : memref<2x128xi32, #tpu.memory_space<vmem>> -> memref<1x128xi32, #tpu.memory_space<vmem>>
    %dma_wait3A_1586 = tpu.memref_squeeze %dma_wait3A_1585 : memref<1x128xi32, #tpu.memory_space<vmem>> -> memref<128xi32, #tpu.memory_space<vmem>>
    %dma_wait3A_1587 = arith.constant 0 : i32
    %dma_wait3A_1588 = arith.constant 0 : i32
    %dma_wait3A_1589 = tpu.memref_slice %arg5[%dma_wait3A_1587, %dma_wait3A_1588] : memref<4096x128xf32, #tpu.memory_space<vmem_shared>> -> memref<4096x128xf32, #tpu.memory_space<vmem_shared>>
    tpu.wait_indirect_dma semaphore(%arg16 : memref<!tpu.dma_semaphore, #tpu.memory_space<semaphore_mem>>) src(%dma_wait3A_1589 : memref<4096x128xf32, #tpu.memory_space<vmem_shared>>) dst(%arg9 : memref<128x128xf32, #tpu.memory_space<vmem>>)
    %mul3A_1590 = arith.constant 128 : i32
    %mul3A_1591 = arith.muli %mul3A_1590, %arg1 : i32
    %add3A_1592 = arith.constant 94208 : i32
    %add3A_1593 = arith.addi %add3A_1592, %mul3A_1591 : i32
    %multiple_of3A_1594 = tpu.assume_multiple %add3A_1593, 128 : i32
    %dma_start3A_1595 = tpu.memref_slice %arg4[%multiple_of3A_1594, %multiple_of3A] : memref<100000x256xf32, #tpu.memory_space<hbm>> -> memref<128x128xf32, #tpu.memory_space<hbm>>
    %dma_start3A_1596 = tpu.memref_slice %arg4[%multiple_of3A_1594, %multiple_of3A] : memref<100000x256xf32, #tpu.memory_space<hbm>> -> memref<128x128xf32, #tpu.memory_space<hbm>>
    tpu.enqueue_dma source(%arg9 : memref<128x128xf32, #tpu.memory_space<vmem>>) target(%dma_start3A_1596 : memref<128x128xf32, #tpu.memory_space<hbm>>) target_semaphore(%arg16 : memref<!tpu.dma_semaphore, #tpu.memory_space<semaphore_mem>>)
    %dma_wait3A_1597 = arith.constant 0 : i32
    %dma_wait3A_1598 = tpu.memref_slice %arg3[%dma_wait3A_1597, %multiple_of3A_1579] : memref<2x100096xi32, #tpu.memory_space<hbm>> -> memref<2x128xi32, #tpu.memory_space<hbm>>
    %dma_wait3A_1599 = arith.constant 0 : i32
    %dma_wait3A_1600 = tpu.memref_slice %arg3[%dma_wait3A_1599, %multiple_of3A_1579] : memref<2x100096xi32, #tpu.memory_space<hbm>> -> memref<2x128xi32, #tpu.memory_space<hbm>>
    tpu.wait_dma2 semaphore(%arg14 : memref<!tpu.dma_semaphore, #tpu.memory_space<semaphore_mem>>) src(%dma_wait3A_1600 : memref<2x128xi32, #tpu.memory_space<hbm>>) dst(%arg7 : memref<2x128xi32, #tpu.memory_space<vmem>>)
    %dma_wait3A_1601 = tpu.memref_slice %arg4[%multiple_of3A_1458, %multiple_of3A] : memref<100000x256xf32, #tpu.memory_space<hbm>> -> memref<128x128xf32, #tpu.memory_space<hbm>>
    %dma_wait3A_1602 = tpu.memref_slice %arg4[%multiple_of3A_1458, %multiple_of3A] : memref<100000x256xf32, #tpu.memory_space<hbm>> -> memref<128x128xf32, #tpu.memory_space<hbm>>
    tpu.wait_dma2 semaphore(%arg17 : memref<!tpu.dma_semaphore, #tpu.memory_space<semaphore_mem>>) src(%arg10 : memref<128x128xf32, #tpu.memory_space<vmem>>) dst(%dma_wait3A_1602 : memref<128x128xf32, #tpu.memory_space<hbm>>)
    %dma_start3A_1603 = arith.constant 0 : i32
    %dma_start3A_1604 = tpu.memref_slice %arg7[%arg0, %dma_start3A_1603] : memref<2x128xi32, #tpu.memory_space<vmem>> -> memref<1x128xi32, #tpu.memory_space<vmem>>
    %dma_start3A_1605 = tpu.memref_squeeze %dma_start3A_1604 : memref<1x128xi32, #tpu.memory_space<vmem>> -> memref<128xi32, #tpu.memory_space<vmem>>
    %dma_start3A_1606 = arith.constant 0 : i32
    %dma_start3A_1607 = arith.constant 0 : i32
    %dma_start3A_1608 = tpu.memref_slice %arg5[%dma_start3A_1606, %dma_start3A_1607] : memref<4096x128xf32, #tpu.memory_space<vmem_shared>> -> memref<4096x128xf32, #tpu.memory_space<vmem_shared>>
    tpu.enqueue_indirect_dma source(%dma_start3A_1608 : memref<4096x128xf32, #tpu.memory_space<vmem_shared>>) target(%arg10 : memref<128x128xf32, #tpu.memory_space<vmem>>) offsets(%dma_start3A_1605 : memref<128xi32, #tpu.memory_space<vmem>>) semaphore(%arg17 : memref<!tpu.dma_semaphore, #tpu.memory_space<semaphore_mem>>)
    %dma_wait3A_1609 = arith.constant 0 : i32
    %dma_wait3A_1610 = tpu.memref_slice %arg7[%arg0, %dma_wait3A_1609] : memref<2x128xi32, #tpu.memory_space<vmem>> -> memref<1x128xi32, #tpu.memory_space<vmem>>
    %dma_wait3A_1611 = tpu.memref_squeeze %dma_wait3A_1610 : memref<1x128xi32, #tpu.memory_space<vmem>> -> memref<128xi32, #tpu.memory_space<vmem>>
    %dma_wait3A_1612 = arith.constant 0 : i32
    %dma_wait3A_1613 = arith.constant 0 : i32
    %dma_wait3A_1614 = tpu.memref_slice %arg5[%dma_wait3A_1612, %dma_wait3A_1613] : memref<4096x128xf32, #tpu.memory_space<vmem_shared>> -> memref<4096x128xf32, #tpu.memory_space<vmem_shared>>
    tpu.wait_indirect_dma semaphore(%arg17 : memref<!tpu.dma_semaphore, #tpu.memory_space<semaphore_mem>>) src(%dma_wait3A_1614 : memref<4096x128xf32, #tpu.memory_space<vmem_shared>>) dst(%arg10 : memref<128x128xf32, #tpu.memory_space<vmem>>)
    %mul3A_1615 = arith.constant 128 : i32
    %mul3A_1616 = arith.muli %mul3A_1615, %arg1 : i32
    %add3A_1617 = arith.constant 96256 : i32
    %add3A_1618 = arith.addi %add3A_1617, %mul3A_1616 : i32
    %multiple_of3A_1619 = tpu.assume_multiple %add3A_1618, 128 : i32
    %dma_start3A_1620 = tpu.memref_slice %arg4[%multiple_of3A_1619, %multiple_of3A] : memref<100000x256xf32, #tpu.memory_space<hbm>> -> memref<128x128xf32, #tpu.memory_space<hbm>>
    %dma_start3A_1621 = tpu.memref_slice %arg4[%multiple_of3A_1619, %multiple_of3A] : memref<100000x256xf32, #tpu.memory_space<hbm>> -> memref<128x128xf32, #tpu.memory_space<hbm>>
    tpu.enqueue_dma source(%arg10 : memref<128x128xf32, #tpu.memory_space<vmem>>) target(%dma_start3A_1621 : memref<128x128xf32, #tpu.memory_space<hbm>>) target_semaphore(%arg17 : memref<!tpu.dma_semaphore, #tpu.memory_space<semaphore_mem>>)
    %dma_wait3A_1622 = tpu.memref_slice %arg4[%multiple_of3A_1492, %multiple_of3A] : memref<100000x256xf32, #tpu.memory_space<hbm>> -> memref<128x128xf32, #tpu.memory_space<hbm>>
    %dma_wait3A_1623 = tpu.memref_slice %arg4[%multiple_of3A_1492, %multiple_of3A] : memref<100000x256xf32, #tpu.memory_space<hbm>> -> memref<128x128xf32, #tpu.memory_space<hbm>>
    tpu.wait_dma2 semaphore(%arg18 : memref<!tpu.dma_semaphore, #tpu.memory_space<semaphore_mem>>) src(%arg11 : memref<128x128xf32, #tpu.memory_space<vmem>>) dst(%dma_wait3A_1623 : memref<128x128xf32, #tpu.memory_space<hbm>>)
    %dma_wait3A_1624 = tpu.memref_slice %arg4[%multiple_of3A_1526, %multiple_of3A] : memref<100000x256xf32, #tpu.memory_space<hbm>> -> memref<128x128xf32, #tpu.memory_space<hbm>>
    %dma_wait3A_1625 = tpu.memref_slice %arg4[%multiple_of3A_1526, %multiple_of3A] : memref<100000x256xf32, #tpu.memory_space<hbm>> -> memref<128x128xf32, #tpu.memory_space<hbm>>
    tpu.wait_dma2 semaphore(%arg19 : memref<!tpu.dma_semaphore, #tpu.memory_space<semaphore_mem>>) src(%arg12 : memref<128x128xf32, #tpu.memory_space<vmem>>) dst(%dma_wait3A_1625 : memref<128x128xf32, #tpu.memory_space<hbm>>)
    %dma_wait3A_1626 = tpu.memref_slice %arg4[%multiple_of3A_1560, %multiple_of3A] : memref<100000x256xf32, #tpu.memory_space<hbm>> -> memref<128x128xf32, #tpu.memory_space<hbm>>
    %dma_wait3A_1627 = tpu.memref_slice %arg4[%multiple_of3A_1560, %multiple_of3A] : memref<100000x256xf32, #tpu.memory_space<hbm>> -> memref<128x128xf32, #tpu.memory_space<hbm>>
    tpu.wait_dma2 semaphore(%arg15 : memref<!tpu.dma_semaphore, #tpu.memory_space<semaphore_mem>>) src(%arg8 : memref<128x128xf32, #tpu.memory_space<vmem>>) dst(%dma_wait3A_1627 : memref<128x128xf32, #tpu.memory_space<hbm>>)
    %dma_wait3A_1628 = tpu.memref_slice %arg4[%multiple_of3A_1594, %multiple_of3A] : memref<100000x256xf32, #tpu.memory_space<hbm>> -> memref<128x128xf32, #tpu.memory_space<hbm>>
    %dma_wait3A_1629 = tpu.memref_slice %arg4[%multiple_of3A_1594, %multiple_of3A] : memref<100000x256xf32, #tpu.memory_space<hbm>> -> memref<128x128xf32, #tpu.memory_space<hbm>>
    tpu.wait_dma2 semaphore(%arg16 : memref<!tpu.dma_semaphore, #tpu.memory_space<semaphore_mem>>) src(%arg9 : memref<128x128xf32, #tpu.memory_space<vmem>>) dst(%dma_wait3A_1629 : memref<128x128xf32, #tpu.memory_space<hbm>>)
    %dma_wait3A_1630 = tpu.memref_slice %arg4[%multiple_of3A_1619, %multiple_of3A] : memref<100000x256xf32, #tpu.memory_space<hbm>> -> memref<128x128xf32, #tpu.memory_space<hbm>>
    %dma_wait3A_1631 = tpu.memref_slice %arg4[%multiple_of3A_1619, %multiple_of3A] : memref<100000x256xf32, #tpu.memory_space<hbm>> -> memref<128x128xf32, #tpu.memory_space<hbm>>
    tpu.wait_dma2 semaphore(%arg17 : memref<!tpu.dma_semaphore, #tpu.memory_space<semaphore_mem>>) src(%arg10 : memref<128x128xf32, #tpu.memory_space<vmem>>) dst(%dma_wait3A_1631 : memref<128x128xf32, #tpu.memory_space<hbm>>)
    %lt3A = arith.constant 13 : i32
    %lt3A_1632 = arith.cmpi slt, %arg1, %lt3A : i32
    %convert_element_type3A_1633 = arith.extui %lt3A_1632 : i1 to i32
    %cond3A_1634 = arith.constant 0 : i32
    %cond3A_1635 = arith.cmpi ne, %convert_element_type3A_1633, %cond3A_1634 : i32
    scf.if %cond3A_1635 {
      %mul3A_1641 = arith.constant 128 : i32
      %mul3A_1642 = arith.muli %mul3A_1641, %arg1 : i32
      %add3A_1643 = arith.constant 98304 : i32
      %add3A_1644 = arith.addi %add3A_1643, %mul3A_1642 : i32
      %multiple_of3A_1645 = tpu.assume_multiple %add3A_1644, 128 : i32
      "tpu.region"() ({
        %run_scoped3A = tpu.sem_alloc : memref<!tpu.dma_semaphore, #tpu.memory_space<semaphore_mem>>
        %dma_start3A_1658 = arith.constant 0 : i32
        %dma_start3A_1659 = tpu.memref_slice %arg3[%dma_start3A_1658, %multiple_of3A_1645] : memref<2x100096xi32, #tpu.memory_space<hbm>> -> memref<2x128xi32, #tpu.memory_space<hbm>>
        %dma_start3A_1660 = arith.constant 0 : i32
        %dma_start3A_1661 = tpu.memref_slice %arg3[%dma_start3A_1660, %multiple_of3A_1645] : memref<2x100096xi32, #tpu.memory_space<hbm>> -> memref<2x128xi32, #tpu.memory_space<hbm>>
        tpu.enqueue_dma source(%dma_start3A_1661 : memref<2x128xi32, #tpu.memory_space<hbm>>) target(%arg6 : memref<2x128xi32, #tpu.memory_space<vmem>>) target_semaphore(%run_scoped3A : memref<!tpu.dma_semaphore, #tpu.memory_space<semaphore_mem>>)
        %dma_wait3A_1662 = arith.constant 0 : i32
        %dma_wait3A_1663 = tpu.memref_slice %arg3[%dma_wait3A_1662, %multiple_of3A_1645] : memref<2x100096xi32, #tpu.memory_space<hbm>> -> memref<2x128xi32, #tpu.memory_space<hbm>>
        %dma_wait3A_1664 = arith.constant 0 : i32
        %dma_wait3A_1665 = tpu.memref_slice %arg3[%dma_wait3A_1664, %multiple_of3A_1645] : memref<2x100096xi32, #tpu.memory_space<hbm>> -> memref<2x128xi32, #tpu.memory_space<hbm>>
        tpu.wait_dma2 semaphore(%run_scoped3A : memref<!tpu.dma_semaphore, #tpu.memory_space<semaphore_mem>>) src(%dma_wait3A_1665 : memref<2x128xi32, #tpu.memory_space<hbm>>) dst(%arg6 : memref<2x128xi32, #tpu.memory_space<vmem>>)
        tpu.yield
      }) : () -> ()
      %dma_start3A_1646 = arith.constant 0 : i32
      %dma_start3A_1647 = tpu.memref_slice %arg6[%arg0, %dma_start3A_1646] : memref<2x128xi32, #tpu.memory_space<vmem>> -> memref<1x128xi32, #tpu.memory_space<vmem>>
      %dma_start3A_1648 = tpu.memref_squeeze %dma_start3A_1647 : memref<1x128xi32, #tpu.memory_space<vmem>> -> memref<128xi32, #tpu.memory_space<vmem>>
      %dma_start3A_1649 = arith.constant 0 : i32
      %dma_start3A_1650 = arith.constant 0 : i32
      %dma_start3A_1651 = tpu.memref_slice %arg5[%dma_start3A_1649, %dma_start3A_1650] : memref<4096x128xf32, #tpu.memory_space<vmem_shared>> -> memref<4096x128xf32, #tpu.memory_space<vmem_shared>>
      tpu.enqueue_indirect_dma source(%dma_start3A_1651 : memref<4096x128xf32, #tpu.memory_space<vmem_shared>>) target(%arg8 : memref<128x128xf32, #tpu.memory_space<vmem>>) offsets(%dma_start3A_1648 : memref<128xi32, #tpu.memory_space<vmem>>) semaphore(%arg15 : memref<!tpu.dma_semaphore, #tpu.memory_space<semaphore_mem>>)
      %dma_wait3A_1652 = arith.constant 0 : i32
      %dma_wait3A_1653 = tpu.memref_slice %arg6[%arg0, %dma_wait3A_1652] : memref<2x128xi32, #tpu.memory_space<vmem>> -> memref<1x128xi32, #tpu.memory_space<vmem>>
      %dma_wait3A_1654 = tpu.memref_squeeze %dma_wait3A_1653 : memref<1x128xi32, #tpu.memory_space<vmem>> -> memref<128xi32, #tpu.memory_space<vmem>>
      %dma_wait3A_1655 = arith.constant 0 : i32
      %dma_wait3A_1656 = arith.constant 0 : i32
      %dma_wait3A_1657 = tpu.memref_slice %arg5[%dma_wait3A_1655, %dma_wait3A_1656] : memref<4096x128xf32, #tpu.memory_space<vmem_shared>> -> memref<4096x128xf32, #tpu.memory_space<vmem_shared>>
      tpu.wait_indirect_dma semaphore(%arg15 : memref<!tpu.dma_semaphore, #tpu.memory_space<semaphore_mem>>) src(%dma_wait3A_1657 : memref<4096x128xf32, #tpu.memory_space<vmem_shared>>) dst(%arg8 : memref<128x128xf32, #tpu.memory_space<vmem>>)
      "tpu.region"() ({
        %run_scoped3A = tpu.sem_alloc : memref<!tpu.dma_semaphore, #tpu.memory_space<semaphore_mem>>
        %dma_start3A_1658 = tpu.memref_slice %arg4[%multiple_of3A_1645, %multiple_of3A] : memref<100000x256xf32, #tpu.memory_space<hbm>> -> memref<128x128xf32, #tpu.memory_space<hbm>>
        %dma_start3A_1659 = tpu.memref_slice %arg4[%multiple_of3A_1645, %multiple_of3A] : memref<100000x256xf32, #tpu.memory_space<hbm>> -> memref<128x128xf32, #tpu.memory_space<hbm>>
        tpu.enqueue_dma source(%arg8 : memref<128x128xf32, #tpu.memory_space<vmem>>) target(%dma_start3A_1659 : memref<128x128xf32, #tpu.memory_space<hbm>>) target_semaphore(%run_scoped3A : memref<!tpu.dma_semaphore, #tpu.memory_space<semaphore_mem>>)
        %dma_wait3A_1660 = tpu.memref_slice %arg4[%multiple_of3A_1645, %multiple_of3A] : memref<100000x256xf32, #tpu.memory_space<hbm>> -> memref<128x128xf32, #tpu.memory_space<hbm>>
        %dma_wait3A_1661 = tpu.memref_slice %arg4[%multiple_of3A_1645, %multiple_of3A] : memref<100000x256xf32, #tpu.memory_space<hbm>> -> memref<128x128xf32, #tpu.memory_space<hbm>>
        tpu.wait_dma2 semaphore(%run_scoped3A : memref<!tpu.dma_semaphore, #tpu.memory_space<semaphore_mem>>) src(%arg8 : memref<128x128xf32, #tpu.memory_space<vmem>>) dst(%dma_wait3A_1661 : memref<128x128xf32, #tpu.memory_space<hbm>>)
        tpu.yield
      }) : () -> ()
    } else {
    }
    %eq3A_1636 = arith.constant 15 : i32
    %eq3A_1637 = arith.cmpi eq, %arg1, %eq3A_1636 : i32
    %convert_element_type3A_1638 = arith.extui %eq3A_1637 : i1 to i32
    %cond3A_1639 = arith.constant 0 : i32
    %cond3A_1640 = arith.cmpi ne, %convert_element_type3A_1638, %cond3A_1639 : i32
    scf.if %cond3A_1640 {
      "tpu.region"() ({
        %run_scoped3A = tpu.sem_alloc : memref<!tpu.dma_semaphore, #tpu.memory_space<semaphore_mem>>
        %dma_start3A_1653 = arith.constant 0 : i32
        %dma_start3A_1654 = arith.constant 99968 : i32
        %dma_start3A_1655 = tpu.memref_slice %arg3[%dma_start3A_1653, %dma_start3A_1654] : memref<2x100096xi32, #tpu.memory_space<hbm>> -> memref<2x128xi32, #tpu.memory_space<hbm>>
        %dma_start3A_1656 = arith.constant 0 : i32
        %dma_start3A_1657 = arith.constant 99968 : i32
        %dma_start3A_1658 = tpu.memref_slice %arg3[%dma_start3A_1656, %dma_start3A_1657] : memref<2x100096xi32, #tpu.memory_space<hbm>> -> memref<2x128xi32, #tpu.memory_space<hbm>>
        tpu.enqueue_dma source(%dma_start3A_1658 : memref<2x128xi32, #tpu.memory_space<hbm>>) target(%arg6 : memref<2x128xi32, #tpu.memory_space<vmem>>) target_semaphore(%run_scoped3A : memref<!tpu.dma_semaphore, #tpu.memory_space<semaphore_mem>>)
        %dma_wait3A_1659 = arith.constant 0 : i32
        %dma_wait3A_1660 = arith.constant 99968 : i32
        %dma_wait3A_1661 = tpu.memref_slice %arg3[%dma_wait3A_1659, %dma_wait3A_1660] : memref<2x100096xi32, #tpu.memory_space<hbm>> -> memref<2x128xi32, #tpu.memory_space<hbm>>
        %dma_wait3A_1662 = arith.constant 0 : i32
        %dma_wait3A_1663 = arith.constant 99968 : i32
        %dma_wait3A_1664 = tpu.memref_slice %arg3[%dma_wait3A_1662, %dma_wait3A_1663] : memref<2x100096xi32, #tpu.memory_space<hbm>> -> memref<2x128xi32, #tpu.memory_space<hbm>>
        tpu.wait_dma2 semaphore(%run_scoped3A : memref<!tpu.dma_semaphore, #tpu.memory_space<semaphore_mem>>) src(%dma_wait3A_1664 : memref<2x128xi32, #tpu.memory_space<hbm>>) dst(%arg6 : memref<2x128xi32, #tpu.memory_space<vmem>>)
        tpu.yield
      }) : () -> ()
      %dma_start3A_1641 = arith.constant 0 : i32
      %dma_start3A_1642 = tpu.memref_slice %arg6[%arg0, %dma_start3A_1641] : memref<2x128xi32, #tpu.memory_space<vmem>> -> memref<1x128xi32, #tpu.memory_space<vmem>>
      %dma_start3A_1643 = tpu.memref_squeeze %dma_start3A_1642 : memref<1x128xi32, #tpu.memory_space<vmem>> -> memref<128xi32, #tpu.memory_space<vmem>>
      %dma_start3A_1644 = arith.constant 0 : i32
      %dma_start3A_1645 = arith.constant 0 : i32
      %dma_start3A_1646 = tpu.memref_slice %arg5[%dma_start3A_1644, %dma_start3A_1645] : memref<4096x128xf32, #tpu.memory_space<vmem_shared>> -> memref<4096x128xf32, #tpu.memory_space<vmem_shared>>
      tpu.enqueue_indirect_dma source(%dma_start3A_1646 : memref<4096x128xf32, #tpu.memory_space<vmem_shared>>) target(%arg8 : memref<128x128xf32, #tpu.memory_space<vmem>>) offsets(%dma_start3A_1643 : memref<128xi32, #tpu.memory_space<vmem>>) semaphore(%arg15 : memref<!tpu.dma_semaphore, #tpu.memory_space<semaphore_mem>>)
      %dma_wait3A_1647 = arith.constant 0 : i32
      %dma_wait3A_1648 = tpu.memref_slice %arg6[%arg0, %dma_wait3A_1647] : memref<2x128xi32, #tpu.memory_space<vmem>> -> memref<1x128xi32, #tpu.memory_space<vmem>>
      %dma_wait3A_1649 = tpu.memref_squeeze %dma_wait3A_1648 : memref<1x128xi32, #tpu.memory_space<vmem>> -> memref<128xi32, #tpu.memory_space<vmem>>
      %dma_wait3A_1650 = arith.constant 0 : i32
      %dma_wait3A_1651 = arith.constant 0 : i32
      %dma_wait3A_1652 = tpu.memref_slice %arg5[%dma_wait3A_1650, %dma_wait3A_1651] : memref<4096x128xf32, #tpu.memory_space<vmem_shared>> -> memref<4096x128xf32, #tpu.memory_space<vmem_shared>>
      tpu.wait_indirect_dma semaphore(%arg15 : memref<!tpu.dma_semaphore, #tpu.memory_space<semaphore_mem>>) src(%dma_wait3A_1652 : memref<4096x128xf32, #tpu.memory_space<vmem_shared>>) dst(%arg8 : memref<128x128xf32, #tpu.memory_space<vmem>>)
      "tpu.region"() ({
        %run_scoped3A = tpu.sem_alloc : memref<!tpu.dma_semaphore, #tpu.memory_space<semaphore_mem>>
        %dma_start3A_1653 = arith.constant 0 : i32
        %dma_start3A_1654 = arith.constant 0 : i32
        %dma_start3A_1655 = tpu.memref_slice %arg8[%dma_start3A_1653, %dma_start3A_1654] : memref<128x128xf32, #tpu.memory_space<vmem>> -> memref<32x128xf32, #tpu.memory_space<vmem>>
        %dma_start3A_1656 = arith.constant 99968 : i32
        %dma_start3A_1657 = tpu.memref_slice %arg4[%dma_start3A_1656, %multiple_of3A] : memref<100000x256xf32, #tpu.memory_space<hbm>> -> memref<32x128xf32, #tpu.memory_space<hbm>>
        %dma_start3A_1658 = arith.constant 99968 : i32
        %dma_start3A_1659 = tpu.memref_slice %arg4[%dma_start3A_1658, %multiple_of3A] : memref<100000x256xf32, #tpu.memory_space<hbm>> -> memref<32x128xf32, #tpu.memory_space<hbm>>
        %dma_start3A_1660 = arith.constant 0 : i32
        %dma_start3A_1661 = arith.constant 0 : i32
        %dma_start3A_1662 = tpu.memref_slice %arg8[%dma_start3A_1660, %dma_start3A_1661] : memref<128x128xf32, #tpu.memory_space<vmem>> -> memref<32x128xf32, #tpu.memory_space<vmem>>
        tpu.enqueue_dma source(%dma_start3A_1662 : memref<32x128xf32, #tpu.memory_space<vmem>>) target(%dma_start3A_1659 : memref<32x128xf32, #tpu.memory_space<hbm>>) target_semaphore(%run_scoped3A : memref<!tpu.dma_semaphore, #tpu.memory_space<semaphore_mem>>)
        %dma_wait3A_1663 = arith.constant 0 : i32
        %dma_wait3A_1664 = arith.constant 0 : i32
        %dma_wait3A_1665 = tpu.memref_slice %arg8[%dma_wait3A_1663, %dma_wait3A_1664] : memref<128x128xf32, #tpu.memory_space<vmem>> -> memref<32x128xf32, #tpu.memory_space<vmem>>
        %dma_wait3A_1666 = arith.constant 99968 : i32
        %dma_wait3A_1667 = tpu.memref_slice %arg4[%dma_wait3A_1666, %multiple_of3A] : memref<100000x256xf32, #tpu.memory_space<hbm>> -> memref<32x128xf32, #tpu.memory_space<hbm>>
        %dma_wait3A_1668 = arith.constant 99968 : i32
        %dma_wait3A_1669 = tpu.memref_slice %arg4[%dma_wait3A_1668, %multiple_of3A] : memref<100000x256xf32, #tpu.memory_space<hbm>> -> memref<32x128xf32, #tpu.memory_space<hbm>>
        %dma_wait3A_1670 = arith.constant 0 : i32
        %dma_wait3A_1671 = arith.constant 0 : i32
        %dma_wait3A_1672 = tpu.memref_slice %arg8[%dma_wait3A_1670, %dma_wait3A_1671] : memref<128x128xf32, #tpu.memory_space<vmem>> -> memref<32x128xf32, #tpu.memory_space<vmem>>
        tpu.wait_dma2 semaphore(%run_scoped3A : memref<!tpu.dma_semaphore, #tpu.memory_space<semaphore_mem>>) src(%dma_wait3A_1672 : memref<32x128xf32, #tpu.memory_space<vmem>>) dst(%dma_wait3A_1669 : memref<32x128xf32, #tpu.memory_space<hbm>>)
        tpu.yield
      }) : () -> ()
    } else {
    }
    return
  }
}

</mosaic_0001>

<sc_bundles>
// kernel: kernel.3.cloned.1.call-start
scs
__scs_entry_jumppad:
0x0: {  	(pc) =	sbr.rel $0x88, $3  }
0x1: {  	(tag) =	ssettag $0x0;
	lr =	simm.s32 $0x1  }
0x2: {  	[smem:$0x3F9C] =	sst lr;
	_ =	strace $0xD0000000  }
0x3: {  	_ = 	snop  }
0x4: {  	_ = 	snop  }
0x5: {  	_ = 	snop  }
0x6: {  	_ = 	snop  }
0x7: {  	_ = 	snop  }
__scs_overlays_trampoline_lowered:
0x8: {  	[smem:$0x3FAB] =	sst s0  }
0x9: {  	[smem:$0x3FAC] =	sst s1  }
0xa: {  	[smem:$0x3FAD] =	sst s2  }
0xb: {  	[smem:$0x3FAE] =	sst s3  }
0xc: {  	[smem:$0x3FAF] =	sst s4  }
0xd: {  	[smem:$0x3FB0] =	sst s5  }
0xe: {  	[smem:$0x3FB1] =	sst s6  }
0xf: {  	[smem:$0x3FB2] =	sst s7  }
0x10: {  	[smem:$0x3FB3] =	sst s8  }
0x11: {  	[smem:$0x3FB4] =	sst s9;
	s0 =	simm.s32 @!p0 $0x0  }
0x12: {  	s1 =	sld [smem:$0x3F9A];
	s0 =	simm.s32 @p0 $0x1  }
0x13: {  	[smem:$0x3FB5] =	sst s0;
	s0 =	simm.s32 @!p1 $0x0  }
0x14: {  	s2 =	sld [smem:$0x3F99];
	s0 =	simm.s32 @p1 $0x1  }
0x15: {  	[smem:$0x3FB6] =	sst s0;
	s0 =	simm.s32 @!p2 $0x0  }
0x16: {  	s3 =	sld [smem:$0x3FDB];
	s0 =	simm.s32 @p2 $0x1  }
0x17: {  	s4 =	simm.s32 $0x1BF5;
	[smem:$0x3FB8] =	sst s0  }
0x18: {  	s0 =	sld [smem:$0x3F9B];
	_ =	swait.ge [sflag:s4], $0x0  }
0x19: {  	s7 =	sld [smem:$0x3F9C]  }
0x1a: {  	s8 =	sadd.s32 $0xFFFFE003, lr  }
0x1b: {  	s9 =	sadd.s32 $0xFFFFFEF7, lr;
	s5 =	simm.s32 $0xFFFFFFFF;
	p2 =	slt.u32 s8, $0xFFFFF086  }
0x1c: {  	p1 =	slt.u32 s9, $0xF7A;
	s5 =	simm.s32 @!p2 $0x0  }
0x1d: {  	s5 =	simm.s32 @p1 $0x1;
	p0 =	seq.s32 s7, s2  }
0x1e: {  	s7 =	smul.u32 @!p0 $0xF7A, s2;
	p2 =	seq.s32 @!p0 s5, $0x0  }
0x1f: {  	s9 =	smul.u32 $0xF7A, s1;
	s8 =	simm.s32 @!p0 $0x1BF5;
	p2 =	por !p2, p0  }
0x20: {  	[sflag:s8] =	ssyncset.s32 @!p0 $0xFFFFF086;
	s6 =	sadd.s32 @!p0 s3, s7;
	s7 =	simm.s32 @!p0 $0x108  }
0x21: {  	s3 =	sadd.s32 s3, s9;
	s6 =	sadd.s32 @!p0 $0x88, s6;
	s7 =	simm.s32 @p2 $0x1082  }
0x22: {  	[simem:s7], [sflag:s8] =	dma.local @!p0 [hbm:s6], $0xF7A  }
0x23: {  	s9 =	sor.u32 $0xD0000000, s2;
	s6 =	simm.s32 $0x108;
	_ =	swait.ge @!p0 [sflag:s8], $0x0  }
0x24: {  	s3 =	sadd.s32 $0x88, s3;
	s6 =	simm.s32 @!p1 $0x1082;
	[sflag:s4] =	ssyncset.s32 $0xFFFFF086  }
0x25: {  	[simem:s6], [sflag:s4] =	dma.local [hbm:s3], $0xF7A  }
0x26: {  	[smem:$0x3F9C] =	sst s1;
	(tag) =	ssettag s2;
	_ =	strace s9  }
0x27: {  	s1 =	sld [smem:$0x3FAC]  }
0x28: {  	s2 =	sld [smem:$0x3FAD]  }
0x29: {  	s4 =	sld [smem:$0x3FAF]  }
0x2a: {  	p0 =	seq.s32 s5, $0x0;
	s5 =	sld [smem:$0x3FB0]  }
0x2b: {  	s6 =	sld [smem:$0x3FB1]  }
0x2c: {  	s7 =	sld [smem:$0x3FB2]  }
0x2d: {  	s3 =	simm.s32 $0x108;
	s8 =	sld [smem:$0x3FB3]  }
0x2e: {  	s3 =	simm.s32 @!p0 $0x1082;
	s9 =	sld [smem:$0x3FB4]  }
0x2f: {  	lr =	sadd.s32 s0, s3;
	s0 =	sld [smem:$0x3FAB]  }
0x30: {  	s3 =	sld [smem:$0x3FAE]  }
0x31: {  	[smem:$0x3FB7] =	sst s10  }
0x32: {  	s10 =	sld [smem:$0x3FB5];
	_ =	sdelay $0x3  }
0x33: {  	p0 =	seq.s32 s10, $0x1;
	s10 =	sld [smem:$0x3FB7];
	_ =	sdelay $0x3  }
0x34: {  	[smem:$0x3FB7] =	sst s10  }
0x35: {  	s10 =	sld [smem:$0x3FB6];
	_ =	sdelay $0x3  }
0x36: {  	p1 =	seq.s32 s10, $0x1;
	s10 =	sld [smem:$0x3FB7];
	_ =	sdelay $0x3  }
0x37: {  	[smem:$0x3FB7] =	sst s10  }
0x38: {  	s10 =	sld [smem:$0x3FB8]  }
0x39: {  	_ = 	snop;
	(pc) =	sbr.ind lr, $3  }
0x3a: {  	_ = 	snop  }
0x3b: {  	_ = 	snop  }
0x3c: {  	p2 =	seq.s32 s10, $0x1;
	s10 =	sld [smem:$0x3FB7]  }
0x3d: {  	_ =	shalt  }
0x3e: {  	_ =	shalt  }
0x3f: {  	_ =	shalt  }
0x40: {  	_ =	shalt  }
0x41: {  	_ =	shalt  }
0x42: {  	_ =	shalt  }
0x43: {  	_ =	shalt  }
0x44: {  	_ =	shalt  }
0x45: {  	_ =	shalt  }
0x46: {  	_ =	shalt  }
0x47: {  	_ =	shalt  }
0x48: {  	_ =	shalt  }
0x49: {  	_ =	shalt  }
0x4a: {  	_ =	shalt  }
0x4b: {  	_ =	shalt  }
0x4c: {  	_ =	shalt  }
0x4d: {  	_ =	shalt  }
0x4e: {  	_ =	shalt  }
0x4f: {  	_ =	shalt  }
0x50: {  	_ =	shalt  }
0x51: {  	_ =	shalt  }
0x52: {  	_ =	shalt  }
0x53: {  	_ =	shalt  }
0x54: {  	_ =	shalt  }
0x55: {  	_ =	shalt  }
0x56: {  	_ =	shalt  }
0x57: {  	_ =	shalt  }
0x58: {  	_ =	shalt  }
0x59: {  	_ =	shalt  }
0x5a: {  	_ =	shalt  }
0x5b: {  	_ =	shalt  }
0x5c: {  	_ =	shalt  }
0x5d: {  	_ =	shalt  }
0x5e: {  	_ =	shalt  }
0x5f: {  	_ =	shalt  }
0x60: {  	_ =	shalt  }
0x61: {  	_ =	shalt  }
0x62: {  	_ =	shalt  }
0x63: {  	_ =	shalt  }
0x64: {  	_ =	shalt  }
0x65: {  	_ =	shalt  }
0x66: {  	_ =	shalt  }
0x67: {  	_ =	shalt  }
0x68: {  	_ =	shalt  }
0x69: {  	_ =	shalt  }
0x6a: {  	_ =	shalt  }
0x6b: {  	_ =	shalt  }
0x6c: {  	_ =	shalt  }
0x6d: {  	_ =	shalt  }
0x6e: {  	_ =	shalt  }
0x6f: {  	_ =	shalt  }
0x70: {  	_ =	shalt  }
0x71: {  	_ =	shalt  }
0x72: {  	_ =	shalt  }
0x73: {  	_ =	shalt  }
0x74: {  	_ =	shalt  }
0x75: {  	_ =	shalt  }
0x76: {  	_ =	shalt  }
0x77: {  	_ =	shalt  }
0x78: {  	_ =	shalt  }
0x79: {  	_ =	shalt  }
0x7a: {  	_ =	shalt  }
0x7b: {  	_ =	shalt  }
0x7c: {  	_ =	shalt  }
0x7d: {  	_ =	shalt  }
0x7e: {  	_ =	shalt  }
0x7f: {  	_ =	shalt  }
0x80: {  	_ =	shalt  }
0x81: {  	_ =	shalt  }
0x82: {  	_ =	shalt  }
0x83: {  	_ =	shalt  }
0x84: {  	_ =	shalt  }
0x85: {  	_ =	shalt  }
0x86: {  	_ =	shalt  }
0x87: {  	_ =	shalt  }
.Lfunc_end0:
.L_simem_size_0:
called_computation_lowered:
.L_overlay_start_0:
0x88: {  	s2 =	sld [smem:$0x3FD9]  }
0x89: {  	s3 =	sld [smem:$0x3FFE];
	_ =	sdelay $0x1  }
0x8a: {  	s1 =	srdreg.scid  }
0x8b: {  	s0 =	sand.u32 $0x1, s1  }
0x8c: {  	s17 =	sshll.u32 s0, $0xA;
	s2 =	sadd.s32 s3, s2  }
0x8d: {  	s2 =	sadd.s32 s2, s17  }
0x8e: {  	[smem:$0x3FC3] =	sst s2  }
0x8f: {  	_ = 	snop  }
0x90: {  	s2 =	sld [smem:$0x3FD0];
	(tm) =	ssettm $0x1  }
0x91: {  	s18 =	sld [smem:$0x3FFB];
	_ =	sdelay $0x3  }
0x92: {  	_ =	strace s18  }
0x93: {  	s3 =	sld [smem:$0x3FFC];
	_ =	sdelay $0x3  }
0x94: {  	_ =	strace s3  }
0x95: {  	s3 =	sld [smem:$0x3FFD];
	_ =	sdelay $0x3  }
0x96: {  	_ =	strace s3  }
0x97: {  	_ =	strace $0x8FFFFFFF  }
0x98: {  	s19 =	sld [smem:$0x3FDB];
	_ =	sdelay $0x1  }
0x99: {  	s4 =	simm.s32 $_scs_section_size  }
0x9a: {  	s5 =	simm.s32 $_size__tile_overlayer_lowered;
	s6 =	simm.s32 $_tile_overlayer_lowered  }
0x9b: {  	s22 =	simm.s32 $0x1BFF;
	s21 =	sshll.u32 s6, $0x1;
	s3 =	sadd.s32 s4, s19  }
0x9c: {  	s7 =	simm.s32 $0x0;
	s20 =	sshll.u32 s5, $0x1;
	s5 =	sadd.s32 s21, s3  }
0x9d: {  	[timem:s7], [sflag:s22] =	dma.local [hbm:s5], s20  }
0x9e: {  	_ =	swait.ge [sflag:s22], s20  }
0x9f: {  	s4 =	ssub.s32 $0x0, s20;
	[sflag:s22] =	ssyncset.done $0x0  }
0xa0: {  	[sflag:s22] =	ssyncadd.s32 s4;
	_ =	sdelay $0x1  }
0xa1: {  	s23 =	simm.s32 $0x1B8B  }
0xa2: {  	_ =	swait.ge [sflag:s23], $0x1  }
0xa3: {  	[sflag:s23] =	ssyncset.done $0x0  }
0xa4: {  	s25 =	simm.s32 $0x1B8E;
	s24 =	sld [smem:$0x3FFE];
	[sflag:s23] =	ssyncadd.s32 $0xFFFFFFFF  }
0xa5: {  	s26 =	simm.s32 $execute0_lowered;
	[smem:$0x3FD2] =	sst s25  }
0xa6: {  	s5 =	sshll.u32 s26, $0x1;
	_ =	strace $0x80000046;
	[dreg:$0x1] =	wrdreg $0xFFFFFFFF  }
0xa7: {  	s28 =	simm.s32 $_size_execute0_lowered;
	s3 =	sadd.s32 s3, s5;
	[dreg:$0x0] =	wrdreg $0x0  }
0xa8: {  	s5 =	sshll.u32 s28, $0x1;
	[dreg:$0x2] =	wrdreg s3  }
0xa9: {  	[dreg:$0x3] =	wrdreg s5  }
0xaa: {  	[dreg:$0x4] =	wrdreg $0xC0  }
0xab: {  	_ =	task [dreg:s7], $0x5FFFF  }
0xac: {  	[dreg:$0x1] =	wrdreg $0xFFFFFFFF  }
0xad: {  	[dreg:$0x0] =	wrdreg $0x60  }
0xae: {  	[dreg:$0x2] =	wrdreg s24  }
0xaf: {  	[dreg:$0x3] =	wrdreg s2  }
0xb0: {  	[dreg:$0x4] =	wrdreg $0x0  }
0xb1: {  	[dreg:$0x5] =	wrdreg $0x9  }
0xb2: {  	_ =	task.clear_ibuf [dreg:s7], $0x6FFFF;
	_ =	strace $0x90000046  }
0xb3: {  	s29 =	simm.s32 $0x9;
	_ =	strace $0x80000048  }
0xb4: {  	_ =	swait.ge [sflag:s29], $0x1  }
0xb5: {  	[sflag:s29] =	ssyncadd.s32 $0xFFFFFFFF  }
0xb6: {  	_ =	strace $0x90000048  }
0xb7: {  	_ =	sfence  }
0xb8: {  	s30 =	sld [smem:$0x0];
	_ =	sdelay $0x2  }
0xb9: {  	s31 =	sshll.u32 s1, $0xD;
	s1 =	sshrl.u32 s1, $0x2  }
0xba: {  	s3 =	sand.u32 $0x4000, s31;
	s1 =	sadd.s32 s1, s30  }
0xbb: {  	s0 =	sor.u32 s3, s0;
	s1 =	sshll.u32 s1, $0x11  }
0xbc: {  	s0 =	sor.u32 s1, s0  }
0xbd: {  	s0 =	sadd.s32 $0x8F2B, s0  }
0xbe: {  	[sflag:s0] =	ssyncadd.remote.s32 $0x1  }
0xbf: {  	_ =	sfence.sel $0xFFFF  }
0xc0: {  	[dreg:$0x0] =	wrdreg $0xFFFFFFFF;
	(pc) =	sbr.abs _section_cstart, $3  }
0xc1: {  	[dreg:$0x1] =	wrdreg $0xFFFFFFFF  }
0xc2: {  	_ =	task.clear_ibuf [dreg:s7], $0x2FFFF;
	_ =	strace $0x9FFFFFFF  }
0xc3: {  	(tm) =	ssettm $0x7FFFFFFF  }
tec
execute0_lowered:
.L_overlay_start_1:
0x0: {  	(tag) =	ssettag $0x1  }
0x1: {  	s4 =	rddreg [dreg:$0x0]  }
0x2: {  	s3 =	rddreg [dreg:$0x1]  }
0x3: {  	s1 =	rddreg [dreg:$0x2];
	s0 =	srdreg.scid  }
0x4: {  	s24 =	rddreg [dreg:$0x3];
	s2 =	simm.s32 $0x0;
	s6 =	sand.u32 $0x1, s0  }
0x5: {  	p3 =	por $0x0, $0x0;
	[smem:$0x7FF] =	sst s2;
	s0 =	sshll.u32 s6, $0x10  }
0x6: {  	s5 =	sadd.s32 $0xE00, s4;
	_ =	strace $0x80000047;
	s7 =	sadd.s32 s0, s4  }
0x7: {  	s0 =	stileid.u32;
	s4 =	sadd.s32 $0x6FA0, s4;
	s8 =	sadd.s32 $0x7000, s7  }
0x8: {  	s7 =	sshll.u32 s0, $0x7;
	s9 =	sshll.u32 s0, $0x5;
	s12 =	sshll.u32 s0, $0xF  }
0x9: {  	[smem:$0x7FA] =	sst s4;
	p0 =	sne.s32 s0, $0x0;
	p1 =	sgt.u32 s0, $0xC  }
0xa: {  	[dreg:$0x4] =	wrdreg s8;
	s9 =	sadd.s32 s5, s9;
	s10 =	sor.u32 $0x800, s7  }
0xb: {  	s8 =	sshll.u32 s6, $0xA;
	s16 =	sor.u32 $0x1000, s7;
	s20 =	sor.u32 $0x1800, s7  }
0xc: {  	s25 =	sor.u32 $0x2000, s7;
	s31 =	sor.u32 $0x2800, s7;
	p2 =	sne.s32 @p1 s0, $0xF  }
0xd: {  	s11 =	sshrl.u32 s10, $0x2;
	[dreg:$0x5] =	wrdreg s9;
	s14 =	sor.u32 s8, s12  }
0xe: {  	s17 =	sshrl.u32 s16, $0x2;
	s10 =	sshll.u32 s10, $0x8;
	s21 =	sshrl.u32 s20, $0x2  }
0xf: {  	s26 =	sshrl.u32 s25, $0x2;
	p2 =	por p2, !p1;
	s13 =	sadd.s32 s5, s11  }
0x10: {  	s15 =	sshrl.u32 s14, $0x3;
	s18 =	sadd.s32 s5, s17;
	s10 =	sor.u32 s8, s10  }
0x11: {  	s11 =	sshll.u32 s16, $0x8;
	s22 =	sadd.s32 s5, s21;
	[dreg:$0x6] =	wrdreg s13  }
0x12: {  	s28 =	sadd.s32 s5, s26;
	s16 =	sor.u32 $0x3000, s7;
	[dreg:$0x8] =	wrdreg s18  }
0x13: {  	s9 =	sadd.s32 s3, s15;
	s19 =	sshrl.u32 s10, $0x3;
	[dreg:$0xa] =	wrdreg s22  }
0x14: {  	s11 =	sor.u32 s8, s11;
	s10 =	sshll.u32 s20, $0x8;
	[dreg:$0xc] =	wrdreg s28  }
0x15: {  	s13 =	sshrl.u32 s31, $0x2;
	s17 =	sshrl.u32 s16, $0x2;
	s20 =	sor.u32 $0x3800, s7  }
0x16: {  	[dreg:$0x7] =	wrdreg s9;
	s9 =	sadd.s32 s3, s19;
	s23 =	sshrl.u32 s11, $0x3  }
0x17: {  	s10 =	sor.u32 s8, s10;
	s11 =	sshll.u32 s25, $0x8;
	s14 =	sadd.s32 s5, s13  }
0x18: {  	s18 =	sadd.s32 s5, s17;
	s21 =	sshrl.u32 s20, $0x2;
	s25 =	sor.u32 $0x4000, s7  }
0x19: {  	[dreg:$0x9] =	wrdreg s9;
	s9 =	sadd.s32 s3, s23;
	s29 =	sshrl.u32 s10, $0x3  }
0x1a: {  	s11 =	sor.u32 s8, s11;
	[dreg:$0xe] =	wrdreg s14;
	s10 =	sshll.u32 s31, $0x8  }
0x1b: {  	[dreg:$0x10] =	wrdreg s18;
	s22 =	sadd.s32 s5, s21;
	s26 =	sshrl.u32 s25, $0x2  }
0x1c: {  	s31 =	sor.u32 $0x4800, s7;
	[dreg:$0xb] =	wrdreg s9;
	s9 =	sadd.s32 s3, s29  }
0x1d: {  	s15 =	sshrl.u32 s11, $0x3;
	s10 =	sor.u32 s8, s10;
	s11 =	sshll.u32 s16, $0x8  }
0x1e: {  	[dreg:$0x12] =	wrdreg s22;
	s28 =	sadd.s32 s5, s26;
	s13 =	sshrl.u32 s31, $0x2  }
0x1f: {  	s16 =	sor.u32 $0x5000, s7;
	[dreg:$0xd] =	wrdreg s9;
	s9 =	sadd.s32 s3, s15  }
0x20: {  	s19 =	sshrl.u32 s10, $0x3;
	s11 =	sor.u32 s8, s11;
	s10 =	sshll.u32 s20, $0x8  }
0x21: {  	[dreg:$0x14] =	wrdreg s28;
	s14 =	sadd.s32 s5, s13;
	s17 =	sshrl.u32 s16, $0x2  }
0x22: {  	s20 =	sor.u32 $0x5800, s7;
	[dreg:$0xf] =	wrdreg s9;
	s9 =	sadd.s32 s3, s19  }
0x23: {  	s23 =	sshrl.u32 s11, $0x3;
	s10 =	sor.u32 s8, s10;
	s11 =	sshll.u32 s25, $0x8  }
0x24: {  	[dreg:$0x16] =	wrdreg s14;
	s18 =	sadd.s32 s5, s17;
	s21 =	sshrl.u32 s20, $0x2  }
0x25: {  	s25 =	sor.u32 $0x6000, s7;
	[dreg:$0x11] =	wrdreg s9;
	s9 =	sadd.s32 s3, s23  }
0x26: {  	s29 =	sshrl.u32 s10, $0x3;
	s11 =	sor.u32 s8, s11;
	s10 =	sshll.u32 s31, $0x8  }
0x27: {  	[dreg:$0x18] =	wrdreg s18;
	s22 =	sadd.s32 s5, s21;
	s26 =	sshrl.u32 s25, $0x2  }
0x28: {  	s31 =	sor.u32 $0x6800, s7;
	[dreg:$0x13] =	wrdreg s9;
	s9 =	sadd.s32 s3, s29  }
0x29: {  	s15 =	sshrl.u32 s11, $0x3;
	s10 =	sor.u32 s8, s10;
	s11 =	sshll.u32 s16, $0x8  }
0x2a: {  	[dreg:$0x1a] =	wrdreg s22;
	s28 =	sadd.s32 s5, s26;
	s13 =	sshrl.u32 s31, $0x2  }
0x2b: {  	s16 =	sor.u32 $0x7000, s7;
	[dreg:$0x15] =	wrdreg s9;
	s9 =	sadd.s32 s3, s15  }
0x2c: {  	s19 =	sshrl.u32 s10, $0x3;
	s11 =	sor.u32 s8, s11;
	s10 =	sshll.u32 s20, $0x8  }
0x2d: {  	[dreg:$0x1c] =	wrdreg s28;
	s14 =	sadd.s32 s5, s13;
	s17 =	sshrl.u32 s16, $0x2  }
0x2e: {  	s20 =	sor.u32 $0x7800, s7;
	[dreg:$0x17] =	wrdreg s9;
	s9 =	sadd.s32 s3, s19  }
0x2f: {  	s23 =	sshrl.u32 s11, $0x3;
	s10 =	sor.u32 s8, s10;
	s11 =	sshll.u32 s25, $0x8  }
0x30: {  	[dreg:$0x1e] =	wrdreg s14;
	s18 =	sadd.s32 s5, s17;
	s21 =	sshrl.u32 s20, $0x2  }
0x31: {  	s25 =	sor.u32 $0x8000, s7;
	[dreg:$0x19] =	wrdreg s9;
	s9 =	sadd.s32 s3, s23  }
0x32: {  	s29 =	sshrl.u32 s10, $0x3;
	s11 =	sor.u32 s8, s11;
	s10 =	sshll.u32 s31, $0x8  }
0x33: {  	[smem:$0x7B5] =	sst s18;
	s22 =	sadd.s32 s5, s21;
	s26 =	sshrl.u32 s25, $0x2  }
0x34: {  	s31 =	sor.u32 $0x8800, s7;
	[dreg:$0x1b] =	wrdreg s9;
	s9 =	sadd.s32 s3, s29  }
0x35: {  	s15 =	sshrl.u32 s11, $0x3;
	s10 =	sor.u32 s8, s10;
	s11 =	sshll.u32 s16, $0x8  }
0x36: {  	[smem:$0x7B7] =	sst s22;
	s28 =	sadd.s32 s5, s26;
	s13 =	sshrl.u32 s31, $0x2  }
0x37: {  	s16 =	sor.u32 $0x9000, s7;
	[dreg:$0x1d] =	wrdreg s9;
	s9 =	sadd.s32 s3, s15  }
0x38: {  	s19 =	sshrl.u32 s10, $0x3;
	s11 =	sor.u32 s8, s11;
	s10 =	sshll.u32 s20, $0x8  }
0x39: {  	[smem:$0x7B9] =	sst s28;
	s14 =	sadd.s32 s5, s13;
	s17 =	sshrl.u32 s16, $0x2  }
0x3a: {  	s20 =	sor.u32 $0x9800, s7;
	[dreg:$0x1f] =	wrdreg s9;
	s9 =	sadd.s32 s3, s19  }
0x3b: {  	s23 =	sshrl.u32 s11, $0x3;
	s10 =	sor.u32 s8, s10;
	s11 =	sshll.u32 s25, $0x8  }
0x3c: {  	[smem:$0x7BB] =	sst s14;
	s18 =	sadd.s32 s5, s17;
	s21 =	sshrl.u32 s20, $0x2  }
0x3d: {  	s25 =	sor.u32 $0xA000, s7;
	[smem:$0x7B6] =	sst s9;
	s9 =	sadd.s32 s3, s23  }
0x3e: {  	s29 =	sshrl.u32 s10, $0x3;
	s11 =	sor.u32 s8, s11;
	s10 =	sshll.u32 s31, $0x8  }
0x3f: {  	[smem:$0x7BD] =	sst s18;
	s22 =	sadd.s32 s5, s21;
	s26 =	sshrl.u32 s25, $0x2  }
0x40: {  	s31 =	sor.u32 $0xA800, s7;
	[smem:$0x7B8] =	sst s9;
	s9 =	sadd.s32 s3, s29  }
0x41: {  	s15 =	sshrl.u32 s11, $0x3;
	s10 =	sor.u32 s8, s10;
	s11 =	sshll.u32 s16, $0x8  }
0x42: {  	[smem:$0x7BF] =	sst s22;
	s28 =	sadd.s32 s5, s26;
	s13 =	sshrl.u32 s31, $0x2  }
0x43: {  	s16 =	sor.u32 $0xB000, s7;
	[smem:$0x7BA] =	sst s9;
	s9 =	sadd.s32 s3, s15  }
0x44: {  	s19 =	sshrl.u32 s10, $0x3;
	s11 =	sor.u32 s8, s11;
	s10 =	sshll.u32 s20, $0x8  }
0x45: {  	[smem:$0x7C1] =	sst s28;
	s14 =	sadd.s32 s5, s13;
	s17 =	sshrl.u32 s16, $0x2  }
0x46: {  	s20 =	sor.u32 $0xB800, s7;
	[smem:$0x7BC] =	sst s9;
	s9 =	sadd.s32 s3, s19  }
0x47: {  	s23 =	sshrl.u32 s11, $0x3;
	s10 =	sor.u32 s8, s10;
	s11 =	sshll.u32 s25, $0x8  }
0x48: {  	[smem:$0x7C3] =	sst s14;
	s18 =	sadd.s32 s5, s17;
	s21 =	sshrl.u32 s20, $0x2  }
0x49: {  	s25 =	sor.u32 $0xC000, s7;
	[smem:$0x7BE] =	sst s9;
	s9 =	sadd.s32 s3, s23  }
0x4a: {  	s29 =	sshrl.u32 s10, $0x3;
	s11 =	sor.u32 s8, s11;
	s10 =	sshll.u32 s31, $0x8  }
0x4b: {  	[smem:$0x7C5] =	sst s18;
	s22 =	sadd.s32 s5, s21;
	s26 =	sshrl.u32 s25, $0x2  }
0x4c: {  	s31 =	sor.u32 $0xC800, s7;
	[smem:$0x7C0] =	sst s9;
	s9 =	sadd.s32 s3, s29  }
0x4d: {  	s15 =	sshrl.u32 s11, $0x3;
	s10 =	sor.u32 s8, s10;
	s11 =	sshll.u32 s16, $0x8  }
0x4e: {  	[smem:$0x7C7] =	sst s22;
	s28 =	sadd.s32 s5, s26;
	s13 =	sshrl.u32 s31, $0x2  }
0x4f: {  	s16 =	sor.u32 $0xD000, s7;
	[smem:$0x7C2] =	sst s9;
	s9 =	sadd.s32 s3, s15  }
0x50: {  	s19 =	sshrl.u32 s10, $0x3;
	s11 =	sor.u32 s8, s11;
	s10 =	sshll.u32 s20, $0x8  }
0x51: {  	[smem:$0x7C9] =	sst s28;
	s14 =	sadd.s32 s5, s13;
	s17 =	sshrl.u32 s16, $0x2  }
0x52: {  	s20 =	sor.u32 $0xD800, s7;
	[smem:$0x7C4] =	sst s9;
	s9 =	sadd.s32 s3, s19  }
0x53: {  	s23 =	sshrl.u32 s11, $0x3;
	s10 =	sor.u32 s8, s10;
	s11 =	sshll.u32 s25, $0x8  }
0x54: {  	[smem:$0x7CB] =	sst s14;
	s18 =	sadd.s32 s5, s17;
	s21 =	sshrl.u32 s20, $0x2  }
0x55: {  	s25 =	sor.u32 $0xE000, s7;
	[smem:$0x7C6] =	sst s9;
	s9 =	sadd.s32 s3, s23  }
0x56: {  	s29 =	sshrl.u32 s10, $0x3;
	s11 =	sor.u32 s8, s11;
	s10 =	sshll.u32 s31, $0x8  }
0x57: {  	[smem:$0x7CD] =	sst s18;
	s22 =	sadd.s32 s5, s21;
	s26 =	sshrl.u32 s25, $0x2  }
0x58: {  	s31 =	sor.u32 $0xE800, s7;
	[smem:$0x7C8] =	sst s9;
	s9 =	sadd.s32 s3, s29  }
0x59: {  	s15 =	sshrl.u32 s11, $0x3;
	s10 =	sor.u32 s8, s10;
	s11 =	sshll.u32 s16, $0x8  }
0x5a: {  	[smem:$0x7CF] =	sst s22;
	s28 =	sadd.s32 s5, s26;
	s13 =	sshrl.u32 s31, $0x2  }
0x5b: {  	s16 =	sor.u32 $0xF000, s7;
	[smem:$0x7CA] =	sst s9;
	s9 =	sadd.s32 s3, s15  }
0x5c: {  	s19 =	sshrl.u32 s10, $0x3;
	s11 =	sor.u32 s8, s11;
	s10 =	sshll.u32 s20, $0x8  }
0x5d: {  	[smem:$0x7D1] =	sst s28;
	s14 =	sadd.s32 s5, s13;
	s17 =	sshrl.u32 s16, $0x2  }
0x5e: {  	s20 =	sor.u32 $0xF800, s7;
	[smem:$0x7CC] =	sst s9;
	s9 =	sadd.s32 s3, s19  }
0x5f: {  	s23 =	sshrl.u32 s11, $0x3;
	s10 =	sor.u32 s8, s10;
	s11 =	sshll.u32 s25, $0x8  }
0x60: {  	[smem:$0x7D3] =	sst s14;
	s18 =	sadd.s32 s5, s17;
	s21 =	sshrl.u32 s20, $0x2  }
0x61: {  	s25 =	sor.u32 $0x10000, s7;
	[smem:$0x7CE] =	sst s9;
	s9 =	sadd.s32 s3, s23  }
0x62: {  	s29 =	sshrl.u32 s10, $0x3;
	s11 =	sor.u32 s8, s11;
	s10 =	sshll.u32 s31, $0x8  }
0x63: {  	[smem:$0x7D5] =	sst s18;
	s22 =	sadd.s32 s5, s21;
	s26 =	sshrl.u32 s25, $0x2  }
0x64: {  	s31 =	sor.u32 $0x10800, s7;
	[smem:$0x7D0] =	sst s9;
	s9 =	sadd.s32 s3, s29  }
0x65: {  	s15 =	sshrl.u32 s11, $0x3;
	s10 =	sor.u32 s8, s10;
	s11 =	sshll.u32 s16, $0x8  }
0x66: {  	[smem:$0x7D7] =	sst s22;
	s28 =	sadd.s32 s5, s26;
	s13 =	sshrl.u32 s31, $0x2  }
0x67: {  	s16 =	sor.u32 $0x11000, s7;
	[smem:$0x7D2] =	sst s9;
	s9 =	sadd.s32 s3, s15  }
0x68: {  	s19 =	sshrl.u32 s10, $0x3;
	s11 =	sor.u32 s8, s11;
	s10 =	sshll.u32 s20, $0x8  }
0x69: {  	[smem:$0x7D9] =	sst s28;
	s14 =	sadd.s32 s5, s13;
	s17 =	sshrl.u32 s16, $0x2  }
0x6a: {  	s20 =	sor.u32 $0x11800, s7;
	[smem:$0x7D4] =	sst s9;
	s9 =	sadd.s32 s3, s19  }
0x6b: {  	s23 =	sshrl.u32 s11, $0x3;
	s10 =	sor.u32 s8, s10;
	s11 =	sshll.u32 s25, $0x8  }
0x6c: {  	[smem:$0x7DB] =	sst s14;
	s18 =	sadd.s32 s5, s17;
	s21 =	sshrl.u32 s20, $0x2  }
0x6d: {  	s25 =	sor.u32 $0x12000, s7;
	[smem:$0x7D6] =	sst s9;
	s9 =	sadd.s32 s3, s23  }
0x6e: {  	s29 =	sshrl.u32 s10, $0x3;
	s11 =	sor.u32 s8, s11;
	s10 =	sshll.u32 s31, $0x8  }
0x6f: {  	[smem:$0x7DD] =	sst s18;
	s22 =	sadd.s32 s5, s21;
	s26 =	sshrl.u32 s25, $0x2  }
0x70: {  	s31 =	sor.u32 $0x12800, s7;
	[smem:$0x7D8] =	sst s9;
	s9 =	sadd.s32 s3, s29  }
0x71: {  	s15 =	sshrl.u32 s11, $0x3;
	s10 =	sor.u32 s8, s10;
	s11 =	sshll.u32 s16, $0x8  }
0x72: {  	[smem:$0x7DF] =	sst s22;
	s28 =	sadd.s32 s5, s26;
	s13 =	sshrl.u32 s31, $0x2  }
0x73: {  	s16 =	sor.u32 $0x13000, s7;
	[smem:$0x7DA] =	sst s9;
	s9 =	sadd.s32 s3, s15  }
0x74: {  	s19 =	sshrl.u32 s10, $0x3;
	s11 =	sor.u32 s8, s11;
	s10 =	sshll.u32 s20, $0x8  }
0x75: {  	[smem:$0x7E1] =	sst s28;
	s14 =	sadd.s32 s5, s13;
	s17 =	sshrl.u32 s16, $0x2  }
0x76: {  	s20 =	sor.u32 $0x13800, s7;
	[smem:$0x7DC] =	sst s9;
	s9 =	sadd.s32 s3, s19  }
0x77: {  	s23 =	sshrl.u32 s11, $0x3;
	s10 =	sor.u32 s8, s10;
	s11 =	sshll.u32 s25, $0x8  }
0x78: {  	[smem:$0x7E3] =	sst s14;
	s18 =	sadd.s32 s5, s17;
	s21 =	sshrl.u32 s20, $0x2  }
0x79: {  	s25 =	sor.u32 $0x14000, s7;
	[smem:$0x7DE] =	sst s9;
	s9 =	sadd.s32 s3, s23  }
0x7a: {  	s29 =	sshrl.u32 s10, $0x3;
	s11 =	sor.u32 s8, s11;
	s10 =	sshll.u32 s31, $0x8  }
0x7b: {  	[smem:$0x7E5] =	sst s18;
	s22 =	sadd.s32 s5, s21;
	s26 =	sshrl.u32 s25, $0x2  }
0x7c: {  	s31 =	sor.u32 $0x14800, s7;
	[smem:$0x7E0] =	sst s9;
	s9 =	sadd.s32 s3, s29  }
0x7d: {  	s15 =	sshrl.u32 s11, $0x3;
	s10 =	sor.u32 s8, s10;
	s11 =	sshll.u32 s16, $0x8  }
0x7e: {  	[smem:$0x7E7] =	sst s22;
	s28 =	sadd.s32 s5, s26;
	s13 =	sshrl.u32 s31, $0x2  }
0x7f: {  	s16 =	sor.u32 $0x15000, s7;
	[smem:$0x7E2] =	sst s9;
	s9 =	sadd.s32 s3, s15  }
0x80: {  	s19 =	sshrl.u32 s10, $0x3;
	s11 =	sor.u32 s8, s11;
	s10 =	sshll.u32 s20, $0x8  }
0x81: {  	[smem:$0x7E9] =	sst s28;
	s14 =	sadd.s32 s5, s13;
	s17 =	sshrl.u32 s16, $0x2  }
0x82: {  	s20 =	sor.u32 $0x15800, s7;
	s28 =	sor.u32 $0x16800, s7;
	[smem:$0x7E4] =	sst s9  }
0x83: {  	s9 =	sadd.s32 s3, s19;
	s23 =	sshrl.u32 s11, $0x3;
	s10 =	sor.u32 s8, s10  }
0x84: {  	s11 =	sshll.u32 s25, $0x8;
	[smem:$0x7EB] =	sst s14;
	s18 =	sadd.s32 s5, s17  }
0x85: {  	s21 =	sshrl.u32 s20, $0x2;
	s25 =	sor.u32 $0x16000, s7;
	s17 =	sor.u32 $0x17000, s7  }
0x86: {  	s12 =	sshll.u32 s28, $0x8;
	[smem:$0x7E6] =	sst s9;
	s9 =	sadd.s32 s3, s23  }
0x87: {  	s29 =	sshrl.u32 s10, $0x3;
	s11 =	sor.u32 s8, s11;
	s10 =	sshll.u32 s31, $0x8  }
0x88: {  	[smem:$0x7ED] =	sst s18;
	s22 =	sadd.s32 s5, s21;
	s26 =	sshrl.u32 s25, $0x2  }
0x89: {  	s31 =	sshrl.u32 s28, $0x2;
	s14 =	sshll.u32 s25, $0x8;
	s12 =	sor.u32 s8, s12  }
0x8a: {  	s21 =	sor.u32 $0x17800, s7;
	s7 =	sor.u32 $0x18000, s7;
	[smem:$0x7E8] =	sst s9  }
0x8b: {  	s9 =	sadd.s32 s3, s29;
	s15 =	sshrl.u32 s11, $0x3;
	s10 =	sor.u32 s8, s10  }
0x8c: {  	s11 =	sshll.u32 s16, $0x8;
	[smem:$0x7EF] =	sst s22;
	s13 =	sadd.s32 s5, s31  }
0x8d: {  	s16 =	sor.u32 s8, s14;
	s12 =	sshrl.u32 s12, $0x3;
	s22 =	sshrl.u32 s21, $0x2  }
0x8e: {  	s25 =	sshll.u32 s7, $0x8;
	s7 =	sshrl.u32 s7, $0x2;
	s14 =	simm.s32 $0x2  }
0x8f: {  	[smem:$0x7EA] =	sst s9;
	s9 =	sadd.s32 s3, s15;
	s19 =	sshrl.u32 s10, $0x3  }
0x90: {  	s11 =	sor.u32 s8, s11;
	s10 =	sshll.u32 s20, $0x8;
	s15 =	ssub.s32 $0x2, s6  }
0x91: {  	[smem:$0x7F3] =	sst s13;
	s13 =	sshrl.u32 s17, $0x2;
	s20 =	sadd.s32 s3, s12  }
0x92: {  	s12 =	sadd.s32 s5, s22;
	s6 =	sshll.u32 s6, $0x7;
	s22 =	sshrl.u32 @!p0 s1, $0x3  }
0x93: {  	[smem:$0x7EC] =	sst s9;
	s9 =	sadd.s32 s3, s19;
	s23 =	sshrl.u32 s11, $0x3  }
0x94: {  	s10 =	sor.u32 s8, s10;
	s18 =	sadd.s32 s5, s13;
	[smem:$0x7F6] =	sst s20  }
0x95: {  	s19 =	sshrl.u32 s15, $0x1;
	[smem:$0x7F7] =	sst s12;
	s11 =	simm.s32 $0x10200  }
0x96: {  	s12 =	simm.s32 $0x6;
	s20 =	simm.s32 $0x18200;
	[smem:$0x7EE] =	sst s9  }
0x97: {  	s9 =	sadd.s32 s3, s23;
	s10 =	sshrl.u32 s10, $0x3;
	[smem:$0x7F5] =	sst s18  }
0x98: {  	s23 =	sadd.s32 s6, s3;
	s18 =	simm.s32 $0x8200;
	[smem:$0x7F0] =	sst s9  }
0x99: {  	s9 =	sadd.s32 s5, s26;
	s29 =	sadd.s32 s3, s10;
	s10 =	sshll.u32 s17, $0x8  }
0x9a: {  	s4 =	sadd.s32 $0x30D000, s23;
	s26 =	sadd.s32 s5, s7;
	[smem:$0x7F1] =	sst s9  }
0x9b: {  	s7 =	sor.u32 $0x8100, s6;
	s17 =	simm.s32 $0x1;
	[smem:$0x7F2] =	sst s29  }
0x9c: {  	s5 =	simm.s32 $0x3;
	s9 =	sshrl.u32 s16, $0x3;
	[smem:$0x7FB] =	sst s4  }
0x9d: {  	s10 =	sor.u32 s8, s10;
	s29 =	ssub.s32 s15, s19;
	[smem:$0x7FC] =	sst s26  }
0x9e: {  	s19 =	simm.s32 $0x8000;
	s15 =	simm.s32 $0x8100;
	s16 =	simm.s32 $0xC200  }
0x9f: {  	s4 =	simm.s32 $0x5;
	s26 =	rddreg [dreg:$0x4];
	s9 =	sadd.s32 s3, s9  }
0xa0: {  	s10 =	sshrl.u32 s10, $0x3;
	s13 =	smax.u32 s29, $0x1;
	[smem:$0x7F4] =	sst s9  }
0xa1: {  	s9 =	sshll.u32 s21, $0x8;
	s10 =	sadd.s32 s3, s10;
	s30 =	sadd.s32 $0xFFFFFFFF, s13  }
0xa2: {  	s21 =	simm.s32 $0x14200;
	s13 =	simm.s32 $0x7;
	p4 =	sne.s32 s30, $0x0  }
.Ltmp0:
0xa3: {  	s9 =	sor.u32 s8, s9;
	[smem:$0x7F8] =	sst s10;
	(pc) =	sbr.rel @!p4 .LBB2_1-.Ltmp0, $4  }
0xa4: {  	s8 =	sor.u32 s8, s25;
	s10 =	simm.s32 $0x800;
	s9 =	sshrl.u32 s9, $0x3  }
0xa5: {  	s28 =	sshrl.u32 s8, $0x3;
	s8 =	simm.s32 $0x400;
	s9 =	sadd.s32 s3, s9  }
0xa6: {  	s31 =	sadd.s32 s3, s28;
	s3 =	sor.u32 $0x8000, s6;
	[smem:$0x7F9] =	sst s9  }
0xa7: {  	s6 =	simm.s32 $0x4;
	[smem:$0x7FD] =	sst s31;
	s9 =	simm.s32 $0x80  }
0xa8: {  	s0 =	simm.s32 @!p0 $0x1C08;
	s23 =	simm.s32 @!p0 $0x8  }
0xa9: {  	[spmem:s22], [sflag:s0] =	dma.local @!p0 [hbm:s26], $0x10000  }
0xaa: {  	_ =	swait.ge @!p0 [sflag:s23], $0x10000  }
0xab: {  	[sflag:s23] =	ssyncset.done @!p0 $0x0  }
0xac: {  	[sflag:s23] =	ssyncadd.s32 @!p0 $0xFFFF0000  }
0xad: {  	[bflag:$0x0] =	sbarrier.arrive $0xFFFF  }
0xae: {  	s23 =	rddreg [dreg:$0x5]  }
0xaf: {  	[tilespmem:s19], [sflag:$0x1] =	stream.linear.gather [hbm4b:s23+s2], $0x100, $0x38;
	[tilespmem:$0x1C200] =	vst v63  }
0xb0: {  	_ =	swait.ge [sflag:s17], $0x100  }
0xb1: {  	[sflag:s17] =	ssyncset.done $0x0  }
0xb2: {  	[sflag:s17] =	ssyncadd.s32 $0xFFFFFF00  }
0xb3: {  	[tilespmem:s18], [sflag:$0x3] =	stream.indirect.gather [spmem:s1], $0x80, s3, s9, $0xb8;
	[tilespmem:$0x1C200] =	vst v63  }
0xb4: {  	s24 =	rddreg [dreg:$0x6]  }
0xb5: {  	[tilespmem:s15], [sflag:$0x2] =	stream.linear.gather [hbm4b:s24+s2], $0x100, $0x38;
	[tilespmem:$0x1C200] =	vst v63  }
0xb6: {  	_ =	swait.ge [sflag:s5], $0x4000  }
0xb7: {  	[sflag:s5] =	ssyncset.done $0x0  }
0xb8: {  	s25 =	rddreg [dreg:$0x7];
	[sflag:s5] =	ssyncadd.s32 $0xFFFFC000  }
0xb9: {  	[hbm4b:s25+s8] =	stream.strided.scatter [tilespmem:s18], [sflag:$0x3], $0x4000, s10, s8, $0x38;
	[tilespmem:$0x1C200] =	vst v63  }
0xba: {  	_ =	swait.ge [sflag:s14], $0x100  }
0xbb: {  	[sflag:s14] =	ssyncset.done $0x0  }
0xbc: {  	[sflag:s14] =	ssyncadd.s32 $0xFFFFFF00  }
0xbd: {  	[tilespmem:s16], [sflag:$0x4] =	stream.indirect.gather [spmem:s1], $0x80, s7, s9, $0xb8;
	[tilespmem:$0x1C200] =	vst v63  }
0xbe: {  	s26 =	rddreg [dreg:$0x8]  }
0xbf: {  	[tilespmem:s19], [sflag:$0x1] =	stream.linear.gather [hbm4b:s26+s2], $0x100, $0x38;
	[tilespmem:$0x1C200] =	vst v63  }
0xc0: {  	_ =	swait.ge [sflag:s6], $0x4000  }
0xc1: {  	[sflag:s6] =	ssyncset.done $0x0  }
0xc2: {  	s28 =	rddreg [dreg:$0x9];
	[sflag:s6] =	ssyncadd.s32 $0xFFFFC000  }
0xc3: {  	[hbm4b:s28+s8] =	stream.strided.scatter [tilespmem:s16], [sflag:$0x4], $0x4000, s10, s8, $0x38;
	[tilespmem:$0x1C200] =	vst v63  }
0xc4: {  	_ =	swait.ge [sflag:s17], $0x100  }
0xc5: {  	[sflag:s17] =	ssyncset.done $0x0  }
0xc6: {  	[sflag:s17] =	ssyncadd.s32 $0xFFFFFF00  }
0xc7: {  	[tilespmem:s11], [sflag:$0x5] =	stream.indirect.gather [spmem:s1], $0x80, s3, s9, $0xb8;
	[tilespmem:$0x1C200] =	vst v63  }
0xc8: {  	s31 =	rddreg [dreg:$0xa]  }
0xc9: {  	[tilespmem:s15], [sflag:$0x2] =	stream.linear.gather [hbm4b:s31+s2], $0x100, $0x38;
	[tilespmem:$0x1C200] =	vst v63  }
0xca: {  	_ =	swait.ge [sflag:s4], $0x4000  }
0xcb: {  	[sflag:s4] =	ssyncset.done $0x0  }
0xcc: {  	s23 =	rddreg [dreg:$0xb];
	[sflag:s4] =	ssyncadd.s32 $0xFFFFC000  }
0xcd: {  	[hbm4b:s23+s8] =	stream.strided.scatter [tilespmem:s11], [sflag:$0x5], $0x4000, s10, s8, $0x38;
	[tilespmem:$0x1C200] =	vst v63  }
0xce: {  	_ =	swait.ge [sflag:s14], $0x100  }
0xcf: {  	[sflag:s14] =	ssyncset.done $0x0  }
0xd0: {  	[sflag:s14] =	ssyncadd.s32 $0xFFFFFF00  }
0xd1: {  	[tilespmem:s21], [sflag:$0x6] =	stream.indirect.gather [spmem:s1], $0x80, s7, s9, $0xb8;
	[tilespmem:$0x1C200] =	vst v63  }
0xd2: {  	s24 =	rddreg [dreg:$0xc]  }
0xd3: {  	[tilespmem:s19], [sflag:$0x1] =	stream.linear.gather [hbm4b:s24+s2], $0x100, $0x38;
	[tilespmem:$0x1C200] =	vst v63  }
0xd4: {  	_ =	swait.ge [sflag:s12], $0x4000  }
0xd5: {  	[sflag:s12] =	ssyncset.done $0x0  }
0xd6: {  	s25 =	rddreg [dreg:$0xd];
	[sflag:s12] =	ssyncadd.s32 $0xFFFFC000  }
0xd7: {  	[hbm4b:s25+s8] =	stream.strided.scatter [tilespmem:s21], [sflag:$0x6], $0x4000, s10, s8, $0x38;
	[tilespmem:$0x1C200] =	vst v63  }
0xd8: {  	_ =	swait.ge [sflag:s17], $0x100  }
0xd9: {  	[sflag:s17] =	ssyncset.done $0x0  }
0xda: {  	[sflag:s17] =	ssyncadd.s32 $0xFFFFFF00  }
0xdb: {  	[tilespmem:s20], [sflag:$0x7] =	stream.indirect.gather [spmem:s1], $0x80, s3, s9, $0xb8;
	[tilespmem:$0x1C200] =	vst v63  }
0xdc: {  	s26 =	rddreg [dreg:$0xe]  }
0xdd: {  	[tilespmem:s15], [sflag:$0x2] =	stream.linear.gather [hbm4b:s26+s2], $0x100, $0x38;
	[tilespmem:$0x1C200] =	vst v63  }
0xde: {  	_ =	swait.ge [sflag:s13], $0x4000  }
0xdf: {  	[sflag:s13] =	ssyncset.done $0x0  }
0xe0: {  	s28 =	rddreg [dreg:$0xf];
	[sflag:s13] =	ssyncadd.s32 $0xFFFFC000  }
0xe1: {  	[hbm4b:s28+s8] =	stream.strided.scatter [tilespmem:s20], [sflag:$0x7], $0x4000, s10, s8, $0x38;
	[tilespmem:$0x1C200] =	vst v63  }
0xe2: {  	_ =	swait.ge [sflag:s14], $0x100  }
0xe3: {  	[sflag:s14] =	ssyncset.done $0x0  }
0xe4: {  	[sflag:s14] =	ssyncadd.s32 $0xFFFFFF00  }
0xe5: {  	_ =	swait.ge [sflag:s5], $0x4000  }
0xe6: {  	[sflag:s5] =	ssyncset.done $0x0  }
0xe7: {  	[sflag:s5] =	ssyncadd.s32 $0xFFFFC000  }
0xe8: {  	[tilespmem:s18], [sflag:$0x3] =	stream.indirect.gather [spmem:s1], $0x80, s7, s9, $0xb8;
	[tilespmem:$0x1C200] =	vst v63  }
0xe9: {  	s31 =	rddreg [dreg:$0x10]  }
0xea: {  	[tilespmem:s19], [sflag:$0x1] =	stream.linear.gather [hbm4b:s31+s2], $0x100, $0x38;
	[tilespmem:$0x1C200] =	vst v63  }
0xeb: {  	_ =	swait.ge [sflag:s5], $0x4000  }
0xec: {  	[sflag:s5] =	ssyncset.done $0x0  }
0xed: {  	s23 =	rddreg [dreg:$0x11];
	[sflag:s5] =	ssyncadd.s32 $0xFFFFC000  }
0xee: {  	[hbm4b:s23+s8] =	stream.strided.scatter [tilespmem:s18], [sflag:$0x3], $0x4000, s10, s8, $0x38;
	[tilespmem:$0x1C200] =	vst v63  }
0xef: {  	_ =	swait.ge [sflag:s17], $0x100  }
0xf0: {  	[sflag:s17] =	ssyncset.done $0x0  }
0xf1: {  	[sflag:s17] =	ssyncadd.s32 $0xFFFFFF00  }
0xf2: {  	_ =	swait.ge [sflag:s6], $0x4000  }
0xf3: {  	[sflag:s6] =	ssyncset.done $0x0  }
0xf4: {  	[sflag:s6] =	ssyncadd.s32 $0xFFFFC000  }
0xf5: {  	[tilespmem:s16], [sflag:$0x4] =	stream.indirect.gather [spmem:s1], $0x80, s3, s9, $0xb8;
	[tilespmem:$0x1C200] =	vst v63  }
0xf6: {  	s24 =	rddreg [dreg:$0x12]  }
0xf7: {  	[tilespmem:s15], [sflag:$0x2] =	stream.linear.gather [hbm4b:s24+s2], $0x100, $0x38;
	[tilespmem:$0x1C200] =	vst v63  }
0xf8: {  	_ =	swait.ge [sflag:s6], $0x4000  }
0xf9: {  	[sflag:s6] =	ssyncset.done $0x0  }
0xfa: {  	s25 =	rddreg [dreg:$0x13];
	[sflag:s6] =	ssyncadd.s32 $0xFFFFC000  }
0xfb: {  	[hbm4b:s25+s8] =	stream.strided.scatter [tilespmem:s16], [sflag:$0x4], $0x4000, s10, s8, $0x38;
	[tilespmem:$0x1C200] =	vst v63  }
0xfc: {  	_ =	swait.ge [sflag:s14], $0x100  }
0xfd: {  	[sflag:s14] =	ssyncset.done $0x0  }
0xfe: {  	[sflag:s14] =	ssyncadd.s32 $0xFFFFFF00  }
0xff: {  	_ =	swait.ge [sflag:s4], $0x4000  }
0x100: {  	[sflag:s4] =	ssyncset.done $0x0  }
0x101: {  	[sflag:s4] =	ssyncadd.s32 $0xFFFFC000  }
0x102: {  	[tilespmem:s11], [sflag:$0x5] =	stream.indirect.gather [spmem:s1], $0x80, s7, s9, $0xb8;
	[tilespmem:$0x1C200] =	vst v63  }
0x103: {  	s26 =	rddreg [dreg:$0x14]  }
0x104: {  	[tilespmem:s19], [sflag:$0x1] =	stream.linear.gather [hbm4b:s26+s2], $0x100, $0x38;
	[tilespmem:$0x1C200] =	vst v63  }
0x105: {  	_ =	swait.ge [sflag:s4], $0x4000  }
0x106: {  	[sflag:s4] =	ssyncset.done $0x0  }
0x107: {  	s28 =	rddreg [dreg:$0x15];
	[sflag:s4] =	ssyncadd.s32 $0xFFFFC000  }
0x108: {  	[hbm4b:s28+s8] =	stream.strided.scatter [tilespmem:s11], [sflag:$0x5], $0x4000, s10, s8, $0x38;
	[tilespmem:$0x1C200] =	vst v63  }
0x109: {  	_ =	swait.ge [sflag:s17], $0x100  }
0x10a: {  	[sflag:s17] =	ssyncset.done $0x0  }
0x10b: {  	[sflag:s17] =	ssyncadd.s32 $0xFFFFFF00  }
0x10c: {  	_ =	swait.ge [sflag:s12], $0x4000  }
0x10d: {  	[sflag:s12] =	ssyncset.done $0x0  }
0x10e: {  	[sflag:s12] =	ssyncadd.s32 $0xFFFFC000  }
0x10f: {  	[tilespmem:s21], [sflag:$0x6] =	stream.indirect.gather [spmem:s1], $0x80, s3, s9, $0xb8;
	[tilespmem:$0x1C200] =	vst v63  }
0x110: {  	s31 =	rddreg [dreg:$0x16]  }
0x111: {  	[tilespmem:s15], [sflag:$0x2] =	stream.linear.gather [hbm4b:s31+s2], $0x100, $0x38;
	[tilespmem:$0x1C200] =	vst v63  }
0x112: {  	_ =	swait.ge [sflag:s12], $0x4000  }
0x113: {  	[sflag:s12] =	ssyncset.done $0x0  }
0x114: {  	s23 =	rddreg [dreg:$0x17];
	[sflag:s12] =	ssyncadd.s32 $0xFFFFC000  }
0x115: {  	[hbm4b:s23+s8] =	stream.strided.scatter [tilespmem:s21], [sflag:$0x6], $0x4000, s10, s8, $0x38;
	[tilespmem:$0x1C200] =	vst v63  }
0x116: {  	_ =	swait.ge [sflag:s14], $0x100  }
0x117: {  	[sflag:s14] =	ssyncset.done $0x0  }
0x118: {  	[sflag:s14] =	ssyncadd.s32 $0xFFFFFF00  }
0x119: {  	_ =	swait.ge [sflag:s13], $0x4000  }
0x11a: {  	[sflag:s13] =	ssyncset.done $0x0  }
0x11b: {  	[sflag:s13] =	ssyncadd.s32 $0xFFFFC000  }
0x11c: {  	[tilespmem:s20], [sflag:$0x7] =	stream.indirect.gather [spmem:s1], $0x80, s7, s9, $0xb8;
	[tilespmem:$0x1C200] =	vst v63  }
0x11d: {  	s24 =	rddreg [dreg:$0x18]  }
0x11e: {  	[tilespmem:s19], [sflag:$0x1] =	stream.linear.gather [hbm4b:s24+s2], $0x100, $0x38;
	[tilespmem:$0x1C200] =	vst v63  }
0x11f: {  	_ =	swait.ge [sflag:s13], $0x4000  }
0x120: {  	[sflag:s13] =	ssyncset.done $0x0  }
0x121: {  	s25 =	rddreg [dreg:$0x19];
	[sflag:s13] =	ssyncadd.s32 $0xFFFFC000  }
0x122: {  	[hbm4b:s25+s8] =	stream.strided.scatter [tilespmem:s20], [sflag:$0x7], $0x4000, s10, s8, $0x38;
	[tilespmem:$0x1C200] =	vst v63  }
0x123: {  	_ =	swait.ge [sflag:s17], $0x100  }
0x124: {  	[sflag:s17] =	ssyncset.done $0x0  }
0x125: {  	[sflag:s17] =	ssyncadd.s32 $0xFFFFFF00  }
0x126: {  	_ =	swait.ge [sflag:s5], $0x4000  }
0x127: {  	[sflag:s5] =	ssyncset.done $0x0  }
0x128: {  	[sflag:s5] =	ssyncadd.s32 $0xFFFFC000  }
0x129: {  	[tilespmem:s18], [sflag:$0x3] =	stream.indirect.gather [spmem:s1], $0x80, s3, s9, $0xb8;
	[tilespmem:$0x1C200] =	vst v63  }
0x12a: {  	s26 =	rddreg [dreg:$0x1a]  }
0x12b: {  	[tilespmem:s15], [sflag:$0x2] =	stream.linear.gather [hbm4b:s26+s2], $0x100, $0x38;
	[tilespmem:$0x1C200] =	vst v63  }
0x12c: {  	_ =	swait.ge [sflag:s5], $0x4000  }
0x12d: {  	[sflag:s5] =	ssyncset.done $0x0  }
0x12e: {  	s28 =	rddreg [dreg:$0x1b];
	[sflag:s5] =	ssyncadd.s32 $0xFFFFC000  }
0x12f: {  	[hbm4b:s28+s8] =	stream.strided.scatter [tilespmem:s18], [sflag:$0x3], $0x4000, s10, s8, $0x38;
	[tilespmem:$0x1C200] =	vst v63  }
0x130: {  	_ =	swait.ge [sflag:s14], $0x100  }
0x131: {  	[sflag:s14] =	ssyncset.done $0x0  }
0x132: {  	[sflag:s14] =	ssyncadd.s32 $0xFFFFFF00  }
0x133: {  	_ =	swait.ge [sflag:s6], $0x4000  }
0x134: {  	[sflag:s6] =	ssyncset.done $0x0  }
0x135: {  	[sflag:s6] =	ssyncadd.s32 $0xFFFFC000  }
0x136: {  	[tilespmem:s16], [sflag:$0x4] =	stream.indirect.gather [spmem:s1], $0x80, s7, s9, $0xb8;
	[tilespmem:$0x1C200] =	vst v63  }
0x137: {  	s31 =	rddreg [dreg:$0x1c]  }
0x138: {  	[tilespmem:s19], [sflag:$0x1] =	stream.linear.gather [hbm4b:s31+s2], $0x100, $0x38;
	[tilespmem:$0x1C200] =	vst v63  }
0x139: {  	_ =	swait.ge [sflag:s6], $0x4000  }
0x13a: {  	[sflag:s6] =	ssyncset.done $0x0  }
0x13b: {  	s23 =	rddreg [dreg:$0x1d];
	[sflag:s6] =	ssyncadd.s32 $0xFFFFC000  }
0x13c: {  	[hbm4b:s23+s8] =	stream.strided.scatter [tilespmem:s16], [sflag:$0x4], $0x4000, s10, s8, $0x38;
	[tilespmem:$0x1C200] =	vst v63  }
0x13d: {  	_ =	swait.ge [sflag:s17], $0x100  }
0x13e: {  	[sflag:s17] =	ssyncset.done $0x0  }
0x13f: {  	[sflag:s17] =	ssyncadd.s32 $0xFFFFFF00  }
0x140: {  	_ =	swait.ge [sflag:s4], $0x4000  }
0x141: {  	[sflag:s4] =	ssyncset.done $0x0  }
0x142: {  	[sflag:s4] =	ssyncadd.s32 $0xFFFFC000  }
0x143: {  	[tilespmem:s11], [sflag:$0x5] =	stream.indirect.gather [spmem:s1], $0x80, s3, s9, $0xb8;
	[tilespmem:$0x1C200] =	vst v63  }
0x144: {  	s24 =	rddreg [dreg:$0x1e]  }
0x145: {  	[tilespmem:s15], [sflag:$0x2] =	stream.linear.gather [hbm4b:s24+s2], $0x100, $0x38;
	[tilespmem:$0x1C200] =	vst v63  }
0x146: {  	_ =	swait.ge [sflag:s4], $0x4000  }
0x147: {  	[sflag:s4] =	ssyncset.done $0x0  }
0x148: {  	s25 =	rddreg [dreg:$0x1f];
	[sflag:s4] =	ssyncadd.s32 $0xFFFFC000  }
0x149: {  	[hbm4b:s25+s8] =	stream.strided.scatter [tilespmem:s11], [sflag:$0x5], $0x4000, s10, s8, $0x38;
	[tilespmem:$0x1C200] =	vst v63  }
0x14a: {  	_ =	swait.ge [sflag:s14], $0x100  }
0x14b: {  	[sflag:s14] =	ssyncset.done $0x0  }
0x14c: {  	[sflag:s14] =	ssyncadd.s32 $0xFFFFFF00  }
0x14d: {  	_ =	swait.ge [sflag:s12], $0x4000  }
0x14e: {  	[sflag:s12] =	ssyncset.done $0x0  }
0x14f: {  	s26 =	sld [smem:$0x7B5];
	[sflag:s12] =	ssyncadd.s32 $0xFFFFC000  }
0x150: {  	[tilespmem:s21], [sflag:$0x6] =	stream.indirect.gather [spmem:s1], $0x80, s7, s9, $0xb8;
	[tilespmem:$0x1C200] =	vst v63  }
0x151: {  	_ = 	snop  }
0x152: {  	[tilespmem:s19], [sflag:$0x1] =	stream.linear.gather [hbm4b:s26+s2], $0x100, $0x38;
	[tilespmem:$0x1C200] =	vst v63  }
0x153: {  	_ =	swait.ge [sflag:s12], $0x4000  }
0x154: {  	s28 =	sld [smem:$0x7B6]  }
0x155: {  	[sflag:s12] =	ssyncset.done $0x0  }
0x156: {  	[sflag:s12] =	ssyncadd.s32 $0xFFFFC000  }
0x157: {  	[hbm4b:s28+s8] =	stream.strided.scatter [tilespmem:s21], [sflag:$0x6], $0x4000, s10, s8, $0x38;
	[tilespmem:$0x1C200] =	vst v63  }
0x158: {  	_ =	swait.ge [sflag:s17], $0x100  }
0x159: {  	[sflag:s17] =	ssyncset.done $0x0  }
0x15a: {  	[sflag:s17] =	ssyncadd.s32 $0xFFFFFF00  }
0x15b: {  	_ =	swait.ge [sflag:s13], $0x4000  }
0x15c: {  	[sflag:s13] =	ssyncset.done $0x0  }
0x15d: {  	s31 =	sld [smem:$0x7B7];
	[sflag:s13] =	ssyncadd.s32 $0xFFFFC000  }
0x15e: {  	[tilespmem:s20], [sflag:$0x7] =	stream.indirect.gather [spmem:s1], $0x80, s3, s9, $0xb8;
	[tilespmem:$0x1C200] =	vst v63  }
0x15f: {  	_ = 	snop  }
0x160: {  	[tilespmem:s15], [sflag:$0x2] =	stream.linear.gather [hbm4b:s31+s2], $0x100, $0x38;
	[tilespmem:$0x1C200] =	vst v63  }
0x161: {  	_ =	swait.ge [sflag:s13], $0x4000  }
0x162: {  	s23 =	sld [smem:$0x7B8]  }
0x163: {  	[sflag:s13] =	ssyncset.done $0x0  }
0x164: {  	[sflag:s13] =	ssyncadd.s32 $0xFFFFC000  }
0x165: {  	[hbm4b:s23+s8] =	stream.strided.scatter [tilespmem:s20], [sflag:$0x7], $0x4000, s10, s8, $0x38;
	[tilespmem:$0x1C200] =	vst v63  }
0x166: {  	_ =	swait.ge [sflag:s14], $0x100  }
0x167: {  	[sflag:s14] =	ssyncset.done $0x0  }
0x168: {  	[sflag:s14] =	ssyncadd.s32 $0xFFFFFF00  }
0x169: {  	_ =	swait.ge [sflag:s5], $0x4000  }
0x16a: {  	[sflag:s5] =	ssyncset.done $0x0  }
0x16b: {  	s24 =	sld [smem:$0x7B9];
	[sflag:s5] =	ssyncadd.s32 $0xFFFFC000  }
0x16c: {  	[tilespmem:s18], [sflag:$0x3] =	stream.indirect.gather [spmem:s1], $0x80, s7, s9, $0xb8;
	[tilespmem:$0x1C200] =	vst v63  }
0x16d: {  	_ = 	snop  }
0x16e: {  	[tilespmem:s19], [sflag:$0x1] =	stream.linear.gather [hbm4b:s24+s2], $0x100, $0x38;
	[tilespmem:$0x1C200] =	vst v63  }
0x16f: {  	_ =	swait.ge [sflag:s5], $0x4000  }
0x170: {  	s25 =	sld [smem:$0x7BA]  }
0x171: {  	[sflag:s5] =	ssyncset.done $0x0  }
0x172: {  	[sflag:s5] =	ssyncadd.s32 $0xFFFFC000  }
0x173: {  	[hbm4b:s25+s8] =	stream.strided.scatter [tilespmem:s18], [sflag:$0x3], $0x4000, s10, s8, $0x38;
	[tilespmem:$0x1C200] =	vst v63  }
0x174: {  	_ =	swait.ge [sflag:s17], $0x100  }
0x175: {  	[sflag:s17] =	ssyncset.done $0x0  }
0x176: {  	[sflag:s17] =	ssyncadd.s32 $0xFFFFFF00  }
0x177: {  	_ =	swait.ge [sflag:s6], $0x4000  }
0x178: {  	[sflag:s6] =	ssyncset.done $0x0  }
0x179: {  	s26 =	sld [smem:$0x7BB];
	[sflag:s6] =	ssyncadd.s32 $0xFFFFC000  }
0x17a: {  	[tilespmem:s16], [sflag:$0x4] =	stream.indirect.gather [spmem:s1], $0x80, s3, s9, $0xb8;
	[tilespmem:$0x1C200] =	vst v63  }
0x17b: {  	_ = 	snop  }
0x17c: {  	[tilespmem:s15], [sflag:$0x2] =	stream.linear.gather [hbm4b:s26+s2], $0x100, $0x38;
	[tilespmem:$0x1C200] =	vst v63  }
0x17d: {  	_ =	swait.ge [sflag:s6], $0x4000  }
0x17e: {  	s28 =	sld [smem:$0x7BC]  }
0x17f: {  	[sflag:s6] =	ssyncset.done $0x0  }
0x180: {  	[sflag:s6] =	ssyncadd.s32 $0xFFFFC000  }
0x181: {  	[hbm4b:s28+s8] =	stream.strided.scatter [tilespmem:s16], [sflag:$0x4], $0x4000, s10, s8, $0x38;
	[tilespmem:$0x1C200] =	vst v63  }
0x182: {  	_ =	swait.ge [sflag:s14], $0x100  }
0x183: {  	[sflag:s14] =	ssyncset.done $0x0  }
0x184: {  	[sflag:s14] =	ssyncadd.s32 $0xFFFFFF00  }
0x185: {  	_ =	swait.ge [sflag:s4], $0x4000  }
0x186: {  	[sflag:s4] =	ssyncset.done $0x0  }
0x187: {  	s31 =	sld [smem:$0x7BD];
	[sflag:s4] =	ssyncadd.s32 $0xFFFFC000  }
0x188: {  	[tilespmem:s11], [sflag:$0x5] =	stream.indirect.gather [spmem:s1], $0x80, s7, s9, $0xb8;
	[tilespmem:$0x1C200] =	vst v63  }
0x189: {  	_ = 	snop  }
0x18a: {  	[tilespmem:s19], [sflag:$0x1] =	stream.linear.gather [hbm4b:s31+s2], $0x100, $0x38;
	[tilespmem:$0x1C200] =	vst v63  }
0x18b: {  	_ =	swait.ge [sflag:s4], $0x4000  }
0x18c: {  	s23 =	sld [smem:$0x7BE]  }
0x18d: {  	[sflag:s4] =	ssyncset.done $0x0  }
0x18e: {  	[sflag:s4] =	ssyncadd.s32 $0xFFFFC000  }
0x18f: {  	[hbm4b:s23+s8] =	stream.strided.scatter [tilespmem:s11], [sflag:$0x5], $0x4000, s10, s8, $0x38;
	[tilespmem:$0x1C200] =	vst v63  }
0x190: {  	_ =	swait.ge [sflag:s17], $0x100  }
0x191: {  	[sflag:s17] =	ssyncset.done $0x0  }
0x192: {  	[sflag:s17] =	ssyncadd.s32 $0xFFFFFF00  }
0x193: {  	_ =	swait.ge [sflag:s12], $0x4000  }
0x194: {  	[sflag:s12] =	ssyncset.done $0x0  }
0x195: {  	s24 =	sld [smem:$0x7BF];
	[sflag:s12] =	ssyncadd.s32 $0xFFFFC000  }
0x196: {  	[tilespmem:s21], [sflag:$0x6] =	stream.indirect.gather [spmem:s1], $0x80, s3, s9, $0xb8;
	[tilespmem:$0x1C200] =	vst v63  }
0x197: {  	_ = 	snop  }
0x198: {  	[tilespmem:s15], [sflag:$0x2] =	stream.linear.gather [hbm4b:s24+s2], $0x100, $0x38;
	[tilespmem:$0x1C200] =	vst v63  }
0x199: {  	_ =	swait.ge [sflag:s12], $0x4000  }
0x19a: {  	s25 =	sld [smem:$0x7C0]  }
0x19b: {  	[sflag:s12] =	ssyncset.done $0x0  }
0x19c: {  	[sflag:s12] =	ssyncadd.s32 $0xFFFFC000  }
0x19d: {  	[hbm4b:s25+s8] =	stream.strided.scatter [tilespmem:s21], [sflag:$0x6], $0x4000, s10, s8, $0x38;
	[tilespmem:$0x1C200] =	vst v63  }
0x19e: {  	_ =	swait.ge [sflag:s14], $0x100  }
0x19f: {  	[sflag:s14] =	ssyncset.done $0x0  }
0x1a0: {  	[sflag:s14] =	ssyncadd.s32 $0xFFFFFF00  }
0x1a1: {  	_ =	swait.ge [sflag:s13], $0x4000  }
0x1a2: {  	[sflag:s13] =	ssyncset.done $0x0  }
0x1a3: {  	s26 =	sld [smem:$0x7C1];
	[sflag:s13] =	ssyncadd.s32 $0xFFFFC000  }
0x1a4: {  	[tilespmem:s20], [sflag:$0x7] =	stream.indirect.gather [spmem:s1], $0x80, s7, s9, $0xb8;
	[tilespmem:$0x1C200] =	vst v63  }
0x1a5: {  	_ = 	snop  }
0x1a6: {  	[tilespmem:s19], [sflag:$0x1] =	stream.linear.gather [hbm4b:s26+s2], $0x100, $0x38;
	[tilespmem:$0x1C200] =	vst v63  }
0x1a7: {  	_ =	swait.ge [sflag:s13], $0x4000  }
0x1a8: {  	s28 =	sld [smem:$0x7C2]  }
0x1a9: {  	[sflag:s13] =	ssyncset.done $0x0  }
0x1aa: {  	[sflag:s13] =	ssyncadd.s32 $0xFFFFC000  }
0x1ab: {  	[hbm4b:s28+s8] =	stream.strided.scatter [tilespmem:s20], [sflag:$0x7], $0x4000, s10, s8, $0x38;
	[tilespmem:$0x1C200] =	vst v63  }
0x1ac: {  	_ =	swait.ge [sflag:s17], $0x100  }
0x1ad: {  	[sflag:s17] =	ssyncset.done $0x0  }
0x1ae: {  	[sflag:s17] =	ssyncadd.s32 $0xFFFFFF00  }
0x1af: {  	_ =	swait.ge [sflag:s5], $0x4000  }
0x1b0: {  	[sflag:s5] =	ssyncset.done $0x0  }
0x1b1: {  	s31 =	sld [smem:$0x7C3];
	[sflag:s5] =	ssyncadd.s32 $0xFFFFC000  }
0x1b2: {  	[tilespmem:s18], [sflag:$0x3] =	stream.indirect.gather [spmem:s1], $0x80, s3, s9, $0xb8;
	[tilespmem:$0x1C200] =	vst v63  }
0x1b3: {  	_ = 	snop  }
0x1b4: {  	[tilespmem:s15], [sflag:$0x2] =	stream.linear.gather [hbm4b:s31+s2], $0x100, $0x38;
	[tilespmem:$0x1C200] =	vst v63  }
0x1b5: {  	_ =	swait.ge [sflag:s5], $0x4000  }
0x1b6: {  	s23 =	sld [smem:$0x7C4]  }
0x1b7: {  	[sflag:s5] =	ssyncset.done $0x0  }
0x1b8: {  	[sflag:s5] =	ssyncadd.s32 $0xFFFFC000  }
0x1b9: {  	[hbm4b:s23+s8] =	stream.strided.scatter [tilespmem:s18], [sflag:$0x3], $0x4000, s10, s8, $0x38;
	[tilespmem:$0x1C200] =	vst v63  }
0x1ba: {  	_ =	swait.ge [sflag:s14], $0x100  }
0x1bb: {  	[sflag:s14] =	ssyncset.done $0x0  }
0x1bc: {  	[sflag:s14] =	ssyncadd.s32 $0xFFFFFF00  }
0x1bd: {  	_ =	swait.ge [sflag:s6], $0x4000  }
0x1be: {  	[sflag:s6] =	ssyncset.done $0x0  }
0x1bf: {  	s24 =	sld [smem:$0x7C5];
	[sflag:s6] =	ssyncadd.s32 $0xFFFFC000  }
0x1c0: {  	[tilespmem:s16], [sflag:$0x4] =	stream.indirect.gather [spmem:s1], $0x80, s7, s9, $0xb8;
	[tilespmem:$0x1C200] =	vst v63  }
0x1c1: {  	_ = 	snop  }
0x1c2: {  	[tilespmem:s19], [sflag:$0x1] =	stream.linear.gather [hbm4b:s24+s2], $0x100, $0x38;
	[tilespmem:$0x1C200] =	vst v63  }
0x1c3: {  	_ =	swait.ge [sflag:s6], $0x4000  }
0x1c4: {  	s25 =	sld [smem:$0x7C6]  }
0x1c5: {  	[sflag:s6] =	ssyncset.done $0x0  }
0x1c6: {  	[sflag:s6] =	ssyncadd.s32 $0xFFFFC000  }
0x1c7: {  	[hbm4b:s25+s8] =	stream.strided.scatter [tilespmem:s16], [sflag:$0x4], $0x4000, s10, s8, $0x38;
	[tilespmem:$0x1C200] =	vst v63  }
0x1c8: {  	_ =	swait.ge [sflag:s17], $0x100  }
0x1c9: {  	[sflag:s17] =	ssyncset.done $0x0  }
0x1ca: {  	[sflag:s17] =	ssyncadd.s32 $0xFFFFFF00  }
0x1cb: {  	_ =	swait.ge [sflag:s4], $0x4000  }
0x1cc: {  	[sflag:s4] =	ssyncset.done $0x0  }
0x1cd: {  	s26 =	sld [smem:$0x7C7];
	[sflag:s4] =	ssyncadd.s32 $0xFFFFC000  }
0x1ce: {  	[tilespmem:s11], [sflag:$0x5] =	stream.indirect.gather [spmem:s1], $0x80, s3, s9, $0xb8;
	[tilespmem:$0x1C200] =	vst v63  }
0x1cf: {  	_ = 	snop  }
0x1d0: {  	[tilespmem:s15], [sflag:$0x2] =	stream.linear.gather [hbm4b:s26+s2], $0x100, $0x38;
	[tilespmem:$0x1C200] =	vst v63  }
0x1d1: {  	_ =	swait.ge [sflag:s4], $0x4000  }
0x1d2: {  	s28 =	sld [smem:$0x7C8]  }
0x1d3: {  	[sflag:s4] =	ssyncset.done $0x0  }
0x1d4: {  	[sflag:s4] =	ssyncadd.s32 $0xFFFFC000  }
0x1d5: {  	[hbm4b:s28+s8] =	stream.strided.scatter [tilespmem:s11], [sflag:$0x5], $0x4000, s10, s8, $0x38;
	[tilespmem:$0x1C200] =	vst v63  }
0x1d6: {  	_ =	swait.ge [sflag:s14], $0x100  }
0x1d7: {  	[sflag:s14] =	ssyncset.done $0x0  }
0x1d8: {  	[sflag:s14] =	ssyncadd.s32 $0xFFFFFF00  }
0x1d9: {  	_ =	swait.ge [sflag:s12], $0x4000  }
0x1da: {  	[sflag:s12] =	ssyncset.done $0x0  }
0x1db: {  	s31 =	sld [smem:$0x7C9];
	[sflag:s12] =	ssyncadd.s32 $0xFFFFC000  }
0x1dc: {  	[tilespmem:s21], [sflag:$0x6] =	stream.indirect.gather [spmem:s1], $0x80, s7, s9, $0xb8;
	[tilespmem:$0x1C200] =	vst v63  }
0x1dd: {  	_ = 	snop  }
0x1de: {  	[tilespmem:s19], [sflag:$0x1] =	stream.linear.gather [hbm4b:s31+s2], $0x100, $0x38;
	[tilespmem:$0x1C200] =	vst v63  }
0x1df: {  	_ =	swait.ge [sflag:s12], $0x4000  }
0x1e0: {  	s23 =	sld [smem:$0x7CA]  }
0x1e1: {  	[sflag:s12] =	ssyncset.done $0x0  }
0x1e2: {  	[sflag:s12] =	ssyncadd.s32 $0xFFFFC000  }
0x1e3: {  	[hbm4b:s23+s8] =	stream.strided.scatter [tilespmem:s21], [sflag:$0x6], $0x4000, s10, s8, $0x38;
	[tilespmem:$0x1C200] =	vst v63  }
0x1e4: {  	_ =	swait.ge [sflag:s17], $0x100  }
0x1e5: {  	[sflag:s17] =	ssyncset.done $0x0  }
0x1e6: {  	[sflag:s17] =	ssyncadd.s32 $0xFFFFFF00  }
0x1e7: {  	_ =	swait.ge [sflag:s13], $0x4000  }
0x1e8: {  	[sflag:s13] =	ssyncset.done $0x0  }
0x1e9: {  	s24 =	sld [smem:$0x7CB];
	[sflag:s13] =	ssyncadd.s32 $0xFFFFC000  }
0x1ea: {  	[tilespmem:s20], [sflag:$0x7] =	stream.indirect.gather [spmem:s1], $0x80, s3, s9, $0xb8;
	[tilespmem:$0x1C200] =	vst v63  }
0x1eb: {  	_ = 	snop  }
0x1ec: {  	[tilespmem:s15], [sflag:$0x2] =	stream.linear.gather [hbm4b:s24+s2], $0x100, $0x38;
	[tilespmem:$0x1C200] =	vst v63  }
0x1ed: {  	_ =	swait.ge [sflag:s13], $0x4000  }
0x1ee: {  	s25 =	sld [smem:$0x7CC]  }
0x1ef: {  	[sflag:s13] =	ssyncset.done $0x0  }
0x1f0: {  	[sflag:s13] =	ssyncadd.s32 $0xFFFFC000  }
0x1f1: {  	[hbm4b:s25+s8] =	stream.strided.scatter [tilespmem:s20], [sflag:$0x7], $0x4000, s10, s8, $0x38;
	[tilespmem:$0x1C200] =	vst v63  }
0x1f2: {  	_ =	swait.ge [sflag:s14], $0x100  }
0x1f3: {  	[sflag:s14] =	ssyncset.done $0x0  }
0x1f4: {  	[sflag:s14] =	ssyncadd.s32 $0xFFFFFF00  }
0x1f5: {  	_ =	swait.ge [sflag:s5], $0x4000  }
0x1f6: {  	[sflag:s5] =	ssyncset.done $0x0  }
0x1f7: {  	s26 =	sld [smem:$0x7CD];
	[sflag:s5] =	ssyncadd.s32 $0xFFFFC000  }
0x1f8: {  	[tilespmem:s18], [sflag:$0x3] =	stream.indirect.gather [spmem:s1], $0x80, s7, s9, $0xb8;
	[tilespmem:$0x1C200] =	vst v63  }
0x1f9: {  	_ = 	snop  }
0x1fa: {  	[tilespmem:s19], [sflag:$0x1] =	stream.linear.gather [hbm4b:s26+s2], $0x100, $0x38;
	[tilespmem:$0x1C200] =	vst v63  }
0x1fb: {  	_ =	swait.ge [sflag:s5], $0x4000  }
0x1fc: {  	s28 =	sld [smem:$0x7CE]  }
0x1fd: {  	[sflag:s5] =	ssyncset.done $0x0  }
0x1fe: {  	[sflag:s5] =	ssyncadd.s32 $0xFFFFC000  }
0x1ff: {  	[hbm4b:s28+s8] =	stream.strided.scatter [tilespmem:s18], [sflag:$0x3], $0x4000, s10, s8, $0x38;
	[tilespmem:$0x1C200] =	vst v63  }
0x200: {  	_ =	swait.ge [sflag:s17], $0x100  }
0x201: {  	[sflag:s17] =	ssyncset.done $0x0  }
0x202: {  	[sflag:s17] =	ssyncadd.s32 $0xFFFFFF00  }
0x203: {  	_ =	swait.ge [sflag:s6], $0x4000  }
0x204: {  	[sflag:s6] =	ssyncset.done $0x0  }
0x205: {  	s31 =	sld [smem:$0x7CF];
	[sflag:s6] =	ssyncadd.s32 $0xFFFFC000  }
0x206: {  	[tilespmem:s16], [sflag:$0x4] =	stream.indirect.gather [spmem:s1], $0x80, s3, s9, $0xb8;
	[tilespmem:$0x1C200] =	vst v63  }
0x207: {  	_ = 	snop  }
0x208: {  	[tilespmem:s15], [sflag:$0x2] =	stream.linear.gather [hbm4b:s31+s2], $0x100, $0x38;
	[tilespmem:$0x1C200] =	vst v63  }
0x209: {  	_ =	swait.ge [sflag:s6], $0x4000  }
0x20a: {  	s23 =	sld [smem:$0x7D0]  }
0x20b: {  	[sflag:s6] =	ssyncset.done $0x0  }
0x20c: {  	[sflag:s6] =	ssyncadd.s32 $0xFFFFC000  }
0x20d: {  	[hbm4b:s23+s8] =	stream.strided.scatter [tilespmem:s16], [sflag:$0x4], $0x4000, s10, s8, $0x38;
	[tilespmem:$0x1C200] =	vst v63  }
0x20e: {  	_ =	swait.ge [sflag:s14], $0x100  }
0x20f: {  	[sflag:s14] =	ssyncset.done $0x0  }
0x210: {  	[sflag:s14] =	ssyncadd.s32 $0xFFFFFF00  }
0x211: {  	_ =	swait.ge [sflag:s4], $0x4000  }
0x212: {  	[sflag:s4] =	ssyncset.done $0x0  }
0x213: {  	s24 =	sld [smem:$0x7D1];
	[sflag:s4] =	ssyncadd.s32 $0xFFFFC000  }
0x214: {  	[tilespmem:s11], [sflag:$0x5] =	stream.indirect.gather [spmem:s1], $0x80, s7, s9, $0xb8;
	[tilespmem:$0x1C200] =	vst v63  }
0x215: {  	_ = 	snop  }
0x216: {  	[tilespmem:s19], [sflag:$0x1] =	stream.linear.gather [hbm4b:s24+s2], $0x100, $0x38;
	[tilespmem:$0x1C200] =	vst v63  }
0x217: {  	_ =	swait.ge [sflag:s4], $0x4000  }
0x218: {  	s25 =	sld [smem:$0x7D2]  }
0x219: {  	[sflag:s4] =	ssyncset.done $0x0  }
0x21a: {  	[sflag:s4] =	ssyncadd.s32 $0xFFFFC000  }
0x21b: {  	[hbm4b:s25+s8] =	stream.strided.scatter [tilespmem:s11], [sflag:$0x5], $0x4000, s10, s8, $0x38;
	[tilespmem:$0x1C200] =	vst v63  }
0x21c: {  	_ =	swait.ge [sflag:s17], $0x100  }
0x21d: {  	[sflag:s17] =	ssyncset.done $0x0  }
0x21e: {  	[sflag:s17] =	ssyncadd.s32 $0xFFFFFF00  }
0x21f: {  	_ =	swait.ge [sflag:s12], $0x4000  }
0x220: {  	[sflag:s12] =	ssyncset.done $0x0  }
0x221: {  	s26 =	sld [smem:$0x7D3];
	[sflag:s12] =	ssyncadd.s32 $0xFFFFC000  }
0x222: {  	[tilespmem:s21], [sflag:$0x6] =	stream.indirect.gather [spmem:s1], $0x80, s3, s9, $0xb8;
	[tilespmem:$0x1C200] =	vst v63  }
0x223: {  	_ = 	snop  }
0x224: {  	[tilespmem:s15], [sflag:$0x2] =	stream.linear.gather [hbm4b:s26+s2], $0x100, $0x38;
	[tilespmem:$0x1C200] =	vst v63  }
0x225: {  	_ =	swait.ge [sflag:s12], $0x4000  }
0x226: {  	s28 =	sld [smem:$0x7D4]  }
0x227: {  	[sflag:s12] =	ssyncset.done $0x0  }
0x228: {  	[sflag:s12] =	ssyncadd.s32 $0xFFFFC000  }
0x229: {  	[hbm4b:s28+s8] =	stream.strided.scatter [tilespmem:s21], [sflag:$0x6], $0x4000, s10, s8, $0x38;
	[tilespmem:$0x1C200] =	vst v63  }
0x22a: {  	_ =	swait.ge [sflag:s14], $0x100  }
0x22b: {  	[sflag:s14] =	ssyncset.done $0x0  }
0x22c: {  	[sflag:s14] =	ssyncadd.s32 $0xFFFFFF00  }
0x22d: {  	_ =	swait.ge [sflag:s13], $0x4000  }
0x22e: {  	[sflag:s13] =	ssyncset.done $0x0  }
0x22f: {  	s31 =	sld [smem:$0x7D5];
	[sflag:s13] =	ssyncadd.s32 $0xFFFFC000  }
0x230: {  	[tilespmem:s20], [sflag:$0x7] =	stream.indirect.gather [spmem:s1], $0x80, s7, s9, $0xb8;
	[tilespmem:$0x1C200] =	vst v63  }
0x231: {  	_ = 	snop  }
0x232: {  	[tilespmem:s19], [sflag:$0x1] =	stream.linear.gather [hbm4b:s31+s2], $0x100, $0x38;
	[tilespmem:$0x1C200] =	vst v63  }
0x233: {  	_ =	swait.ge [sflag:s13], $0x4000  }
0x234: {  	s23 =	sld [smem:$0x7D6]  }
0x235: {  	[sflag:s13] =	ssyncset.done $0x0  }
0x236: {  	[sflag:s13] =	ssyncadd.s32 $0xFFFFC000  }
0x237: {  	[hbm4b:s23+s8] =	stream.strided.scatter [tilespmem:s20], [sflag:$0x7], $0x4000, s10, s8, $0x38;
	[tilespmem:$0x1C200] =	vst v63  }
0x238: {  	_ =	swait.ge [sflag:s17], $0x100  }
0x239: {  	[sflag:s17] =	ssyncset.done $0x0  }
0x23a: {  	[sflag:s17] =	ssyncadd.s32 $0xFFFFFF00  }
0x23b: {  	_ =	swait.ge [sflag:s5], $0x4000  }
0x23c: {  	[sflag:s5] =	ssyncset.done $0x0  }
0x23d: {  	s24 =	sld [smem:$0x7D7];
	[sflag:s5] =	ssyncadd.s32 $0xFFFFC000  }
0x23e: {  	[tilespmem:s18], [sflag:$0x3] =	stream.indirect.gather [spmem:s1], $0x80, s3, s9, $0xb8;
	[tilespmem:$0x1C200] =	vst v63  }
0x23f: {  	_ = 	snop  }
0x240: {  	[tilespmem:s15], [sflag:$0x2] =	stream.linear.gather [hbm4b:s24+s2], $0x100, $0x38;
	[tilespmem:$0x1C200] =	vst v63  }
0x241: {  	_ =	swait.ge [sflag:s5], $0x4000  }
0x242: {  	s25 =	sld [smem:$0x7D8]  }
0x243: {  	[sflag:s5] =	ssyncset.done $0x0  }
0x244: {  	[sflag:s5] =	ssyncadd.s32 $0xFFFFC000  }
0x245: {  	[hbm4b:s25+s8] =	stream.strided.scatter [tilespmem:s18], [sflag:$0x3], $0x4000, s10, s8, $0x38;
	[tilespmem:$0x1C200] =	vst v63  }
0x246: {  	_ =	swait.ge [sflag:s14], $0x100  }
0x247: {  	[sflag:s14] =	ssyncset.done $0x0  }
0x248: {  	[sflag:s14] =	ssyncadd.s32 $0xFFFFFF00  }
0x249: {  	_ =	swait.ge [sflag:s6], $0x4000  }
0x24a: {  	[sflag:s6] =	ssyncset.done $0x0  }
0x24b: {  	s26 =	sld [smem:$0x7D9];
	[sflag:s6] =	ssyncadd.s32 $0xFFFFC000  }
0x24c: {  	[tilespmem:s16], [sflag:$0x4] =	stream.indirect.gather [spmem:s1], $0x80, s7, s9, $0xb8;
	[tilespmem:$0x1C200] =	vst v63  }
0x24d: {  	_ = 	snop  }
0x24e: {  	[tilespmem:s19], [sflag:$0x1] =	stream.linear.gather [hbm4b:s26+s2], $0x100, $0x38;
	[tilespmem:$0x1C200] =	vst v63  }
0x24f: {  	_ =	swait.ge [sflag:s6], $0x4000  }
0x250: {  	s28 =	sld [smem:$0x7DA]  }
0x251: {  	[sflag:s6] =	ssyncset.done $0x0  }
0x252: {  	[sflag:s6] =	ssyncadd.s32 $0xFFFFC000  }
0x253: {  	[hbm4b:s28+s8] =	stream.strided.scatter [tilespmem:s16], [sflag:$0x4], $0x4000, s10, s8, $0x38;
	[tilespmem:$0x1C200] =	vst v63  }
0x254: {  	_ =	swait.ge [sflag:s17], $0x100  }
0x255: {  	[sflag:s17] =	ssyncset.done $0x0  }
0x256: {  	[sflag:s17] =	ssyncadd.s32 $0xFFFFFF00  }
0x257: {  	_ =	swait.ge [sflag:s4], $0x4000  }
0x258: {  	[sflag:s4] =	ssyncset.done $0x0  }
0x259: {  	s31 =	sld [smem:$0x7DB];
	[sflag:s4] =	ssyncadd.s32 $0xFFFFC000  }
0x25a: {  	[tilespmem:s11], [sflag:$0x5] =	stream.indirect.gather [spmem:s1], $0x80, s3, s9, $0xb8;
	[tilespmem:$0x1C200] =	vst v63  }
0x25b: {  	_ = 	snop  }
0x25c: {  	[tilespmem:s15], [sflag:$0x2] =	stream.linear.gather [hbm4b:s31+s2], $0x100, $0x38;
	[tilespmem:$0x1C200] =	vst v63  }
0x25d: {  	_ =	swait.ge [sflag:s4], $0x4000  }
0x25e: {  	s23 =	sld [smem:$0x7DC]  }
0x25f: {  	[sflag:s4] =	ssyncset.done $0x0  }
0x260: {  	[sflag:s4] =	ssyncadd.s32 $0xFFFFC000  }
0x261: {  	[hbm4b:s23+s8] =	stream.strided.scatter [tilespmem:s11], [sflag:$0x5], $0x4000, s10, s8, $0x38;
	[tilespmem:$0x1C200] =	vst v63  }
0x262: {  	_ =	swait.ge [sflag:s14], $0x100  }
0x263: {  	[sflag:s14] =	ssyncset.done $0x0  }
0x264: {  	[sflag:s14] =	ssyncadd.s32 $0xFFFFFF00  }
0x265: {  	_ =	swait.ge [sflag:s12], $0x4000  }
0x266: {  	[sflag:s12] =	ssyncset.done $0x0  }
0x267: {  	s24 =	sld [smem:$0x7DD];
	[sflag:s12] =	ssyncadd.s32 $0xFFFFC000  }
0x268: {  	[tilespmem:s21], [sflag:$0x6] =	stream.indirect.gather [spmem:s1], $0x80, s7, s9, $0xb8;
	[tilespmem:$0x1C200] =	vst v63  }
0x269: {  	_ = 	snop  }
0x26a: {  	[tilespmem:s19], [sflag:$0x1] =	stream.linear.gather [hbm4b:s24+s2], $0x100, $0x38;
	[tilespmem:$0x1C200] =	vst v63  }
0x26b: {  	_ =	swait.ge [sflag:s12], $0x4000  }
0x26c: {  	s25 =	sld [smem:$0x7DE]  }
0x26d: {  	[sflag:s12] =	ssyncset.done $0x0  }
0x26e: {  	[sflag:s12] =	ssyncadd.s32 $0xFFFFC000  }
0x26f: {  	[hbm4b:s25+s8] =	stream.strided.scatter [tilespmem:s21], [sflag:$0x6], $0x4000, s10, s8, $0x38;
	[tilespmem:$0x1C200] =	vst v63  }
0x270: {  	_ =	swait.ge [sflag:s17], $0x100  }
0x271: {  	[sflag:s17] =	ssyncset.done $0x0  }
0x272: {  	[sflag:s17] =	ssyncadd.s32 $0xFFFFFF00  }
0x273: {  	_ =	swait.ge [sflag:s13], $0x4000  }
0x274: {  	[sflag:s13] =	ssyncset.done $0x0  }
0x275: {  	s26 =	sld [smem:$0x7DF];
	[sflag:s13] =	ssyncadd.s32 $0xFFFFC000  }
0x276: {  	[tilespmem:s20], [sflag:$0x7] =	stream.indirect.gather [spmem:s1], $0x80, s3, s9, $0xb8;
	[tilespmem:$0x1C200] =	vst v63  }
0x277: {  	_ = 	snop  }
0x278: {  	[tilespmem:s15], [sflag:$0x2] =	stream.linear.gather [hbm4b:s26+s2], $0x100, $0x38;
	[tilespmem:$0x1C200] =	vst v63  }
0x279: {  	_ =	swait.ge [sflag:s13], $0x4000  }
0x27a: {  	s28 =	sld [smem:$0x7E0]  }
0x27b: {  	[sflag:s13] =	ssyncset.done $0x0  }
0x27c: {  	[sflag:s13] =	ssyncadd.s32 $0xFFFFC000  }
0x27d: {  	[hbm4b:s28+s8] =	stream.strided.scatter [tilespmem:s20], [sflag:$0x7], $0x4000, s10, s8, $0x38;
	[tilespmem:$0x1C200] =	vst v63  }
0x27e: {  	_ =	swait.ge [sflag:s14], $0x100  }
0x27f: {  	[sflag:s14] =	ssyncset.done $0x0  }
0x280: {  	[sflag:s14] =	ssyncadd.s32 $0xFFFFFF00  }
0x281: {  	_ =	swait.ge [sflag:s5], $0x4000  }
0x282: {  	[sflag:s5] =	ssyncset.done $0x0  }
0x283: {  	s31 =	sld [smem:$0x7E1];
	[sflag:s5] =	ssyncadd.s32 $0xFFFFC000  }
0x284: {  	[tilespmem:s18], [sflag:$0x3] =	stream.indirect.gather [spmem:s1], $0x80, s7, s9, $0xb8;
	[tilespmem:$0x1C200] =	vst v63  }
0x285: {  	_ = 	snop  }
0x286: {  	[tilespmem:s19], [sflag:$0x1] =	stream.linear.gather [hbm4b:s31+s2], $0x100, $0x38;
	[tilespmem:$0x1C200] =	vst v63  }
0x287: {  	_ =	swait.ge [sflag:s5], $0x4000  }
0x288: {  	s23 =	sld [smem:$0x7E2]  }
0x289: {  	[sflag:s5] =	ssyncset.done $0x0  }
0x28a: {  	[sflag:s5] =	ssyncadd.s32 $0xFFFFC000  }
0x28b: {  	[hbm4b:s23+s8] =	stream.strided.scatter [tilespmem:s18], [sflag:$0x3], $0x4000, s10, s8, $0x38;
	[tilespmem:$0x1C200] =	vst v63  }
0x28c: {  	_ =	swait.ge [sflag:s17], $0x100  }
0x28d: {  	[sflag:s17] =	ssyncset.done $0x0  }
0x28e: {  	[sflag:s17] =	ssyncadd.s32 $0xFFFFFF00  }
0x28f: {  	_ =	swait.ge [sflag:s6], $0x4000  }
0x290: {  	[sflag:s6] =	ssyncset.done $0x0  }
0x291: {  	s24 =	sld [smem:$0x7E3];
	[sflag:s6] =	ssyncadd.s32 $0xFFFFC000  }
0x292: {  	[tilespmem:s16], [sflag:$0x4] =	stream.indirect.gather [spmem:s1], $0x80, s3, s9, $0xb8;
	[tilespmem:$0x1C200] =	vst v63  }
0x293: {  	_ = 	snop  }
0x294: {  	[tilespmem:s15], [sflag:$0x2] =	stream.linear.gather [hbm4b:s24+s2], $0x100, $0x38;
	[tilespmem:$0x1C200] =	vst v63  }
0x295: {  	_ =	swait.ge [sflag:s6], $0x4000  }
0x296: {  	s25 =	sld [smem:$0x7E4]  }
0x297: {  	[sflag:s6] =	ssyncset.done $0x0  }
0x298: {  	[sflag:s6] =	ssyncadd.s32 $0xFFFFC000  }
0x299: {  	[hbm4b:s25+s8] =	stream.strided.scatter [tilespmem:s16], [sflag:$0x4], $0x4000, s10, s8, $0x38;
	[tilespmem:$0x1C200] =	vst v63  }
0x29a: {  	_ =	swait.ge [sflag:s14], $0x100  }
0x29b: {  	[sflag:s14] =	ssyncset.done $0x0  }
0x29c: {  	[sflag:s14] =	ssyncadd.s32 $0xFFFFFF00  }
0x29d: {  	_ =	swait.ge [sflag:s4], $0x4000  }
0x29e: {  	[sflag:s4] =	ssyncset.done $0x0  }
0x29f: {  	s26 =	sld [smem:$0x7E5];
	[sflag:s4] =	ssyncadd.s32 $0xFFFFC000  }
0x2a0: {  	[tilespmem:s11], [sflag:$0x5] =	stream.indirect.gather [spmem:s1], $0x80, s7, s9, $0xb8;
	[tilespmem:$0x1C200] =	vst v63  }
0x2a1: {  	_ = 	snop  }
0x2a2: {  	[tilespmem:s19], [sflag:$0x1] =	stream.linear.gather [hbm4b:s26+s2], $0x100, $0x38;
	[tilespmem:$0x1C200] =	vst v63  }
0x2a3: {  	_ =	swait.ge [sflag:s4], $0x4000  }
0x2a4: {  	s28 =	sld [smem:$0x7E6]  }
0x2a5: {  	[sflag:s4] =	ssyncset.done $0x0  }
0x2a6: {  	[sflag:s4] =	ssyncadd.s32 $0xFFFFC000  }
0x2a7: {  	[hbm4b:s28+s8] =	stream.strided.scatter [tilespmem:s11], [sflag:$0x5], $0x4000, s10, s8, $0x38;
	[tilespmem:$0x1C200] =	vst v63  }
0x2a8: {  	_ =	swait.ge [sflag:s17], $0x100  }
0x2a9: {  	[sflag:s17] =	ssyncset.done $0x0  }
0x2aa: {  	[sflag:s17] =	ssyncadd.s32 $0xFFFFFF00  }
0x2ab: {  	_ =	swait.ge [sflag:s12], $0x4000  }
0x2ac: {  	[sflag:s12] =	ssyncset.done $0x0  }
0x2ad: {  	s31 =	sld [smem:$0x7E7];
	[sflag:s12] =	ssyncadd.s32 $0xFFFFC000  }
0x2ae: {  	[tilespmem:s21], [sflag:$0x6] =	stream.indirect.gather [spmem:s1], $0x80, s3, s9, $0xb8;
	[tilespmem:$0x1C200] =	vst v63  }
0x2af: {  	_ = 	snop  }
0x2b0: {  	[tilespmem:s15], [sflag:$0x2] =	stream.linear.gather [hbm4b:s31+s2], $0x100, $0x38;
	[tilespmem:$0x1C200] =	vst v63  }
0x2b1: {  	_ =	swait.ge [sflag:s12], $0x4000  }
0x2b2: {  	s23 =	sld [smem:$0x7E8]  }
0x2b3: {  	[sflag:s12] =	ssyncset.done $0x0  }
0x2b4: {  	[sflag:s12] =	ssyncadd.s32 $0xFFFFC000  }
0x2b5: {  	[hbm4b:s23+s8] =	stream.strided.scatter [tilespmem:s21], [sflag:$0x6], $0x4000, s10, s8, $0x38;
	[tilespmem:$0x1C200] =	vst v63  }
0x2b6: {  	_ =	swait.ge [sflag:s14], $0x100  }
0x2b7: {  	[sflag:s14] =	ssyncset.done $0x0  }
0x2b8: {  	[sflag:s14] =	ssyncadd.s32 $0xFFFFFF00  }
0x2b9: {  	_ =	swait.ge [sflag:s13], $0x4000  }
0x2ba: {  	[sflag:s13] =	ssyncset.done $0x0  }
0x2bb: {  	s24 =	sld [smem:$0x7E9];
	[sflag:s13] =	ssyncadd.s32 $0xFFFFC000  }
0x2bc: {  	[tilespmem:s20], [sflag:$0x7] =	stream.indirect.gather [spmem:s1], $0x80, s7, s9, $0xb8;
	[tilespmem:$0x1C200] =	vst v63  }
0x2bd: {  	_ = 	snop  }
0x2be: {  	[tilespmem:s19], [sflag:$0x1] =	stream.linear.gather [hbm4b:s24+s2], $0x100, $0x38;
	[tilespmem:$0x1C200] =	vst v63  }
0x2bf: {  	_ =	swait.ge [sflag:s13], $0x4000  }
0x2c0: {  	s25 =	sld [smem:$0x7EA]  }
0x2c1: {  	[sflag:s13] =	ssyncset.done $0x0  }
0x2c2: {  	[sflag:s13] =	ssyncadd.s32 $0xFFFFC000  }
0x2c3: {  	[hbm4b:s25+s8] =	stream.strided.scatter [tilespmem:s20], [sflag:$0x7], $0x4000, s10, s8, $0x38;
	[tilespmem:$0x1C200] =	vst v63  }
0x2c4: {  	_ =	swait.ge [sflag:s17], $0x100  }
0x2c5: {  	[sflag:s17] =	ssyncset.done $0x0  }
0x2c6: {  	[sflag:s17] =	ssyncadd.s32 $0xFFFFFF00  }
0x2c7: {  	_ =	swait.ge [sflag:s5], $0x4000  }
0x2c8: {  	[sflag:s5] =	ssyncset.done $0x0  }
0x2c9: {  	s26 =	sld [smem:$0x7EB];
	[sflag:s5] =	ssyncadd.s32 $0xFFFFC000  }
0x2ca: {  	[tilespmem:s18], [sflag:$0x3] =	stream.indirect.gather [spmem:s1], $0x80, s3, s9, $0xb8;
	[tilespmem:$0x1C200] =	vst v63  }
0x2cb: {  	_ = 	snop  }
0x2cc: {  	[tilespmem:s15], [sflag:$0x2] =	stream.linear.gather [hbm4b:s26+s2], $0x100, $0x38;
	[tilespmem:$0x1C200] =	vst v63  }
0x2cd: {  	_ =	swait.ge [sflag:s5], $0x4000  }
0x2ce: {  	s28 =	sld [smem:$0x7EC]  }
0x2cf: {  	[sflag:s5] =	ssyncset.done $0x0  }
0x2d0: {  	[sflag:s5] =	ssyncadd.s32 $0xFFFFC000  }
0x2d1: {  	[hbm4b:s28+s8] =	stream.strided.scatter [tilespmem:s18], [sflag:$0x3], $0x4000, s10, s8, $0x38;
	[tilespmem:$0x1C200] =	vst v63  }
0x2d2: {  	_ =	swait.ge [sflag:s14], $0x100  }
0x2d3: {  	[sflag:s14] =	ssyncset.done $0x0  }
0x2d4: {  	[sflag:s14] =	ssyncadd.s32 $0xFFFFFF00  }
0x2d5: {  	_ =	swait.ge [sflag:s6], $0x4000  }
0x2d6: {  	[sflag:s6] =	ssyncset.done $0x0  }
0x2d7: {  	s31 =	sld [smem:$0x7ED];
	[sflag:s6] =	ssyncadd.s32 $0xFFFFC000  }
0x2d8: {  	[tilespmem:s16], [sflag:$0x4] =	stream.indirect.gather [spmem:s1], $0x80, s7, s9, $0xb8;
	[tilespmem:$0x1C200] =	vst v63  }
0x2d9: {  	_ = 	snop  }
0x2da: {  	[tilespmem:s19], [sflag:$0x1] =	stream.linear.gather [hbm4b:s31+s2], $0x100, $0x38;
	[tilespmem:$0x1C200] =	vst v63  }
0x2db: {  	_ =	swait.ge [sflag:s6], $0x4000  }
0x2dc: {  	s23 =	sld [smem:$0x7EE]  }
0x2dd: {  	[sflag:s6] =	ssyncset.done $0x0  }
0x2de: {  	[sflag:s6] =	ssyncadd.s32 $0xFFFFC000  }
0x2df: {  	[hbm4b:s23+s8] =	stream.strided.scatter [tilespmem:s16], [sflag:$0x4], $0x4000, s10, s8, $0x38;
	[tilespmem:$0x1C200] =	vst v63  }
0x2e0: {  	_ =	swait.ge [sflag:s17], $0x100  }
0x2e1: {  	[sflag:s17] =	ssyncset.done $0x0  }
0x2e2: {  	[sflag:s17] =	ssyncadd.s32 $0xFFFFFF00  }
0x2e3: {  	_ =	swait.ge [sflag:s4], $0x4000  }
0x2e4: {  	[sflag:s4] =	ssyncset.done $0x0  }
0x2e5: {  	s24 =	sld [smem:$0x7EF];
	[sflag:s4] =	ssyncadd.s32 $0xFFFFC000  }
0x2e6: {  	[tilespmem:s11], [sflag:$0x5] =	stream.indirect.gather [spmem:s1], $0x80, s3, s9, $0xb8;
	[tilespmem:$0x1C200] =	vst v63  }
0x2e7: {  	_ = 	snop  }
0x2e8: {  	[tilespmem:s15], [sflag:$0x2] =	stream.linear.gather [hbm4b:s24+s2], $0x100, $0x38;
	[tilespmem:$0x1C200] =	vst v63  }
0x2e9: {  	_ =	swait.ge [sflag:s4], $0x4000  }
0x2ea: {  	s25 =	sld [smem:$0x7F0]  }
0x2eb: {  	[sflag:s4] =	ssyncset.done $0x0  }
0x2ec: {  	[sflag:s4] =	ssyncadd.s32 $0xFFFFC000  }
0x2ed: {  	[hbm4b:s25+s8] =	stream.strided.scatter [tilespmem:s11], [sflag:$0x5], $0x4000, s10, s8, $0x38;
	[tilespmem:$0x1C200] =	vst v63  }
0x2ee: {  	_ =	swait.ge [sflag:s14], $0x100  }
0x2ef: {  	[sflag:s14] =	ssyncset.done $0x0  }
0x2f0: {  	[sflag:s14] =	ssyncadd.s32 $0xFFFFFF00  }
0x2f1: {  	_ =	swait.ge [sflag:s12], $0x4000  }
0x2f2: {  	[sflag:s12] =	ssyncset.done $0x0  }
0x2f3: {  	s26 =	sld [smem:$0x7F1];
	[sflag:s12] =	ssyncadd.s32 $0xFFFFC000  }
0x2f4: {  	[tilespmem:s21], [sflag:$0x6] =	stream.indirect.gather [spmem:s1], $0x80, s7, s9, $0xb8;
	[tilespmem:$0x1C200] =	vst v63  }
0x2f5: {  	_ = 	snop  }
0x2f6: {  	[tilespmem:s19], [sflag:$0x1] =	stream.linear.gather [hbm4b:s26+s2], $0x100, $0x38;
	[tilespmem:$0x1C200] =	vst v63  }
0x2f7: {  	_ =	swait.ge [sflag:s12], $0x4000  }
0x2f8: {  	s28 =	sld [smem:$0x7F2]  }
0x2f9: {  	[sflag:s12] =	ssyncset.done $0x0  }
0x2fa: {  	[sflag:s12] =	ssyncadd.s32 $0xFFFFC000  }
0x2fb: {  	[hbm4b:s28+s8] =	stream.strided.scatter [tilespmem:s21], [sflag:$0x6], $0x4000, s10, s8, $0x38;
	[tilespmem:$0x1C200] =	vst v63  }
0x2fc: {  	_ =	swait.ge [sflag:s17], $0x100  }
0x2fd: {  	[sflag:s17] =	ssyncset.done $0x0  }
0x2fe: {  	[sflag:s17] =	ssyncadd.s32 $0xFFFFFF00  }
0x2ff: {  	_ =	swait.ge [sflag:s13], $0x4000  }
0x300: {  	[sflag:s13] =	ssyncset.done $0x0  }
0x301: {  	s31 =	sld [smem:$0x7F3];
	[sflag:s13] =	ssyncadd.s32 $0xFFFFC000  }
0x302: {  	[tilespmem:s20], [sflag:$0x7] =	stream.indirect.gather [spmem:s1], $0x80, s3, s9, $0xb8;
	[tilespmem:$0x1C200] =	vst v63  }
0x303: {  	_ = 	snop  }
0x304: {  	[tilespmem:s15], [sflag:$0x2] =	stream.linear.gather [hbm4b:s31+s2], $0x100, $0x38;
	[tilespmem:$0x1C200] =	vst v63  }
0x305: {  	_ =	swait.ge [sflag:s13], $0x4000  }
0x306: {  	s23 =	sld [smem:$0x7F4]  }
0x307: {  	[sflag:s13] =	ssyncset.done $0x0  }
0x308: {  	[sflag:s13] =	ssyncadd.s32 $0xFFFFC000  }
0x309: {  	[hbm4b:s23+s8] =	stream.strided.scatter [tilespmem:s20], [sflag:$0x7], $0x4000, s10, s8, $0x38;
	[tilespmem:$0x1C200] =	vst v63  }
0x30a: {  	_ =	swait.ge [sflag:s14], $0x100  }
0x30b: {  	[sflag:s14] =	ssyncset.done $0x0  }
0x30c: {  	[sflag:s14] =	ssyncadd.s32 $0xFFFFFF00  }
0x30d: {  	_ =	swait.ge [sflag:s5], $0x4000  }
0x30e: {  	[sflag:s5] =	ssyncset.done $0x0  }
0x30f: {  	s24 =	sld [smem:$0x7F5];
	[sflag:s5] =	ssyncadd.s32 $0xFFFFC000  }
0x310: {  	[tilespmem:s18], [sflag:$0x3] =	stream.indirect.gather [spmem:s1], $0x80, s7, s9, $0xb8;
	[tilespmem:$0x1C200] =	vst v63  }
0x311: {  	_ = 	snop  }
0x312: {  	[tilespmem:s19], [sflag:$0x1] =	stream.linear.gather [hbm4b:s24+s2], $0x100, $0x38;
	[tilespmem:$0x1C200] =	vst v63  }
0x313: {  	_ =	swait.ge [sflag:s5], $0x4000  }
0x314: {  	s25 =	sld [smem:$0x7F6]  }
0x315: {  	[sflag:s5] =	ssyncset.done $0x0  }
0x316: {  	[sflag:s5] =	ssyncadd.s32 $0xFFFFC000  }
0x317: {  	[hbm4b:s25+s8] =	stream.strided.scatter [tilespmem:s18], [sflag:$0x3], $0x4000, s10, s8, $0x38;
	[tilespmem:$0x1C200] =	vst v63  }
0x318: {  	_ =	swait.ge [sflag:s17], $0x100  }
0x319: {  	[sflag:s17] =	ssyncset.done $0x0  }
0x31a: {  	[sflag:s17] =	ssyncadd.s32 $0xFFFFFF00  }
0x31b: {  	_ =	swait.ge [sflag:s6], $0x4000  }
0x31c: {  	[sflag:s6] =	ssyncset.done $0x0  }
0x31d: {  	s26 =	sld [smem:$0x7F7];
	[sflag:s6] =	ssyncadd.s32 $0xFFFFC000  }
0x31e: {  	[tilespmem:s16], [sflag:$0x4] =	stream.indirect.gather [spmem:s1], $0x80, s3, s9, $0xb8;
	[tilespmem:$0x1C200] =	vst v63  }
0x31f: {  	_ = 	snop  }
0x320: {  	[tilespmem:s15], [sflag:$0x2] =	stream.linear.gather [hbm4b:s26+s2], $0x100, $0x38;
	[tilespmem:$0x1C200] =	vst v63  }
0x321: {  	_ =	swait.ge [sflag:s6], $0x4000  }
0x322: {  	s28 =	sld [smem:$0x7F8]  }
0x323: {  	[sflag:s6] =	ssyncset.done $0x0  }
0x324: {  	[sflag:s6] =	ssyncadd.s32 $0xFFFFC000  }
0x325: {  	[hbm4b:s28+s8] =	stream.strided.scatter [tilespmem:s16], [sflag:$0x4], $0x4000, s10, s8, $0x38;
	[tilespmem:$0x1C200] =	vst v63  }
0x326: {  	_ =	swait.ge [sflag:s14], $0x100  }
0x327: {  	[sflag:s14] =	ssyncset.done $0x0  }
0x328: {  	[sflag:s14] =	ssyncadd.s32 $0xFFFFFF00  }
0x329: {  	_ =	swait.ge [sflag:s4], $0x4000  }
0x32a: {  	[sflag:s4] =	ssyncset.done $0x0  }
0x32b: {  	[sflag:s4] =	ssyncadd.s32 $0xFFFFC000  }
0x32c: {  	[tilespmem:s11], [sflag:$0x5] =	stream.indirect.gather [spmem:s1], $0x80, s7, s9, $0xb8;
	[tilespmem:$0x1C200] =	vst v63  }
0x32d: {  	_ =	swait.ge [sflag:s4], $0x4000  }
0x32e: {  	s31 =	sld [smem:$0x7F9]  }
0x32f: {  	[sflag:s4] =	ssyncset.done $0x0  }
0x330: {  	[sflag:s4] =	ssyncadd.s32 $0xFFFFC000  }
0x331: {  	[hbm4b:s31+s8] =	stream.strided.scatter [tilespmem:s11], [sflag:$0x5], $0x4000, s10, s8, $0x38;
	[tilespmem:$0x1C200] =	vst v63  }
0x332: {  	_ =	swait.ge [sflag:s12], $0x4000  }
0x333: {  	[sflag:s12] =	ssyncset.done $0x0  }
0x334: {  	[sflag:s12] =	ssyncadd.s32 $0xFFFFC000  }
0x335: {  	_ =	swait.ge [sflag:s13], $0x4000  }
0x336: {  	[sflag:s13] =	ssyncset.done $0x0  }
0x337: {  	[sflag:s13] =	ssyncadd.s32 $0xFFFFC000  }
0x338: {  	_ =	swait.ge [sflag:s5], $0x4000  }
0x339: {  	[sflag:s5] =	ssyncset.done $0x0  }
0x33a: {  	[sflag:s5] =	ssyncadd.s32 $0xFFFFC000  }
0x33b: {  	_ =	swait.ge [sflag:s6], $0x4000  }
0x33c: {  	[sflag:s6] =	ssyncset.done $0x0  }
0x33d: {  	[sflag:s6] =	ssyncadd.s32 $0xFFFFC000  }
0x33e: {  	_ =	swait.ge [sflag:s4], $0x4000  }
0x33f: {  	s0 =	sld [smem:$0x7FA]  }
0x340: {  	s23 =	simm.s32 @!p2 $0x0;
	[sflag:s4] =	ssyncset.done $0x0  }
0x341: {  	s25 =	simm.s32 @!p2 $0x8;
	s26 =	simm.s32 @!p2 $0x8000;
	[sflag:s4] =	ssyncadd.s32 $0xFFFFC000  }
0x342: {  	[tilespmem:s26], [sflag:$0x8] =	stream.linear.gather @!p2 [hbm4b:s0+s23], $0x100, $0x38;
	[tilespmem:$0x1C200] =	vst v63  }
0x343: {  	_ =	swait.ge @!p2 [sflag:s25], $0x100  }
0x344: {  	s29 =	simm.s32 @!p2 $0x3;
	[sflag:s25] =	ssyncset.done @!p2 $0x0  }
0x345: {  	s0 =	simm.s32 @!p2 $0x80;
	s23 =	simm.s32 @!p2 $0x8200;
	[sflag:s25] =	ssyncadd.s32 @!p2 $0xFFFFFF00  }
0x346: {  	[tilespmem:s23], [sflag:$0x3] =	stream.indirect.gather @!p2 [spmem:s1], $0x80, s3, s0, $0xb8;
	[tilespmem:$0x1C200] =	vst v63  }
0x347: {  	_ =	swait.ge @!p2 [sflag:s29], $0x4000  }
0x348: {  	s0 =	sld [smem:$0x7FB]  }
0x349: {  	[sflag:s29] =	ssyncset.done @!p2 $0x0  }
0x34a: {  	s24 =	simm.s32 @!p2 $0x800;
	s26 =	simm.s32 @!p2 $0x400;
	[sflag:s29] =	ssyncadd.s32 @!p2 $0xFFFFC000  }
0x34b: {  	[hbm4b:s0+s26] =	stream.strided.scatter @!p2 [tilespmem:s23], [sflag:$0x8], $0x1000, s24, s26, $0x38;
	[tilespmem:$0x1C200] =	vst v63  }
0x34c: {  	_ =	swait.ge @!p2 [sflag:s25], $0x1000  }
0x34d: {  	s23 =	sld [smem:$0x7FC]  }
0x34e: {  	s0 =	simm.s32 @!p1 $0x8;
	[sflag:s25] =	ssyncset.done @!p2 $0x0  }
0x34f: {  	s24 =	simm.s32 @!p1 $0x0;
	s26 =	simm.s32 @!p1 $0x8000;
	[sflag:s25] =	ssyncadd.s32 @!p2 $0xFFFFF000  }
0x350: {  	[tilespmem:s26], [sflag:$0x8] =	stream.linear.gather @!p1 [hbm4b:s23+s24], $0x100, $0x38;
	[tilespmem:$0x1C200] =	vst v63  }
0x351: {  	_ =	swait.ge @!p1 [sflag:s0], $0x100  }
0x352: {  	s28 =	simm.s32 @!p1 $0x8200;
	[sflag:s0] =	ssyncset.done @!p1 $0x0  }
0x353: {  	s23 =	simm.s32 @!p1 $0x3;
	s24 =	simm.s32 @!p1 $0x80;
	[sflag:s0] =	ssyncadd.s32 @!p1 $0xFFFFFF00  }
0x354: {  	[tilespmem:s28], [sflag:$0x3] =	stream.indirect.gather @!p1 [spmem:s1], $0x80, s3, s24, $0xb8;
	[tilespmem:$0x1C200] =	vst v63  }
0x355: {  	s30 =	sadd.s32 $0xFFFFFFFF, s30;
	_ =	swait.ge @!p1 [sflag:s23], $0x4000  }
0x356: {  	p4 =	sne.s32 s30, $0x0;
	s26 =	sld [smem:$0x7FD]  }
.Ltmp1:
0x357: {  	[sflag:s23] =	ssyncset.done @!p1 $0x0;
	(pc) =	sbr.rel @!p4 .LBB2_3-.Ltmp1, $4  }
0x358: {  	s31 =	simm.s32 @!p1 $0x800;
	s24 =	simm.s32 @!p1 $0x400;
	[sflag:s23] =	ssyncadd.s32 @!p1 $0xFFFFC000  }
0x359: {  	[hbm4b:s26+s24] =	stream.strided.scatter @!p1 [tilespmem:s28], [sflag:$0x8], $0x4000, s31, s24, $0x38;
	[tilespmem:$0x1C200] =	vst v63  }
0x35a: {  	_ =	swait.ge @!p1 [sflag:s0], $0x4000  }
0x35b: {  	p3 =	por $0x1, $0x1;
	s26 =	rddreg [dreg:$0x4];
	[sflag:s0] =	ssyncset.done @!p1 $0x0  }
.LBB2_4:
0x35c: {  	[sflag:s0] =	ssyncadd.s32 @!p1 $0xFFFFC000  }
0x35d: {  	s31 =	smov.u32 s22;
	s22 =	simm.s32 @!p0 $0x1C08;
	s24 =	simm.s32 @!p0 $0x8  }
0x35e: {  	[spmem:s31], [sflag:s22] =	dma.local @!p0 [hbm:s26], $0x10000  }
0x35f: {  	_ =	swait.ge @!p0 [sflag:s24], $0x10000  }
0x360: {  	[sflag:s24] =	ssyncset.done @!p0 $0x0  }
0x361: {  	[sflag:s24] =	ssyncadd.s32 @!p0 $0xFFFF0000  }
0x362: {  	[bflag:$0x0] =	sbarrier.arrive $0xFFFF  }
0x363: {  	s24 =	rddreg [dreg:$0x5]  }
0x364: {  	[tilespmem:s19], [sflag:$0x1] =	stream.linear.gather [hbm4b:s24+s2], $0x100, $0x38;
	[tilespmem:$0x1C200] =	vst v63  }
0x365: {  	_ =	swait.ge [sflag:s17], $0x100  }
0x366: {  	[sflag:s17] =	ssyncset.done $0x0  }
0x367: {  	[sflag:s17] =	ssyncadd.s32 $0xFFFFFF00  }
0x368: {  	[tilespmem:s18], [sflag:$0x3] =	stream.indirect.gather [spmem:s1], $0x80, s3, s9, $0xb8;
	[tilespmem:$0x1C200] =	vst v63  }
0x369: {  	s28 =	rddreg [dreg:$0x6]  }
0x36a: {  	[tilespmem:s15], [sflag:$0x2] =	stream.linear.gather [hbm4b:s28+s2], $0x100, $0x38;
	[tilespmem:$0x1C200] =	vst v63  }
0x36b: {  	_ =	swait.ge [sflag:s5], $0x4000  }
0x36c: {  	[sflag:s5] =	ssyncset.done $0x0  }
0x36d: {  	s22 =	smov.u32 s31;
	s31 =	rddreg [dreg:$0x7];
	[sflag:s5] =	ssyncadd.s32 $0xFFFFC000  }
0x36e: {  	[hbm4b:s31+s8] =	stream.strided.scatter [tilespmem:s18], [sflag:$0x3], $0x4000, s10, s8, $0x38;
	[tilespmem:$0x1C200] =	vst v63  }
0x36f: {  	_ =	swait.ge [sflag:s14], $0x100  }
0x370: {  	[sflag:s14] =	ssyncset.done $0x0  }
0x371: {  	[sflag:s14] =	ssyncadd.s32 $0xFFFFFF00  }
0x372: {  	[tilespmem:s16], [sflag:$0x4] =	stream.indirect.gather [spmem:s1], $0x80, s7, s9, $0xb8;
	[tilespmem:$0x1C200] =	vst v63  }
0x373: {  	s24 =	rddreg [dreg:$0x8]  }
0x374: {  	[tilespmem:s19], [sflag:$0x1] =	stream.linear.gather [hbm4b:s24+s2], $0x100, $0x38;
	[tilespmem:$0x1C200] =	vst v63  }
0x375: {  	_ =	swait.ge [sflag:s6], $0x4000  }
0x376: {  	[sflag:s6] =	ssyncset.done $0x0  }
0x377: {  	s28 =	rddreg [dreg:$0x9];
	[sflag:s6] =	ssyncadd.s32 $0xFFFFC000  }
0x378: {  	[hbm4b:s28+s8] =	stream.strided.scatter [tilespmem:s16], [sflag:$0x4], $0x4000, s10, s8, $0x38;
	[tilespmem:$0x1C200] =	vst v63  }
0x379: {  	_ =	swait.ge [sflag:s17], $0x100  }
0x37a: {  	[sflag:s17] =	ssyncset.done $0x0  }
0x37b: {  	[sflag:s17] =	ssyncadd.s32 $0xFFFFFF00  }
0x37c: {  	[tilespmem:s11], [sflag:$0x5] =	stream.indirect.gather [spmem:s1], $0x80, s3, s9, $0xb8;
	[tilespmem:$0x1C200] =	vst v63  }
0x37d: {  	s31 =	rddreg [dreg:$0xa]  }
0x37e: {  	[tilespmem:s15], [sflag:$0x2] =	stream.linear.gather [hbm4b:s31+s2], $0x100, $0x38;
	[tilespmem:$0x1C200] =	vst v63  }
0x37f: {  	_ =	swait.ge [sflag:s4], $0x4000  }
0x380: {  	[sflag:s4] =	ssyncset.done $0x0  }
0x381: {  	s24 =	rddreg [dreg:$0xb];
	[sflag:s4] =	ssyncadd.s32 $0xFFFFC000  }
0x382: {  	[hbm4b:s24+s8] =	stream.strided.scatter [tilespmem:s11], [sflag:$0x5], $0x4000, s10, s8, $0x38;
	[tilespmem:$0x1C200] =	vst v63  }
0x383: {  	_ =	swait.ge [sflag:s14], $0x100  }
0x384: {  	[sflag:s14] =	ssyncset.done $0x0  }
0x385: {  	[sflag:s14] =	ssyncadd.s32 $0xFFFFFF00  }
0x386: {  	[tilespmem:s21], [sflag:$0x6] =	stream.indirect.gather [spmem:s1], $0x80, s7, s9, $0xb8;
	[tilespmem:$0x1C200] =	vst v63  }
0x387: {  	s28 =	rddreg [dreg:$0xc]  }
0x388: {  	[tilespmem:s19], [sflag:$0x1] =	stream.linear.gather [hbm4b:s28+s2], $0x100, $0x38;
	[tilespmem:$0x1C200] =	vst v63  }
0x389: {  	_ =	swait.ge [sflag:s12], $0x4000  }
0x38a: {  	[sflag:s12] =	ssyncset.done $0x0  }
0x38b: {  	s31 =	rddreg [dreg:$0xd];
	[sflag:s12] =	ssyncadd.s32 $0xFFFFC000  }
0x38c: {  	[hbm4b:s31+s8] =	stream.strided.scatter [tilespmem:s21], [sflag:$0x6], $0x4000, s10, s8, $0x38;
	[tilespmem:$0x1C200] =	vst v63  }
0x38d: {  	_ =	swait.ge [sflag:s17], $0x100  }
0x38e: {  	[sflag:s17] =	ssyncset.done $0x0  }
0x38f: {  	[sflag:s17] =	ssyncadd.s32 $0xFFFFFF00  }
0x390: {  	[tilespmem:s20], [sflag:$0x7] =	stream.indirect.gather [spmem:s1], $0x80, s3, s9, $0xb8;
	[tilespmem:$0x1C200] =	vst v63  }
0x391: {  	s24 =	rddreg [dreg:$0xe]  }
0x392: {  	[tilespmem:s15], [sflag:$0x2] =	stream.linear.gather [hbm4b:s24+s2], $0x100, $0x38;
	[tilespmem:$0x1C200] =	vst v63  }
0x393: {  	_ =	swait.ge [sflag:s13], $0x4000  }
0x394: {  	[sflag:s13] =	ssyncset.done $0x0  }
0x395: {  	s28 =	rddreg [dreg:$0xf];
	[sflag:s13] =	ssyncadd.s32 $0xFFFFC000  }
0x396: {  	[hbm4b:s28+s8] =	stream.strided.scatter [tilespmem:s20], [sflag:$0x7], $0x4000, s10, s8, $0x38;
	[tilespmem:$0x1C200] =	vst v63  }
0x397: {  	_ =	swait.ge [sflag:s14], $0x100  }
0x398: {  	[sflag:s14] =	ssyncset.done $0x0  }
0x399: {  	[sflag:s14] =	ssyncadd.s32 $0xFFFFFF00  }
0x39a: {  	_ =	swait.ge [sflag:s5], $0x4000  }
0x39b: {  	[sflag:s5] =	ssyncset.done $0x0  }
0x39c: {  	[sflag:s5] =	ssyncadd.s32 $0xFFFFC000  }
0x39d: {  	[tilespmem:s18], [sflag:$0x3] =	stream.indirect.gather [spmem:s1], $0x80, s7, s9, $0xb8;
	[tilespmem:$0x1C200] =	vst v63  }
0x39e: {  	s31 =	rddreg [dreg:$0x10]  }
0x39f: {  	[tilespmem:s19], [sflag:$0x1] =	stream.linear.gather [hbm4b:s31+s2], $0x100, $0x38;
	[tilespmem:$0x1C200] =	vst v63  }
0x3a0: {  	_ =	swait.ge [sflag:s5], $0x4000  }
0x3a1: {  	[sflag:s5] =	ssyncset.done $0x0  }
0x3a2: {  	s24 =	rddreg [dreg:$0x11];
	[sflag:s5] =	ssyncadd.s32 $0xFFFFC000  }
0x3a3: {  	[hbm4b:s24+s8] =	stream.strided.scatter [tilespmem:s18], [sflag:$0x3], $0x4000, s10, s8, $0x38;
	[tilespmem:$0x1C200] =	vst v63  }
0x3a4: {  	_ =	swait.ge [sflag:s17], $0x100  }
0x3a5: {  	[sflag:s17] =	ssyncset.done $0x0  }
0x3a6: {  	[sflag:s17] =	ssyncadd.s32 $0xFFFFFF00  }
0x3a7: {  	_ =	swait.ge [sflag:s6], $0x4000  }
0x3a8: {  	[sflag:s6] =	ssyncset.done $0x0  }
0x3a9: {  	[sflag:s6] =	ssyncadd.s32 $0xFFFFC000  }
0x3aa: {  	[tilespmem:s16], [sflag:$0x4] =	stream.indirect.gather [spmem:s1], $0x80, s3, s9, $0xb8;
	[tilespmem:$0x1C200] =	vst v63  }
0x3ab: {  	s28 =	rddreg [dreg:$0x12]  }
0x3ac: {  	[tilespmem:s15], [sflag:$0x2] =	stream.linear.gather [hbm4b:s28+s2], $0x100, $0x38;
	[tilespmem:$0x1C200] =	vst v63  }
0x3ad: {  	_ =	swait.ge [sflag:s6], $0x4000  }
0x3ae: {  	[sflag:s6] =	ssyncset.done $0x0  }
0x3af: {  	s31 =	rddreg [dreg:$0x13];
	[sflag:s6] =	ssyncadd.s32 $0xFFFFC000  }
0x3b0: {  	[hbm4b:s31+s8] =	stream.strided.scatter [tilespmem:s16], [sflag:$0x4], $0x4000, s10, s8, $0x38;
	[tilespmem:$0x1C200] =	vst v63  }
0x3b1: {  	_ =	swait.ge [sflag:s14], $0x100  }
0x3b2: {  	[sflag:s14] =	ssyncset.done $0x0  }
0x3b3: {  	[sflag:s14] =	ssyncadd.s32 $0xFFFFFF00  }
0x3b4: {  	_ =	swait.ge [sflag:s4], $0x4000  }
0x3b5: {  	[sflag:s4] =	ssyncset.done $0x0  }
0x3b6: {  	[sflag:s4] =	ssyncadd.s32 $0xFFFFC000  }
0x3b7: {  	[tilespmem:s11], [sflag:$0x5] =	stream.indirect.gather [spmem:s1], $0x80, s7, s9, $0xb8;
	[tilespmem:$0x1C200] =	vst v63  }
0x3b8: {  	s24 =	rddreg [dreg:$0x14]  }
0x3b9: {  	[tilespmem:s19], [sflag:$0x1] =	stream.linear.gather [hbm4b:s24+s2], $0x100, $0x38;
	[tilespmem:$0x1C200] =	vst v63  }
0x3ba: {  	_ =	swait.ge [sflag:s4], $0x4000  }
0x3bb: {  	[sflag:s4] =	ssyncset.done $0x0  }
0x3bc: {  	s28 =	rddreg [dreg:$0x15];
	[sflag:s4] =	ssyncadd.s32 $0xFFFFC000  }
0x3bd: {  	[hbm4b:s28+s8] =	stream.strided.scatter [tilespmem:s11], [sflag:$0x5], $0x4000, s10, s8, $0x38;
	[tilespmem:$0x1C200] =	vst v63  }
0x3be: {  	_ =	swait.ge [sflag:s17], $0x100  }
0x3bf: {  	[sflag:s17] =	ssyncset.done $0x0  }
0x3c0: {  	[sflag:s17] =	ssyncadd.s32 $0xFFFFFF00  }
0x3c1: {  	_ =	swait.ge [sflag:s12], $0x4000  }
0x3c2: {  	[sflag:s12] =	ssyncset.done $0x0  }
0x3c3: {  	[sflag:s12] =	ssyncadd.s32 $0xFFFFC000  }
0x3c4: {  	[tilespmem:s21], [sflag:$0x6] =	stream.indirect.gather [spmem:s1], $0x80, s3, s9, $0xb8;
	[tilespmem:$0x1C200] =	vst v63  }
0x3c5: {  	s31 =	rddreg [dreg:$0x16]  }
0x3c6: {  	[tilespmem:s15], [sflag:$0x2] =	stream.linear.gather [hbm4b:s31+s2], $0x100, $0x38;
	[tilespmem:$0x1C200] =	vst v63  }
0x3c7: {  	_ =	swait.ge [sflag:s12], $0x4000  }
0x3c8: {  	[sflag:s12] =	ssyncset.done $0x0  }
0x3c9: {  	s24 =	rddreg [dreg:$0x17];
	[sflag:s12] =	ssyncadd.s32 $0xFFFFC000  }
0x3ca: {  	[hbm4b:s24+s8] =	stream.strided.scatter [tilespmem:s21], [sflag:$0x6], $0x4000, s10, s8, $0x38;
	[tilespmem:$0x1C200] =	vst v63  }
0x3cb: {  	_ =	swait.ge [sflag:s14], $0x100  }
0x3cc: {  	[sflag:s14] =	ssyncset.done $0x0  }
0x3cd: {  	[sflag:s14] =	ssyncadd.s32 $0xFFFFFF00  }
0x3ce: {  	_ =	swait.ge [sflag:s13], $0x4000  }
0x3cf: {  	[sflag:s13] =	ssyncset.done $0x0  }
0x3d0: {  	[sflag:s13] =	ssyncadd.s32 $0xFFFFC000  }
0x3d1: {  	[tilespmem:s20], [sflag:$0x7] =	stream.indirect.gather [spmem:s1], $0x80, s7, s9, $0xb8;
	[tilespmem:$0x1C200] =	vst v63  }
0x3d2: {  	s28 =	rddreg [dreg:$0x18]  }
0x3d3: {  	[tilespmem:s19], [sflag:$0x1] =	stream.linear.gather [hbm4b:s28+s2], $0x100, $0x38;
	[tilespmem:$0x1C200] =	vst v63  }
0x3d4: {  	_ =	swait.ge [sflag:s13], $0x4000  }
0x3d5: {  	[sflag:s13] =	ssyncset.done $0x0  }
0x3d6: {  	s31 =	rddreg [dreg:$0x19];
	[sflag:s13] =	ssyncadd.s32 $0xFFFFC000  }
0x3d7: {  	[hbm4b:s31+s8] =	stream.strided.scatter [tilespmem:s20], [sflag:$0x7], $0x4000, s10, s8, $0x38;
	[tilespmem:$0x1C200] =	vst v63  }
0x3d8: {  	_ =	swait.ge [sflag:s17], $0x100  }
0x3d9: {  	[sflag:s17] =	ssyncset.done $0x0  }
0x3da: {  	[sflag:s17] =	ssyncadd.s32 $0xFFFFFF00  }
0x3db: {  	_ =	swait.ge [sflag:s5], $0x4000  }
0x3dc: {  	[sflag:s5] =	ssyncset.done $0x0  }
0x3dd: {  	[sflag:s5] =	ssyncadd.s32 $0xFFFFC000  }
0x3de: {  	[tilespmem:s18], [sflag:$0x3] =	stream.indirect.gather [spmem:s1], $0x80, s3, s9, $0xb8;
	[tilespmem:$0x1C200] =	vst v63  }
0x3df: {  	s24 =	rddreg [dreg:$0x1a]  }
0x3e0: {  	[tilespmem:s15], [sflag:$0x2] =	stream.linear.gather [hbm4b:s24+s2], $0x100, $0x38;
	[tilespmem:$0x1C200] =	vst v63  }
0x3e1: {  	_ =	swait.ge [sflag:s5], $0x4000  }
0x3e2: {  	[sflag:s5] =	ssyncset.done $0x0  }
0x3e3: {  	s28 =	rddreg [dreg:$0x1b];
	[sflag:s5] =	ssyncadd.s32 $0xFFFFC000  }
0x3e4: {  	[hbm4b:s28+s8] =	stream.strided.scatter [tilespmem:s18], [sflag:$0x3], $0x4000, s10, s8, $0x38;
	[tilespmem:$0x1C200] =	vst v63  }
0x3e5: {  	_ =	swait.ge [sflag:s14], $0x100  }
0x3e6: {  	[sflag:s14] =	ssyncset.done $0x0  }
0x3e7: {  	[sflag:s14] =	ssyncadd.s32 $0xFFFFFF00  }
0x3e8: {  	_ =	swait.ge [sflag:s6], $0x4000  }
0x3e9: {  	[sflag:s6] =	ssyncset.done $0x0  }
0x3ea: {  	[sflag:s6] =	ssyncadd.s32 $0xFFFFC000  }
0x3eb: {  	[tilespmem:s16], [sflag:$0x4] =	stream.indirect.gather [spmem:s1], $0x80, s7, s9, $0xb8;
	[tilespmem:$0x1C200] =	vst v63  }
0x3ec: {  	s31 =	rddreg [dreg:$0x1c]  }
0x3ed: {  	[tilespmem:s19], [sflag:$0x1] =	stream.linear.gather [hbm4b:s31+s2], $0x100, $0x38;
	[tilespmem:$0x1C200] =	vst v63  }
0x3ee: {  	_ =	swait.ge [sflag:s6], $0x4000  }
0x3ef: {  	[sflag:s6] =	ssyncset.done $0x0  }
0x3f0: {  	s24 =	rddreg [dreg:$0x1d];
	[sflag:s6] =	ssyncadd.s32 $0xFFFFC000  }
0x3f1: {  	[hbm4b:s24+s8] =	stream.strided.scatter [tilespmem:s16], [sflag:$0x4], $0x4000, s10, s8, $0x38;
	[tilespmem:$0x1C200] =	vst v63  }
0x3f2: {  	_ =	swait.ge [sflag:s17], $0x100  }
0x3f3: {  	[sflag:s17] =	ssyncset.done $0x0  }
0x3f4: {  	[sflag:s17] =	ssyncadd.s32 $0xFFFFFF00  }
0x3f5: {  	_ =	swait.ge [sflag:s4], $0x4000  }
0x3f6: {  	[sflag:s4] =	ssyncset.done $0x0  }
0x3f7: {  	[sflag:s4] =	ssyncadd.s32 $0xFFFFC000  }
0x3f8: {  	[tilespmem:s11], [sflag:$0x5] =	stream.indirect.gather [spmem:s1], $0x80, s3, s9, $0xb8;
	[tilespmem:$0x1C200] =	vst v63  }
0x3f9: {  	s28 =	rddreg [dreg:$0x1e]  }
0x3fa: {  	[tilespmem:s15], [sflag:$0x2] =	stream.linear.gather [hbm4b:s28+s2], $0x100, $0x38;
	[tilespmem:$0x1C200] =	vst v63  }
0x3fb: {  	_ =	swait.ge [sflag:s4], $0x4000  }
0x3fc: {  	[sflag:s4] =	ssyncset.done $0x0  }
0x3fd: {  	s31 =	rddreg [dreg:$0x1f];
	[sflag:s4] =	ssyncadd.s32 $0xFFFFC000  }
0x3fe: {  	[hbm4b:s31+s8] =	stream.strided.scatter [tilespmem:s11], [sflag:$0x5], $0x4000, s10, s8, $0x38;
	[tilespmem:$0x1C200] =	vst v63  }
0x3ff: {  	_ =	swait.ge [sflag:s14], $0x100  }
0x400: {  	[sflag:s14] =	ssyncset.done $0x0  }
0x401: {  	[sflag:s14] =	ssyncadd.s32 $0xFFFFFF00  }
0x402: {  	_ =	swait.ge [sflag:s12], $0x4000  }
0x403: {  	[sflag:s12] =	ssyncset.done $0x0  }
0x404: {  	s24 =	sld [smem:$0x7B5];
	[sflag:s12] =	ssyncadd.s32 $0xFFFFC000  }
0x405: {  	[tilespmem:s21], [sflag:$0x6] =	stream.indirect.gather [spmem:s1], $0x80, s7, s9, $0xb8;
	[tilespmem:$0x1C200] =	vst v63  }
0x406: {  	_ = 	snop  }
0x407: {  	[tilespmem:s19], [sflag:$0x1] =	stream.linear.gather [hbm4b:s24+s2], $0x100, $0x38;
	[tilespmem:$0x1C200] =	vst v63  }
0x408: {  	_ =	swait.ge [sflag:s12], $0x4000  }
0x409: {  	s28 =	sld [smem:$0x7B6]  }
0x40a: {  	[sflag:s12] =	ssyncset.done $0x0  }
0x40b: {  	[sflag:s12] =	ssyncadd.s32 $0xFFFFC000  }
0x40c: {  	[hbm4b:s28+s8] =	stream.strided.scatter [tilespmem:s21], [sflag:$0x6], $0x4000, s10, s8, $0x38;
	[tilespmem:$0x1C200] =	vst v63  }
0x40d: {  	_ =	swait.ge [sflag:s17], $0x100  }
0x40e: {  	[sflag:s17] =	ssyncset.done $0x0  }
0x40f: {  	[sflag:s17] =	ssyncadd.s32 $0xFFFFFF00  }
0x410: {  	_ =	swait.ge [sflag:s13], $0x4000  }
0x411: {  	[sflag:s13] =	ssyncset.done $0x0  }
0x412: {  	s31 =	sld [smem:$0x7B7];
	[sflag:s13] =	ssyncadd.s32 $0xFFFFC000  }
0x413: {  	[tilespmem:s20], [sflag:$0x7] =	stream.indirect.gather [spmem:s1], $0x80, s3, s9, $0xb8;
	[tilespmem:$0x1C200] =	vst v63  }
0x414: {  	_ = 	snop  }
0x415: {  	[tilespmem:s15], [sflag:$0x2] =	stream.linear.gather [hbm4b:s31+s2], $0x100, $0x38;
	[tilespmem:$0x1C200] =	vst v63  }
0x416: {  	_ =	swait.ge [sflag:s13], $0x4000  }
0x417: {  	s24 =	sld [smem:$0x7B8]  }
0x418: {  	[sflag:s13] =	ssyncset.done $0x0  }
0x419: {  	[sflag:s13] =	ssyncadd.s32 $0xFFFFC000  }
0x41a: {  	[hbm4b:s24+s8] =	stream.strided.scatter [tilespmem:s20], [sflag:$0x7], $0x4000, s10, s8, $0x38;
	[tilespmem:$0x1C200] =	vst v63  }
0x41b: {  	_ =	swait.ge [sflag:s14], $0x100  }
0x41c: {  	[sflag:s14] =	ssyncset.done $0x0  }
0x41d: {  	[sflag:s14] =	ssyncadd.s32 $0xFFFFFF00  }
0x41e: {  	_ =	swait.ge [sflag:s5], $0x4000  }
0x41f: {  	[sflag:s5] =	ssyncset.done $0x0  }
0x420: {  	s28 =	sld [smem:$0x7B9];
	[sflag:s5] =	ssyncadd.s32 $0xFFFFC000  }
0x421: {  	[tilespmem:s18], [sflag:$0x3] =	stream.indirect.gather [spmem:s1], $0x80, s7, s9, $0xb8;
	[tilespmem:$0x1C200] =	vst v63  }
0x422: {  	_ = 	snop  }
0x423: {  	[tilespmem:s19], [sflag:$0x1] =	stream.linear.gather [hbm4b:s28+s2], $0x100, $0x38;
	[tilespmem:$0x1C200] =	vst v63  }
0x424: {  	_ =	swait.ge [sflag:s5], $0x4000  }
0x425: {  	s31 =	sld [smem:$0x7BA]  }
0x426: {  	[sflag:s5] =	ssyncset.done $0x0  }
0x427: {  	[sflag:s5] =	ssyncadd.s32 $0xFFFFC000  }
0x428: {  	[hbm4b:s31+s8] =	stream.strided.scatter [tilespmem:s18], [sflag:$0x3], $0x4000, s10, s8, $0x38;
	[tilespmem:$0x1C200] =	vst v63  }
0x429: {  	_ =	swait.ge [sflag:s17], $0x100  }
0x42a: {  	[sflag:s17] =	ssyncset.done $0x0  }
0x42b: {  	[sflag:s17] =	ssyncadd.s32 $0xFFFFFF00  }
0x42c: {  	_ =	swait.ge [sflag:s6], $0x4000  }
0x42d: {  	[sflag:s6] =	ssyncset.done $0x0  }
0x42e: {  	s24 =	sld [smem:$0x7BB];
	[sflag:s6] =	ssyncadd.s32 $0xFFFFC000  }
0x42f: {  	[tilespmem:s16], [sflag:$0x4] =	stream.indirect.gather [spmem:s1], $0x80, s3, s9, $0xb8;
	[tilespmem:$0x1C200] =	vst v63  }
0x430: {  	_ = 	snop  }
0x431: {  	[tilespmem:s15], [sflag:$0x2] =	stream.linear.gather [hbm4b:s24+s2], $0x100, $0x38;
	[tilespmem:$0x1C200] =	vst v63  }
0x432: {  	_ =	swait.ge [sflag:s6], $0x4000  }
0x433: {  	s28 =	sld [smem:$0x7BC]  }
0x434: {  	[sflag:s6] =	ssyncset.done $0x0  }
0x435: {  	[sflag:s6] =	ssyncadd.s32 $0xFFFFC000  }
0x436: {  	[hbm4b:s28+s8] =	stream.strided.scatter [tilespmem:s16], [sflag:$0x4], $0x4000, s10, s8, $0x38;
	[tilespmem:$0x1C200] =	vst v63  }
0x437: {  	_ =	swait.ge [sflag:s14], $0x100  }
0x438: {  	[sflag:s14] =	ssyncset.done $0x0  }
0x439: {  	[sflag:s14] =	ssyncadd.s32 $0xFFFFFF00  }
0x43a: {  	_ =	swait.ge [sflag:s4], $0x4000  }
0x43b: {  	[sflag:s4] =	ssyncset.done $0x0  }
0x43c: {  	s31 =	sld [smem:$0x7BD];
	[sflag:s4] =	ssyncadd.s32 $0xFFFFC000  }
0x43d: {  	[tilespmem:s11], [sflag:$0x5] =	stream.indirect.gather [spmem:s1], $0x80, s7, s9, $0xb8;
	[tilespmem:$0x1C200] =	vst v63  }
0x43e: {  	_ = 	snop  }
0x43f: {  	[tilespmem:s19], [sflag:$0x1] =	stream.linear.gather [hbm4b:s31+s2], $0x100, $0x38;
	[tilespmem:$0x1C200] =	vst v63  }
0x440: {  	_ =	swait.ge [sflag:s4], $0x4000  }
0x441: {  	s24 =	sld [smem:$0x7BE]  }
0x442: {  	[sflag:s4] =	ssyncset.done $0x0  }
0x443: {  	[sflag:s4] =	ssyncadd.s32 $0xFFFFC000  }
0x444: {  	[hbm4b:s24+s8] =	stream.strided.scatter [tilespmem:s11], [sflag:$0x5], $0x4000, s10, s8, $0x38;
	[tilespmem:$0x1C200] =	vst v63  }
0x445: {  	_ =	swait.ge [sflag:s17], $0x100  }
0x446: {  	[sflag:s17] =	ssyncset.done $0x0  }
0x447: {  	[sflag:s17] =	ssyncadd.s32 $0xFFFFFF00  }
0x448: {  	_ =	swait.ge [sflag:s12], $0x4000  }
0x449: {  	[sflag:s12] =	ssyncset.done $0x0  }
0x44a: {  	s28 =	sld [smem:$0x7BF];
	[sflag:s12] =	ssyncadd.s32 $0xFFFFC000  }
0x44b: {  	[tilespmem:s21], [sflag:$0x6] =	stream.indirect.gather [spmem:s1], $0x80, s3, s9, $0xb8;
	[tilespmem:$0x1C200] =	vst v63  }
0x44c: {  	_ = 	snop  }
0x44d: {  	[tilespmem:s15], [sflag:$0x2] =	stream.linear.gather [hbm4b:s28+s2], $0x100, $0x38;
	[tilespmem:$0x1C200] =	vst v63  }
0x44e: {  	_ =	swait.ge [sflag:s12], $0x4000  }
0x44f: {  	s31 =	sld [smem:$0x7C0]  }
0x450: {  	[sflag:s12] =	ssyncset.done $0x0  }
0x451: {  	[sflag:s12] =	ssyncadd.s32 $0xFFFFC000  }
0x452: {  	[hbm4b:s31+s8] =	stream.strided.scatter [tilespmem:s21], [sflag:$0x6], $0x4000, s10, s8, $0x38;
	[tilespmem:$0x1C200] =	vst v63  }
0x453: {  	_ =	swait.ge [sflag:s14], $0x100  }
0x454: {  	[sflag:s14] =	ssyncset.done $0x0  }
0x455: {  	[sflag:s14] =	ssyncadd.s32 $0xFFFFFF00  }
0x456: {  	_ =	swait.ge [sflag:s13], $0x4000  }
0x457: {  	[sflag:s13] =	ssyncset.done $0x0  }
0x458: {  	s24 =	sld [smem:$0x7C1];
	[sflag:s13] =	ssyncadd.s32 $0xFFFFC000  }
0x459: {  	[tilespmem:s20], [sflag:$0x7] =	stream.indirect.gather [spmem:s1], $0x80, s7, s9, $0xb8;
	[tilespmem:$0x1C200] =	vst v63  }
0x45a: {  	_ = 	snop  }
0x45b: {  	[tilespmem:s19], [sflag:$0x1] =	stream.linear.gather [hbm4b:s24+s2], $0x100, $0x38;
	[tilespmem:$0x1C200] =	vst v63  }
0x45c: {  	_ =	swait.ge [sflag:s13], $0x4000  }
0x45d: {  	s28 =	sld [smem:$0x7C2]  }
0x45e: {  	[sflag:s13] =	ssyncset.done $0x0  }
0x45f: {  	[sflag:s13] =	ssyncadd.s32 $0xFFFFC000  }
0x460: {  	[hbm4b:s28+s8] =	stream.strided.scatter [tilespmem:s20], [sflag:$0x7], $0x4000, s10, s8, $0x38;
	[tilespmem:$0x1C200] =	vst v63  }
0x461: {  	_ =	swait.ge [sflag:s17], $0x100  }
0x462: {  	[sflag:s17] =	ssyncset.done $0x0  }
0x463: {  	[sflag:s17] =	ssyncadd.s32 $0xFFFFFF00  }
0x464: {  	_ =	swait.ge [sflag:s5], $0x4000  }
0x465: {  	[sflag:s5] =	ssyncset.done $0x0  }
0x466: {  	s31 =	sld [smem:$0x7C3];
	[sflag:s5] =	ssyncadd.s32 $0xFFFFC000  }
0x467: {  	[tilespmem:s18], [sflag:$0x3] =	stream.indirect.gather [spmem:s1], $0x80, s3, s9, $0xb8;
	[tilespmem:$0x1C200] =	vst v63  }
0x468: {  	_ = 	snop  }
0x469: {  	[tilespmem:s15], [sflag:$0x2] =	stream.linear.gather [hbm4b:s31+s2], $0x100, $0x38;
	[tilespmem:$0x1C200] =	vst v63  }
0x46a: {  	_ =	swait.ge [sflag:s5], $0x4000  }
0x46b: {  	s24 =	sld [smem:$0x7C4]  }
0x46c: {  	[sflag:s5] =	ssyncset.done $0x0  }
0x46d: {  	[sflag:s5] =	ssyncadd.s32 $0xFFFFC000  }
0x46e: {  	[hbm4b:s24+s8] =	stream.strided.scatter [tilespmem:s18], [sflag:$0x3], $0x4000, s10, s8, $0x38;
	[tilespmem:$0x1C200] =	vst v63  }
0x46f: {  	_ =	swait.ge [sflag:s14], $0x100  }
0x470: {  	[sflag:s14] =	ssyncset.done $0x0  }
0x471: {  	[sflag:s14] =	ssyncadd.s32 $0xFFFFFF00  }
0x472: {  	_ =	swait.ge [sflag:s6], $0x4000  }
0x473: {  	[sflag:s6] =	ssyncset.done $0x0  }
0x474: {  	s28 =	sld [smem:$0x7C5];
	[sflag:s6] =	ssyncadd.s32 $0xFFFFC000  }
0x475: {  	[tilespmem:s16], [sflag:$0x4] =	stream.indirect.gather [spmem:s1], $0x80, s7, s9, $0xb8;
	[tilespmem:$0x1C200] =	vst v63  }
0x476: {  	_ = 	snop  }
0x477: {  	[tilespmem:s19], [sflag:$0x1] =	stream.linear.gather [hbm4b:s28+s2], $0x100, $0x38;
	[tilespmem:$0x1C200] =	vst v63  }
0x478: {  	_ =	swait.ge [sflag:s6], $0x4000  }
0x479: {  	s31 =	sld [smem:$0x7C6]  }
0x47a: {  	[sflag:s6] =	ssyncset.done $0x0  }
0x47b: {  	[sflag:s6] =	ssyncadd.s32 $0xFFFFC000  }
0x47c: {  	[hbm4b:s31+s8] =	stream.strided.scatter [tilespmem:s16], [sflag:$0x4], $0x4000, s10, s8, $0x38;
	[tilespmem:$0x1C200] =	vst v63  }
0x47d: {  	_ =	swait.ge [sflag:s17], $0x100  }
0x47e: {  	[sflag:s17] =	ssyncset.done $0x0  }
0x47f: {  	[sflag:s17] =	ssyncadd.s32 $0xFFFFFF00  }
0x480: {  	_ =	swait.ge [sflag:s4], $0x4000  }
0x481: {  	[sflag:s4] =	ssyncset.done $0x0  }
0x482: {  	s24 =	sld [smem:$0x7C7];
	[sflag:s4] =	ssyncadd.s32 $0xFFFFC000  }
0x483: {  	[tilespmem:s11], [sflag:$0x5] =	stream.indirect.gather [spmem:s1], $0x80, s3, s9, $0xb8;
	[tilespmem:$0x1C200] =	vst v63  }
0x484: {  	_ = 	snop  }
0x485: {  	[tilespmem:s15], [sflag:$0x2] =	stream.linear.gather [hbm4b:s24+s2], $0x100, $0x38;
	[tilespmem:$0x1C200] =	vst v63  }
0x486: {  	_ =	swait.ge [sflag:s4], $0x4000  }
0x487: {  	s28 =	sld [smem:$0x7C8]  }
0x488: {  	[sflag:s4] =	ssyncset.done $0x0  }
0x489: {  	[sflag:s4] =	ssyncadd.s32 $0xFFFFC000  }
0x48a: {  	[hbm4b:s28+s8] =	stream.strided.scatter [tilespmem:s11], [sflag:$0x5], $0x4000, s10, s8, $0x38;
	[tilespmem:$0x1C200] =	vst v63  }
0x48b: {  	_ =	swait.ge [sflag:s14], $0x100  }
0x48c: {  	[sflag:s14] =	ssyncset.done $0x0  }
0x48d: {  	[sflag:s14] =	ssyncadd.s32 $0xFFFFFF00  }
0x48e: {  	_ =	swait.ge [sflag:s12], $0x4000  }
0x48f: {  	[sflag:s12] =	ssyncset.done $0x0  }
0x490: {  	s31 =	sld [smem:$0x7C9];
	[sflag:s12] =	ssyncadd.s32 $0xFFFFC000  }
0x491: {  	[tilespmem:s21], [sflag:$0x6] =	stream.indirect.gather [spmem:s1], $0x80, s7, s9, $0xb8;
	[tilespmem:$0x1C200] =	vst v63  }
0x492: {  	_ = 	snop  }
0x493: {  	[tilespmem:s19], [sflag:$0x1] =	stream.linear.gather [hbm4b:s31+s2], $0x100, $0x38;
	[tilespmem:$0x1C200] =	vst v63  }
0x494: {  	_ =	swait.ge [sflag:s12], $0x4000  }
0x495: {  	s24 =	sld [smem:$0x7CA]  }
0x496: {  	[sflag:s12] =	ssyncset.done $0x0  }
0x497: {  	[sflag:s12] =	ssyncadd.s32 $0xFFFFC000  }
0x498: {  	[hbm4b:s24+s8] =	stream.strided.scatter [tilespmem:s21], [sflag:$0x6], $0x4000, s10, s8, $0x38;
	[tilespmem:$0x1C200] =	vst v63  }
0x499: {  	_ =	swait.ge [sflag:s17], $0x100  }
0x49a: {  	[sflag:s17] =	ssyncset.done $0x0  }
0x49b: {  	[sflag:s17] =	ssyncadd.s32 $0xFFFFFF00  }
0x49c: {  	_ =	swait.ge [sflag:s13], $0x4000  }
0x49d: {  	[sflag:s13] =	ssyncset.done $0x0  }
0x49e: {  	s28 =	sld [smem:$0x7CB];
	[sflag:s13] =	ssyncadd.s32 $0xFFFFC000  }
0x49f: {  	[tilespmem:s20], [sflag:$0x7] =	stream.indirect.gather [spmem:s1], $0x80, s3, s9, $0xb8;
	[tilespmem:$0x1C200] =	vst v63  }
0x4a0: {  	_ = 	snop  }
0x4a1: {  	[tilespmem:s15], [sflag:$0x2] =	stream.linear.gather [hbm4b:s28+s2], $0x100, $0x38;
	[tilespmem:$0x1C200] =	vst v63  }
0x4a2: {  	_ =	swait.ge [sflag:s13], $0x4000  }
0x4a3: {  	s31 =	sld [smem:$0x7CC]  }
0x4a4: {  	[sflag:s13] =	ssyncset.done $0x0  }
0x4a5: {  	[sflag:s13] =	ssyncadd.s32 $0xFFFFC000  }
0x4a6: {  	[hbm4b:s31+s8] =	stream.strided.scatter [tilespmem:s20], [sflag:$0x7], $0x4000, s10, s8, $0x38;
	[tilespmem:$0x1C200] =	vst v63  }
0x4a7: {  	_ =	swait.ge [sflag:s14], $0x100  }
0x4a8: {  	[sflag:s14] =	ssyncset.done $0x0  }
0x4a9: {  	[sflag:s14] =	ssyncadd.s32 $0xFFFFFF00  }
0x4aa: {  	_ =	swait.ge [sflag:s5], $0x4000  }
0x4ab: {  	[sflag:s5] =	ssyncset.done $0x0  }
0x4ac: {  	s24 =	sld [smem:$0x7CD];
	[sflag:s5] =	ssyncadd.s32 $0xFFFFC000  }
0x4ad: {  	[tilespmem:s18], [sflag:$0x3] =	stream.indirect.gather [spmem:s1], $0x80, s7, s9, $0xb8;
	[tilespmem:$0x1C200] =	vst v63  }
0x4ae: {  	_ = 	snop  }
0x4af: {  	[tilespmem:s19], [sflag:$0x1] =	stream.linear.gather [hbm4b:s24+s2], $0x100, $0x38;
	[tilespmem:$0x1C200] =	vst v63  }
0x4b0: {  	_ =	swait.ge [sflag:s5], $0x4000  }
0x4b1: {  	s28 =	sld [smem:$0x7CE]  }
0x4b2: {  	[sflag:s5] =	ssyncset.done $0x0  }
0x4b3: {  	[sflag:s5] =	ssyncadd.s32 $0xFFFFC000  }
0x4b4: {  	[hbm4b:s28+s8] =	stream.strided.scatter [tilespmem:s18], [sflag:$0x3], $0x4000, s10, s8, $0x38;
	[tilespmem:$0x1C200] =	vst v63  }
0x4b5: {  	_ =	swait.ge [sflag:s17], $0x100  }
0x4b6: {  	[sflag:s17] =	ssyncset.done $0x0  }
0x4b7: {  	[sflag:s17] =	ssyncadd.s32 $0xFFFFFF00  }
0x4b8: {  	_ =	swait.ge [sflag:s6], $0x4000  }
0x4b9: {  	[sflag:s6] =	ssyncset.done $0x0  }
0x4ba: {  	s31 =	sld [smem:$0x7CF];
	[sflag:s6] =	ssyncadd.s32 $0xFFFFC000  }
0x4bb: {  	[tilespmem:s16], [sflag:$0x4] =	stream.indirect.gather [spmem:s1], $0x80, s3, s9, $0xb8;
	[tilespmem:$0x1C200] =	vst v63  }
0x4bc: {  	_ = 	snop  }
0x4bd: {  	[tilespmem:s15], [sflag:$0x2] =	stream.linear.gather [hbm4b:s31+s2], $0x100, $0x38;
	[tilespmem:$0x1C200] =	vst v63  }
0x4be: {  	_ =	swait.ge [sflag:s6], $0x4000  }
0x4bf: {  	s24 =	sld [smem:$0x7D0]  }
0x4c0: {  	[sflag:s6] =	ssyncset.done $0x0  }
0x4c1: {  	[sflag:s6] =	ssyncadd.s32 $0xFFFFC000  }
0x4c2: {  	[hbm4b:s24+s8] =	stream.strided.scatter [tilespmem:s16], [sflag:$0x4], $0x4000, s10, s8, $0x38;
	[tilespmem:$0x1C200] =	vst v63  }
0x4c3: {  	_ =	swait.ge [sflag:s14], $0x100  }
0x4c4: {  	[sflag:s14] =	ssyncset.done $0x0  }
0x4c5: {  	[sflag:s14] =	ssyncadd.s32 $0xFFFFFF00  }
0x4c6: {  	_ =	swait.ge [sflag:s4], $0x4000  }
0x4c7: {  	[sflag:s4] =	ssyncset.done $0x0  }
0x4c8: {  	s28 =	sld [smem:$0x7D1];
	[sflag:s4] =	ssyncadd.s32 $0xFFFFC000  }
0x4c9: {  	[tilespmem:s11], [sflag:$0x5] =	stream.indirect.gather [spmem:s1], $0x80, s7, s9, $0xb8;
	[tilespmem:$0x1C200] =	vst v63  }
0x4ca: {  	_ = 	snop  }
0x4cb: {  	[tilespmem:s19], [sflag:$0x1] =	stream.linear.gather [hbm4b:s28+s2], $0x100, $0x38;
	[tilespmem:$0x1C200] =	vst v63  }
0x4cc: {  	_ =	swait.ge [sflag:s4], $0x4000  }
0x4cd: {  	s31 =	sld [smem:$0x7D2]  }
0x4ce: {  	[sflag:s4] =	ssyncset.done $0x0  }
0x4cf: {  	[sflag:s4] =	ssyncadd.s32 $0xFFFFC000  }
0x4d0: {  	[hbm4b:s31+s8] =	stream.strided.scatter [tilespmem:s11], [sflag:$0x5], $0x4000, s10, s8, $0x38;
	[tilespmem:$0x1C200] =	vst v63  }
0x4d1: {  	_ =	swait.ge [sflag:s17], $0x100  }
0x4d2: {  	[sflag:s17] =	ssyncset.done $0x0  }
0x4d3: {  	[sflag:s17] =	ssyncadd.s32 $0xFFFFFF00  }
0x4d4: {  	_ =	swait.ge [sflag:s12], $0x4000  }
0x4d5: {  	[sflag:s12] =	ssyncset.done $0x0  }
0x4d6: {  	s24 =	sld [smem:$0x7D3];
	[sflag:s12] =	ssyncadd.s32 $0xFFFFC000  }
0x4d7: {  	[tilespmem:s21], [sflag:$0x6] =	stream.indirect.gather [spmem:s1], $0x80, s3, s9, $0xb8;
	[tilespmem:$0x1C200] =	vst v63  }
0x4d8: {  	_ = 	snop  }
0x4d9: {  	[tilespmem:s15], [sflag:$0x2] =	stream.linear.gather [hbm4b:s24+s2], $0x100, $0x38;
	[tilespmem:$0x1C200] =	vst v63  }
0x4da: {  	_ =	swait.ge [sflag:s12], $0x4000  }
0x4db: {  	s28 =	sld [smem:$0x7D4]  }
0x4dc: {  	[sflag:s12] =	ssyncset.done $0x0  }
0x4dd: {  	[sflag:s12] =	ssyncadd.s32 $0xFFFFC000  }
0x4de: {  	[hbm4b:s28+s8] =	stream.strided.scatter [tilespmem:s21], [sflag:$0x6], $0x4000, s10, s8, $0x38;
	[tilespmem:$0x1C200] =	vst v63  }
0x4df: {  	_ =	swait.ge [sflag:s14], $0x100  }
0x4e0: {  	[sflag:s14] =	ssyncset.done $0x0  }
0x4e1: {  	[sflag:s14] =	ssyncadd.s32 $0xFFFFFF00  }
0x4e2: {  	_ =	swait.ge [sflag:s13], $0x4000  }
0x4e3: {  	[sflag:s13] =	ssyncset.done $0x0  }
0x4e4: {  	s31 =	sld [smem:$0x7D5];
	[sflag:s13] =	ssyncadd.s32 $0xFFFFC000  }
0x4e5: {  	[tilespmem:s20], [sflag:$0x7] =	stream.indirect.gather [spmem:s1], $0x80, s7, s9, $0xb8;
	[tilespmem:$0x1C200] =	vst v63  }
0x4e6: {  	_ = 	snop  }
0x4e7: {  	[tilespmem:s19], [sflag:$0x1] =	stream.linear.gather [hbm4b:s31+s2], $0x100, $0x38;
	[tilespmem:$0x1C200] =	vst v63  }
0x4e8: {  	_ =	swait.ge [sflag:s13], $0x4000  }
0x4e9: {  	s24 =	sld [smem:$0x7D6]  }
0x4ea: {  	[sflag:s13] =	ssyncset.done $0x0  }
0x4eb: {  	[sflag:s13] =	ssyncadd.s32 $0xFFFFC000  }
0x4ec: {  	[hbm4b:s24+s8] =	stream.strided.scatter [tilespmem:s20], [sflag:$0x7], $0x4000, s10, s8, $0x38;
	[tilespmem:$0x1C200] =	vst v63  }
0x4ed: {  	_ =	swait.ge [sflag:s17], $0x100  }
0x4ee: {  	[sflag:s17] =	ssyncset.done $0x0  }
0x4ef: {  	[sflag:s17] =	ssyncadd.s32 $0xFFFFFF00  }
0x4f0: {  	_ =	swait.ge [sflag:s5], $0x4000  }
0x4f1: {  	[sflag:s5] =	ssyncset.done $0x0  }
0x4f2: {  	s28 =	sld [smem:$0x7D7];
	[sflag:s5] =	ssyncadd.s32 $0xFFFFC000  }
0x4f3: {  	[tilespmem:s18], [sflag:$0x3] =	stream.indirect.gather [spmem:s1], $0x80, s3, s9, $0xb8;
	[tilespmem:$0x1C200] =	vst v63  }
0x4f4: {  	_ = 	snop  }
0x4f5: {  	[tilespmem:s15], [sflag:$0x2] =	stream.linear.gather [hbm4b:s28+s2], $0x100, $0x38;
	[tilespmem:$0x1C200] =	vst v63  }
0x4f6: {  	_ =	swait.ge [sflag:s5], $0x4000  }
0x4f7: {  	s31 =	sld [smem:$0x7D8]  }
0x4f8: {  	[sflag:s5] =	ssyncset.done $0x0  }
0x4f9: {  	[sflag:s5] =	ssyncadd.s32 $0xFFFFC000  }
0x4fa: {  	[hbm4b:s31+s8] =	stream.strided.scatter [tilespmem:s18], [sflag:$0x3], $0x4000, s10, s8, $0x38;
	[tilespmem:$0x1C200] =	vst v63  }
0x4fb: {  	_ =	swait.ge [sflag:s14], $0x100  }
0x4fc: {  	[sflag:s14] =	ssyncset.done $0x0  }
0x4fd: {  	[sflag:s14] =	ssyncadd.s32 $0xFFFFFF00  }
0x4fe: {  	_ =	swait.ge [sflag:s6], $0x4000  }
0x4ff: {  	[sflag:s6] =	ssyncset.done $0x0  }
0x500: {  	s24 =	sld [smem:$0x7D9];
	[sflag:s6] =	ssyncadd.s32 $0xFFFFC000  }
0x501: {  	[tilespmem:s16], [sflag:$0x4] =	stream.indirect.gather [spmem:s1], $0x80, s7, s9, $0xb8;
	[tilespmem:$0x1C200] =	vst v63  }
0x502: {  	_ = 	snop  }
0x503: {  	[tilespmem:s19], [sflag:$0x1] =	stream.linear.gather [hbm4b:s24+s2], $0x100, $0x38;
	[tilespmem:$0x1C200] =	vst v63  }
0x504: {  	_ =	swait.ge [sflag:s6], $0x4000  }
0x505: {  	s28 =	sld [smem:$0x7DA]  }
0x506: {  	[sflag:s6] =	ssyncset.done $0x0  }
0x507: {  	[sflag:s6] =	ssyncadd.s32 $0xFFFFC000  }
0x508: {  	[hbm4b:s28+s8] =	stream.strided.scatter [tilespmem:s16], [sflag:$0x4], $0x4000, s10, s8, $0x38;
	[tilespmem:$0x1C200] =	vst v63  }
0x509: {  	_ =	swait.ge [sflag:s17], $0x100  }
0x50a: {  	[sflag:s17] =	ssyncset.done $0x0  }
0x50b: {  	[sflag:s17] =	ssyncadd.s32 $0xFFFFFF00  }
0x50c: {  	_ =	swait.ge [sflag:s4], $0x4000  }
0x50d: {  	[sflag:s4] =	ssyncset.done $0x0  }
0x50e: {  	s31 =	sld [smem:$0x7DB];
	[sflag:s4] =	ssyncadd.s32 $0xFFFFC000  }
0x50f: {  	[tilespmem:s11], [sflag:$0x5] =	stream.indirect.gather [spmem:s1], $0x80, s3, s9, $0xb8;
	[tilespmem:$0x1C200] =	vst v63  }
0x510: {  	_ = 	snop  }
0x511: {  	[tilespmem:s15], [sflag:$0x2] =	stream.linear.gather [hbm4b:s31+s2], $0x100, $0x38;
	[tilespmem:$0x1C200] =	vst v63  }
0x512: {  	_ =	swait.ge [sflag:s4], $0x4000  }
0x513: {  	s24 =	sld [smem:$0x7DC]  }
0x514: {  	[sflag:s4] =	ssyncset.done $0x0  }
0x515: {  	[sflag:s4] =	ssyncadd.s32 $0xFFFFC000  }
0x516: {  	[hbm4b:s24+s8] =	stream.strided.scatter [tilespmem:s11], [sflag:$0x5], $0x4000, s10, s8, $0x38;
	[tilespmem:$0x1C200] =	vst v63  }
0x517: {  	_ =	swait.ge [sflag:s14], $0x100  }
0x518: {  	[sflag:s14] =	ssyncset.done $0x0  }
0x519: {  	[sflag:s14] =	ssyncadd.s32 $0xFFFFFF00  }
0x51a: {  	_ =	swait.ge [sflag:s12], $0x4000  }
0x51b: {  	[sflag:s12] =	ssyncset.done $0x0  }
0x51c: {  	s28 =	sld [smem:$0x7DD];
	[sflag:s12] =	ssyncadd.s32 $0xFFFFC000  }
0x51d: {  	[tilespmem:s21], [sflag:$0x6] =	stream.indirect.gather [spmem:s1], $0x80, s7, s9, $0xb8;
	[tilespmem:$0x1C200] =	vst v63  }
0x51e: {  	_ = 	snop  }
0x51f: {  	[tilespmem:s19], [sflag:$0x1] =	stream.linear.gather [hbm4b:s28+s2], $0x100, $0x38;
	[tilespmem:$0x1C200] =	vst v63  }
0x520: {  	_ =	swait.ge [sflag:s12], $0x4000  }
0x521: {  	s31 =	sld [smem:$0x7DE]  }
0x522: {  	[sflag:s12] =	ssyncset.done $0x0  }
0x523: {  	[sflag:s12] =	ssyncadd.s32 $0xFFFFC000  }
0x524: {  	[hbm4b:s31+s8] =	stream.strided.scatter [tilespmem:s21], [sflag:$0x6], $0x4000, s10, s8, $0x38;
	[tilespmem:$0x1C200] =	vst v63  }
0x525: {  	_ =	swait.ge [sflag:s17], $0x100  }
0x526: {  	[sflag:s17] =	ssyncset.done $0x0  }
0x527: {  	[sflag:s17] =	ssyncadd.s32 $0xFFFFFF00  }
0x528: {  	_ =	swait.ge [sflag:s13], $0x4000  }
0x529: {  	[sflag:s13] =	ssyncset.done $0x0  }
0x52a: {  	s24 =	sld [smem:$0x7DF];
	[sflag:s13] =	ssyncadd.s32 $0xFFFFC000  }
0x52b: {  	[tilespmem:s20], [sflag:$0x7] =	stream.indirect.gather [spmem:s1], $0x80, s3, s9, $0xb8;
	[tilespmem:$0x1C200] =	vst v63  }
0x52c: {  	_ = 	snop  }
0x52d: {  	[tilespmem:s15], [sflag:$0x2] =	stream.linear.gather [hbm4b:s24+s2], $0x100, $0x38;
	[tilespmem:$0x1C200] =	vst v63  }
0x52e: {  	_ =	swait.ge [sflag:s13], $0x4000  }
0x52f: {  	s28 =	sld [smem:$0x7E0]  }
0x530: {  	[sflag:s13] =	ssyncset.done $0x0  }
0x531: {  	[sflag:s13] =	ssyncadd.s32 $0xFFFFC000  }
0x532: {  	[hbm4b:s28+s8] =	stream.strided.scatter [tilespmem:s20], [sflag:$0x7], $0x4000, s10, s8, $0x38;
	[tilespmem:$0x1C200] =	vst v63  }
0x533: {  	_ =	swait.ge [sflag:s14], $0x100  }
0x534: {  	[sflag:s14] =	ssyncset.done $0x0  }
0x535: {  	[sflag:s14] =	ssyncadd.s32 $0xFFFFFF00  }
0x536: {  	_ =	swait.ge [sflag:s5], $0x4000  }
0x537: {  	[sflag:s5] =	ssyncset.done $0x0  }
0x538: {  	s31 =	sld [smem:$0x7E1];
	[sflag:s5] =	ssyncadd.s32 $0xFFFFC000  }
0x539: {  	[tilespmem:s18], [sflag:$0x3] =	stream.indirect.gather [spmem:s1], $0x80, s7, s9, $0xb8;
	[tilespmem:$0x1C200] =	vst v63  }
0x53a: {  	_ = 	snop  }
0x53b: {  	[tilespmem:s19], [sflag:$0x1] =	stream.linear.gather [hbm4b:s31+s2], $0x100, $0x38;
	[tilespmem:$0x1C200] =	vst v63  }
0x53c: {  	_ =	swait.ge [sflag:s5], $0x4000  }
0x53d: {  	s24 =	sld [smem:$0x7E2]  }
0x53e: {  	[sflag:s5] =	ssyncset.done $0x0  }
0x53f: {  	[sflag:s5] =	ssyncadd.s32 $0xFFFFC000  }
0x540: {  	[hbm4b:s24+s8] =	stream.strided.scatter [tilespmem:s18], [sflag:$0x3], $0x4000, s10, s8, $0x38;
	[tilespmem:$0x1C200] =	vst v63  }
0x541: {  	_ =	swait.ge [sflag:s17], $0x100  }
0x542: {  	[sflag:s17] =	ssyncset.done $0x0  }
0x543: {  	[sflag:s17] =	ssyncadd.s32 $0xFFFFFF00  }
0x544: {  	_ =	swait.ge [sflag:s6], $0x4000  }
0x545: {  	[sflag:s6] =	ssyncset.done $0x0  }
0x546: {  	s28 =	sld [smem:$0x7E3];
	[sflag:s6] =	ssyncadd.s32 $0xFFFFC000  }
0x547: {  	[tilespmem:s16], [sflag:$0x4] =	stream.indirect.gather [spmem:s1], $0x80, s3, s9, $0xb8;
	[tilespmem:$0x1C200] =	vst v63  }
0x548: {  	_ = 	snop  }
0x549: {  	[tilespmem:s15], [sflag:$0x2] =	stream.linear.gather [hbm4b:s28+s2], $0x100, $0x38;
	[tilespmem:$0x1C200] =	vst v63  }
0x54a: {  	_ =	swait.ge [sflag:s6], $0x4000  }
0x54b: {  	s31 =	sld [smem:$0x7E4]  }
0x54c: {  	[sflag:s6] =	ssyncset.done $0x0  }
0x54d: {  	[sflag:s6] =	ssyncadd.s32 $0xFFFFC000  }
0x54e: {  	[hbm4b:s31+s8] =	stream.strided.scatter [tilespmem:s16], [sflag:$0x4], $0x4000, s10, s8, $0x38;
	[tilespmem:$0x1C200] =	vst v63  }
0x54f: {  	_ =	swait.ge [sflag:s14], $0x100  }
0x550: {  	[sflag:s14] =	ssyncset.done $0x0  }
0x551: {  	[sflag:s14] =	ssyncadd.s32 $0xFFFFFF00  }
0x552: {  	_ =	swait.ge [sflag:s4], $0x4000  }
0x553: {  	[sflag:s4] =	ssyncset.done $0x0  }
0x554: {  	s24 =	sld [smem:$0x7E5];
	[sflag:s4] =	ssyncadd.s32 $0xFFFFC000  }
0x555: {  	[tilespmem:s11], [sflag:$0x5] =	stream.indirect.gather [spmem:s1], $0x80, s7, s9, $0xb8;
	[tilespmem:$0x1C200] =	vst v63  }
0x556: {  	_ = 	snop  }
0x557: {  	[tilespmem:s19], [sflag:$0x1] =	stream.linear.gather [hbm4b:s24+s2], $0x100, $0x38;
	[tilespmem:$0x1C200] =	vst v63  }
0x558: {  	_ =	swait.ge [sflag:s4], $0x4000  }
0x559: {  	s28 =	sld [smem:$0x7E6]  }
0x55a: {  	[sflag:s4] =	ssyncset.done $0x0  }
0x55b: {  	[sflag:s4] =	ssyncadd.s32 $0xFFFFC000  }
0x55c: {  	[hbm4b:s28+s8] =	stream.strided.scatter [tilespmem:s11], [sflag:$0x5], $0x4000, s10, s8, $0x38;
	[tilespmem:$0x1C200] =	vst v63  }
0x55d: {  	_ =	swait.ge [sflag:s17], $0x100  }
0x55e: {  	[sflag:s17] =	ssyncset.done $0x0  }
0x55f: {  	[sflag:s17] =	ssyncadd.s32 $0xFFFFFF00  }
0x560: {  	_ =	swait.ge [sflag:s12], $0x4000  }
0x561: {  	[sflag:s12] =	ssyncset.done $0x0  }
0x562: {  	s31 =	sld [smem:$0x7E7];
	[sflag:s12] =	ssyncadd.s32 $0xFFFFC000  }
0x563: {  	[tilespmem:s21], [sflag:$0x6] =	stream.indirect.gather [spmem:s1], $0x80, s3, s9, $0xb8;
	[tilespmem:$0x1C200] =	vst v63  }
0x564: {  	_ = 	snop  }
0x565: {  	[tilespmem:s15], [sflag:$0x2] =	stream.linear.gather [hbm4b:s31+s2], $0x100, $0x38;
	[tilespmem:$0x1C200] =	vst v63  }
0x566: {  	_ =	swait.ge [sflag:s12], $0x4000  }
0x567: {  	s24 =	sld [smem:$0x7E8]  }
0x568: {  	[sflag:s12] =	ssyncset.done $0x0  }
0x569: {  	[sflag:s12] =	ssyncadd.s32 $0xFFFFC000  }
0x56a: {  	[hbm4b:s24+s8] =	stream.strided.scatter [tilespmem:s21], [sflag:$0x6], $0x4000, s10, s8, $0x38;
	[tilespmem:$0x1C200] =	vst v63  }
0x56b: {  	_ =	swait.ge [sflag:s14], $0x100  }
0x56c: {  	[sflag:s14] =	ssyncset.done $0x0  }
0x56d: {  	[sflag:s14] =	ssyncadd.s32 $0xFFFFFF00  }
0x56e: {  	_ =	swait.ge [sflag:s13], $0x4000  }
0x56f: {  	[sflag:s13] =	ssyncset.done $0x0  }
0x570: {  	s28 =	sld [smem:$0x7E9];
	[sflag:s13] =	ssyncadd.s32 $0xFFFFC000  }
0x571: {  	[tilespmem:s20], [sflag:$0x7] =	stream.indirect.gather [spmem:s1], $0x80, s7, s9, $0xb8;
	[tilespmem:$0x1C200] =	vst v63  }
0x572: {  	_ = 	snop  }
0x573: {  	[tilespmem:s19], [sflag:$0x1] =	stream.linear.gather [hbm4b:s28+s2], $0x100, $0x38;
	[tilespmem:$0x1C200] =	vst v63  }
0x574: {  	_ =	swait.ge [sflag:s13], $0x4000  }
0x575: {  	s31 =	sld [smem:$0x7EA]  }
0x576: {  	[sflag:s13] =	ssyncset.done $0x0  }
0x577: {  	[sflag:s13] =	ssyncadd.s32 $0xFFFFC000  }
0x578: {  	[hbm4b:s31+s8] =	stream.strided.scatter [tilespmem:s20], [sflag:$0x7], $0x4000, s10, s8, $0x38;
	[tilespmem:$0x1C200] =	vst v63  }
0x579: {  	_ =	swait.ge [sflag:s17], $0x100  }
0x57a: {  	[sflag:s17] =	ssyncset.done $0x0  }
0x57b: {  	[sflag:s17] =	ssyncadd.s32 $0xFFFFFF00  }
0x57c: {  	_ =	swait.ge [sflag:s5], $0x4000  }
0x57d: {  	[sflag:s5] =	ssyncset.done $0x0  }
0x57e: {  	s24 =	sld [smem:$0x7EB];
	[sflag:s5] =	ssyncadd.s32 $0xFFFFC000  }
0x57f: {  	[tilespmem:s18], [sflag:$0x3] =	stream.indirect.gather [spmem:s1], $0x80, s3, s9, $0xb8;
	[tilespmem:$0x1C200] =	vst v63  }
0x580: {  	_ = 	snop  }
0x581: {  	[tilespmem:s15], [sflag:$0x2] =	stream.linear.gather [hbm4b:s24+s2], $0x100, $0x38;
	[tilespmem:$0x1C200] =	vst v63  }
0x582: {  	_ =	swait.ge [sflag:s5], $0x4000  }
0x583: {  	s28 =	sld [smem:$0x7EC]  }
0x584: {  	[sflag:s5] =	ssyncset.done $0x0  }
0x585: {  	[sflag:s5] =	ssyncadd.s32 $0xFFFFC000  }
0x586: {  	[hbm4b:s28+s8] =	stream.strided.scatter [tilespmem:s18], [sflag:$0x3], $0x4000, s10, s8, $0x38;
	[tilespmem:$0x1C200] =	vst v63  }
0x587: {  	_ =	swait.ge [sflag:s14], $0x100  }
0x588: {  	[sflag:s14] =	ssyncset.done $0x0  }
0x589: {  	[sflag:s14] =	ssyncadd.s32 $0xFFFFFF00  }
0x58a: {  	_ =	swait.ge [sflag:s6], $0x4000  }
0x58b: {  	[sflag:s6] =	ssyncset.done $0x0  }
0x58c: {  	s31 =	sld [smem:$0x7ED];
	[sflag:s6] =	ssyncadd.s32 $0xFFFFC000  }
0x58d: {  	[tilespmem:s16], [sflag:$0x4] =	stream.indirect.gather [spmem:s1], $0x80, s7, s9, $0xb8;
	[tilespmem:$0x1C200] =	vst v63  }
0x58e: {  	_ = 	snop  }
0x58f: {  	[tilespmem:s19], [sflag:$0x1] =	stream.linear.gather [hbm4b:s31+s2], $0x100, $0x38;
	[tilespmem:$0x1C200] =	vst v63  }
0x590: {  	_ =	swait.ge [sflag:s6], $0x4000  }
0x591: {  	s24 =	sld [smem:$0x7EE]  }
0x592: {  	[sflag:s6] =	ssyncset.done $0x0  }
0x593: {  	[sflag:s6] =	ssyncadd.s32 $0xFFFFC000  }
0x594: {  	[hbm4b:s24+s8] =	stream.strided.scatter [tilespmem:s16], [sflag:$0x4], $0x4000, s10, s8, $0x38;
	[tilespmem:$0x1C200] =	vst v63  }
0x595: {  	_ =	swait.ge [sflag:s17], $0x100  }
0x596: {  	[sflag:s17] =	ssyncset.done $0x0  }
0x597: {  	[sflag:s17] =	ssyncadd.s32 $0xFFFFFF00  }
0x598: {  	_ =	swait.ge [sflag:s4], $0x4000  }
0x599: {  	[sflag:s4] =	ssyncset.done $0x0  }
0x59a: {  	s28 =	sld [smem:$0x7EF];
	[sflag:s4] =	ssyncadd.s32 $0xFFFFC000  }
0x59b: {  	[tilespmem:s11], [sflag:$0x5] =	stream.indirect.gather [spmem:s1], $0x80, s3, s9, $0xb8;
	[tilespmem:$0x1C200] =	vst v63  }
0x59c: {  	_ = 	snop  }
0x59d: {  	[tilespmem:s15], [sflag:$0x2] =	stream.linear.gather [hbm4b:s28+s2], $0x100, $0x38;
	[tilespmem:$0x1C200] =	vst v63  }
0x59e: {  	_ =	swait.ge [sflag:s4], $0x4000  }
0x59f: {  	s31 =	sld [smem:$0x7F0]  }
0x5a0: {  	[sflag:s4] =	ssyncset.done $0x0  }
0x5a1: {  	[sflag:s4] =	ssyncadd.s32 $0xFFFFC000  }
0x5a2: {  	[hbm4b:s31+s8] =	stream.strided.scatter [tilespmem:s11], [sflag:$0x5], $0x4000, s10, s8, $0x38;
	[tilespmem:$0x1C200] =	vst v63  }
0x5a3: {  	_ =	swait.ge [sflag:s14], $0x100  }
0x5a4: {  	[sflag:s14] =	ssyncset.done $0x0  }
0x5a5: {  	[sflag:s14] =	ssyncadd.s32 $0xFFFFFF00  }
0x5a6: {  	_ =	swait.ge [sflag:s12], $0x4000  }
0x5a7: {  	[sflag:s12] =	ssyncset.done $0x0  }
0x5a8: {  	s24 =	sld [smem:$0x7F1];
	[sflag:s12] =	ssyncadd.s32 $0xFFFFC000  }
0x5a9: {  	[tilespmem:s21], [sflag:$0x6] =	stream.indirect.gather [spmem:s1], $0x80, s7, s9, $0xb8;
	[tilespmem:$0x1C200] =	vst v63  }
0x5aa: {  	_ = 	snop  }
0x5ab: {  	[tilespmem:s19], [sflag:$0x1] =	stream.linear.gather [hbm4b:s24+s2], $0x100, $0x38;
	[tilespmem:$0x1C200] =	vst v63  }
0x5ac: {  	_ =	swait.ge [sflag:s12], $0x4000  }
0x5ad: {  	s28 =	sld [smem:$0x7F2]  }
0x5ae: {  	[sflag:s12] =	ssyncset.done $0x0  }
0x5af: {  	[sflag:s12] =	ssyncadd.s32 $0xFFFFC000  }
0x5b0: {  	[hbm4b:s28+s8] =	stream.strided.scatter [tilespmem:s21], [sflag:$0x6], $0x4000, s10, s8, $0x38;
	[tilespmem:$0x1C200] =	vst v63  }
0x5b1: {  	_ =	swait.ge [sflag:s17], $0x100  }
0x5b2: {  	[sflag:s17] =	ssyncset.done $0x0  }
0x5b3: {  	[sflag:s17] =	ssyncadd.s32 $0xFFFFFF00  }
0x5b4: {  	_ =	swait.ge [sflag:s13], $0x4000  }
0x5b5: {  	[sflag:s13] =	ssyncset.done $0x0  }
0x5b6: {  	s31 =	sld [smem:$0x7F3];
	[sflag:s13] =	ssyncadd.s32 $0xFFFFC000  }
0x5b7: {  	[tilespmem:s20], [sflag:$0x7] =	stream.indirect.gather [spmem:s1], $0x80, s3, s9, $0xb8;
	[tilespmem:$0x1C200] =	vst v63  }
0x5b8: {  	_ = 	snop  }
0x5b9: {  	[tilespmem:s15], [sflag:$0x2] =	stream.linear.gather [hbm4b:s31+s2], $0x100, $0x38;
	[tilespmem:$0x1C200] =	vst v63  }
0x5ba: {  	_ =	swait.ge [sflag:s13], $0x4000  }
0x5bb: {  	s24 =	sld [smem:$0x7F4]  }
0x5bc: {  	[sflag:s13] =	ssyncset.done $0x0  }
0x5bd: {  	[sflag:s13] =	ssyncadd.s32 $0xFFFFC000  }
0x5be: {  	[hbm4b:s24+s8] =	stream.strided.scatter [tilespmem:s20], [sflag:$0x7], $0x4000, s10, s8, $0x38;
	[tilespmem:$0x1C200] =	vst v63  }
0x5bf: {  	_ =	swait.ge [sflag:s14], $0x100  }
0x5c0: {  	[sflag:s14] =	ssyncset.done $0x0  }
0x5c1: {  	[sflag:s14] =	ssyncadd.s32 $0xFFFFFF00  }
0x5c2: {  	_ =	swait.ge [sflag:s5], $0x4000  }
0x5c3: {  	[sflag:s5] =	ssyncset.done $0x0  }
0x5c4: {  	s28 =	sld [smem:$0x7F5];
	[sflag:s5] =	ssyncadd.s32 $0xFFFFC000  }
0x5c5: {  	[tilespmem:s18], [sflag:$0x3] =	stream.indirect.gather [spmem:s1], $0x80, s7, s9, $0xb8;
	[tilespmem:$0x1C200] =	vst v63  }
0x5c6: {  	_ = 	snop  }
0x5c7: {  	[tilespmem:s19], [sflag:$0x1] =	stream.linear.gather [hbm4b:s28+s2], $0x100, $0x38;
	[tilespmem:$0x1C200] =	vst v63  }
0x5c8: {  	_ =	swait.ge [sflag:s5], $0x4000  }
0x5c9: {  	s31 =	sld [smem:$0x7F6]  }
0x5ca: {  	[sflag:s5] =	ssyncset.done $0x0  }
0x5cb: {  	[sflag:s5] =	ssyncadd.s32 $0xFFFFC000  }
0x5cc: {  	[hbm4b:s31+s8] =	stream.strided.scatter [tilespmem:s18], [sflag:$0x3], $0x4000, s10, s8, $0x38;
	[tilespmem:$0x1C200] =	vst v63  }
0x5cd: {  	_ =	swait.ge [sflag:s17], $0x100  }
0x5ce: {  	[sflag:s17] =	ssyncset.done $0x0  }
0x5cf: {  	[sflag:s17] =	ssyncadd.s32 $0xFFFFFF00  }
0x5d0: {  	_ =	swait.ge [sflag:s6], $0x4000  }
0x5d1: {  	[sflag:s6] =	ssyncset.done $0x0  }
0x5d2: {  	s24 =	sld [smem:$0x7F7];
	[sflag:s6] =	ssyncadd.s32 $0xFFFFC000  }
0x5d3: {  	[tilespmem:s16], [sflag:$0x4] =	stream.indirect.gather [spmem:s1], $0x80, s3, s9, $0xb8;
	[tilespmem:$0x1C200] =	vst v63  }
0x5d4: {  	_ = 	snop  }
0x5d5: {  	[tilespmem:s15], [sflag:$0x2] =	stream.linear.gather [hbm4b:s24+s2], $0x100, $0x38;
	[tilespmem:$0x1C200] =	vst v63  }
0x5d6: {  	_ =	swait.ge [sflag:s6], $0x4000  }
0x5d7: {  	s28 =	sld [smem:$0x7F8]  }
0x5d8: {  	[sflag:s6] =	ssyncset.done $0x0  }
0x5d9: {  	[sflag:s6] =	ssyncadd.s32 $0xFFFFC000  }
0x5da: {  	[hbm4b:s28+s8] =	stream.strided.scatter [tilespmem:s16], [sflag:$0x4], $0x4000, s10, s8, $0x38;
	[tilespmem:$0x1C200] =	vst v63  }
0x5db: {  	_ =	swait.ge [sflag:s14], $0x100  }
0x5dc: {  	[sflag:s14] =	ssyncset.done $0x0  }
0x5dd: {  	[sflag:s14] =	ssyncadd.s32 $0xFFFFFF00  }
0x5de: {  	_ =	swait.ge [sflag:s4], $0x4000  }
0x5df: {  	[sflag:s4] =	ssyncset.done $0x0  }
0x5e0: {  	[sflag:s4] =	ssyncadd.s32 $0xFFFFC000  }
0x5e1: {  	[tilespmem:s11], [sflag:$0x5] =	stream.indirect.gather [spmem:s1], $0x80, s7, s9, $0xb8;
	[tilespmem:$0x1C200] =	vst v63  }
0x5e2: {  	_ =	swait.ge [sflag:s4], $0x4000  }
0x5e3: {  	s31 =	sld [smem:$0x7F9]  }
0x5e4: {  	[sflag:s4] =	ssyncset.done $0x0  }
0x5e5: {  	[sflag:s4] =	ssyncadd.s32 $0xFFFFC000  }
0x5e6: {  	[hbm4b:s31+s8] =	stream.strided.scatter [tilespmem:s11], [sflag:$0x5], $0x4000, s10, s8, $0x38;
	[tilespmem:$0x1C200] =	vst v63  }
0x5e7: {  	_ =	swait.ge [sflag:s12], $0x4000  }
0x5e8: {  	[sflag:s12] =	ssyncset.done $0x0  }
0x5e9: {  	[sflag:s12] =	ssyncadd.s32 $0xFFFFC000  }
0x5ea: {  	_ =	swait.ge [sflag:s13], $0x4000  }
0x5eb: {  	[sflag:s13] =	ssyncset.done $0x0  }
0x5ec: {  	[sflag:s13] =	ssyncadd.s32 $0xFFFFC000  }
0x5ed: {  	_ =	swait.ge [sflag:s5], $0x4000  }
0x5ee: {  	[sflag:s5] =	ssyncset.done $0x0  }
0x5ef: {  	[sflag:s5] =	ssyncadd.s32 $0xFFFFC000  }
0x5f0: {  	_ =	swait.ge [sflag:s6], $0x4000  }
0x5f1: {  	[sflag:s6] =	ssyncset.done $0x0  }
0x5f2: {  	[sflag:s6] =	ssyncadd.s32 $0xFFFFC000  }
0x5f3: {  	_ =	swait.ge [sflag:s4], $0x4000  }
0x5f4: {  	s26 =	sld [smem:$0x7FA]  }
0x5f5: {  	[sflag:s4] =	ssyncset.done $0x0  }
0x5f6: {  	s28 =	simm.s32 @!p2 $0x8000;
	s31 =	simm.s32 @!p2 $0x0;
	[sflag:s4] =	ssyncadd.s32 $0xFFFFC000  }
0x5f7: {  	[tilespmem:s28], [sflag:$0x8] =	stream.linear.gather @!p2 [hbm4b:s26+s31], $0x100, $0x38;
	[tilespmem:$0x1C200] =	vst v63  }
0x5f8: {  	_ =	swait.ge @!p2 [sflag:s25], $0x100  }
0x5f9: {  	[sflag:s25] =	ssyncset.done @!p2 $0x0  }
0x5fa: {  	s26 =	simm.s32 @!p2 $0x80;
	s28 =	simm.s32 @!p2 $0x8200;
	[sflag:s25] =	ssyncadd.s32 @!p2 $0xFFFFFF00  }
0x5fb: {  	[tilespmem:s28], [sflag:$0x3] =	stream.indirect.gather @!p2 [spmem:s1], $0x80, s3, s26, $0xb8;
	[tilespmem:$0x1C200] =	vst v63  }
0x5fc: {  	_ =	swait.ge @!p2 [sflag:s29], $0x4000  }
0x5fd: {  	s26 =	sld [smem:$0x7FB]  }
0x5fe: {  	[sflag:s29] =	ssyncset.done @!p2 $0x0  }
0x5ff: {  	s24 =	simm.s32 @!p2 $0x800;
	s31 =	simm.s32 @!p2 $0x400;
	[sflag:s29] =	ssyncadd.s32 @!p2 $0xFFFFC000  }
0x600: {  	[hbm4b:s26+s31] =	stream.strided.scatter @!p2 [tilespmem:s28], [sflag:$0x8], $0x1000, s24, s31, $0x38;
	[tilespmem:$0x1C200] =	vst v63  }
0x601: {  	_ =	swait.ge @!p2 [sflag:s25], $0x1000  }
0x602: {  	s26 =	sld [smem:$0x7FC]  }
0x603: {  	[sflag:s25] =	ssyncset.done @!p2 $0x0  }
0x604: {  	s24 =	simm.s32 @!p1 $0x0;
	s28 =	simm.s32 @!p1 $0x8000;
	[sflag:s25] =	ssyncadd.s32 @!p2 $0xFFFFF000  }
0x605: {  	[tilespmem:s28], [sflag:$0x8] =	stream.linear.gather @!p1 [hbm4b:s26+s24], $0x100, $0x38;
	[tilespmem:$0x1C200] =	vst v63  }
0x606: {  	_ =	swait.ge @!p1 [sflag:s0], $0x100  }
0x607: {  	[sflag:s0] =	ssyncset.done @!p1 $0x0  }
0x608: {  	s24 =	simm.s32 @!p1 $0x80;
	s28 =	simm.s32 @!p1 $0x8200;
	[sflag:s0] =	ssyncadd.s32 @!p1 $0xFFFFFF00  }
0x609: {  	[tilespmem:s28], [sflag:$0x3] =	stream.indirect.gather @!p1 [spmem:s1], $0x80, s3, s24, $0xb8;
	[tilespmem:$0x1C200] =	vst v63  }
0x60a: {  	s30 =	sadd.s32 $0xFFFFFFFF, s30;
	_ =	swait.ge @!p1 [sflag:s23], $0x4000  }
0x60b: {  	p4 =	sne.s32 s30, $0x0;
	s26 =	sld [smem:$0x7FD]  }
.Ltmp2:
0x60c: {  	[sflag:s23] =	ssyncset.done @!p1 $0x0;
	(pc) =	sbr.rel @p4 .LBB2_4-.Ltmp2, $4  }
0x60d: {  	s31 =	simm.s32 @!p1 $0x800;
	s24 =	simm.s32 @!p1 $0x400;
	[sflag:s23] =	ssyncadd.s32 @!p1 $0xFFFFC000  }
0x60e: {  	[hbm4b:s26+s24] =	stream.strided.scatter @!p1 [tilespmem:s28], [sflag:$0x8], $0x4000, s31, s24, $0x38;
	[tilespmem:$0x1C200] =	vst v63  }
0x60f: {  	_ =	swait.ge @!p1 [sflag:s0], $0x4000  }
0x610: {  	s26 =	rddreg [dreg:$0x4];
	[sflag:s0] =	ssyncset.done @!p1 $0x0  }
0x611: {  	s24 =	rddreg [dreg:$0x3]  }
.LBB2_6:
0x612: {  	p3 =	por p1, !p3  }
0x613: {  	s23 =	simm.s32 @!p0 $0x8;
	[sflag:s0] =	ssyncadd.s32 @!p3 $0xFFFFC000;
	s0 =	simm.s32 @!p0 $0x1C08  }
0x614: {  	[spmem:s22], [sflag:s0] =	dma.local @!p0 [hbm:s26], $0x10000  }
0x615: {  	_ =	swait.ge @!p0 [sflag:s23], $0x10000  }
0x616: {  	[sflag:s23] =	ssyncset.done @!p0 $0x0  }
0x617: {  	[sflag:s23] =	ssyncadd.s32 @!p0 $0xFFFF0000  }
0x618: {  	[bflag:$0x0] =	sbarrier.arrive $0xFFFF  }
0x619: {  	s22 =	rddreg [dreg:$0x5]  }
0x61a: {  	[tilespmem:s19], [sflag:$0x1] =	stream.linear.gather [hbm4b:s22+s2], $0x100, $0x38;
	[tilespmem:$0x1C200] =	vst v63  }
0x61b: {  	_ =	swait.ge [sflag:s17], $0x100  }
0x61c: {  	[sflag:s17] =	ssyncset.done $0x0  }
0x61d: {  	[sflag:s17] =	ssyncadd.s32 $0xFFFFFF00  }
0x61e: {  	[tilespmem:s18], [sflag:$0x3] =	stream.indirect.gather [spmem:s1], $0x80, s3, s9, $0xb8;
	[tilespmem:$0x1C200] =	vst v63  }
0x61f: {  	s23 =	rddreg [dreg:$0x6]  }
0x620: {  	[tilespmem:s15], [sflag:$0x2] =	stream.linear.gather [hbm4b:s23+s2], $0x100, $0x38;
	[tilespmem:$0x1C200] =	vst v63  }
0x621: {  	_ =	swait.ge [sflag:s5], $0x4000  }
0x622: {  	[sflag:s5] =	ssyncset.done $0x0  }
0x623: {  	s25 =	rddreg [dreg:$0x7];
	[sflag:s5] =	ssyncadd.s32 $0xFFFFC000  }
0x624: {  	[hbm4b:s25+s8] =	stream.strided.scatter [tilespmem:s18], [sflag:$0x3], $0x4000, s10, s8, $0x38;
	[tilespmem:$0x1C200] =	vst v63  }
0x625: {  	_ =	swait.ge [sflag:s14], $0x100  }
0x626: {  	[sflag:s14] =	ssyncset.done $0x0  }
0x627: {  	[sflag:s14] =	ssyncadd.s32 $0xFFFFFF00  }
0x628: {  	[tilespmem:s16], [sflag:$0x4] =	stream.indirect.gather [spmem:s1], $0x80, s7, s9, $0xb8;
	[tilespmem:$0x1C200] =	vst v63  }
0x629: {  	s26 =	rddreg [dreg:$0x8]  }
0x62a: {  	[tilespmem:s19], [sflag:$0x1] =	stream.linear.gather [hbm4b:s26+s2], $0x100, $0x38;
	[tilespmem:$0x1C200] =	vst v63  }
0x62b: {  	_ =	swait.ge [sflag:s6], $0x4000  }
0x62c: {  	[sflag:s6] =	ssyncset.done $0x0  }
0x62d: {  	s28 =	rddreg [dreg:$0x9];
	[sflag:s6] =	ssyncadd.s32 $0xFFFFC000  }
0x62e: {  	[hbm4b:s28+s8] =	stream.strided.scatter [tilespmem:s16], [sflag:$0x4], $0x4000, s10, s8, $0x38;
	[tilespmem:$0x1C200] =	vst v63  }
0x62f: {  	_ =	swait.ge [sflag:s17], $0x100  }
0x630: {  	[sflag:s17] =	ssyncset.done $0x0  }
0x631: {  	[sflag:s17] =	ssyncadd.s32 $0xFFFFFF00  }
0x632: {  	[tilespmem:s11], [sflag:$0x5] =	stream.indirect.gather [spmem:s1], $0x80, s3, s9, $0xb8;
	[tilespmem:$0x1C200] =	vst v63  }
0x633: {  	s29 =	rddreg [dreg:$0xa]  }
0x634: {  	[tilespmem:s15], [sflag:$0x2] =	stream.linear.gather [hbm4b:s29+s2], $0x100, $0x38;
	[tilespmem:$0x1C200] =	vst v63  }
0x635: {  	_ =	swait.ge [sflag:s4], $0x4000  }
0x636: {  	[sflag:s4] =	ssyncset.done $0x0  }
0x637: {  	s30 =	rddreg [dreg:$0xb];
	[sflag:s4] =	ssyncadd.s32 $0xFFFFC000  }
0x638: {  	[hbm4b:s30+s8] =	stream.strided.scatter [tilespmem:s11], [sflag:$0x5], $0x4000, s10, s8, $0x38;
	[tilespmem:$0x1C200] =	vst v63  }
0x639: {  	_ =	swait.ge [sflag:s14], $0x100  }
0x63a: {  	[sflag:s14] =	ssyncset.done $0x0  }
0x63b: {  	[sflag:s14] =	ssyncadd.s32 $0xFFFFFF00  }
0x63c: {  	[tilespmem:s21], [sflag:$0x6] =	stream.indirect.gather [spmem:s1], $0x80, s7, s9, $0xb8;
	[tilespmem:$0x1C200] =	vst v63  }
0x63d: {  	s31 =	rddreg [dreg:$0xc]  }
0x63e: {  	[tilespmem:s19], [sflag:$0x1] =	stream.linear.gather [hbm4b:s31+s2], $0x100, $0x38;
	[tilespmem:$0x1C200] =	vst v63  }
0x63f: {  	_ =	swait.ge [sflag:s12], $0x4000  }
0x640: {  	[sflag:s12] =	ssyncset.done $0x0  }
0x641: {  	s22 =	rddreg [dreg:$0xd];
	[sflag:s12] =	ssyncadd.s32 $0xFFFFC000  }
0x642: {  	[hbm4b:s22+s8] =	stream.strided.scatter [tilespmem:s21], [sflag:$0x6], $0x4000, s10, s8, $0x38;
	[tilespmem:$0x1C200] =	vst v63  }
0x643: {  	_ =	swait.ge [sflag:s17], $0x100  }
0x644: {  	[sflag:s17] =	ssyncset.done $0x0  }
0x645: {  	[sflag:s17] =	ssyncadd.s32 $0xFFFFFF00  }
0x646: {  	[tilespmem:s20], [sflag:$0x7] =	stream.indirect.gather [spmem:s1], $0x80, s3, s9, $0xb8;
	[tilespmem:$0x1C200] =	vst v63  }
0x647: {  	s23 =	rddreg [dreg:$0xe]  }
0x648: {  	[tilespmem:s15], [sflag:$0x2] =	stream.linear.gather [hbm4b:s23+s2], $0x100, $0x38;
	[tilespmem:$0x1C200] =	vst v63  }
0x649: {  	_ =	swait.ge [sflag:s13], $0x4000  }
0x64a: {  	[sflag:s13] =	ssyncset.done $0x0  }
0x64b: {  	s25 =	rddreg [dreg:$0xf];
	[sflag:s13] =	ssyncadd.s32 $0xFFFFC000  }
0x64c: {  	[hbm4b:s25+s8] =	stream.strided.scatter [tilespmem:s20], [sflag:$0x7], $0x4000, s10, s8, $0x38;
	[tilespmem:$0x1C200] =	vst v63  }
0x64d: {  	_ =	swait.ge [sflag:s14], $0x100  }
0x64e: {  	[sflag:s14] =	ssyncset.done $0x0  }
0x64f: {  	[sflag:s14] =	ssyncadd.s32 $0xFFFFFF00  }
0x650: {  	_ =	swait.ge [sflag:s5], $0x4000  }
0x651: {  	[sflag:s5] =	ssyncset.done $0x0  }
0x652: {  	[sflag:s5] =	ssyncadd.s32 $0xFFFFC000  }
0x653: {  	s26 =	rddreg [dreg:$0x10]  }
0x654: {  	[tilespmem:s18], [sflag:$0x3] =	stream.indirect.gather [spmem:s1], $0x80, s7, s9, $0xb8;
	[tilespmem:$0x1C200] =	vst v63  }
0x655: {  	_ = 	snop  }
0x656: {  	[tilespmem:s19], [sflag:$0x1] =	stream.linear.gather [hbm4b:s26+s2], $0x100, $0x38;
	[tilespmem:$0x1C200] =	vst v63  }
0x657: {  	_ =	swait.ge [sflag:s5], $0x4000  }
0x658: {  	[sflag:s5] =	ssyncset.done $0x0  }
0x659: {  	s28 =	rddreg [dreg:$0x11];
	[sflag:s5] =	ssyncadd.s32 $0xFFFFC000  }
0x65a: {  	[hbm4b:s28+s8] =	stream.strided.scatter [tilespmem:s18], [sflag:$0x3], $0x4000, s10, s8, $0x38;
	[tilespmem:$0x1C200] =	vst v63  }
0x65b: {  	_ =	swait.ge [sflag:s17], $0x100  }
0x65c: {  	[sflag:s17] =	ssyncset.done $0x0  }
0x65d: {  	[sflag:s17] =	ssyncadd.s32 $0xFFFFFF00  }
0x65e: {  	_ =	swait.ge [sflag:s6], $0x4000  }
0x65f: {  	[sflag:s6] =	ssyncset.done $0x0  }
0x660: {  	[sflag:s6] =	ssyncadd.s32 $0xFFFFC000  }
0x661: {  	[tilespmem:s16], [sflag:$0x4] =	stream.indirect.gather [spmem:s1], $0x80, s3, s9, $0xb8;
	[tilespmem:$0x1C200] =	vst v63  }
0x662: {  	s29 =	rddreg [dreg:$0x12]  }
0x663: {  	[tilespmem:s15], [sflag:$0x2] =	stream.linear.gather [hbm4b:s29+s2], $0x100, $0x38;
	[tilespmem:$0x1C200] =	vst v63  }
0x664: {  	_ =	swait.ge [sflag:s6], $0x4000  }
0x665: {  	[sflag:s6] =	ssyncset.done $0x0  }
0x666: {  	s30 =	rddreg [dreg:$0x13];
	[sflag:s6] =	ssyncadd.s32 $0xFFFFC000  }
0x667: {  	[hbm4b:s30+s8] =	stream.strided.scatter [tilespmem:s16], [sflag:$0x4], $0x4000, s10, s8, $0x38;
	[tilespmem:$0x1C200] =	vst v63  }
0x668: {  	_ =	swait.ge [sflag:s14], $0x100  }
0x669: {  	[sflag:s14] =	ssyncset.done $0x0  }
0x66a: {  	[sflag:s14] =	ssyncadd.s32 $0xFFFFFF00  }
0x66b: {  	_ =	swait.ge [sflag:s4], $0x4000  }
0x66c: {  	[sflag:s4] =	ssyncset.done $0x0  }
0x66d: {  	[sflag:s4] =	ssyncadd.s32 $0xFFFFC000  }
0x66e: {  	[tilespmem:s11], [sflag:$0x5] =	stream.indirect.gather [spmem:s1], $0x80, s7, s9, $0xb8;
	[tilespmem:$0x1C200] =	vst v63  }
0x66f: {  	s31 =	rddreg [dreg:$0x14]  }
0x670: {  	[tilespmem:s19], [sflag:$0x1] =	stream.linear.gather [hbm4b:s31+s2], $0x100, $0x38;
	[tilespmem:$0x1C200] =	vst v63  }
0x671: {  	_ =	swait.ge [sflag:s4], $0x4000  }
0x672: {  	[sflag:s4] =	ssyncset.done $0x0  }
0x673: {  	s22 =	rddreg [dreg:$0x15];
	[sflag:s4] =	ssyncadd.s32 $0xFFFFC000  }
0x674: {  	[hbm4b:s22+s8] =	stream.strided.scatter [tilespmem:s11], [sflag:$0x5], $0x4000, s10, s8, $0x38;
	[tilespmem:$0x1C200] =	vst v63  }
0x675: {  	_ =	swait.ge [sflag:s17], $0x100  }
0x676: {  	[sflag:s17] =	ssyncset.done $0x0  }
0x677: {  	[sflag:s17] =	ssyncadd.s32 $0xFFFFFF00  }
0x678: {  	_ =	swait.ge [sflag:s12], $0x4000  }
0x679: {  	[sflag:s12] =	ssyncset.done $0x0  }
0x67a: {  	[sflag:s12] =	ssyncadd.s32 $0xFFFFC000  }
0x67b: {  	[tilespmem:s21], [sflag:$0x6] =	stream.indirect.gather [spmem:s1], $0x80, s3, s9, $0xb8;
	[tilespmem:$0x1C200] =	vst v63  }
0x67c: {  	s23 =	rddreg [dreg:$0x16]  }
0x67d: {  	[tilespmem:s15], [sflag:$0x2] =	stream.linear.gather [hbm4b:s23+s2], $0x100, $0x38;
	[tilespmem:$0x1C200] =	vst v63  }
0x67e: {  	_ =	swait.ge [sflag:s12], $0x4000  }
0x67f: {  	[sflag:s12] =	ssyncset.done $0x0  }
0x680: {  	s25 =	rddreg [dreg:$0x17];
	[sflag:s12] =	ssyncadd.s32 $0xFFFFC000  }
0x681: {  	[hbm4b:s25+s8] =	stream.strided.scatter [tilespmem:s21], [sflag:$0x6], $0x4000, s10, s8, $0x38;
	[tilespmem:$0x1C200] =	vst v63  }
0x682: {  	_ =	swait.ge [sflag:s14], $0x100  }
0x683: {  	[sflag:s14] =	ssyncset.done $0x0  }
0x684: {  	[sflag:s14] =	ssyncadd.s32 $0xFFFFFF00  }
0x685: {  	_ =	swait.ge [sflag:s13], $0x4000  }
0x686: {  	[sflag:s13] =	ssyncset.done $0x0  }
0x687: {  	[sflag:s13] =	ssyncadd.s32 $0xFFFFC000  }
0x688: {  	[tilespmem:s20], [sflag:$0x7] =	stream.indirect.gather [spmem:s1], $0x80, s7, s9, $0xb8;
	[tilespmem:$0x1C200] =	vst v63  }
0x689: {  	s26 =	rddreg [dreg:$0x18]  }
0x68a: {  	[tilespmem:s19], [sflag:$0x1] =	stream.linear.gather [hbm4b:s26+s2], $0x100, $0x38;
	[tilespmem:$0x1C200] =	vst v63  }
0x68b: {  	_ =	swait.ge [sflag:s13], $0x4000  }
0x68c: {  	[sflag:s13] =	ssyncset.done $0x0  }
0x68d: {  	s28 =	rddreg [dreg:$0x19];
	[sflag:s13] =	ssyncadd.s32 $0xFFFFC000  }
0x68e: {  	[hbm4b:s28+s8] =	stream.strided.scatter [tilespmem:s20], [sflag:$0x7], $0x4000, s10, s8, $0x38;
	[tilespmem:$0x1C200] =	vst v63  }
0x68f: {  	_ =	swait.ge [sflag:s17], $0x100  }
0x690: {  	[sflag:s17] =	ssyncset.done $0x0  }
0x691: {  	[sflag:s17] =	ssyncadd.s32 $0xFFFFFF00  }
0x692: {  	_ =	swait.ge [sflag:s5], $0x4000  }
0x693: {  	[sflag:s5] =	ssyncset.done $0x0  }
0x694: {  	[sflag:s5] =	ssyncadd.s32 $0xFFFFC000  }
0x695: {  	[tilespmem:s18], [sflag:$0x3] =	stream.indirect.gather [spmem:s1], $0x80, s3, s9, $0xb8;
	[tilespmem:$0x1C200] =	vst v63  }
0x696: {  	s29 =	rddreg [dreg:$0x1a]  }
0x697: {  	[tilespmem:s15], [sflag:$0x2] =	stream.linear.gather [hbm4b:s29+s2], $0x100, $0x38;
	[tilespmem:$0x1C200] =	vst v63  }
0x698: {  	_ =	swait.ge [sflag:s5], $0x4000  }
0x699: {  	[sflag:s5] =	ssyncset.done $0x0  }
0x69a: {  	s30 =	rddreg [dreg:$0x1b];
	[sflag:s5] =	ssyncadd.s32 $0xFFFFC000  }
0x69b: {  	[hbm4b:s30+s8] =	stream.strided.scatter [tilespmem:s18], [sflag:$0x3], $0x4000, s10, s8, $0x38;
	[tilespmem:$0x1C200] =	vst v63  }
0x69c: {  	_ =	swait.ge [sflag:s14], $0x100  }
0x69d: {  	[sflag:s14] =	ssyncset.done $0x0  }
0x69e: {  	[sflag:s14] =	ssyncadd.s32 $0xFFFFFF00  }
0x69f: {  	_ =	swait.ge [sflag:s6], $0x4000  }
0x6a0: {  	[sflag:s6] =	ssyncset.done $0x0  }
0x6a1: {  	[sflag:s6] =	ssyncadd.s32 $0xFFFFC000  }
0x6a2: {  	[tilespmem:s16], [sflag:$0x4] =	stream.indirect.gather [spmem:s1], $0x80, s7, s9, $0xb8;
	[tilespmem:$0x1C200] =	vst v63  }
0x6a3: {  	s31 =	rddreg [dreg:$0x1c]  }
0x6a4: {  	[tilespmem:s19], [sflag:$0x1] =	stream.linear.gather [hbm4b:s31+s2], $0x100, $0x38;
	[tilespmem:$0x1C200] =	vst v63  }
0x6a5: {  	_ =	swait.ge [sflag:s6], $0x4000  }
0x6a6: {  	[sflag:s6] =	ssyncset.done $0x0  }
0x6a7: {  	s22 =	rddreg [dreg:$0x1d];
	[sflag:s6] =	ssyncadd.s32 $0xFFFFC000  }
0x6a8: {  	[hbm4b:s22+s8] =	stream.strided.scatter [tilespmem:s16], [sflag:$0x4], $0x4000, s10, s8, $0x38;
	[tilespmem:$0x1C200] =	vst v63  }
0x6a9: {  	_ =	swait.ge [sflag:s17], $0x100  }
0x6aa: {  	[sflag:s17] =	ssyncset.done $0x0  }
0x6ab: {  	[sflag:s17] =	ssyncadd.s32 $0xFFFFFF00  }
0x6ac: {  	_ =	swait.ge [sflag:s4], $0x4000  }
0x6ad: {  	[sflag:s4] =	ssyncset.done $0x0  }
0x6ae: {  	[sflag:s4] =	ssyncadd.s32 $0xFFFFC000  }
0x6af: {  	[tilespmem:s11], [sflag:$0x5] =	stream.indirect.gather [spmem:s1], $0x80, s3, s9, $0xb8;
	[tilespmem:$0x1C200] =	vst v63  }
0x6b0: {  	s23 =	rddreg [dreg:$0x1e]  }
0x6b1: {  	[tilespmem:s15], [sflag:$0x2] =	stream.linear.gather [hbm4b:s23+s2], $0x100, $0x38;
	[tilespmem:$0x1C200] =	vst v63  }
0x6b2: {  	_ =	swait.ge [sflag:s4], $0x4000  }
0x6b3: {  	[sflag:s4] =	ssyncset.done $0x0  }
0x6b4: {  	s25 =	rddreg [dreg:$0x1f];
	[sflag:s4] =	ssyncadd.s32 $0xFFFFC000  }
0x6b5: {  	[hbm4b:s25+s8] =	stream.strided.scatter [tilespmem:s11], [sflag:$0x5], $0x4000, s10, s8, $0x38;
	[tilespmem:$0x1C200] =	vst v63  }
0x6b6: {  	_ =	swait.ge [sflag:s14], $0x100  }
0x6b7: {  	[sflag:s14] =	ssyncset.done $0x0  }
0x6b8: {  	[sflag:s14] =	ssyncadd.s32 $0xFFFFFF00  }
0x6b9: {  	_ =	swait.ge [sflag:s12], $0x4000  }
0x6ba: {  	[sflag:s12] =	ssyncset.done $0x0  }
0x6bb: {  	s26 =	sld [smem:$0x7B5];
	[sflag:s12] =	ssyncadd.s32 $0xFFFFC000  }
0x6bc: {  	[tilespmem:s21], [sflag:$0x6] =	stream.indirect.gather [spmem:s1], $0x80, s7, s9, $0xb8;
	[tilespmem:$0x1C200] =	vst v63  }
0x6bd: {  	_ = 	snop  }
0x6be: {  	[tilespmem:s19], [sflag:$0x1] =	stream.linear.gather [hbm4b:s26+s2], $0x100, $0x38;
	[tilespmem:$0x1C200] =	vst v63  }
0x6bf: {  	_ =	swait.ge [sflag:s12], $0x4000  }
0x6c0: {  	s28 =	sld [smem:$0x7B6]  }
0x6c1: {  	[sflag:s12] =	ssyncset.done $0x0  }
0x6c2: {  	[sflag:s12] =	ssyncadd.s32 $0xFFFFC000  }
0x6c3: {  	[hbm4b:s28+s8] =	stream.strided.scatter [tilespmem:s21], [sflag:$0x6], $0x4000, s10, s8, $0x38;
	[tilespmem:$0x1C200] =	vst v63  }
0x6c4: {  	_ =	swait.ge [sflag:s17], $0x100  }
0x6c5: {  	[sflag:s17] =	ssyncset.done $0x0  }
0x6c6: {  	[sflag:s17] =	ssyncadd.s32 $0xFFFFFF00  }
0x6c7: {  	_ =	swait.ge [sflag:s13], $0x4000  }
0x6c8: {  	[sflag:s13] =	ssyncset.done $0x0  }
0x6c9: {  	s29 =	sld [smem:$0x7B7];
	[sflag:s13] =	ssyncadd.s32 $0xFFFFC000  }
0x6ca: {  	[tilespmem:s20], [sflag:$0x7] =	stream.indirect.gather [spmem:s1], $0x80, s3, s9, $0xb8;
	[tilespmem:$0x1C200] =	vst v63  }
0x6cb: {  	_ = 	snop  }
0x6cc: {  	[tilespmem:s15], [sflag:$0x2] =	stream.linear.gather [hbm4b:s29+s2], $0x100, $0x38;
	[tilespmem:$0x1C200] =	vst v63  }
0x6cd: {  	_ =	swait.ge [sflag:s13], $0x4000  }
0x6ce: {  	s30 =	sld [smem:$0x7B8]  }
0x6cf: {  	[sflag:s13] =	ssyncset.done $0x0  }
0x6d0: {  	[sflag:s13] =	ssyncadd.s32 $0xFFFFC000  }
0x6d1: {  	[hbm4b:s30+s8] =	stream.strided.scatter [tilespmem:s20], [sflag:$0x7], $0x4000, s10, s8, $0x38;
	[tilespmem:$0x1C200] =	vst v63  }
0x6d2: {  	_ =	swait.ge [sflag:s14], $0x100  }
0x6d3: {  	[sflag:s14] =	ssyncset.done $0x0  }
0x6d4: {  	[sflag:s14] =	ssyncadd.s32 $0xFFFFFF00  }
0x6d5: {  	_ =	swait.ge [sflag:s5], $0x4000  }
0x6d6: {  	[sflag:s5] =	ssyncset.done $0x0  }
0x6d7: {  	s31 =	sld [smem:$0x7B9];
	[sflag:s5] =	ssyncadd.s32 $0xFFFFC000  }
0x6d8: {  	[tilespmem:s18], [sflag:$0x3] =	stream.indirect.gather [spmem:s1], $0x80, s7, s9, $0xb8;
	[tilespmem:$0x1C200] =	vst v63  }
0x6d9: {  	_ = 	snop  }
0x6da: {  	[tilespmem:s19], [sflag:$0x1] =	stream.linear.gather [hbm4b:s31+s2], $0x100, $0x38;
	[tilespmem:$0x1C200] =	vst v63  }
0x6db: {  	_ =	swait.ge [sflag:s5], $0x4000  }
0x6dc: {  	s22 =	sld [smem:$0x7BA]  }
0x6dd: {  	[sflag:s5] =	ssyncset.done $0x0  }
0x6de: {  	[sflag:s5] =	ssyncadd.s32 $0xFFFFC000  }
0x6df: {  	[hbm4b:s22+s8] =	stream.strided.scatter [tilespmem:s18], [sflag:$0x3], $0x4000, s10, s8, $0x38;
	[tilespmem:$0x1C200] =	vst v63  }
0x6e0: {  	_ =	swait.ge [sflag:s17], $0x100  }
0x6e1: {  	[sflag:s17] =	ssyncset.done $0x0  }
0x6e2: {  	[sflag:s17] =	ssyncadd.s32 $0xFFFFFF00  }
0x6e3: {  	_ =	swait.ge [sflag:s6], $0x4000  }
0x6e4: {  	[sflag:s6] =	ssyncset.done $0x0  }
0x6e5: {  	s23 =	sld [smem:$0x7BB];
	[sflag:s6] =	ssyncadd.s32 $0xFFFFC000  }
0x6e6: {  	[tilespmem:s16], [sflag:$0x4] =	stream.indirect.gather [spmem:s1], $0x80, s3, s9, $0xb8;
	[tilespmem:$0x1C200] =	vst v63  }
0x6e7: {  	_ = 	snop  }
0x6e8: {  	[tilespmem:s15], [sflag:$0x2] =	stream.linear.gather [hbm4b:s23+s2], $0x100, $0x38;
	[tilespmem:$0x1C200] =	vst v63  }
0x6e9: {  	_ =	swait.ge [sflag:s6], $0x4000  }
0x6ea: {  	s25 =	sld [smem:$0x7BC]  }
0x6eb: {  	[sflag:s6] =	ssyncset.done $0x0  }
0x6ec: {  	[sflag:s6] =	ssyncadd.s32 $0xFFFFC000  }
0x6ed: {  	[hbm4b:s25+s8] =	stream.strided.scatter [tilespmem:s16], [sflag:$0x4], $0x4000, s10, s8, $0x38;
	[tilespmem:$0x1C200] =	vst v63  }
0x6ee: {  	_ =	swait.ge [sflag:s14], $0x100  }
0x6ef: {  	[sflag:s14] =	ssyncset.done $0x0  }
0x6f0: {  	[sflag:s14] =	ssyncadd.s32 $0xFFFFFF00  }
0x6f1: {  	_ =	swait.ge [sflag:s4], $0x4000  }
0x6f2: {  	[sflag:s4] =	ssyncset.done $0x0  }
0x6f3: {  	s26 =	sld [smem:$0x7BD];
	[sflag:s4] =	ssyncadd.s32 $0xFFFFC000  }
0x6f4: {  	[tilespmem:s11], [sflag:$0x5] =	stream.indirect.gather [spmem:s1], $0x80, s7, s9, $0xb8;
	[tilespmem:$0x1C200] =	vst v63  }
0x6f5: {  	_ = 	snop  }
0x6f6: {  	[tilespmem:s19], [sflag:$0x1] =	stream.linear.gather [hbm4b:s26+s2], $0x100, $0x38;
	[tilespmem:$0x1C200] =	vst v63  }
0x6f7: {  	_ =	swait.ge [sflag:s4], $0x4000  }
0x6f8: {  	s28 =	sld [smem:$0x7BE]  }
0x6f9: {  	[sflag:s4] =	ssyncset.done $0x0  }
0x6fa: {  	[sflag:s4] =	ssyncadd.s32 $0xFFFFC000  }
0x6fb: {  	[hbm4b:s28+s8] =	stream.strided.scatter [tilespmem:s11], [sflag:$0x5], $0x4000, s10, s8, $0x38;
	[tilespmem:$0x1C200] =	vst v63  }
0x6fc: {  	_ =	swait.ge [sflag:s17], $0x100  }
0x6fd: {  	[sflag:s17] =	ssyncset.done $0x0  }
0x6fe: {  	[sflag:s17] =	ssyncadd.s32 $0xFFFFFF00  }
0x6ff: {  	_ =	swait.ge [sflag:s12], $0x4000  }
0x700: {  	[sflag:s12] =	ssyncset.done $0x0  }
0x701: {  	s29 =	sld [smem:$0x7BF];
	[sflag:s12] =	ssyncadd.s32 $0xFFFFC000  }
0x702: {  	[tilespmem:s21], [sflag:$0x6] =	stream.indirect.gather [spmem:s1], $0x80, s3, s9, $0xb8;
	[tilespmem:$0x1C200] =	vst v63  }
0x703: {  	_ = 	snop  }
0x704: {  	[tilespmem:s15], [sflag:$0x2] =	stream.linear.gather [hbm4b:s29+s2], $0x100, $0x38;
	[tilespmem:$0x1C200] =	vst v63  }
0x705: {  	_ =	swait.ge [sflag:s12], $0x4000  }
0x706: {  	s30 =	sld [smem:$0x7C0]  }
0x707: {  	[sflag:s12] =	ssyncset.done $0x0  }
0x708: {  	[sflag:s12] =	ssyncadd.s32 $0xFFFFC000  }
0x709: {  	[hbm4b:s30+s8] =	stream.strided.scatter [tilespmem:s21], [sflag:$0x6], $0x4000, s10, s8, $0x38;
	[tilespmem:$0x1C200] =	vst v63  }
0x70a: {  	_ =	swait.ge [sflag:s14], $0x100  }
0x70b: {  	[sflag:s14] =	ssyncset.done $0x0  }
0x70c: {  	[sflag:s14] =	ssyncadd.s32 $0xFFFFFF00  }
0x70d: {  	_ =	swait.ge [sflag:s13], $0x4000  }
0x70e: {  	[sflag:s13] =	ssyncset.done $0x0  }
0x70f: {  	s31 =	sld [smem:$0x7C1];
	[sflag:s13] =	ssyncadd.s32 $0xFFFFC000  }
0x710: {  	[tilespmem:s20], [sflag:$0x7] =	stream.indirect.gather [spmem:s1], $0x80, s7, s9, $0xb8;
	[tilespmem:$0x1C200] =	vst v63  }
0x711: {  	_ = 	snop  }
0x712: {  	[tilespmem:s19], [sflag:$0x1] =	stream.linear.gather [hbm4b:s31+s2], $0x100, $0x38;
	[tilespmem:$0x1C200] =	vst v63  }
0x713: {  	_ =	swait.ge [sflag:s13], $0x4000  }
0x714: {  	s22 =	sld [smem:$0x7C2]  }
0x715: {  	[sflag:s13] =	ssyncset.done $0x0  }
0x716: {  	[sflag:s13] =	ssyncadd.s32 $0xFFFFC000  }
0x717: {  	[hbm4b:s22+s8] =	stream.strided.scatter [tilespmem:s20], [sflag:$0x7], $0x4000, s10, s8, $0x38;
	[tilespmem:$0x1C200] =	vst v63  }
0x718: {  	_ =	swait.ge [sflag:s17], $0x100  }
0x719: {  	[sflag:s17] =	ssyncset.done $0x0  }
0x71a: {  	[sflag:s17] =	ssyncadd.s32 $0xFFFFFF00  }
0x71b: {  	_ =	swait.ge [sflag:s5], $0x4000  }
0x71c: {  	[sflag:s5] =	ssyncset.done $0x0  }
0x71d: {  	s23 =	sld [smem:$0x7C3];
	[sflag:s5] =	ssyncadd.s32 $0xFFFFC000  }
0x71e: {  	[tilespmem:s18], [sflag:$0x3] =	stream.indirect.gather [spmem:s1], $0x80, s3, s9, $0xb8;
	[tilespmem:$0x1C200] =	vst v63  }
0x71f: {  	_ = 	snop  }
0x720: {  	[tilespmem:s15], [sflag:$0x2] =	stream.linear.gather [hbm4b:s23+s2], $0x100, $0x38;
	[tilespmem:$0x1C200] =	vst v63  }
0x721: {  	_ =	swait.ge [sflag:s5], $0x4000  }
0x722: {  	s25 =	sld [smem:$0x7C4]  }
0x723: {  	[sflag:s5] =	ssyncset.done $0x0  }
0x724: {  	[sflag:s5] =	ssyncadd.s32 $0xFFFFC000  }
0x725: {  	[hbm4b:s25+s8] =	stream.strided.scatter [tilespmem:s18], [sflag:$0x3], $0x4000, s10, s8, $0x38;
	[tilespmem:$0x1C200] =	vst v63  }
0x726: {  	_ =	swait.ge [sflag:s14], $0x100  }
0x727: {  	[sflag:s14] =	ssyncset.done $0x0  }
0x728: {  	[sflag:s14] =	ssyncadd.s32 $0xFFFFFF00  }
0x729: {  	_ =	swait.ge [sflag:s6], $0x4000  }
0x72a: {  	[sflag:s6] =	ssyncset.done $0x0  }
0x72b: {  	s26 =	sld [smem:$0x7C5];
	[sflag:s6] =	ssyncadd.s32 $0xFFFFC000  }
0x72c: {  	[tilespmem:s16], [sflag:$0x4] =	stream.indirect.gather [spmem:s1], $0x80, s7, s9, $0xb8;
	[tilespmem:$0x1C200] =	vst v63  }
0x72d: {  	_ = 	snop  }
0x72e: {  	[tilespmem:s19], [sflag:$0x1] =	stream.linear.gather [hbm4b:s26+s2], $0x100, $0x38;
	[tilespmem:$0x1C200] =	vst v63  }
0x72f: {  	_ =	swait.ge [sflag:s6], $0x4000  }
0x730: {  	s28 =	sld [smem:$0x7C6]  }
0x731: {  	[sflag:s6] =	ssyncset.done $0x0  }
0x732: {  	[sflag:s6] =	ssyncadd.s32 $0xFFFFC000  }
0x733: {  	[hbm4b:s28+s8] =	stream.strided.scatter [tilespmem:s16], [sflag:$0x4], $0x4000, s10, s8, $0x38;
	[tilespmem:$0x1C200] =	vst v63  }
0x734: {  	_ =	swait.ge [sflag:s17], $0x100  }
0x735: {  	[sflag:s17] =	ssyncset.done $0x0  }
0x736: {  	[sflag:s17] =	ssyncadd.s32 $0xFFFFFF00  }
0x737: {  	_ =	swait.ge [sflag:s4], $0x4000  }
0x738: {  	[sflag:s4] =	ssyncset.done $0x0  }
0x739: {  	s29 =	sld [smem:$0x7C7];
	[sflag:s4] =	ssyncadd.s32 $0xFFFFC000  }
0x73a: {  	[tilespmem:s11], [sflag:$0x5] =	stream.indirect.gather [spmem:s1], $0x80, s3, s9, $0xb8;
	[tilespmem:$0x1C200] =	vst v63  }
0x73b: {  	_ = 	snop  }
0x73c: {  	[tilespmem:s15], [sflag:$0x2] =	stream.linear.gather [hbm4b:s29+s2], $0x100, $0x38;
	[tilespmem:$0x1C200] =	vst v63  }
0x73d: {  	_ =	swait.ge [sflag:s4], $0x4000  }
0x73e: {  	s30 =	sld [smem:$0x7C8]  }
0x73f: {  	[sflag:s4] =	ssyncset.done $0x0  }
0x740: {  	[sflag:s4] =	ssyncadd.s32 $0xFFFFC000  }
0x741: {  	[hbm4b:s30+s8] =	stream.strided.scatter [tilespmem:s11], [sflag:$0x5], $0x4000, s10, s8, $0x38;
	[tilespmem:$0x1C200] =	vst v63  }
0x742: {  	_ =	swait.ge [sflag:s14], $0x100  }
0x743: {  	[sflag:s14] =	ssyncset.done $0x0  }
0x744: {  	[sflag:s14] =	ssyncadd.s32 $0xFFFFFF00  }
0x745: {  	_ =	swait.ge [sflag:s12], $0x4000  }
0x746: {  	[sflag:s12] =	ssyncset.done $0x0  }
0x747: {  	s31 =	sld [smem:$0x7C9];
	[sflag:s12] =	ssyncadd.s32 $0xFFFFC000  }
0x748: {  	[tilespmem:s21], [sflag:$0x6] =	stream.indirect.gather [spmem:s1], $0x80, s7, s9, $0xb8;
	[tilespmem:$0x1C200] =	vst v63  }
0x749: {  	_ = 	snop  }
0x74a: {  	[tilespmem:s19], [sflag:$0x1] =	stream.linear.gather [hbm4b:s31+s2], $0x100, $0x38;
	[tilespmem:$0x1C200] =	vst v63  }
0x74b: {  	_ =	swait.ge [sflag:s12], $0x4000  }
0x74c: {  	s22 =	sld [smem:$0x7CA]  }
0x74d: {  	[sflag:s12] =	ssyncset.done $0x0  }
0x74e: {  	[sflag:s12] =	ssyncadd.s32 $0xFFFFC000  }
0x74f: {  	[hbm4b:s22+s8] =	stream.strided.scatter [tilespmem:s21], [sflag:$0x6], $0x4000, s10, s8, $0x38;
	[tilespmem:$0x1C200] =	vst v63  }
0x750: {  	_ =	swait.ge [sflag:s17], $0x100  }
0x751: {  	[sflag:s17] =	ssyncset.done $0x0  }
0x752: {  	[sflag:s17] =	ssyncadd.s32 $0xFFFFFF00  }
0x753: {  	_ =	swait.ge [sflag:s13], $0x4000  }
0x754: {  	[sflag:s13] =	ssyncset.done $0x0  }
0x755: {  	s23 =	sld [smem:$0x7CB];
	[sflag:s13] =	ssyncadd.s32 $0xFFFFC000  }
0x756: {  	[tilespmem:s20], [sflag:$0x7] =	stream.indirect.gather [spmem:s1], $0x80, s3, s9, $0xb8;
	[tilespmem:$0x1C200] =	vst v63  }
0x757: {  	_ = 	snop  }
0x758: {  	[tilespmem:s15], [sflag:$0x2] =	stream.linear.gather [hbm4b:s23+s2], $0x100, $0x38;
	[tilespmem:$0x1C200] =	vst v63  }
0x759: {  	_ =	swait.ge [sflag:s13], $0x4000  }
0x75a: {  	s25 =	sld [smem:$0x7CC]  }
0x75b: {  	[sflag:s13] =	ssyncset.done $0x0  }
0x75c: {  	[sflag:s13] =	ssyncadd.s32 $0xFFFFC000  }
0x75d: {  	[hbm4b:s25+s8] =	stream.strided.scatter [tilespmem:s20], [sflag:$0x7], $0x4000, s10, s8, $0x38;
	[tilespmem:$0x1C200] =	vst v63  }
0x75e: {  	_ =	swait.ge [sflag:s14], $0x100  }
0x75f: {  	[sflag:s14] =	ssyncset.done $0x0  }
0x760: {  	[sflag:s14] =	ssyncadd.s32 $0xFFFFFF00  }
0x761: {  	_ =	swait.ge [sflag:s5], $0x4000  }
0x762: {  	[sflag:s5] =	ssyncset.done $0x0  }
0x763: {  	s26 =	sld [smem:$0x7CD];
	[sflag:s5] =	ssyncadd.s32 $0xFFFFC000  }
0x764: {  	[tilespmem:s18], [sflag:$0x3] =	stream.indirect.gather [spmem:s1], $0x80, s7, s9, $0xb8;
	[tilespmem:$0x1C200] =	vst v63  }
0x765: {  	_ = 	snop  }
0x766: {  	[tilespmem:s19], [sflag:$0x1] =	stream.linear.gather [hbm4b:s26+s2], $0x100, $0x38;
	[tilespmem:$0x1C200] =	vst v63  }
0x767: {  	_ =	swait.ge [sflag:s5], $0x4000  }
0x768: {  	s28 =	sld [smem:$0x7CE]  }
0x769: {  	[sflag:s5] =	ssyncset.done $0x0  }
0x76a: {  	[sflag:s5] =	ssyncadd.s32 $0xFFFFC000  }
0x76b: {  	[hbm4b:s28+s8] =	stream.strided.scatter [tilespmem:s18], [sflag:$0x3], $0x4000, s10, s8, $0x38;
	[tilespmem:$0x1C200] =	vst v63  }
0x76c: {  	_ =	swait.ge [sflag:s17], $0x100  }
0x76d: {  	[sflag:s17] =	ssyncset.done $0x0  }
0x76e: {  	[sflag:s17] =	ssyncadd.s32 $0xFFFFFF00  }
0x76f: {  	_ =	swait.ge [sflag:s6], $0x4000  }
0x770: {  	[sflag:s6] =	ssyncset.done $0x0  }
0x771: {  	s29 =	sld [smem:$0x7CF];
	[sflag:s6] =	ssyncadd.s32 $0xFFFFC000  }
0x772: {  	[tilespmem:s16], [sflag:$0x4] =	stream.indirect.gather [spmem:s1], $0x80, s3, s9, $0xb8;
	[tilespmem:$0x1C200] =	vst v63  }
0x773: {  	_ = 	snop  }
0x774: {  	[tilespmem:s15], [sflag:$0x2] =	stream.linear.gather [hbm4b:s29+s2], $0x100, $0x38;
	[tilespmem:$0x1C200] =	vst v63  }
0x775: {  	_ =	swait.ge [sflag:s6], $0x4000  }
0x776: {  	s30 =	sld [smem:$0x7D0]  }
0x777: {  	[sflag:s6] =	ssyncset.done $0x0  }
0x778: {  	[sflag:s6] =	ssyncadd.s32 $0xFFFFC000  }
0x779: {  	[hbm4b:s30+s8] =	stream.strided.scatter [tilespmem:s16], [sflag:$0x4], $0x4000, s10, s8, $0x38;
	[tilespmem:$0x1C200] =	vst v63  }
0x77a: {  	_ =	swait.ge [sflag:s14], $0x100  }
0x77b: {  	[sflag:s14] =	ssyncset.done $0x0  }
0x77c: {  	[sflag:s14] =	ssyncadd.s32 $0xFFFFFF00  }
0x77d: {  	_ =	swait.ge [sflag:s4], $0x4000  }
0x77e: {  	[sflag:s4] =	ssyncset.done $0x0  }
0x77f: {  	s31 =	sld [smem:$0x7D1];
	[sflag:s4] =	ssyncadd.s32 $0xFFFFC000  }
0x780: {  	[tilespmem:s11], [sflag:$0x5] =	stream.indirect.gather [spmem:s1], $0x80, s7, s9, $0xb8;
	[tilespmem:$0x1C200] =	vst v63  }
0x781: {  	_ = 	snop  }
0x782: {  	[tilespmem:s19], [sflag:$0x1] =	stream.linear.gather [hbm4b:s31+s2], $0x100, $0x38;
	[tilespmem:$0x1C200] =	vst v63  }
0x783: {  	_ =	swait.ge [sflag:s4], $0x4000  }
0x784: {  	s22 =	sld [smem:$0x7D2]  }
0x785: {  	[sflag:s4] =	ssyncset.done $0x0  }
0x786: {  	[sflag:s4] =	ssyncadd.s32 $0xFFFFC000  }
0x787: {  	[hbm4b:s22+s8] =	stream.strided.scatter [tilespmem:s11], [sflag:$0x5], $0x4000, s10, s8, $0x38;
	[tilespmem:$0x1C200] =	vst v63  }
0x788: {  	_ =	swait.ge [sflag:s17], $0x100  }
0x789: {  	[sflag:s17] =	ssyncset.done $0x0  }
0x78a: {  	[sflag:s17] =	ssyncadd.s32 $0xFFFFFF00  }
0x78b: {  	_ =	swait.ge [sflag:s12], $0x4000  }
0x78c: {  	[sflag:s12] =	ssyncset.done $0x0  }
0x78d: {  	s23 =	sld [smem:$0x7D3];
	[sflag:s12] =	ssyncadd.s32 $0xFFFFC000  }
0x78e: {  	[tilespmem:s21], [sflag:$0x6] =	stream.indirect.gather [spmem:s1], $0x80, s3, s9, $0xb8;
	[tilespmem:$0x1C200] =	vst v63  }
0x78f: {  	_ = 	snop  }
0x790: {  	[tilespmem:s15], [sflag:$0x2] =	stream.linear.gather [hbm4b:s23+s2], $0x100, $0x38;
	[tilespmem:$0x1C200] =	vst v63  }
0x791: {  	_ =	swait.ge [sflag:s12], $0x4000  }
0x792: {  	s25 =	sld [smem:$0x7D4]  }
0x793: {  	[sflag:s12] =	ssyncset.done $0x0  }
0x794: {  	[sflag:s12] =	ssyncadd.s32 $0xFFFFC000  }
0x795: {  	[hbm4b:s25+s8] =	stream.strided.scatter [tilespmem:s21], [sflag:$0x6], $0x4000, s10, s8, $0x38;
	[tilespmem:$0x1C200] =	vst v63  }
0x796: {  	_ =	swait.ge [sflag:s14], $0x100  }
0x797: {  	[sflag:s14] =	ssyncset.done $0x0  }
0x798: {  	[sflag:s14] =	ssyncadd.s32 $0xFFFFFF00  }
0x799: {  	_ =	swait.ge [sflag:s13], $0x4000  }
0x79a: {  	[sflag:s13] =	ssyncset.done $0x0  }
0x79b: {  	s26 =	sld [smem:$0x7D5];
	[sflag:s13] =	ssyncadd.s32 $0xFFFFC000  }
0x79c: {  	[tilespmem:s20], [sflag:$0x7] =	stream.indirect.gather [spmem:s1], $0x80, s7, s9, $0xb8;
	[tilespmem:$0x1C200] =	vst v63  }
0x79d: {  	_ = 	snop  }
0x79e: {  	[tilespmem:s19], [sflag:$0x1] =	stream.linear.gather [hbm4b:s26+s2], $0x100, $0x38;
	[tilespmem:$0x1C200] =	vst v63  }
0x79f: {  	_ =	swait.ge [sflag:s13], $0x4000  }
0x7a0: {  	s28 =	sld [smem:$0x7D6]  }
0x7a1: {  	[sflag:s13] =	ssyncset.done $0x0  }
0x7a2: {  	[sflag:s13] =	ssyncadd.s32 $0xFFFFC000  }
0x7a3: {  	[hbm4b:s28+s8] =	stream.strided.scatter [tilespmem:s20], [sflag:$0x7], $0x4000, s10, s8, $0x38;
	[tilespmem:$0x1C200] =	vst v63  }
0x7a4: {  	_ =	swait.ge [sflag:s17], $0x100  }
0x7a5: {  	[sflag:s17] =	ssyncset.done $0x0  }
0x7a6: {  	[sflag:s17] =	ssyncadd.s32 $0xFFFFFF00  }
0x7a7: {  	_ =	swait.ge [sflag:s5], $0x4000  }
0x7a8: {  	[sflag:s5] =	ssyncset.done $0x0  }
0x7a9: {  	s29 =	sld [smem:$0x7D7];
	[sflag:s5] =	ssyncadd.s32 $0xFFFFC000  }
0x7aa: {  	[tilespmem:s18], [sflag:$0x3] =	stream.indirect.gather [spmem:s1], $0x80, s3, s9, $0xb8;
	[tilespmem:$0x1C200] =	vst v63  }
0x7ab: {  	_ = 	snop  }
0x7ac: {  	[tilespmem:s15], [sflag:$0x2] =	stream.linear.gather [hbm4b:s29+s2], $0x100, $0x38;
	[tilespmem:$0x1C200] =	vst v63  }
0x7ad: {  	_ =	swait.ge [sflag:s5], $0x4000  }
0x7ae: {  	s30 =	sld [smem:$0x7D8]  }
0x7af: {  	[sflag:s5] =	ssyncset.done $0x0  }
0x7b0: {  	[sflag:s5] =	ssyncadd.s32 $0xFFFFC000  }
0x7b1: {  	[hbm4b:s30+s8] =	stream.strided.scatter [tilespmem:s18], [sflag:$0x3], $0x4000, s10, s8, $0x38;
	[tilespmem:$0x1C200] =	vst v63  }
0x7b2: {  	_ =	swait.ge [sflag:s14], $0x100  }
0x7b3: {  	[sflag:s14] =	ssyncset.done $0x0  }
0x7b4: {  	[sflag:s14] =	ssyncadd.s32 $0xFFFFFF00  }
0x7b5: {  	_ =	swait.ge [sflag:s6], $0x4000  }
0x7b6: {  	[sflag:s6] =	ssyncset.done $0x0  }
0x7b7: {  	s31 =	sld [smem:$0x7D9];
	[sflag:s6] =	ssyncadd.s32 $0xFFFFC000  }
0x7b8: {  	[tilespmem:s16], [sflag:$0x4] =	stream.indirect.gather [spmem:s1], $0x80, s7, s9, $0xb8;
	[tilespmem:$0x1C200] =	vst v63  }
0x7b9: {  	_ = 	snop  }
0x7ba: {  	[tilespmem:s19], [sflag:$0x1] =	stream.linear.gather [hbm4b:s31+s2], $0x100, $0x38;
	[tilespmem:$0x1C200] =	vst v63  }
0x7bb: {  	_ =	swait.ge [sflag:s6], $0x4000  }
0x7bc: {  	s22 =	sld [smem:$0x7DA]  }
0x7bd: {  	[sflag:s6] =	ssyncset.done $0x0  }
0x7be: {  	[sflag:s6] =	ssyncadd.s32 $0xFFFFC000  }
0x7bf: {  	[hbm4b:s22+s8] =	stream.strided.scatter [tilespmem:s16], [sflag:$0x4], $0x4000, s10, s8, $0x38;
	[tilespmem:$0x1C200] =	vst v63  }
0x7c0: {  	_ =	swait.ge [sflag:s17], $0x100  }
0x7c1: {  	[sflag:s17] =	ssyncset.done $0x0  }
0x7c2: {  	[sflag:s17] =	ssyncadd.s32 $0xFFFFFF00  }
0x7c3: {  	_ =	swait.ge [sflag:s4], $0x4000  }
0x7c4: {  	[sflag:s4] =	ssyncset.done $0x0  }
0x7c5: {  	s23 =	sld [smem:$0x7DB];
	[sflag:s4] =	ssyncadd.s32 $0xFFFFC000  }
0x7c6: {  	[tilespmem:s11], [sflag:$0x5] =	stream.indirect.gather [spmem:s1], $0x80, s3, s9, $0xb8;
	[tilespmem:$0x1C200] =	vst v63  }
0x7c7: {  	_ = 	snop  }
0x7c8: {  	[tilespmem:s15], [sflag:$0x2] =	stream.linear.gather [hbm4b:s23+s2], $0x100, $0x38;
	[tilespmem:$0x1C200] =	vst v63  }
0x7c9: {  	_ =	swait.ge [sflag:s4], $0x4000  }
0x7ca: {  	s25 =	sld [smem:$0x7DC]  }
0x7cb: {  	[sflag:s4] =	ssyncset.done $0x0  }
0x7cc: {  	[sflag:s4] =	ssyncadd.s32 $0xFFFFC000  }
0x7cd: {  	[hbm4b:s25+s8] =	stream.strided.scatter [tilespmem:s11], [sflag:$0x5], $0x4000, s10, s8, $0x38;
	[tilespmem:$0x1C200] =	vst v63  }
0x7ce: {  	_ =	swait.ge [sflag:s14], $0x100  }
0x7cf: {  	[sflag:s14] =	ssyncset.done $0x0  }
0x7d0: {  	[sflag:s14] =	ssyncadd.s32 $0xFFFFFF00  }
0x7d1: {  	_ =	swait.ge [sflag:s12], $0x4000  }
0x7d2: {  	[sflag:s12] =	ssyncset.done $0x0  }
0x7d3: {  	s26 =	sld [smem:$0x7DD];
	[sflag:s12] =	ssyncadd.s32 $0xFFFFC000  }
0x7d4: {  	[tilespmem:s21], [sflag:$0x6] =	stream.indirect.gather [spmem:s1], $0x80, s7, s9, $0xb8;
	[tilespmem:$0x1C200] =	vst v63  }
0x7d5: {  	_ = 	snop  }
0x7d6: {  	[tilespmem:s19], [sflag:$0x1] =	stream.linear.gather [hbm4b:s26+s2], $0x100, $0x38;
	[tilespmem:$0x1C200] =	vst v63  }
0x7d7: {  	_ =	swait.ge [sflag:s12], $0x4000  }
0x7d8: {  	s28 =	sld [smem:$0x7DE]  }
0x7d9: {  	[sflag:s12] =	ssyncset.done $0x0  }
0x7da: {  	[sflag:s12] =	ssyncadd.s32 $0xFFFFC000  }
0x7db: {  	[hbm4b:s28+s8] =	stream.strided.scatter [tilespmem:s21], [sflag:$0x6], $0x4000, s10, s8, $0x38;
	[tilespmem:$0x1C200] =	vst v63  }
0x7dc: {  	_ =	swait.ge [sflag:s17], $0x100  }
0x7dd: {  	[sflag:s17] =	ssyncset.done $0x0  }
0x7de: {  	[sflag:s17] =	ssyncadd.s32 $0xFFFFFF00  }
0x7df: {  	_ =	swait.ge [sflag:s13], $0x4000  }
0x7e0: {  	[sflag:s13] =	ssyncset.done $0x0  }
0x7e1: {  	s29 =	sld [smem:$0x7DF];
	[sflag:s13] =	ssyncadd.s32 $0xFFFFC000  }
0x7e2: {  	[tilespmem:s20], [sflag:$0x7] =	stream.indirect.gather [spmem:s1], $0x80, s3, s9, $0xb8;
	[tilespmem:$0x1C200] =	vst v63  }
0x7e3: {  	_ = 	snop  }
0x7e4: {  	[tilespmem:s15], [sflag:$0x2] =	stream.linear.gather [hbm4b:s29+s2], $0x100, $0x38;
	[tilespmem:$0x1C200] =	vst v63  }
0x7e5: {  	_ =	swait.ge [sflag:s13], $0x4000  }
0x7e6: {  	s30 =	sld [smem:$0x7E0]  }
0x7e7: {  	[sflag:s13] =	ssyncset.done $0x0  }
0x7e8: {  	[sflag:s13] =	ssyncadd.s32 $0xFFFFC000  }
0x7e9: {  	[hbm4b:s30+s8] =	stream.strided.scatter [tilespmem:s20], [sflag:$0x7], $0x4000, s10, s8, $0x38;
	[tilespmem:$0x1C200] =	vst v63  }
0x7ea: {  	_ =	swait.ge [sflag:s14], $0x100  }
0x7eb: {  	[sflag:s14] =	ssyncset.done $0x0  }
0x7ec: {  	[sflag:s14] =	ssyncadd.s32 $0xFFFFFF00  }
0x7ed: {  	_ =	swait.ge [sflag:s5], $0x4000  }
0x7ee: {  	[sflag:s5] =	ssyncset.done $0x0  }
0x7ef: {  	s31 =	sld [smem:$0x7E1];
	[sflag:s5] =	ssyncadd.s32 $0xFFFFC000  }
0x7f0: {  	[tilespmem:s18], [sflag:$0x3] =	stream.indirect.gather [spmem:s1], $0x80, s7, s9, $0xb8;
	[tilespmem:$0x1C200] =	vst v63  }
0x7f1: {  	_ = 	snop  }
0x7f2: {  	[tilespmem:s19], [sflag:$0x1] =	stream.linear.gather [hbm4b:s31+s2], $0x100, $0x38;
	[tilespmem:$0x1C200] =	vst v63  }
0x7f3: {  	_ =	swait.ge [sflag:s5], $0x4000  }
0x7f4: {  	s22 =	sld [smem:$0x7E2]  }
0x7f5: {  	[sflag:s5] =	ssyncset.done $0x0  }
0x7f6: {  	[sflag:s5] =	ssyncadd.s32 $0xFFFFC000  }
0x7f7: {  	[hbm4b:s22+s8] =	stream.strided.scatter [tilespmem:s18], [sflag:$0x3], $0x4000, s10, s8, $0x38;
	[tilespmem:$0x1C200] =	vst v63  }
0x7f8: {  	_ =	swait.ge [sflag:s17], $0x100  }
0x7f9: {  	[sflag:s17] =	ssyncset.done $0x0  }
0x7fa: {  	[sflag:s17] =	ssyncadd.s32 $0xFFFFFF00  }
0x7fb: {  	_ =	swait.ge [sflag:s6], $0x4000  }
0x7fc: {  	[sflag:s6] =	ssyncset.done $0x0  }
0x7fd: {  	s23 =	sld [smem:$0x7E3];
	[sflag:s6] =	ssyncadd.s32 $0xFFFFC000  }
0x7fe: {  	[tilespmem:s16], [sflag:$0x4] =	stream.indirect.gather [spmem:s1], $0x80, s3, s9, $0xb8;
	[tilespmem:$0x1C200] =	vst v63  }
0x7ff: {  	_ = 	snop  }
0x800: {  	[tilespmem:s15], [sflag:$0x2] =	stream.linear.gather [hbm4b:s23+s2], $0x100, $0x38;
	[tilespmem:$0x1C200] =	vst v63  }
0x801: {  	_ =	swait.ge [sflag:s6], $0x4000  }
0x802: {  	s25 =	sld [smem:$0x7E4]  }
0x803: {  	[sflag:s6] =	ssyncset.done $0x0  }
0x804: {  	[sflag:s6] =	ssyncadd.s32 $0xFFFFC000  }
0x805: {  	[hbm4b:s25+s8] =	stream.strided.scatter [tilespmem:s16], [sflag:$0x4], $0x4000, s10, s8, $0x38;
	[tilespmem:$0x1C200] =	vst v63  }
0x806: {  	_ =	swait.ge [sflag:s14], $0x100  }
0x807: {  	[sflag:s14] =	ssyncset.done $0x0  }
0x808: {  	[sflag:s14] =	ssyncadd.s32 $0xFFFFFF00  }
0x809: {  	_ =	swait.ge [sflag:s4], $0x4000  }
0x80a: {  	[sflag:s4] =	ssyncset.done $0x0  }
0x80b: {  	s26 =	sld [smem:$0x7E5];
	[sflag:s4] =	ssyncadd.s32 $0xFFFFC000  }
0x80c: {  	[tilespmem:s11], [sflag:$0x5] =	stream.indirect.gather [spmem:s1], $0x80, s7, s9, $0xb8;
	[tilespmem:$0x1C200] =	vst v63  }
0x80d: {  	_ = 	snop  }
0x80e: {  	[tilespmem:s19], [sflag:$0x1] =	stream.linear.gather [hbm4b:s26+s2], $0x100, $0x38;
	[tilespmem:$0x1C200] =	vst v63  }
0x80f: {  	_ =	swait.ge [sflag:s4], $0x4000  }
0x810: {  	s28 =	sld [smem:$0x7E6]  }
0x811: {  	[sflag:s4] =	ssyncset.done $0x0  }
0x812: {  	[sflag:s4] =	ssyncadd.s32 $0xFFFFC000  }
0x813: {  	[hbm4b:s28+s8] =	stream.strided.scatter [tilespmem:s11], [sflag:$0x5], $0x4000, s10, s8, $0x38;
	[tilespmem:$0x1C200] =	vst v63  }
0x814: {  	_ =	swait.ge [sflag:s17], $0x100  }
0x815: {  	[sflag:s17] =	ssyncset.done $0x0  }
0x816: {  	[sflag:s17] =	ssyncadd.s32 $0xFFFFFF00  }
0x817: {  	_ =	swait.ge [sflag:s12], $0x4000  }
0x818: {  	[sflag:s12] =	ssyncset.done $0x0  }
0x819: {  	s29 =	sld [smem:$0x7E7];
	[sflag:s12] =	ssyncadd.s32 $0xFFFFC000  }
0x81a: {  	[tilespmem:s21], [sflag:$0x6] =	stream.indirect.gather [spmem:s1], $0x80, s3, s9, $0xb8;
	[tilespmem:$0x1C200] =	vst v63  }
0x81b: {  	_ = 	snop  }
0x81c: {  	[tilespmem:s15], [sflag:$0x2] =	stream.linear.gather [hbm4b:s29+s2], $0x100, $0x38;
	[tilespmem:$0x1C200] =	vst v63  }
0x81d: {  	_ =	swait.ge [sflag:s12], $0x4000  }
0x81e: {  	s30 =	sld [smem:$0x7E8]  }
0x81f: {  	[sflag:s12] =	ssyncset.done $0x0  }
0x820: {  	[sflag:s12] =	ssyncadd.s32 $0xFFFFC000  }
0x821: {  	[hbm4b:s30+s8] =	stream.strided.scatter [tilespmem:s21], [sflag:$0x6], $0x4000, s10, s8, $0x38;
	[tilespmem:$0x1C200] =	vst v63  }
0x822: {  	_ =	swait.ge [sflag:s14], $0x100  }
0x823: {  	[sflag:s14] =	ssyncset.done $0x0  }
0x824: {  	[sflag:s14] =	ssyncadd.s32 $0xFFFFFF00  }
0x825: {  	_ =	swait.ge [sflag:s13], $0x4000  }
0x826: {  	[sflag:s13] =	ssyncset.done $0x0  }
0x827: {  	s31 =	sld [smem:$0x7E9];
	[sflag:s13] =	ssyncadd.s32 $0xFFFFC000  }
0x828: {  	[tilespmem:s20], [sflag:$0x7] =	stream.indirect.gather [spmem:s1], $0x80, s7, s9, $0xb8;
	[tilespmem:$0x1C200] =	vst v63  }
0x829: {  	_ = 	snop  }
0x82a: {  	[tilespmem:s19], [sflag:$0x1] =	stream.linear.gather [hbm4b:s31+s2], $0x100, $0x38;
	[tilespmem:$0x1C200] =	vst v63  }
0x82b: {  	_ =	swait.ge [sflag:s13], $0x4000  }
0x82c: {  	s22 =	sld [smem:$0x7EA]  }
0x82d: {  	[sflag:s13] =	ssyncset.done $0x0  }
0x82e: {  	[sflag:s13] =	ssyncadd.s32 $0xFFFFC000  }
0x82f: {  	[hbm4b:s22+s8] =	stream.strided.scatter [tilespmem:s20], [sflag:$0x7], $0x4000, s10, s8, $0x38;
	[tilespmem:$0x1C200] =	vst v63  }
0x830: {  	_ =	swait.ge [sflag:s17], $0x100  }
0x831: {  	[sflag:s17] =	ssyncset.done $0x0  }
0x832: {  	[sflag:s17] =	ssyncadd.s32 $0xFFFFFF00  }
0x833: {  	_ =	swait.ge [sflag:s5], $0x4000  }
0x834: {  	[sflag:s5] =	ssyncset.done $0x0  }
0x835: {  	s23 =	sld [smem:$0x7EB];
	[sflag:s5] =	ssyncadd.s32 $0xFFFFC000  }
0x836: {  	[tilespmem:s18], [sflag:$0x3] =	stream.indirect.gather [spmem:s1], $0x80, s3, s9, $0xb8;
	[tilespmem:$0x1C200] =	vst v63  }
0x837: {  	_ = 	snop  }
0x838: {  	[tilespmem:s15], [sflag:$0x2] =	stream.linear.gather [hbm4b:s23+s2], $0x100, $0x38;
	[tilespmem:$0x1C200] =	vst v63  }
0x839: {  	_ =	swait.ge [sflag:s5], $0x4000  }
0x83a: {  	s25 =	sld [smem:$0x7EC]  }
0x83b: {  	[sflag:s5] =	ssyncset.done $0x0  }
0x83c: {  	[sflag:s5] =	ssyncadd.s32 $0xFFFFC000  }
0x83d: {  	[hbm4b:s25+s8] =	stream.strided.scatter [tilespmem:s18], [sflag:$0x3], $0x4000, s10, s8, $0x38;
	[tilespmem:$0x1C200] =	vst v63  }
0x83e: {  	_ =	swait.ge [sflag:s14], $0x100  }
0x83f: {  	[sflag:s14] =	ssyncset.done $0x0  }
0x840: {  	[sflag:s14] =	ssyncadd.s32 $0xFFFFFF00  }
0x841: {  	_ =	swait.ge [sflag:s6], $0x4000  }
0x842: {  	[sflag:s6] =	ssyncset.done $0x0  }
0x843: {  	s26 =	sld [smem:$0x7ED];
	[sflag:s6] =	ssyncadd.s32 $0xFFFFC000  }
0x844: {  	[tilespmem:s16], [sflag:$0x4] =	stream.indirect.gather [spmem:s1], $0x80, s7, s9, $0xb8;
	[tilespmem:$0x1C200] =	vst v63  }
0x845: {  	_ = 	snop  }
0x846: {  	[tilespmem:s19], [sflag:$0x1] =	stream.linear.gather [hbm4b:s26+s2], $0x100, $0x38;
	[tilespmem:$0x1C200] =	vst v63  }
0x847: {  	_ =	swait.ge [sflag:s6], $0x4000  }
0x848: {  	s28 =	sld [smem:$0x7EE]  }
0x849: {  	[sflag:s6] =	ssyncset.done $0x0  }
0x84a: {  	[sflag:s6] =	ssyncadd.s32 $0xFFFFC000  }
0x84b: {  	[hbm4b:s28+s8] =	stream.strided.scatter [tilespmem:s16], [sflag:$0x4], $0x4000, s10, s8, $0x38;
	[tilespmem:$0x1C200] =	vst v63  }
0x84c: {  	_ =	swait.ge [sflag:s17], $0x100  }
0x84d: {  	[sflag:s17] =	ssyncset.done $0x0  }
0x84e: {  	[sflag:s17] =	ssyncadd.s32 $0xFFFFFF00  }
0x84f: {  	_ =	swait.ge [sflag:s4], $0x4000  }
0x850: {  	[sflag:s4] =	ssyncset.done $0x0  }
0x851: {  	s29 =	sld [smem:$0x7EF];
	[sflag:s4] =	ssyncadd.s32 $0xFFFFC000  }
0x852: {  	[tilespmem:s11], [sflag:$0x5] =	stream.indirect.gather [spmem:s1], $0x80, s3, s9, $0xb8;
	[tilespmem:$0x1C200] =	vst v63  }
0x853: {  	_ = 	snop  }
0x854: {  	[tilespmem:s15], [sflag:$0x2] =	stream.linear.gather [hbm4b:s29+s2], $0x100, $0x38;
	[tilespmem:$0x1C200] =	vst v63  }
0x855: {  	_ =	swait.ge [sflag:s4], $0x4000  }
0x856: {  	s30 =	sld [smem:$0x7F0]  }
0x857: {  	[sflag:s4] =	ssyncset.done $0x0  }
0x858: {  	[sflag:s4] =	ssyncadd.s32 $0xFFFFC000  }
0x859: {  	[hbm4b:s30+s8] =	stream.strided.scatter [tilespmem:s11], [sflag:$0x5], $0x4000, s10, s8, $0x38;
	[tilespmem:$0x1C200] =	vst v63  }
0x85a: {  	_ =	swait.ge [sflag:s14], $0x100  }
0x85b: {  	[sflag:s14] =	ssyncset.done $0x0  }
0x85c: {  	[sflag:s14] =	ssyncadd.s32 $0xFFFFFF00  }
0x85d: {  	_ =	swait.ge [sflag:s12], $0x4000  }
0x85e: {  	[sflag:s12] =	ssyncset.done $0x0  }
0x85f: {  	s31 =	sld [smem:$0x7F1];
	[sflag:s12] =	ssyncadd.s32 $0xFFFFC000  }
0x860: {  	[tilespmem:s21], [sflag:$0x6] =	stream.indirect.gather [spmem:s1], $0x80, s7, s9, $0xb8;
	[tilespmem:$0x1C200] =	vst v63  }
0x861: {  	_ = 	snop  }
0x862: {  	[tilespmem:s19], [sflag:$0x1] =	stream.linear.gather [hbm4b:s31+s2], $0x100, $0x38;
	[tilespmem:$0x1C200] =	vst v63  }
0x863: {  	_ =	swait.ge [sflag:s12], $0x4000  }
0x864: {  	s22 =	sld [smem:$0x7F2]  }
0x865: {  	[sflag:s12] =	ssyncset.done $0x0  }
0x866: {  	[sflag:s12] =	ssyncadd.s32 $0xFFFFC000  }
0x867: {  	[hbm4b:s22+s8] =	stream.strided.scatter [tilespmem:s21], [sflag:$0x6], $0x4000, s10, s8, $0x38;
	[tilespmem:$0x1C200] =	vst v63  }
0x868: {  	_ =	swait.ge [sflag:s17], $0x100  }
0x869: {  	[sflag:s17] =	ssyncset.done $0x0  }
0x86a: {  	[sflag:s17] =	ssyncadd.s32 $0xFFFFFF00  }
0x86b: {  	_ =	swait.ge [sflag:s13], $0x4000  }
0x86c: {  	[sflag:s13] =	ssyncset.done $0x0  }
0x86d: {  	s23 =	sld [smem:$0x7F3];
	[sflag:s13] =	ssyncadd.s32 $0xFFFFC000  }
0x86e: {  	[tilespmem:s20], [sflag:$0x7] =	stream.indirect.gather [spmem:s1], $0x80, s3, s9, $0xb8;
	[tilespmem:$0x1C200] =	vst v63  }
0x86f: {  	_ = 	snop  }
0x870: {  	[tilespmem:s15], [sflag:$0x2] =	stream.linear.gather [hbm4b:s23+s2], $0x100, $0x38;
	[tilespmem:$0x1C200] =	vst v63  }
0x871: {  	_ =	swait.ge [sflag:s13], $0x4000  }
0x872: {  	s25 =	sld [smem:$0x7F4]  }
0x873: {  	[sflag:s13] =	ssyncset.done $0x0  }
0x874: {  	[sflag:s13] =	ssyncadd.s32 $0xFFFFC000  }
0x875: {  	[hbm4b:s25+s8] =	stream.strided.scatter [tilespmem:s20], [sflag:$0x7], $0x4000, s10, s8, $0x38;
	[tilespmem:$0x1C200] =	vst v63  }
0x876: {  	_ =	swait.ge [sflag:s14], $0x100  }
0x877: {  	[sflag:s14] =	ssyncset.done $0x0  }
0x878: {  	[sflag:s14] =	ssyncadd.s32 $0xFFFFFF00  }
0x879: {  	_ =	swait.ge [sflag:s5], $0x4000  }
0x87a: {  	[sflag:s5] =	ssyncset.done $0x0  }
0x87b: {  	s26 =	sld [smem:$0x7F5];
	[sflag:s5] =	ssyncadd.s32 $0xFFFFC000  }
0x87c: {  	[tilespmem:s18], [sflag:$0x3] =	stream.indirect.gather [spmem:s1], $0x80, s7, s9, $0xb8;
	[tilespmem:$0x1C200] =	vst v63  }
0x87d: {  	_ = 	snop  }
0x87e: {  	[tilespmem:s19], [sflag:$0x1] =	stream.linear.gather [hbm4b:s26+s2], $0x100, $0x38;
	[tilespmem:$0x1C200] =	vst v63  }
0x87f: {  	_ =	swait.ge [sflag:s5], $0x4000  }
0x880: {  	s28 =	sld [smem:$0x7F6]  }
0x881: {  	[sflag:s5] =	ssyncset.done $0x0  }
0x882: {  	[sflag:s5] =	ssyncadd.s32 $0xFFFFC000  }
0x883: {  	[hbm4b:s28+s8] =	stream.strided.scatter [tilespmem:s18], [sflag:$0x3], $0x4000, s10, s8, $0x38;
	[tilespmem:$0x1C200] =	vst v63  }
0x884: {  	_ =	swait.ge [sflag:s17], $0x100  }
0x885: {  	[sflag:s17] =	ssyncset.done $0x0  }
0x886: {  	[sflag:s17] =	ssyncadd.s32 $0xFFFFFF00  }
0x887: {  	_ =	swait.ge [sflag:s6], $0x4000  }
0x888: {  	[sflag:s6] =	ssyncset.done $0x0  }
0x889: {  	s29 =	sld [smem:$0x7F7];
	[sflag:s6] =	ssyncadd.s32 $0xFFFFC000  }
0x88a: {  	[tilespmem:s16], [sflag:$0x4] =	stream.indirect.gather [spmem:s1], $0x80, s3, s9, $0xb8;
	[tilespmem:$0x1C200] =	vst v63  }
0x88b: {  	_ = 	snop  }
0x88c: {  	[tilespmem:s15], [sflag:$0x2] =	stream.linear.gather [hbm4b:s29+s2], $0x100, $0x38;
	[tilespmem:$0x1C200] =	vst v63  }
0x88d: {  	_ =	swait.ge [sflag:s6], $0x4000  }
0x88e: {  	s30 =	sld [smem:$0x7F8]  }
0x88f: {  	[sflag:s6] =	ssyncset.done $0x0  }
0x890: {  	[sflag:s6] =	ssyncadd.s32 $0xFFFFC000  }
0x891: {  	[hbm4b:s30+s8] =	stream.strided.scatter [tilespmem:s16], [sflag:$0x4], $0x4000, s10, s8, $0x38;
	[tilespmem:$0x1C200] =	vst v63  }
0x892: {  	_ =	swait.ge [sflag:s14], $0x100  }
0x893: {  	[sflag:s14] =	ssyncset.done $0x0  }
0x894: {  	[sflag:s14] =	ssyncadd.s32 $0xFFFFFF00  }
0x895: {  	_ =	swait.ge [sflag:s4], $0x4000  }
0x896: {  	[sflag:s4] =	ssyncset.done $0x0  }
0x897: {  	[sflag:s4] =	ssyncadd.s32 $0xFFFFC000  }
0x898: {  	[tilespmem:s11], [sflag:$0x5] =	stream.indirect.gather [spmem:s1], $0x80, s7, s9, $0xb8;
	[tilespmem:$0x1C200] =	vst v63  }
0x899: {  	_ =	swait.ge [sflag:s4], $0x4000  }
0x89a: {  	s31 =	sld [smem:$0x7F9]  }
0x89b: {  	[sflag:s4] =	ssyncset.done $0x0  }
0x89c: {  	[sflag:s4] =	ssyncadd.s32 $0xFFFFC000  }
0x89d: {  	[hbm4b:s31+s8] =	stream.strided.scatter [tilespmem:s11], [sflag:$0x5], $0x4000, s10, s8, $0x38;
	[tilespmem:$0x1C200] =	vst v63  }
0x89e: {  	_ =	swait.ge [sflag:s12], $0x4000  }
0x89f: {  	[sflag:s12] =	ssyncset.done $0x0  }
0x8a0: {  	[sflag:s12] =	ssyncadd.s32 $0xFFFFC000  }
0x8a1: {  	_ =	swait.ge [sflag:s13], $0x4000  }
0x8a2: {  	[sflag:s13] =	ssyncset.done $0x0  }
0x8a3: {  	[sflag:s13] =	ssyncadd.s32 $0xFFFFC000  }
0x8a4: {  	_ =	swait.ge [sflag:s5], $0x4000  }
0x8a5: {  	[sflag:s5] =	ssyncset.done $0x0  }
0x8a6: {  	[sflag:s5] =	ssyncadd.s32 $0xFFFFC000  }
0x8a7: {  	_ =	swait.ge [sflag:s6], $0x4000  }
0x8a8: {  	[sflag:s6] =	ssyncset.done $0x0  }
0x8a9: {  	[sflag:s6] =	ssyncadd.s32 $0xFFFFC000  }
0x8aa: {  	_ =	swait.ge [sflag:s4], $0x4000  }
0x8ab: {  	s0 =	sld [smem:$0x7FA]  }
0x8ac: {  	s2 =	simm.s32 @!p2 $0x8;
	[sflag:s4] =	ssyncset.done $0x0  }
0x8ad: {  	s5 =	simm.s32 @!p2 $0x8000;
	[sflag:s4] =	ssyncadd.s32 $0xFFFFC000;
	s4 =	simm.s32 @!p2 $0x0  }
0x8ae: {  	[tilespmem:s5], [sflag:$0x8] =	stream.linear.gather @!p2 [hbm4b:s0+s4], $0x100, $0x38;
	[tilespmem:$0x1C200] =	vst v63  }
0x8af: {  	_ =	swait.ge @!p2 [sflag:s2], $0x100  }
0x8b0: {  	s0 =	simm.s32 @!p2 $0x3;
	[sflag:s2] =	ssyncset.done @!p2 $0x0  }
0x8b1: {  	s4 =	simm.s32 @!p2 $0x80;
	s5 =	simm.s32 @!p2 $0x8200;
	[sflag:s2] =	ssyncadd.s32 @!p2 $0xFFFFFF00  }
0x8b2: {  	[tilespmem:s5], [sflag:$0x3] =	stream.indirect.gather @!p2 [spmem:s1], $0x80, s3, s4, $0xb8;
	[tilespmem:$0x1C200] =	vst v63  }
0x8b3: {  	_ =	swait.ge @!p2 [sflag:s0], $0x4000  }
0x8b4: {  	s4 =	sld [smem:$0x7FB]  }
0x8b5: {  	[sflag:s0] =	ssyncset.done @!p2 $0x0  }
0x8b6: {  	s6 =	simm.s32 @!p2 $0x800;
	[sflag:s0] =	ssyncadd.s32 @!p2 $0xFFFFC000;
	s0 =	simm.s32 @!p2 $0x400  }
0x8b7: {  	[hbm4b:s4+s0] =	stream.strided.scatter @!p2 [tilespmem:s5], [sflag:$0x8], $0x1000, s6, s0, $0x38;
	[tilespmem:$0x1C200] =	vst v63  }
0x8b8: {  	_ =	swait.ge @!p2 [sflag:s2], $0x1000  }
0x8b9: {  	s0 =	sld [smem:$0x7FC]  }
0x8ba: {  	s4 =	simm.s32 @!p1 $0x8;
	[sflag:s2] =	ssyncset.done @!p2 $0x0  }
0x8bb: {  	s5 =	simm.s32 @!p1 $0x8000;
	[sflag:s2] =	ssyncadd.s32 @!p2 $0xFFFFF000;
	s2 =	simm.s32 @!p1 $0x0  }
0x8bc: {  	[tilespmem:s5], [sflag:$0x8] =	stream.linear.gather @!p1 [hbm4b:s0+s2], $0x100, $0x38;
	[tilespmem:$0x1C200] =	vst v63  }
0x8bd: {  	_ =	swait.ge @!p1 [sflag:s4], $0x100  }
0x8be: {  	s0 =	simm.s32 @!p1 $0x3;
	[sflag:s4] =	ssyncset.done @!p1 $0x0  }
0x8bf: {  	s2 =	simm.s32 @!p1 $0x80;
	s5 =	simm.s32 @!p1 $0x8200;
	[sflag:s4] =	ssyncadd.s32 @!p1 $0xFFFFFF00  }
0x8c0: {  	[tilespmem:s5], [sflag:$0x3] =	stream.indirect.gather @!p1 [spmem:s1], $0x80, s3, s2, $0xb8;
	[tilespmem:$0x1C200] =	vst v63  }
0x8c1: {  	_ =	swait.ge @!p1 [sflag:s0], $0x4000  }
0x8c2: {  	s1 =	sld [smem:$0x7FD]  }
0x8c3: {  	[sflag:s0] =	ssyncset.done @!p1 $0x0  }
0x8c4: {  	s2 =	simm.s32 @!p1 $0x800;
	[sflag:s0] =	ssyncadd.s32 @!p1 $0xFFFFC000;
	s0 =	simm.s32 @!p1 $0x400  }
0x8c5: {  	[hbm4b:s1+s0] =	stream.strided.scatter @!p1 [tilespmem:s5], [sflag:$0x8], $0x4000, s2, s0, $0x38;
	[tilespmem:$0x1C200] =	vst v63  }
0x8c6: {  	_ =	swait.ge @!p1 [sflag:s4], $0x4000  }
0x8c7: {  	[sflag:s4] =	ssyncset.done @!p1 $0x0  }
0x8c8: {  	[sflag:s4] =	ssyncadd.s32 @!p1 $0xFFFFC000  }
0x8c9: {  	_ =	sfence.sel $0x180000  }
0x8ca: {  	[bflag:$0x0] =	sbarrier.arrive $0xFFFF  }
0x8cb: {  	_ =	strace $0x90000047  }
0x8cc: {  	s0 =	sadd.s32 @!p0 $0x100000, s24;
	[bflag:$0x2] =	sbarrier.arrive $0xFFFF  }
0x8cd: {  	[sflag:s0] =	ssyncadd.tile.s32 @!p0 $0x1;
	_ =	shalt  }
.LBB2_1:
.Ltmp3:
0x8ce: {  	(pc) =	sbr.rel .LBB2_6-.Ltmp3, $2  }
0x8cf: {  	_ =	sdelay $0x2  }
0x8d0: {  	_ = 	snop  }
.LBB2_3:
.Ltmp4:
0x8d1: {  	(pc) =	sbr.rel .LBB2_6-.Ltmp4, $2  }
0x8d2: {  	_ =	sdelay $0x2  }
0x8d3: {  	s24 =	rddreg [dreg:$0x3]  }
.Lfunc_end2:
_tile_overlayer_lowered:
.L_overlay_start_2:
0x8d4: {  	(tag) =	ssettag $0x2  }
0x8d5: {  	s0 =	rddreg [dreg:$0x0];
	s2 =	stileid.u32  }
0x8d6: {  	s1 =	rddreg [dreg:$0x1];
	p0 =	sne.s32 s2, $0x0  }
0x8d7: {  	s3 =	rddreg [dreg:$0x2];
	[bflag:$0x3] =	sbarrier.arrive $0xFFFF;
	s2 =	simm.s32 @!p0 $0x1C08  }
0x8d8: {  	[timem:s3], [sflag:s2] =	dma.local @!p0 [hbm:s0], s1  }
0x8d9: {  	s0 =	simm.s32 @!p0 $0x8  }
0x8da: {  	_ =	swait.ge @!p0 [sflag:s0], s1  }
0x8db: {  	s1 =	ssub.s32 @!p0 $0x0, s1;
	[sflag:s0] =	ssyncset.done @!p0 $0x0  }
0x8dc: {  	[sflag:s0] =	ssyncadd.s32 @!p0 s1  }
0x8dd: {  	[bflag:$0x3] =	sbarrier.arrive $0xFFFF  }
0x8de: {  	_ =	shalt  }

</sc_bundles>
